<compile_context>
chip_gen: v7x
topology: tpu7x:2x2x1
jax: 0.10.2.dev20260603
libtpu: 0.0.44.dev20260713+nightly
codegen_flags: <defaults>
</compile_context>

<pallas_src>
import functools

import jax
import jax.numpy as jnp
from jax import lax
from jax.experimental import pallas as pl
from jax.experimental.pallas import tpu as pltpu
from jax.experimental.pallas import tpu_sc as plsc

K = 20
EPS = 1e-5
NEG = -3e38



def _topk_body(xa_ref, xr_ref, out_ref):
    xa = xa_ref[0]
    xr = xr_ref[0]
    n = xa.shape[0]
    rb = xr.shape[0]
    inner = jax.lax.dot_general(
        xr.astype(jnp.bfloat16), xa.astype(jnp.bfloat16),
        (((1,), (1,)), ((), ())), preferred_element_type=jnp.float32)
    xxa = jnp.sum(xa * xa, axis=1)
    xxr = jnp.sum(xr * xr, axis=1)
    nd = (-xxr[:, None] - (-2.0 * inner)) - xxa[None, :]
    iota = jax.lax.broadcasted_iota(jnp.int32, (rb, n), 1)
    vals = nd
    cols = []
    for _ in range(K):
        m = jnp.max(vals, axis=1, keepdims=True)
        cand = jnp.where(vals == m, iota, n)
        fi = jnp.min(cand, axis=1, keepdims=True)
        cols.append(fi)
        vals = jnp.where(iota == fi, NEG, vals)
    out_ref[0] = jnp.concatenate(cols, axis=1)


def _knn_pallas(xn):
    B, N, C = xn.shape
    RB = 512
    return pl.pallas_call(
        _topk_body,
        grid=(B, N // RB),
        in_specs=[
            pl.BlockSpec((1, N, C), lambda b, r: (b, 0, 0)),
            pl.BlockSpec((1, RB, C), lambda b, r: (b, r, 0)),
        ],
        out_specs=pl.BlockSpec((1, RB, K), lambda b, r: (b, r, 0)),
        out_shape=jax.ShapeDtypeStruct((B, N, K), jnp.int32),
    )(xn, xn)



def _sc_gather(x2d, gidx, ch):
    R, Cp = x2d.shape
    M = gidx.shape[0]
    info = plsc.get_sparse_core_info()
    nw = info.num_cores * info.num_subcores
    per_w = M // nw
    n_ch = per_w // ch
    mesh = plsc.VectorSubcoreMesh(core_axis_name="c", subcore_axis_name="s")

    @functools.partial(
        pl.kernel, mesh=mesh,
        out_type=jax.ShapeDtypeStruct((M, Cp), jnp.float32),
        scratch_types=[
            pltpu.VMEM((ch,), jnp.int32),
            pltpu.VMEM((ch,), jnp.int32),
            pltpu.VMEM((ch, Cp), jnp.float32),
            pltpu.VMEM((ch, Cp), jnp.float32),
            pltpu.SemaphoreType.DMA,
            pltpu.SemaphoreType.DMA,
            pltpu.SemaphoreType.DMA,
            pltpu.SemaphoreType.DMA,
        ],
    )
    def k(x_hbm, idx_hbm, out_hbm, i0, i1, r0, r1, sg0, sg1, sw0, sw1):
        wid = lax.axis_index("s") * info.num_cores + lax.axis_index("c")
        base = wid * per_w

        def body(t):
            off0 = base + (2 * t) * ch
            off1 = base + (2 * t + 1) * ch
            pltpu.sync_copy(idx_hbm.at[pl.ds(off0, ch)], i0)
            pltpu.sync_copy(idx_hbm.at[pl.ds(off1, ch)], i1)
            g0 = pltpu.async_copy(x_hbm.at[i0], r0, sg0)
            g1 = pltpu.async_copy(x_hbm.at[i1], r1, sg1)
            g0.wait()
            w0 = pltpu.async_copy(r0, out_hbm.at[pl.ds(off0, ch)], sw0)
            g1.wait()
            w1 = pltpu.async_copy(r1, out_hbm.at[pl.ds(off1, ch)], sw1)
            w0.wait()
            w1.wait()

        pl.loop(0, n_ch // 2)(body)

    return k(x2d, gidx)



def _edge_body(G_ref, x_ref, W_ref, M_ref, st_ref, s_acc, ss_acc):
    i = pl.program_id(0)
    j = pl.program_id(1)
    nb = pl.num_programs(1)

    @pl.when((i == 0) & (j == 0))
    def _init():
        s_acc[...] = jnp.zeros_like(s_acc)
        ss_acc[...] = jnp.zeros_like(ss_acc)

    x = x_ref[0]
    c = x.shape[1]
    Wb = W_ref[...].astype(jnp.bfloat16)
    mx = None
    s = None
    ss = None
    for kk in range(K):
        Gk = G_ref[0, :, kk, :c]
        f = jnp.concatenate([Gk - x, x], axis=1)
        h = jax.lax.dot_general(
            f.astype(jnp.bfloat16), Wb,
            (((1,), (1,)), ((), ())), preferred_element_type=jnp.float32)
        mx = h if mx is None else jnp.maximum(mx, h)
        hs = jnp.sum(h, axis=0, keepdims=True)
        hss = jnp.sum(h * h, axis=0, keepdims=True)
        s = hs if s is None else s + hs
        ss = hss if ss is None else ss + hss
    M_ref[0] = mx
    s_acc[...] += s
    ss_acc[...] += ss

    @pl.when((i == pl.num_programs(0) - 1) & (j == nb - 1))
    def _fin():
        st_ref[0:1] = s_acc[...]
        st_ref[1:2] = ss_acc[...]


def _edge_conv(G, xn, W):
    B, N, C = xn.shape
    Cp = G.shape[-1]
    O = W.shape[0]
    NB = 512
    return pl.pallas_call(
        _edge_body,
        grid=(B, N // NB),
        in_specs=[
            pl.BlockSpec((1, NB, K, Cp), lambda b, j: (b, j, 0, 0)),
            pl.BlockSpec((1, NB, C), lambda b, j: (b, j, 0)),
            pl.BlockSpec((O, 2 * C), lambda b, j: (0, 0)),
        ],
        out_specs=[
            pl.BlockSpec((1, NB, O), lambda b, j: (b, j, 0)),
            pl.BlockSpec((2, O), lambda b, j: (0, 0)),
        ],
        out_shape=[
            jax.ShapeDtypeStruct((B, N, O), jnp.float32),
            jax.ShapeDtypeStruct((2, O), jnp.float32),
        ],
        scratch_shapes=[
            pltpu.VMEM((1, O), jnp.float32),
            pltpu.VMEM((1, O), jnp.float32),
        ],
    )(G, xn, W)



def _fin_body(M_ref, st_ref, g_ref, b_ref, cnt_ref, o_ref):
    cnt = cnt_ref[0]
    mean = st_ref[0:1] / cnt
    var = st_ref[1:2] / cnt - mean * mean
    rs = jax.lax.rsqrt(var + EPS)
    xh = (M_ref[0] - mean) * rs * g_ref[0:1] + b_ref[0:1]
    o_ref[0] = jnp.where(xh >= 0, xh, 0.2 * xh)


def _finalize(M, st, g, b):
    B, N, O = M.shape
    NB = 512
    cnt = jnp.full((1,), float(B * N * K), jnp.float32)
    return pl.pallas_call(
        _fin_body,
        grid=(B, N // NB),
        in_specs=[
            pl.BlockSpec((1, NB, O), lambda bb, j: (bb, j, 0)),
            pl.BlockSpec((2, O), lambda bb, j: (0, 0)),
            pl.BlockSpec((1, O), lambda bb, j: (0, 0)),
            pl.BlockSpec((1, O), lambda bb, j: (0, 0)),
            pl.BlockSpec(memory_space=pltpu.SMEM),
        ],
        out_specs=pl.BlockSpec((1, NB, O), lambda bb, j: (bb, j, 0)),
        out_shape=jax.ShapeDtypeStruct((B, N, O), jnp.float32),
    )(M, st, g.reshape(1, O), b.reshape(1, O), cnt)



def _l5_body(cat_ref, W_ref, mx_ref, st_ref, s_acc, ss_acc, mx_acc):
    i = pl.program_id(0)
    j = pl.program_id(1)
    nb = pl.num_programs(1)

    @pl.when((i == 0) & (j == 0))
    def _init():
        s_acc[...] = jnp.zeros_like(s_acc)
        ss_acc[...] = jnp.zeros_like(ss_acc)

    @pl.when(j == 0)
    def _initmx():
        mx_acc[...] = jnp.full_like(mx_acc, NEG)

    h = jax.lax.dot_general(
        cat_ref[0].astype(jnp.bfloat16), W_ref[...].astype(jnp.bfloat16),
        (((1,), (1,)), ((), ())), preferred_element_type=jnp.float32)
    s_acc[...] += jnp.sum(h, axis=0, keepdims=True)
    ss_acc[...] += jnp.sum(h * h, axis=0, keepdims=True)
    mx_acc[...] = jnp.maximum(mx_acc[...], jnp.max(h, axis=0, keepdims=True))

    @pl.when(j == nb - 1)
    def _finmx():
        mx_ref[pl.ds(i, 1)] = mx_acc[...]

    @pl.when((i == pl.num_programs(0) - 1) & (j == nb - 1))
    def _fin():
        st_ref[0:1] = s_acc[...]
        st_ref[1:2] = ss_acc[...]


def _layer5(cat, W5):
    B, N, C = cat.shape
    O = W5.shape[0]
    NB = 512
    return pl.pallas_call(
        _l5_body,
        grid=(B, N // NB),
        in_specs=[
            pl.BlockSpec((1, NB, C), lambda b, j: (b, j, 0)),
            pl.BlockSpec((O, C), lambda b, j: (0, 0)),
        ],
        out_specs=[
            pl.BlockSpec((B, O), lambda b, j: (0, 0)),
            pl.BlockSpec((2, O), lambda b, j: (0, 0)),
        ],
        out_shape=[
            jax.ShapeDtypeStruct((B, O), jnp.float32),
            jax.ShapeDtypeStruct((2, O), jnp.float32),
        ],
        scratch_shapes=[
            pltpu.VMEM((1, O), jnp.float32),
            pltpu.VMEM((1, O), jnp.float32),
            pltpu.VMEM((1, O), jnp.float32),
        ],
    )(cat, W5)



def _emb_body(m5_ref, st_ref, g_ref, b_ref, cnt_ref, We_ref, o_ref):
    cnt = cnt_ref[0]
    mean = st_ref[0:1] / cnt
    var = st_ref[1:2] / cnt - mean * mean
    rs = jax.lax.rsqrt(var + EPS)
    xh = (m5_ref[...] - mean) * rs * g_ref[0:1] + b_ref[0:1]
    xg = jnp.where(xh >= 0, xh, 0.2 * xh)
    o_ref[...] = jax.lax.dot_general(
        xg.astype(jnp.bfloat16), We_ref[...].astype(jnp.bfloat16),
        (((1,), (1,)), ((), ())), preferred_element_type=jnp.float32)


def _embed(m5, st, g, b, Wemb, n_total):
    B, C = m5.shape
    O = Wemb.shape[0]
    cnt = jnp.full((1,), float(n_total), jnp.float32)
    return pl.pallas_call(
        _emb_body,
        in_specs=[
            pl.BlockSpec((B, C), lambda: (0, 0)),
            pl.BlockSpec((2, C), lambda: (0, 0)),
            pl.BlockSpec((1, C), lambda: (0, 0)),
            pl.BlockSpec((1, C), lambda: (0, 0)),
            pl.BlockSpec(memory_space=pltpu.SMEM),
            pl.BlockSpec((O, C), lambda: (0, 0)),
        ],
        out_specs=pl.BlockSpec((B, O), lambda: (0, 0)),
        out_shape=jax.ShapeDtypeStruct((B, O), jnp.float32),
    )(m5, st, g.reshape(1, C), b.reshape(1, C), cnt, Wemb)



def _edge_layer(xn, W, g, b):
    B, N, C = xn.shape
    idx = _knn_pallas(xn)
    gidx = (idx + (jnp.arange(B) * N)[:, None, None]).reshape(B * N * K)
    Cp = 128
    if C == Cp:
        x2d = xn.reshape(B * N, C)
    else:
        x2d = jnp.pad(xn.reshape(B * N, C), ((0, 0), (0, Cp - C)))
    G = _sc_gather(x2d, gidx, 256)
    M, st = _edge_conv(G.reshape(B, N, K, Cp), xn, W)
    return _finalize(M, st, g, b)


def kernel(x, W1, W2, W3, W4, W5, Wemb, g1, b1, g2, b2, g3, b3, g4, b4, g5, b5):
    x1 = _edge_layer(x, W1, g1, b1)
    x2 = _edge_layer(x1, W2, g2, b2)
    x3 = _edge_layer(x2, W3, g3, b3)
    x4 = _edge_layer(x3, W4, g4, b4)
    cat = jnp.concatenate([x1, x2, x3, x4], axis=-1)
    m5, st5 = _layer5(cat, W5)
    return _embed(m5, st5, g5, b5, Wemb, cat.shape[0] * cat.shape[1])

# --- scband reference (transcript-rebuilt; emitter-appended) ---
"""Pipeline reference for scband-dgcnnencoder-11209864643060 (READ-ONLY COPY).

The authoritative reference and input builder live on the scoring server;
editing this copy changes nothing except your own understanding.
"""

import jax, jax.numpy as jnp
import numpy as np

K = 20

def knn(x, k):
    # x: [B, C, N] -> idx [B, N, k]
    inner = -2.0 * jnp.einsum('bcn,bcm->bnm', x, x)
    xx = jnp.sum(x * x, axis=1)  # [B, N]
    neg_dist = -xx[:, :, None] - inner - xx[:, None, :]
    _, idx = jax.lax.top_k(neg_dist, k)
    return idx

def get_graph_feature(x, k):
    # x: [B, C, N] -> [B, 2C, N, k]
    B, C, N = x.shape
    idx = knn(x, k)  # [B, N, k]
    x_t = jnp.transpose(x, (0, 2, 1))  # [B, N, C]
    feature = x_t[jnp.arange(B)[:, None, None], idx]  # [B, N, k, C] gather
    x_rep = jnp.broadcast_to(x_t[:, :, None, :], (B, N, k, C))
    feat = jnp.concatenate([feature - x_rep, x_rep], axis=-1)  # [B, N, k, 2C]
    return jnp.transpose(feat, (0, 3, 1, 2))

def lrelu(x):
    return jnp.where(x >= 0, x, 0.2 * x)

def bn2d(x, gamma, beta, eps=1e-5):
    mean = jnp.mean(x, axis=(0, 2, 3), keepdims=True)
    var = jnp.var(x, axis=(0, 2, 3), keepdims=True)
    xh = (x - mean) / jnp.sqrt(var + eps)
    return xh * gamma[None, :, None, None] + beta[None, :, None, None]

def bn1d(x, gamma, beta, eps=1e-5):
    mean = jnp.mean(x, axis=(0, 2), keepdims=True)
    var = jnp.var(x, axis=(0, 2), keepdims=True)
    xh = (x - mean) / jnp.sqrt(var + eps)
    return xh * gamma[None, :, None] + beta[None, :, None]

def setup_inputs(seed: int = 0) -> dict:
    key = jax.random.key(seed)
    ks = jax.random.split(key, 8)
    B, N = 2, 2048
    x = jax.random.normal(ks[0], (B, N, 3), dtype=jnp.float32)
    def w(k_, o, i):
        return jax.random.normal(k_, (o, i), dtype=jnp.float32) * (2.0 / i) ** 0.5
    W1 = w(ks[1], 64, 6)
    W2 = w(ks[2], 64, 128)
    W3 = w(ks[3], 128, 128)
    W4 = w(ks[4], 256, 256)
    W5 = w(ks[5], 512, 512)
    Wemb = w(ks[6], 256, 512)
    d = {'x': x, 'W1': W1, 'W2': W2, 'W3': W3, 'W4': W4, 'W5': W5, 'Wemb': Wemb}
    for name, c in [('1', 64), ('2', 64), ('3', 128), ('4', 256), ('5', 512)]:
        d['g' + name] = jnp.ones((c,), dtype=jnp.float32)
        d['b' + name] = jnp.zeros((c,), dtype=jnp.float32)
    return d

def reference(x, W1, W2, W3, W4, W5, Wemb, g1, b1, g2, b2, g3, b3, g4, b4, g5, b5):
    xc = jnp.transpose(x, (0, 2, 1))  # [B, 3, N]
    f = get_graph_feature(xc, K)
    h = lrelu(bn2d(jnp.einsum('oc,bcnk->bonk', W1, f), g1, b1))
    x1 = jnp.max(h, axis=-1)
    f = get_graph_feature(x1, K)
    h = lrelu(bn2d(jnp.einsum('oc,bcnk->bonk', W2, f), g2, b2))
    x2 = jnp.max(h, axis=-1)
    f = get_graph_feature(x2, K)
    h = lrelu(bn2d(jnp.einsum('oc,bcnk->bonk', W3, f), g3, b3))
    x3 = jnp.max(h, axis=-1)
    f = get_graph_feature(x3, K)
    h = lrelu(bn2d(jnp.einsum('oc,bcnk->bonk', W4, f), g4, b4))
    x4 = jnp.max(h, axis=-1)
    cat = jnp.concatenate([x1, x2, x3, x4], axis=1)  # [B, 512, N]
    h5 = lrelu(bn1d(jnp.einsum('oc,bcn->bon', W5, cat), g5, b5))
    xg = jnp.max(h5, axis=-1)  # [B, 512]
    features = xg @ Wemb.T  # [B, 256]
    return features

if __name__ == "__main__":
    import jax
    _d = setup_inputs()
    print(jax.jit(kernel)(*tuple(_d.values())))

</pallas_src>

<mosaic_0001>
#map = affine_map<(d0, d1) -> (0, 0)>
#map1 = affine_map<(d0, d1) -> (0)>
module attributes {stable_mosaic.version = 14 : i64} {
  func.func @k(%arg0: i32, %arg1: i32, %arg2: memref<4096x128xf32, #tpu.memory_space<hbm>>, %arg3: memref<81920xi32, #tpu.memory_space<hbm>>, %arg4: memref<81920x128xf32, #tpu.memory_space<hbm>>, %arg5: memref<256xi32, #tpu.memory_space<vmem>>, %arg6: memref<256xi32, #tpu.memory_space<vmem>>, %arg7: memref<256x128xf32, #tpu.memory_space<vmem>>, %arg8: memref<256x128xf32, #tpu.memory_space<vmem>>, %arg9: memref<!tpu.dma_semaphore, #tpu.memory_space<semaphore_mem>>, %arg10: memref<!tpu.dma_semaphore, #tpu.memory_space<semaphore_mem>>, %arg11: memref<!tpu.dma_semaphore, #tpu.memory_space<semaphore_mem>>, %arg12: memref<!tpu.dma_semaphore, #tpu.memory_space<semaphore_mem>>) attributes {dimension_semantics = [#tpu.dimension_semantics<core_parallel>, #tpu.dimension_semantics<subcore_parallel>], iteration_bounds = array<i64: 2, 16>, scalar_prefetch = 0 : i64, scratch_operands = 8 : i64, tpu.core_type = #tpu.core_type<sc_vector_subcore>, window_params = [{transform_indices = #map}, {transform_indices = #map1}, {transform_indices = #map}]} {
    %mul3A = arith.constant 2 : i32
    %mul3A_0 = arith.muli %arg1, %mul3A : i32
    %add3A = arith.addi %mul3A_0, %arg0 : i32
    %mul3A_1 = arith.constant 2560 : i32
    %mul3A_2 = arith.muli %add3A, %mul3A_1 : i32
    %scan3A = arith.constant 0 : i32
    %scan3A_3 = arith.constant 5 : i32
    %scan3A_4 = arith.addi %scan3A, %scan3A_3 : i32
    %scan3A_5 = arith.constant 1 : i32
    scf.for %scan3A_7 = %scan3A to %scan3A_4 step %scan3A_5  : i32 {
      %mul3A_8 = arith.constant 1 : i32
      %mul3A_9 = arith.muli %scan3A_7, %mul3A_8 : i32
      %add3A_10 = arith.constant 0 : i32
      %add3A_11 = arith.addi %add3A_10, %mul3A_9 : i32
      %mul3A_12 = arith.constant 2 : i32
      %mul3A_13 = arith.muli %mul3A_12, %add3A_11 : i32
      %mul3A_14 = arith.constant 256 : i32
      %mul3A_15 = arith.muli %mul3A_13, %mul3A_14 : i32
      %add3A_16 = arith.addi %mul3A_2, %mul3A_15 : i32
      %mul3A_17 = arith.constant 2 : i32
      %mul3A_18 = arith.muli %mul3A_17, %add3A_11 : i32
      %add3A_19 = arith.constant 1 : i32
      %add3A_20 = arith.addi %mul3A_18, %add3A_19 : i32
      %mul3A_21 = arith.constant 256 : i32
      %mul3A_22 = arith.muli %add3A_20, %mul3A_21 : i32
      %add3A_23 = arith.addi %mul3A_2, %mul3A_22 : i32
      "tpu.region"() ({
        %run_scoped3A = tpu.sem_alloc : memref<!tpu.dma_semaphore, #tpu.memory_space<semaphore_mem>>
        %dma_start3A_50 = tpu.memref_slice %arg3[%add3A_16] : memref<81920xi32, #tpu.memory_space<hbm>> -> memref<256xi32, #tpu.memory_space<hbm>>
        %dma_start3A_51 = tpu.memref_slice %arg3[%add3A_16] : memref<81920xi32, #tpu.memory_space<hbm>> -> memref<256xi32, #tpu.memory_space<hbm>>
        tpu.enqueue_dma source(%dma_start3A_51 : memref<256xi32, #tpu.memory_space<hbm>>) target(%arg5 : memref<256xi32, #tpu.memory_space<vmem>>) target_semaphore(%run_scoped3A : memref<!tpu.dma_semaphore, #tpu.memory_space<semaphore_mem>>)
        %dma_wait3A_52 = tpu.memref_slice %arg3[%add3A_16] : memref<81920xi32, #tpu.memory_space<hbm>> -> memref<256xi32, #tpu.memory_space<hbm>>
        %dma_wait3A_53 = tpu.memref_slice %arg3[%add3A_16] : memref<81920xi32, #tpu.memory_space<hbm>> -> memref<256xi32, #tpu.memory_space<hbm>>
        tpu.wait_dma2 semaphore(%run_scoped3A : memref<!tpu.dma_semaphore, #tpu.memory_space<semaphore_mem>>) src(%dma_wait3A_53 : memref<256xi32, #tpu.memory_space<hbm>>) dst(%arg5 : memref<256xi32, #tpu.memory_space<vmem>>)
        tpu.yield
      }) : () -> ()
      "tpu.region"() ({
        %run_scoped3A = tpu.sem_alloc : memref<!tpu.dma_semaphore, #tpu.memory_space<semaphore_mem>>
        %dma_start3A_50 = tpu.memref_slice %arg3[%add3A_23] : memref<81920xi32, #tpu.memory_space<hbm>> -> memref<256xi32, #tpu.memory_space<hbm>>
        %dma_start3A_51 = tpu.memref_slice %arg3[%add3A_23] : memref<81920xi32, #tpu.memory_space<hbm>> -> memref<256xi32, #tpu.memory_space<hbm>>
        tpu.enqueue_dma source(%dma_start3A_51 : memref<256xi32, #tpu.memory_space<hbm>>) target(%arg6 : memref<256xi32, #tpu.memory_space<vmem>>) target_semaphore(%run_scoped3A : memref<!tpu.dma_semaphore, #tpu.memory_space<semaphore_mem>>)
        %dma_wait3A_52 = tpu.memref_slice %arg3[%add3A_23] : memref<81920xi32, #tpu.memory_space<hbm>> -> memref<256xi32, #tpu.memory_space<hbm>>
        %dma_wait3A_53 = tpu.memref_slice %arg3[%add3A_23] : memref<81920xi32, #tpu.memory_space<hbm>> -> memref<256xi32, #tpu.memory_space<hbm>>
        tpu.wait_dma2 semaphore(%run_scoped3A : memref<!tpu.dma_semaphore, #tpu.memory_space<semaphore_mem>>) src(%dma_wait3A_53 : memref<256xi32, #tpu.memory_space<hbm>>) dst(%arg6 : memref<256xi32, #tpu.memory_space<vmem>>)
        tpu.yield
      }) : () -> ()
      %dma_start3A = arith.constant 0 : i32
      %dma_start3A_24 = arith.constant 0 : i32
      %dma_start3A_25 = tpu.memref_slice %arg2[%dma_start3A, %dma_start3A_24] : memref<4096x128xf32, #tpu.memory_space<hbm>> -> memref<4096x128xf32, #tpu.memory_space<hbm>>
      tpu.enqueue_indirect_dma source(%dma_start3A_25 : memref<4096x128xf32, #tpu.memory_space<hbm>>) target(%arg7 : memref<256x128xf32, #tpu.memory_space<vmem>>) offsets(%arg5 : memref<256xi32, #tpu.memory_space<vmem>>) semaphore(%arg9 : memref<!tpu.dma_semaphore, #tpu.memory_space<semaphore_mem>>)
      %dma_start3A_26 = arith.constant 0 : i32
      %dma_start3A_27 = arith.constant 0 : i32
      %dma_start3A_28 = tpu.memref_slice %arg2[%dma_start3A_26, %dma_start3A_27] : memref<4096x128xf32, #tpu.memory_space<hbm>> -> memref<4096x128xf32, #tpu.memory_space<hbm>>
      tpu.enqueue_indirect_dma source(%dma_start3A_28 : memref<4096x128xf32, #tpu.memory_space<hbm>>) target(%arg8 : memref<256x128xf32, #tpu.memory_space<vmem>>) offsets(%arg6 : memref<256xi32, #tpu.memory_space<vmem>>) semaphore(%arg10 : memref<!tpu.dma_semaphore, #tpu.memory_space<semaphore_mem>>)
      %dma_wait3A = arith.constant 0 : i32
      %dma_wait3A_29 = arith.constant 0 : i32
      %dma_wait3A_30 = tpu.memref_slice %arg2[%dma_wait3A, %dma_wait3A_29] : memref<4096x128xf32, #tpu.memory_space<hbm>> -> memref<4096x128xf32, #tpu.memory_space<hbm>>
      tpu.wait_indirect_dma semaphore(%arg9 : memref<!tpu.dma_semaphore, #tpu.memory_space<semaphore_mem>>) src(%dma_wait3A_30 : memref<4096x128xf32, #tpu.memory_space<hbm>>) dst(%arg7 : memref<256x128xf32, #tpu.memory_space<vmem>>)
      %dma_start3A_31 = arith.constant 0 : i32
      %dma_start3A_32 = tpu.memref_slice %arg4[%add3A_16, %dma_start3A_31] : memref<81920x128xf32, #tpu.memory_space<hbm>> -> memref<256x128xf32, #tpu.memory_space<hbm>>
      %dma_start3A_33 = arith.constant 0 : i32
      %dma_start3A_34 = tpu.memref_slice %arg4[%add3A_16, %dma_start3A_33] : memref<81920x128xf32, #tpu.memory_space<hbm>> -> memref<256x128xf32, #tpu.memory_space<hbm>>
      tpu.enqueue_dma source(%arg7 : memref<256x128xf32, #tpu.memory_space<vmem>>) target(%dma_start3A_34 : memref<256x128xf32, #tpu.memory_space<hbm>>) target_semaphore(%arg11 : memref<!tpu.dma_semaphore, #tpu.memory_space<semaphore_mem>>)
      %dma_wait3A_35 = arith.constant 0 : i32
      %dma_wait3A_36 = arith.constant 0 : i32
      %dma_wait3A_37 = tpu.memref_slice %arg2[%dma_wait3A_35, %dma_wait3A_36] : memref<4096x128xf32, #tpu.memory_space<hbm>> -> memref<4096x128xf32, #tpu.memory_space<hbm>>
      tpu.wait_indirect_dma semaphore(%arg10 : memref<!tpu.dma_semaphore, #tpu.memory_space<semaphore_mem>>) src(%dma_wait3A_37 : memref<4096x128xf32, #tpu.memory_space<hbm>>) dst(%arg8 : memref<256x128xf32, #tpu.memory_space<vmem>>)
      %dma_start3A_38 = arith.constant 0 : i32
      %dma_start3A_39 = tpu.memref_slice %arg4[%add3A_23, %dma_start3A_38] : memref<81920x128xf32, #tpu.memory_space<hbm>> -> memref<256x128xf32, #tpu.memory_space<hbm>>
      %dma_start3A_40 = arith.constant 0 : i32
      %dma_start3A_41 = tpu.memref_slice %arg4[%add3A_23, %dma_start3A_40] : memref<81920x128xf32, #tpu.memory_space<hbm>> -> memref<256x128xf32, #tpu.memory_space<hbm>>
      tpu.enqueue_dma source(%arg8 : memref<256x128xf32, #tpu.memory_space<vmem>>) target(%dma_start3A_41 : memref<256x128xf32, #tpu.memory_space<hbm>>) target_semaphore(%arg12 : memref<!tpu.dma_semaphore, #tpu.memory_space<semaphore_mem>>)
      %dma_wait3A_42 = arith.constant 0 : i32
      %dma_wait3A_43 = tpu.memref_slice %arg4[%add3A_16, %dma_wait3A_42] : memref<81920x128xf32, #tpu.memory_space<hbm>> -> memref<256x128xf32, #tpu.memory_space<hbm>>
      %dma_wait3A_44 = arith.constant 0 : i32
      %dma_wait3A_45 = tpu.memref_slice %arg4[%add3A_16, %dma_wait3A_44] : memref<81920x128xf32, #tpu.memory_space<hbm>> -> memref<256x128xf32, #tpu.memory_space<hbm>>
      tpu.wait_dma2 semaphore(%arg11 : memref<!tpu.dma_semaphore, #tpu.memory_space<semaphore_mem>>) src(%arg7 : memref<256x128xf32, #tpu.memory_space<vmem>>) dst(%dma_wait3A_45 : memref<256x128xf32, #tpu.memory_space<hbm>>)
      %dma_wait3A_46 = arith.constant 0 : i32
      %dma_wait3A_47 = tpu.memref_slice %arg4[%add3A_23, %dma_wait3A_46] : memref<81920x128xf32, #tpu.memory_space<hbm>> -> memref<256x128xf32, #tpu.memory_space<hbm>>
      %dma_wait3A_48 = arith.constant 0 : i32
      %dma_wait3A_49 = tpu.memref_slice %arg4[%add3A_23, %dma_wait3A_48] : memref<81920x128xf32, #tpu.memory_space<hbm>> -> memref<256x128xf32, #tpu.memory_space<hbm>>
      tpu.wait_dma2 semaphore(%arg12 : memref<!tpu.dma_semaphore, #tpu.memory_space<semaphore_mem>>) src(%arg8 : memref<256x128xf32, #tpu.memory_space<vmem>>) dst(%dma_wait3A_49 : memref<256x128xf32, #tpu.memory_space<hbm>>)
    }
    %scan3A_6 = arith.constant 5 : i32
    return
  }
}

#map = affine_map<(d0, d1) -> (0, 0)>
#map1 = affine_map<(d0, d1) -> (0)>
module attributes {stable_mosaic.version = 14 : i64} {
  func.func @k(%arg0: i32, %arg1: i32, %arg2: memref<4096x128xf32, #tpu.memory_space<hbm>>, %arg3: memref<81920xi32, #tpu.memory_space<hbm>>, %arg4: memref<81920x128xf32, #tpu.memory_space<hbm>>, %arg5: memref<256xi32, #tpu.memory_space<vmem>>, %arg6: memref<256xi32, #tpu.memory_space<vmem>>, %arg7: memref<256x128xf32, #tpu.memory_space<vmem>>, %arg8: memref<256x128xf32, #tpu.memory_space<vmem>>, %arg9: memref<!tpu.dma_semaphore, #tpu.memory_space<semaphore_mem>>, %arg10: memref<!tpu.dma_semaphore, #tpu.memory_space<semaphore_mem>>, %arg11: memref<!tpu.dma_semaphore, #tpu.memory_space<semaphore_mem>>, %arg12: memref<!tpu.dma_semaphore, #tpu.memory_space<semaphore_mem>>) attributes {dimension_semantics = [#tpu.dimension_semantics<core_parallel>, #tpu.dimension_semantics<subcore_parallel>], iteration_bounds = array<i64: 2, 16>, scalar_prefetch = 0 : i64, scratch_operands = 8 : i64, tpu.core_type = #tpu.core_type<sc_vector_subcore>, window_params = [{transform_indices = #map}, {transform_indices = #map1}, {transform_indices = #map}]} {
    %mul3A = arith.constant 2 : i32
    %mul3A_0 = arith.muli %arg1, %mul3A : i32
    %add3A = arith.addi %mul3A_0, %arg0 : i32
    %mul3A_1 = arith.constant 2560 : i32
    %mul3A_2 = arith.muli %add3A, %mul3A_1 : i32
    %scan3A = arith.constant 0 : i32
    %scan3A_3 = arith.constant 5 : i32
    %scan3A_4 = arith.addi %scan3A, %scan3A_3 : i32
    %scan3A_5 = arith.constant 1 : i32
    scf.for %scan3A_7 = %scan3A to %scan3A_4 step %scan3A_5  : i32 {
      %mul3A_8 = arith.constant 1 : i32
      %mul3A_9 = arith.muli %scan3A_7, %mul3A_8 : i32
      %add3A_10 = arith.constant 0 : i32
      %add3A_11 = arith.addi %add3A_10, %mul3A_9 : i32
      %mul3A_12 = arith.constant 2 : i32
      %mul3A_13 = arith.muli %mul3A_12, %add3A_11 : i32
      %mul3A_14 = arith.constant 256 : i32
      %mul3A_15 = arith.muli %mul3A_13, %mul3A_14 : i32
      %add3A_16 = arith.addi %mul3A_2, %mul3A_15 : i32
      %mul3A_17 = arith.constant 2 : i32
      %mul3A_18 = arith.muli %mul3A_17, %add3A_11 : i32
      %add3A_19 = arith.constant 1 : i32
      %add3A_20 = arith.addi %mul3A_18, %add3A_19 : i32
      %mul3A_21 = arith.constant 256 : i32
      %mul3A_22 = arith.muli %add3A_20, %mul3A_21 : i32
      %add3A_23 = arith.addi %mul3A_2, %mul3A_22 : i32
      "tpu.region"() ({
        %run_scoped3A = tpu.sem_alloc : memref<!tpu.dma_semaphore, #tpu.memory_space<semaphore_mem>>
        %dma_start3A_50 = tpu.memref_slice %arg3[%add3A_16] : memref<81920xi32, #tpu.memory_space<hbm>> -> memref<256xi32, #tpu.memory_space<hbm>>
        %dma_start3A_51 = tpu.memref_slice %arg3[%add3A_16] : memref<81920xi32, #tpu.memory_space<hbm>> -> memref<256xi32, #tpu.memory_space<hbm>>
        tpu.enqueue_dma source(%dma_start3A_51 : memref<256xi32, #tpu.memory_space<hbm>>) target(%arg5 : memref<256xi32, #tpu.memory_space<vmem>>) target_semaphore(%run_scoped3A : memref<!tpu.dma_semaphore, #tpu.memory_space<semaphore_mem>>)
        %dma_wait3A_52 = tpu.memref_slice %arg3[%add3A_16] : memref<81920xi32, #tpu.memory_space<hbm>> -> memref<256xi32, #tpu.memory_space<hbm>>
        %dma_wait3A_53 = tpu.memref_slice %arg3[%add3A_16] : memref<81920xi32, #tpu.memory_space<hbm>> -> memref<256xi32, #tpu.memory_space<hbm>>
        tpu.wait_dma2 semaphore(%run_scoped3A : memref<!tpu.dma_semaphore, #tpu.memory_space<semaphore_mem>>) src(%dma_wait3A_53 : memref<256xi32, #tpu.memory_space<hbm>>) dst(%arg5 : memref<256xi32, #tpu.memory_space<vmem>>)
        tpu.yield
      }) : () -> ()
      "tpu.region"() ({
        %run_scoped3A = tpu.sem_alloc : memref<!tpu.dma_semaphore, #tpu.memory_space<semaphore_mem>>
        %dma_start3A_50 = tpu.memref_slice %arg3[%add3A_23] : memref<81920xi32, #tpu.memory_space<hbm>> -> memref<256xi32, #tpu.memory_space<hbm>>
        %dma_start3A_51 = tpu.memref_slice %arg3[%add3A_23] : memref<81920xi32, #tpu.memory_space<hbm>> -> memref<256xi32, #tpu.memory_space<hbm>>
        tpu.enqueue_dma source(%dma_start3A_51 : memref<256xi32, #tpu.memory_space<hbm>>) target(%arg6 : memref<256xi32, #tpu.memory_space<vmem>>) target_semaphore(%run_scoped3A : memref<!tpu.dma_semaphore, #tpu.memory_space<semaphore_mem>>)
        %dma_wait3A_52 = tpu.memref_slice %arg3[%add3A_23] : memref<81920xi32, #tpu.memory_space<hbm>> -> memref<256xi32, #tpu.memory_space<hbm>>
        %dma_wait3A_53 = tpu.memref_slice %arg3[%add3A_23] : memref<81920xi32, #tpu.memory_space<hbm>> -> memref<256xi32, #tpu.memory_space<hbm>>
        tpu.wait_dma2 semaphore(%run_scoped3A : memref<!tpu.dma_semaphore, #tpu.memory_space<semaphore_mem>>) src(%dma_wait3A_53 : memref<256xi32, #tpu.memory_space<hbm>>) dst(%arg6 : memref<256xi32, #tpu.memory_space<vmem>>)
        tpu.yield
      }) : () -> ()
      %dma_start3A = arith.constant 0 : i32
      %dma_start3A_24 = arith.constant 0 : i32
      %dma_start3A_25 = tpu.memref_slice %arg2[%dma_start3A, %dma_start3A_24] : memref<4096x128xf32, #tpu.memory_space<hbm>> -> memref<4096x128xf32, #tpu.memory_space<hbm>>
      tpu.enqueue_indirect_dma source(%dma_start3A_25 : memref<4096x128xf32, #tpu.memory_space<hbm>>) target(%arg7 : memref<256x128xf32, #tpu.memory_space<vmem>>) offsets(%arg5 : memref<256xi32, #tpu.memory_space<vmem>>) semaphore(%arg9 : memref<!tpu.dma_semaphore, #tpu.memory_space<semaphore_mem>>)
      %dma_start3A_26 = arith.constant 0 : i32
      %dma_start3A_27 = arith.constant 0 : i32
      %dma_start3A_28 = tpu.memref_slice %arg2[%dma_start3A_26, %dma_start3A_27] : memref<4096x128xf32, #tpu.memory_space<hbm>> -> memref<4096x128xf32, #tpu.memory_space<hbm>>
      tpu.enqueue_indirect_dma source(%dma_start3A_28 : memref<4096x128xf32, #tpu.memory_space<hbm>>) target(%arg8 : memref<256x128xf32, #tpu.memory_space<vmem>>) offsets(%arg6 : memref<256xi32, #tpu.memory_space<vmem>>) semaphore(%arg10 : memref<!tpu.dma_semaphore, #tpu.memory_space<semaphore_mem>>)
      %dma_wait3A = arith.constant 0 : i32
      %dma_wait3A_29 = arith.constant 0 : i32
      %dma_wait3A_30 = tpu.memref_slice %arg2[%dma_wait3A, %dma_wait3A_29] : memref<4096x128xf32, #tpu.memory_space<hbm>> -> memref<4096x128xf32, #tpu.memory_space<hbm>>
      tpu.wait_indirect_dma semaphore(%arg9 : memref<!tpu.dma_semaphore, #tpu.memory_space<semaphore_mem>>) src(%dma_wait3A_30 : memref<4096x128xf32, #tpu.memory_space<hbm>>) dst(%arg7 : memref<256x128xf32, #tpu.memory_space<vmem>>)
      %dma_start3A_31 = arith.constant 0 : i32
      %dma_start3A_32 = tpu.memref_slice %arg4[%add3A_16, %dma_start3A_31] : memref<81920x128xf32, #tpu.memory_space<hbm>> -> memref<256x128xf32, #tpu.memory_space<hbm>>
      %dma_start3A_33 = arith.constant 0 : i32
      %dma_start3A_34 = tpu.memref_slice %arg4[%add3A_16, %dma_start3A_33] : memref<81920x128xf32, #tpu.memory_space<hbm>> -> memref<256x128xf32, #tpu.memory_space<hbm>>
      tpu.enqueue_dma source(%arg7 : memref<256x128xf32, #tpu.memory_space<vmem>>) target(%dma_start3A_34 : memref<256x128xf32, #tpu.memory_space<hbm>>) target_semaphore(%arg11 : memref<!tpu.dma_semaphore, #tpu.memory_space<semaphore_mem>>)
      %dma_wait3A_35 = arith.constant 0 : i32
      %dma_wait3A_36 = arith.constant 0 : i32
      %dma_wait3A_37 = tpu.memref_slice %arg2[%dma_wait3A_35, %dma_wait3A_36] : memref<4096x128xf32, #tpu.memory_space<hbm>> -> memref<4096x128xf32, #tpu.memory_space<hbm>>
      tpu.wait_indirect_dma semaphore(%arg10 : memref<!tpu.dma_semaphore, #tpu.memory_space<semaphore_mem>>) src(%dma_wait3A_37 : memref<4096x128xf32, #tpu.memory_space<hbm>>) dst(%arg8 : memref<256x128xf32, #tpu.memory_space<vmem>>)
      %dma_start3A_38 = arith.constant 0 : i32
      %dma_start3A_39 = tpu.memref_slice %arg4[%add3A_23, %dma_start3A_38] : memref<81920x128xf32, #tpu.memory_space<hbm>> -> memref<256x128xf32, #tpu.memory_space<hbm>>
      %dma_start3A_40 = arith.constant 0 : i32
      %dma_start3A_41 = tpu.memref_slice %arg4[%add3A_23, %dma_start3A_40] : memref<81920x128xf32, #tpu.memory_space<hbm>> -> memref<256x128xf32, #tpu.memory_space<hbm>>
      tpu.enqueue_dma source(%arg8 : memref<256x128xf32, #tpu.memory_space<vmem>>) target(%dma_start3A_41 : memref<256x128xf32, #tpu.memory_space<hbm>>) target_semaphore(%arg12 : memref<!tpu.dma_semaphore, #tpu.memory_space<semaphore_mem>>)
      %dma_wait3A_42 = arith.constant 0 : i32
      %dma_wait3A_43 = tpu.memref_slice %arg4[%add3A_16, %dma_wait3A_42] : memref<81920x128xf32, #tpu.memory_space<hbm>> -> memref<256x128xf32, #tpu.memory_space<hbm>>
      %dma_wait3A_44 = arith.constant 0 : i32
      %dma_wait3A_45 = tpu.memref_slice %arg4[%add3A_16, %dma_wait3A_44] : memref<81920x128xf32, #tpu.memory_space<hbm>> -> memref<256x128xf32, #tpu.memory_space<hbm>>
      tpu.wait_dma2 semaphore(%arg11 : memref<!tpu.dma_semaphore, #tpu.memory_space<semaphore_mem>>) src(%arg7 : memref<256x128xf32, #tpu.memory_space<vmem>>) dst(%dma_wait3A_45 : memref<256x128xf32, #tpu.memory_space<hbm>>)
      %dma_wait3A_46 = arith.constant 0 : i32
      %dma_wait3A_47 = tpu.memref_slice %arg4[%add3A_23, %dma_wait3A_46] : memref<81920x128xf32, #tpu.memory_space<hbm>> -> memref<256x128xf32, #tpu.memory_space<hbm>>
      %dma_wait3A_48 = arith.constant 0 : i32
      %dma_wait3A_49 = tpu.memref_slice %arg4[%add3A_23, %dma_wait3A_48] : memref<81920x128xf32, #tpu.memory_space<hbm>> -> memref<256x128xf32, #tpu.memory_space<hbm>>
      tpu.wait_dma2 semaphore(%arg12 : memref<!tpu.dma_semaphore, #tpu.memory_space<semaphore_mem>>) src(%arg8 : memref<256x128xf32, #tpu.memory_space<vmem>>) dst(%dma_wait3A_49 : memref<256x128xf32, #tpu.memory_space<hbm>>)
    }
    %scan3A_6 = arith.constant 5 : i32
    return
  }
}

#map = affine_map<(d0, d1) -> (0, 0)>
#map1 = affine_map<(d0, d1) -> (0)>
module attributes {stable_mosaic.version = 14 : i64} {
  func.func @k(%arg0: i32, %arg1: i32, %arg2: memref<4096x128xf32, #tpu.memory_space<hbm>>, %arg3: memref<81920xi32, #tpu.memory_space<hbm>>, %arg4: memref<81920x128xf32, #tpu.memory_space<hbm>>, %arg5: memref<256xi32, #tpu.memory_space<vmem>>, %arg6: memref<256xi32, #tpu.memory_space<vmem>>, %arg7: memref<256x128xf32, #tpu.memory_space<vmem>>, %arg8: memref<256x128xf32, #tpu.memory_space<vmem>>, %arg9: memref<!tpu.dma_semaphore, #tpu.memory_space<semaphore_mem>>, %arg10: memref<!tpu.dma_semaphore, #tpu.memory_space<semaphore_mem>>, %arg11: memref<!tpu.dma_semaphore, #tpu.memory_space<semaphore_mem>>, %arg12: memref<!tpu.dma_semaphore, #tpu.memory_space<semaphore_mem>>) attributes {dimension_semantics = [#tpu.dimension_semantics<core_parallel>, #tpu.dimension_semantics<subcore_parallel>], iteration_bounds = array<i64: 2, 16>, scalar_prefetch = 0 : i64, scratch_operands = 8 : i64, tpu.core_type = #tpu.core_type<sc_vector_subcore>, window_params = [{transform_indices = #map}, {transform_indices = #map1}, {transform_indices = #map}]} {
    %mul3A = arith.constant 2 : i32
    %mul3A_0 = arith.muli %arg1, %mul3A : i32
    %add3A = arith.addi %mul3A_0, %arg0 : i32
    %mul3A_1 = arith.constant 2560 : i32
    %mul3A_2 = arith.muli %add3A, %mul3A_1 : i32
    %scan3A = arith.constant 0 : i32
    %scan3A_3 = arith.constant 5 : i32
    %scan3A_4 = arith.addi %scan3A, %scan3A_3 : i32
    %scan3A_5 = arith.constant 1 : i32
    scf.for %scan3A_7 = %scan3A to %scan3A_4 step %scan3A_5  : i32 {
      %mul3A_8 = arith.constant 1 : i32
      %mul3A_9 = arith.muli %scan3A_7, %mul3A_8 : i32
      %add3A_10 = arith.constant 0 : i32
      %add3A_11 = arith.addi %add3A_10, %mul3A_9 : i32
      %mul3A_12 = arith.constant 2 : i32
      %mul3A_13 = arith.muli %mul3A_12, %add3A_11 : i32
      %mul3A_14 = arith.constant 256 : i32
      %mul3A_15 = arith.muli %mul3A_13, %mul3A_14 : i32
      %add3A_16 = arith.addi %mul3A_2, %mul3A_15 : i32
      %mul3A_17 = arith.constant 2 : i32
      %mul3A_18 = arith.muli %mul3A_17, %add3A_11 : i32
      %add3A_19 = arith.constant 1 : i32
      %add3A_20 = arith.addi %mul3A_18, %add3A_19 : i32
      %mul3A_21 = arith.constant 256 : i32
      %mul3A_22 = arith.muli %add3A_20, %mul3A_21 : i32
      %add3A_23 = arith.addi %mul3A_2, %mul3A_22 : i32
      "tpu.region"() ({
        %run_scoped3A = tpu.sem_alloc : memref<!tpu.dma_semaphore, #tpu.memory_space<semaphore_mem>>
        %dma_start3A_50 = tpu.memref_slice %arg3[%add3A_16] : memref<81920xi32, #tpu.memory_space<hbm>> -> memref<256xi32, #tpu.memory_space<hbm>>
        %dma_start3A_51 = tpu.memref_slice %arg3[%add3A_16] : memref<81920xi32, #tpu.memory_space<hbm>> -> memref<256xi32, #tpu.memory_space<hbm>>
        tpu.enqueue_dma source(%dma_start3A_51 : memref<256xi32, #tpu.memory_space<hbm>>) target(%arg5 : memref<256xi32, #tpu.memory_space<vmem>>) target_semaphore(%run_scoped3A : memref<!tpu.dma_semaphore, #tpu.memory_space<semaphore_mem>>)
        %dma_wait3A_52 = tpu.memref_slice %arg3[%add3A_16] : memref<81920xi32, #tpu.memory_space<hbm>> -> memref<256xi32, #tpu.memory_space<hbm>>
        %dma_wait3A_53 = tpu.memref_slice %arg3[%add3A_16] : memref<81920xi32, #tpu.memory_space<hbm>> -> memref<256xi32, #tpu.memory_space<hbm>>
        tpu.wait_dma2 semaphore(%run_scoped3A : memref<!tpu.dma_semaphore, #tpu.memory_space<semaphore_mem>>) src(%dma_wait3A_53 : memref<256xi32, #tpu.memory_space<hbm>>) dst(%arg5 : memref<256xi32, #tpu.memory_space<vmem>>)
        tpu.yield
      }) : () -> ()
      "tpu.region"() ({
        %run_scoped3A = tpu.sem_alloc : memref<!tpu.dma_semaphore, #tpu.memory_space<semaphore_mem>>
        %dma_start3A_50 = tpu.memref_slice %arg3[%add3A_23] : memref<81920xi32, #tpu.memory_space<hbm>> -> memref<256xi32, #tpu.memory_space<hbm>>
        %dma_start3A_51 = tpu.memref_slice %arg3[%add3A_23] : memref<81920xi32, #tpu.memory_space<hbm>> -> memref<256xi32, #tpu.memory_space<hbm>>
        tpu.enqueue_dma source(%dma_start3A_51 : memref<256xi32, #tpu.memory_space<hbm>>) target(%arg6 : memref<256xi32, #tpu.memory_space<vmem>>) target_semaphore(%run_scoped3A : memref<!tpu.dma_semaphore, #tpu.memory_space<semaphore_mem>>)
        %dma_wait3A_52 = tpu.memref_slice %arg3[%add3A_23] : memref<81920xi32, #tpu.memory_space<hbm>> -> memref<256xi32, #tpu.memory_space<hbm>>
        %dma_wait3A_53 = tpu.memref_slice %arg3[%add3A_23] : memref<81920xi32, #tpu.memory_space<hbm>> -> memref<256xi32, #tpu.memory_space<hbm>>
        tpu.wait_dma2 semaphore(%run_scoped3A : memref<!tpu.dma_semaphore, #tpu.memory_space<semaphore_mem>>) src(%dma_wait3A_53 : memref<256xi32, #tpu.memory_space<hbm>>) dst(%arg6 : memref<256xi32, #tpu.memory_space<vmem>>)
        tpu.yield
      }) : () -> ()
      %dma_start3A = arith.constant 0 : i32
      %dma_start3A_24 = arith.constant 0 : i32
      %dma_start3A_25 = tpu.memref_slice %arg2[%dma_start3A, %dma_start3A_24] : memref<4096x128xf32, #tpu.memory_space<hbm>> -> memref<4096x128xf32, #tpu.memory_space<hbm>>
      tpu.enqueue_indirect_dma source(%dma_start3A_25 : memref<4096x128xf32, #tpu.memory_space<hbm>>) target(%arg7 : memref<256x128xf32, #tpu.memory_space<vmem>>) offsets(%arg5 : memref<256xi32, #tpu.memory_space<vmem>>) semaphore(%arg9 : memref<!tpu.dma_semaphore, #tpu.memory_space<semaphore_mem>>)
      %dma_start3A_26 = arith.constant 0 : i32
      %dma_start3A_27 = arith.constant 0 : i32
      %dma_start3A_28 = tpu.memref_slice %arg2[%dma_start3A_26, %dma_start3A_27] : memref<4096x128xf32, #tpu.memory_space<hbm>> -> memref<4096x128xf32, #tpu.memory_space<hbm>>
      tpu.enqueue_indirect_dma source(%dma_start3A_28 : memref<4096x128xf32, #tpu.memory_space<hbm>>) target(%arg8 : memref<256x128xf32, #tpu.memory_space<vmem>>) offsets(%arg6 : memref<256xi32, #tpu.memory_space<vmem>>) semaphore(%arg10 : memref<!tpu.dma_semaphore, #tpu.memory_space<semaphore_mem>>)
      %dma_wait3A = arith.constant 0 : i32
      %dma_wait3A_29 = arith.constant 0 : i32
      %dma_wait3A_30 = tpu.memref_slice %arg2[%dma_wait3A, %dma_wait3A_29] : memref<4096x128xf32, #tpu.memory_space<hbm>> -> memref<4096x128xf32, #tpu.memory_space<hbm>>
      tpu.wait_indirect_dma semaphore(%arg9 : memref<!tpu.dma_semaphore, #tpu.memory_space<semaphore_mem>>) src(%dma_wait3A_30 : memref<4096x128xf32, #tpu.memory_space<hbm>>) dst(%arg7 : memref<256x128xf32, #tpu.memory_space<vmem>>)
      %dma_start3A_31 = arith.constant 0 : i32
      %dma_start3A_32 = tpu.memref_slice %arg4[%add3A_16, %dma_start3A_31] : memref<81920x128xf32, #tpu.memory_space<hbm>> -> memref<256x128xf32, #tpu.memory_space<hbm>>
      %dma_start3A_33 = arith.constant 0 : i32
      %dma_start3A_34 = tpu.memref_slice %arg4[%add3A_16, %dma_start3A_33] : memref<81920x128xf32, #tpu.memory_space<hbm>> -> memref<256x128xf32, #tpu.memory_space<hbm>>
      tpu.enqueue_dma source(%arg7 : memref<256x128xf32, #tpu.memory_space<vmem>>) target(%dma_start3A_34 : memref<256x128xf32, #tpu.memory_space<hbm>>) target_semaphore(%arg11 : memref<!tpu.dma_semaphore, #tpu.memory_space<semaphore_mem>>)
      %dma_wait3A_35 = arith.constant 0 : i32
      %dma_wait3A_36 = arith.constant 0 : i32
      %dma_wait3A_37 = tpu.memref_slice %arg2[%dma_wait3A_35, %dma_wait3A_36] : memref<4096x128xf32, #tpu.memory_space<hbm>> -> memref<4096x128xf32, #tpu.memory_space<hbm>>
      tpu.wait_indirect_dma semaphore(%arg10 : memref<!tpu.dma_semaphore, #tpu.memory_space<semaphore_mem>>) src(%dma_wait3A_37 : memref<4096x128xf32, #tpu.memory_space<hbm>>) dst(%arg8 : memref<256x128xf32, #tpu.memory_space<vmem>>)
      %dma_start3A_38 = arith.constant 0 : i32
      %dma_start3A_39 = tpu.memref_slice %arg4[%add3A_23, %dma_start3A_38] : memref<81920x128xf32, #tpu.memory_space<hbm>> -> memref<256x128xf32, #tpu.memory_space<hbm>>
      %dma_start3A_40 = arith.constant 0 : i32
      %dma_start3A_41 = tpu.memref_slice %arg4[%add3A_23, %dma_start3A_40] : memref<81920x128xf32, #tpu.memory_space<hbm>> -> memref<256x128xf32, #tpu.memory_space<hbm>>
      tpu.enqueue_dma source(%arg8 : memref<256x128xf32, #tpu.memory_space<vmem>>) target(%dma_start3A_41 : memref<256x128xf32, #tpu.memory_space<hbm>>) target_semaphore(%arg12 : memref<!tpu.dma_semaphore, #tpu.memory_space<semaphore_mem>>)
      %dma_wait3A_42 = arith.constant 0 : i32
      %dma_wait3A_43 = tpu.memref_slice %arg4[%add3A_16, %dma_wait3A_42] : memref<81920x128xf32, #tpu.memory_space<hbm>> -> memref<256x128xf32, #tpu.memory_space<hbm>>
      %dma_wait3A_44 = arith.constant 0 : i32
      %dma_wait3A_45 = tpu.memref_slice %arg4[%add3A_16, %dma_wait3A_44] : memref<81920x128xf32, #tpu.memory_space<hbm>> -> memref<256x128xf32, #tpu.memory_space<hbm>>
      tpu.wait_dma2 semaphore(%arg11 : memref<!tpu.dma_semaphore, #tpu.memory_space<semaphore_mem>>) src(%arg7 : memref<256x128xf32, #tpu.memory_space<vmem>>) dst(%dma_wait3A_45 : memref<256x128xf32, #tpu.memory_space<hbm>>)
      %dma_wait3A_46 = arith.constant 0 : i32
      %dma_wait3A_47 = tpu.memref_slice %arg4[%add3A_23, %dma_wait3A_46] : memref<81920x128xf32, #tpu.memory_space<hbm>> -> memref<256x128xf32, #tpu.memory_space<hbm>>
      %dma_wait3A_48 = arith.constant 0 : i32
      %dma_wait3A_49 = tpu.memref_slice %arg4[%add3A_23, %dma_wait3A_48] : memref<81920x128xf32, #tpu.memory_space<hbm>> -> memref<256x128xf32, #tpu.memory_space<hbm>>
      tpu.wait_dma2 semaphore(%arg12 : memref<!tpu.dma_semaphore, #tpu.memory_space<semaphore_mem>>) src(%arg8 : memref<256x128xf32, #tpu.memory_space<vmem>>) dst(%dma_wait3A_49 : memref<256x128xf32, #tpu.memory_space<hbm>>)
    }
    %scan3A_6 = arith.constant 5 : i32
    return
  }
}

#map = affine_map<(d0, d1) -> (0, 0)>
#map1 = affine_map<(d0, d1) -> (0)>
module attributes {stable_mosaic.version = 14 : i64} {
  func.func @k(%arg0: i32, %arg1: i32, %arg2: memref<4096x128xf32, #tpu.memory_space<hbm>>, %arg3: memref<81920xi32, #tpu.memory_space<hbm>>, %arg4: memref<81920x128xf32, #tpu.memory_space<hbm>>, %arg5: memref<256xi32, #tpu.memory_space<vmem>>, %arg6: memref<256xi32, #tpu.memory_space<vmem>>, %arg7: memref<256x128xf32, #tpu.memory_space<vmem>>, %arg8: memref<256x128xf32, #tpu.memory_space<vmem>>, %arg9: memref<!tpu.dma_semaphore, #tpu.memory_space<semaphore_mem>>, %arg10: memref<!tpu.dma_semaphore, #tpu.memory_space<semaphore_mem>>, %arg11: memref<!tpu.dma_semaphore, #tpu.memory_space<semaphore_mem>>, %arg12: memref<!tpu.dma_semaphore, #tpu.memory_space<semaphore_mem>>) attributes {dimension_semantics = [#tpu.dimension_semantics<core_parallel>, #tpu.dimension_semantics<subcore_parallel>], iteration_bounds = array<i64: 2, 16>, scalar_prefetch = 0 : i64, scratch_operands = 8 : i64, tpu.core_type = #tpu.core_type<sc_vector_subcore>, window_params = [{transform_indices = #map}, {transform_indices = #map1}, {transform_indices = #map}]} {
    %mul3A = arith.constant 2 : i32
    %mul3A_0 = arith.muli %arg1, %mul3A : i32
    %add3A = arith.addi %mul3A_0, %arg0 : i32
    %mul3A_1 = arith.constant 2560 : i32
    %mul3A_2 = arith.muli %add3A, %mul3A_1 : i32
    %scan3A = arith.constant 0 : i32
    %scan3A_3 = arith.constant 5 : i32
    %scan3A_4 = arith.addi %scan3A, %scan3A_3 : i32
    %scan3A_5 = arith.constant 1 : i32
    scf.for %scan3A_7 = %scan3A to %scan3A_4 step %scan3A_5  : i32 {
      %mul3A_8 = arith.constant 1 : i32
      %mul3A_9 = arith.muli %scan3A_7, %mul3A_8 : i32
      %add3A_10 = arith.constant 0 : i32
      %add3A_11 = arith.addi %add3A_10, %mul3A_9 : i32
      %mul3A_12 = arith.constant 2 : i32
      %mul3A_13 = arith.muli %mul3A_12, %add3A_11 : i32
      %mul3A_14 = arith.constant 256 : i32
      %mul3A_15 = arith.muli %mul3A_13, %mul3A_14 : i32
      %add3A_16 = arith.addi %mul3A_2, %mul3A_15 : i32
      %mul3A_17 = arith.constant 2 : i32
      %mul3A_18 = arith.muli %mul3A_17, %add3A_11 : i32
      %add3A_19 = arith.constant 1 : i32
      %add3A_20 = arith.addi %mul3A_18, %add3A_19 : i32
      %mul3A_21 = arith.constant 256 : i32
      %mul3A_22 = arith.muli %add3A_20, %mul3A_21 : i32
      %add3A_23 = arith.addi %mul3A_2, %mul3A_22 : i32
      "tpu.region"() ({
        %run_scoped3A = tpu.sem_alloc : memref<!tpu.dma_semaphore, #tpu.memory_space<semaphore_mem>>
        %dma_start3A_50 = tpu.memref_slice %arg3[%add3A_16] : memref<81920xi32, #tpu.memory_space<hbm>> -> memref<256xi32, #tpu.memory_space<hbm>>
        %dma_start3A_51 = tpu.memref_slice %arg3[%add3A_16] : memref<81920xi32, #tpu.memory_space<hbm>> -> memref<256xi32, #tpu.memory_space<hbm>>
        tpu.enqueue_dma source(%dma_start3A_51 : memref<256xi32, #tpu.memory_space<hbm>>) target(%arg5 : memref<256xi32, #tpu.memory_space<vmem>>) target_semaphore(%run_scoped3A : memref<!tpu.dma_semaphore, #tpu.memory_space<semaphore_mem>>)
        %dma_wait3A_52 = tpu.memref_slice %arg3[%add3A_16] : memref<81920xi32, #tpu.memory_space<hbm>> -> memref<256xi32, #tpu.memory_space<hbm>>
        %dma_wait3A_53 = tpu.memref_slice %arg3[%add3A_16] : memref<81920xi32, #tpu.memory_space<hbm>> -> memref<256xi32, #tpu.memory_space<hbm>>
        tpu.wait_dma2 semaphore(%run_scoped3A : memref<!tpu.dma_semaphore, #tpu.memory_space<semaphore_mem>>) src(%dma_wait3A_53 : memref<256xi32, #tpu.memory_space<hbm>>) dst(%arg5 : memref<256xi32, #tpu.memory_space<vmem>>)
        tpu.yield
      }) : () -> ()
      "tpu.region"() ({
        %run_scoped3A = tpu.sem_alloc : memref<!tpu.dma_semaphore, #tpu.memory_space<semaphore_mem>>
        %dma_start3A_50 = tpu.memref_slice %arg3[%add3A_23] : memref<81920xi32, #tpu.memory_space<hbm>> -> memref<256xi32, #tpu.memory_space<hbm>>
        %dma_start3A_51 = tpu.memref_slice %arg3[%add3A_23] : memref<81920xi32, #tpu.memory_space<hbm>> -> memref<256xi32, #tpu.memory_space<hbm>>
        tpu.enqueue_dma source(%dma_start3A_51 : memref<256xi32, #tpu.memory_space<hbm>>) target(%arg6 : memref<256xi32, #tpu.memory_space<vmem>>) target_semaphore(%run_scoped3A : memref<!tpu.dma_semaphore, #tpu.memory_space<semaphore_mem>>)
        %dma_wait3A_52 = tpu.memref_slice %arg3[%add3A_23] : memref<81920xi32, #tpu.memory_space<hbm>> -> memref<256xi32, #tpu.memory_space<hbm>>
        %dma_wait3A_53 = tpu.memref_slice %arg3[%add3A_23] : memref<81920xi32, #tpu.memory_space<hbm>> -> memref<256xi32, #tpu.memory_space<hbm>>
        tpu.wait_dma2 semaphore(%run_scoped3A : memref<!tpu.dma_semaphore, #tpu.memory_space<semaphore_mem>>) src(%dma_wait3A_53 : memref<256xi32, #tpu.memory_space<hbm>>) dst(%arg6 : memref<256xi32, #tpu.memory_space<vmem>>)
        tpu.yield
      }) : () -> ()
      %dma_start3A = arith.constant 0 : i32
      %dma_start3A_24 = arith.constant 0 : i32
      %dma_start3A_25 = tpu.memref_slice %arg2[%dma_start3A, %dma_start3A_24] : memref<4096x128xf32, #tpu.memory_space<hbm>> -> memref<4096x128xf32, #tpu.memory_space<hbm>>
      tpu.enqueue_indirect_dma source(%dma_start3A_25 : memref<4096x128xf32, #tpu.memory_space<hbm>>) target(%arg7 : memref<256x128xf32, #tpu.memory_space<vmem>>) offsets(%arg5 : memref<256xi32, #tpu.memory_space<vmem>>) semaphore(%arg9 : memref<!tpu.dma_semaphore, #tpu.memory_space<semaphore_mem>>)
      %dma_start3A_26 = arith.constant 0 : i32
      %dma_start3A_27 = arith.constant 0 : i32
      %dma_start3A_28 = tpu.memref_slice %arg2[%dma_start3A_26, %dma_start3A_27] : memref<4096x128xf32, #tpu.memory_space<hbm>> -> memref<4096x128xf32, #tpu.memory_space<hbm>>
      tpu.enqueue_indirect_dma source(%dma_start3A_28 : memref<4096x128xf32, #tpu.memory_space<hbm>>) target(%arg8 : memref<256x128xf32, #tpu.memory_space<vmem>>) offsets(%arg6 : memref<256xi32, #tpu.memory_space<vmem>>) semaphore(%arg10 : memref<!tpu.dma_semaphore, #tpu.memory_space<semaphore_mem>>)
      %dma_wait3A = arith.constant 0 : i32
      %dma_wait3A_29 = arith.constant 0 : i32
      %dma_wait3A_30 = tpu.memref_slice %arg2[%dma_wait3A, %dma_wait3A_29] : memref<4096x128xf32, #tpu.memory_space<hbm>> -> memref<4096x128xf32, #tpu.memory_space<hbm>>
      tpu.wait_indirect_dma semaphore(%arg9 : memref<!tpu.dma_semaphore, #tpu.memory_space<semaphore_mem>>) src(%dma_wait3A_30 : memref<4096x128xf32, #tpu.memory_space<hbm>>) dst(%arg7 : memref<256x128xf32, #tpu.memory_space<vmem>>)
      %dma_start3A_31 = arith.constant 0 : i32
      %dma_start3A_32 = tpu.memref_slice %arg4[%add3A_16, %dma_start3A_31] : memref<81920x128xf32, #tpu.memory_space<hbm>> -> memref<256x128xf32, #tpu.memory_space<hbm>>
      %dma_start3A_33 = arith.constant 0 : i32
      %dma_start3A_34 = tpu.memref_slice %arg4[%add3A_16, %dma_start3A_33] : memref<81920x128xf32, #tpu.memory_space<hbm>> -> memref<256x128xf32, #tpu.memory_space<hbm>>
      tpu.enqueue_dma source(%arg7 : memref<256x128xf32, #tpu.memory_space<vmem>>) target(%dma_start3A_34 : memref<256x128xf32, #tpu.memory_space<hbm>>) target_semaphore(%arg11 : memref<!tpu.dma_semaphore, #tpu.memory_space<semaphore_mem>>)
      %dma_wait3A_35 = arith.constant 0 : i32
      %dma_wait3A_36 = arith.constant 0 : i32
      %dma_wait3A_37 = tpu.memref_slice %arg2[%dma_wait3A_35, %dma_wait3A_36] : memref<4096x128xf32, #tpu.memory_space<hbm>> -> memref<4096x128xf32, #tpu.memory_space<hbm>>
      tpu.wait_indirect_dma semaphore(%arg10 : memref<!tpu.dma_semaphore, #tpu.memory_space<semaphore_mem>>) src(%dma_wait3A_37 : memref<4096x128xf32, #tpu.memory_space<hbm>>) dst(%arg8 : memref<256x128xf32, #tpu.memory_space<vmem>>)
      %dma_start3A_38 = arith.constant 0 : i32
      %dma_start3A_39 = tpu.memref_slice %arg4[%add3A_23, %dma_start3A_38] : memref<81920x128xf32, #tpu.memory_space<hbm>> -> memref<256x128xf32, #tpu.memory_space<hbm>>
      %dma_start3A_40 = arith.constant 0 : i32
      %dma_start3A_41 = tpu.memref_slice %arg4[%add3A_23, %dma_start3A_40] : memref<81920x128xf32, #tpu.memory_space<hbm>> -> memref<256x128xf32, #tpu.memory_space<hbm>>
      tpu.enqueue_dma source(%arg8 : memref<256x128xf32, #tpu.memory_space<vmem>>) target(%dma_start3A_41 : memref<256x128xf32, #tpu.memory_space<hbm>>) target_semaphore(%arg12 : memref<!tpu.dma_semaphore, #tpu.memory_space<semaphore_mem>>)
      %dma_wait3A_42 = arith.constant 0 : i32
      %dma_wait3A_43 = tpu.memref_slice %arg4[%add3A_16, %dma_wait3A_42] : memref<81920x128xf32, #tpu.memory_space<hbm>> -> memref<256x128xf32, #tpu.memory_space<hbm>>
      %dma_wait3A_44 = arith.constant 0 : i32
      %dma_wait3A_45 = tpu.memref_slice %arg4[%add3A_16, %dma_wait3A_44] : memref<81920x128xf32, #tpu.memory_space<hbm>> -> memref<256x128xf32, #tpu.memory_space<hbm>>
      tpu.wait_dma2 semaphore(%arg11 : memref<!tpu.dma_semaphore, #tpu.memory_space<semaphore_mem>>) src(%arg7 : memref<256x128xf32, #tpu.memory_space<vmem>>) dst(%dma_wait3A_45 : memref<256x128xf32, #tpu.memory_space<hbm>>)
      %dma_wait3A_46 = arith.constant 0 : i32
      %dma_wait3A_47 = tpu.memref_slice %arg4[%add3A_23, %dma_wait3A_46] : memref<81920x128xf32, #tpu.memory_space<hbm>> -> memref<256x128xf32, #tpu.memory_space<hbm>>
      %dma_wait3A_48 = arith.constant 0 : i32
      %dma_wait3A_49 = tpu.memref_slice %arg4[%add3A_23, %dma_wait3A_48] : memref<81920x128xf32, #tpu.memory_space<hbm>> -> memref<256x128xf32, #tpu.memory_space<hbm>>
      tpu.wait_dma2 semaphore(%arg12 : memref<!tpu.dma_semaphore, #tpu.memory_space<semaphore_mem>>) src(%arg8 : memref<256x128xf32, #tpu.memory_space<vmem>>) dst(%dma_wait3A_49 : memref<256x128xf32, #tpu.memory_space<hbm>>)
    }
    %scan3A_6 = arith.constant 5 : i32
    return
  }
}

module attributes {stable_mosaic.version = 14 : i64} {
  func.func @_topk_body(%arg0: i32, %arg1: i32, %arg2: memref<1x2048x3xf32, #tpu.memory_space<vmem>>, %arg3: memref<1x512x3xf32, #tpu.memory_space<vmem>>, %arg4: memref<1x512x20xi32, #tpu.memory_space<vmem>>) attributes {dimension_semantics = [#tpu.dimension_semantics<arbitrary>, #tpu.dimension_semantics<arbitrary>], iteration_bounds = array<i64: 2, 4>, scalar_prefetch = 0 : i64, scratch_operands = 0 : i64, tpu.core_type = #tpu.core_type<tc>, window_params = [{transform_indices = @transform_0, window_bounds = array<i64: 1, 2048, 3>}, {transform_indices = @transform_1, window_bounds = array<i64: 1, 512, 3>}, {transform_indices = @transform_2, window_bounds = array<i64: 1, 512, 20>}]} {
    %get3A = arith.constant 0 : index
    %get3A_0 = arith.constant 0 : index
    %get3A_1 = arith.constant 0 : index
    %get3A_2 = vector.load %arg2[%get3A, %get3A_0, %get3A_1] : memref<1x2048x3xf32, #tpu.memory_space<vmem>>, vector<1x2048x3xf32>
    %get3A_3 = vector.shape_cast %get3A_2 : vector<1x2048x3xf32> to vector<2048x3xf32>
    %get3A_4 = arith.constant 0 : index
    %get3A_5 = arith.constant 0 : index
    %get3A_6 = arith.constant 0 : index
    %get3A_7 = vector.load %arg3[%get3A_4, %get3A_5, %get3A_6] : memref<1x512x3xf32, #tpu.memory_space<vmem>>, vector<1x512x3xf32>
    %get3A_8 = vector.shape_cast %get3A_7 : vector<1x512x3xf32> to vector<512x3xf32>
    %convert_element_type3A = arith.truncf %get3A_8 : vector<512x3xf32> to vector<512x3xbf16>
    %convert_element_type3A_9 = arith.truncf %get3A_3 : vector<2048x3xf32> to vector<2048x3xbf16>
    %dot_general3A = arith.constant dense<0.000000e+00> : vector<512x2048xf32>
    %dot_general3A_10 = tpu.matmul %convert_element_type3A, %convert_element_type3A_9, %dot_general3A {dimension_numbers = #tpu.dot_dimension_numbers<[1], [1], [0], [0], [0, 0, 1, 0], [], []>, transpose_lhs_hint = false} : vector<512x3xbf16>, vector<2048x3xbf16>, vector<512x2048xf32> -> vector<512x2048xf32>
    %mul3A = arith.mulf %get3A_3, %get3A_3 : vector<2048x3xf32>
    %reduce_sum3A = arith.constant dense<0.000000e+00> : vector<2048xf32>
    %reduce_sum3A_11 = vector.multi_reduction <add>, %mul3A, %reduce_sum3A [1] : vector<2048x3xf32> to vector<2048xf32>
    %mul3A_12 = arith.mulf %get3A_8, %get3A_8 : vector<512x3xf32>
    %reduce_sum3A_13 = arith.constant dense<0.000000e+00> : vector<512xf32>
    %reduce_sum3A_14 = vector.multi_reduction <add>, %mul3A_12, %reduce_sum3A_13 [1] : vector<512x3xf32> to vector<512xf32>
    %broadcast_in_dim3A = vector.shape_cast %reduce_sum3A_14 : vector<512xf32> to vector<512x1xf32>
    %neg3A = arith.constant 0.000000e+00 : f32
    %neg3A_15 = vector.broadcast %neg3A : f32 to vector<512x1xf32>
    %neg3A_16 = arith.subf %neg3A_15, %broadcast_in_dim3A : vector<512x1xf32>
    %mul3A_17 = arith.constant -2.000000e+00 : f32
    %mul3A_18 = vector.broadcast %mul3A_17 : f32 to vector<512x2048xf32>
    %mul3A_19 = arith.mulf %mul3A_18, %dot_general3A_10 : vector<512x2048xf32>
    %sub3A = vector.broadcast %neg3A_16 : vector<512x1xf32> to vector<512x2048xf32>
    %sub3A_20 = arith.subf %sub3A, %mul3A_19 : vector<512x2048xf32>
    %broadcast_in_dim3A_21 = vector.shape_cast %reduce_sum3A_11 : vector<2048xf32> to vector<1x2048xf32>
    %sub3A_22 = vector.broadcast %broadcast_in_dim3A_21 : vector<1x2048xf32> to vector<512x2048xf32>
    %sub3A_23 = arith.subf %sub3A_20, %sub3A_22 : vector<512x2048xf32>
    %iota3A = tpu.iota {dimensions = array<i32: 1>} : vector<512x2048xi32>
    %reduce_max3A = arith.constant dense<0xFF800000> : vector<512xf32>
    %reduce_max3A_24 = vector.multi_reduction <maximumf>, %sub3A_23, %reduce_max3A [1] : vector<512x2048xf32> to vector<512xf32>
    %broadcast_in_dim3A_25 = vector.shape_cast %reduce_max3A_24 : vector<512xf32> to vector<512x1xf32>
    %eq3A = vector.broadcast %broadcast_in_dim3A_25 : vector<512x1xf32> to vector<512x2048xf32>
    %eq3A_26 = arith.cmpf oeq, %sub3A_23, %eq3A : vector<512x2048xf32>
    %jit3A = arith.constant 2048 : i32
    %broadcast_in_dim3A_27 = vector.broadcast %jit3A : i32 to vector<512x2048xi32>
    %select_n3A = arith.select %eq3A_26, %iota3A, %broadcast_in_dim3A_27 : vector<512x2048xi1>, vector<512x2048xi32>
    %reduce_min3A = arith.constant dense<2147483647> : vector<512xi32>
    %reduce_min3A_28 = vector.multi_reduction <minsi>, %select_n3A, %reduce_min3A [1] : vector<512x2048xi32> to vector<512xi32>
    %broadcast_in_dim3A_29 = vector.shape_cast %reduce_min3A_28 : vector<512xi32> to vector<512x1xi32>
    %eq3A_30 = vector.broadcast %broadcast_in_dim3A_29 : vector<512x1xi32> to vector<512x2048xi32>
    %eq3A_31 = arith.cmpi eq, %iota3A, %eq3A_30 : vector<512x2048xi32>
    %jit3A_32 = arith.constant -3.000000e+38 : f32
    %broadcast_in_dim3A_33 = vector.broadcast %jit3A_32 : f32 to vector<512x2048xf32>
    %select_n3A_34 = arith.select %eq3A_31, %broadcast_in_dim3A_33, %sub3A_23 : vector<512x2048xi1>, vector<512x2048xf32>
    %reduce_max3A_35 = arith.constant dense<0xFF800000> : vector<512xf32>
    %reduce_max3A_36 = vector.multi_reduction <maximumf>, %select_n3A_34, %reduce_max3A_35 [1] : vector<512x2048xf32> to vector<512xf32>
    %broadcast_in_dim3A_37 = vector.shape_cast %reduce_max3A_36 : vector<512xf32> to vector<512x1xf32>
    %eq3A_38 = vector.broadcast %broadcast_in_dim3A_37 : vector<512x1xf32> to vector<512x2048xf32>
    %eq3A_39 = arith.cmpf oeq, %select_n3A_34, %eq3A_38 : vector<512x2048xf32>
    %jit3A_40 = arith.constant 2048 : i32
    %broadcast_in_dim3A_41 = vector.broadcast %jit3A_40 : i32 to vector<512x2048xi32>
    %select_n3A_42 = arith.select %eq3A_39, %iota3A, %broadcast_in_dim3A_41 : vector<512x2048xi1>, vector<512x2048xi32>
    %reduce_min3A_43 = arith.constant dense<2147483647> : vector<512xi32>
    %reduce_min3A_44 = vector.multi_reduction <minsi>, %select_n3A_42, %reduce_min3A_43 [1] : vector<512x2048xi32> to vector<512xi32>
    %broadcast_in_dim3A_45 = vector.shape_cast %reduce_min3A_44 : vector<512xi32> to vector<512x1xi32>
    %eq3A_46 = vector.broadcast %broadcast_in_dim3A_45 : vector<512x1xi32> to vector<512x2048xi32>
    %eq3A_47 = arith.cmpi eq, %iota3A, %eq3A_46 : vector<512x2048xi32>
    %jit3A_48 = arith.constant -3.000000e+38 : f32
    %broadcast_in_dim3A_49 = vector.broadcast %jit3A_48 : f32 to vector<512x2048xf32>
    %select_n3A_50 = arith.select %eq3A_47, %broadcast_in_dim3A_49, %select_n3A_34 : vector<512x2048xi1>, vector<512x2048xf32>
    %reduce_max3A_51 = arith.constant dense<0xFF800000> : vector<512xf32>
    %reduce_max3A_52 = vector.multi_reduction <maximumf>, %select_n3A_50, %reduce_max3A_51 [1] : vector<512x2048xf32> to vector<512xf32>
    %broadcast_in_dim3A_53 = vector.shape_cast %reduce_max3A_52 : vector<512xf32> to vector<512x1xf32>
    %eq3A_54 = vector.broadcast %broadcast_in_dim3A_53 : vector<512x1xf32> to vector<512x2048xf32>
    %eq3A_55 = arith.cmpf oeq, %select_n3A_50, %eq3A_54 : vector<512x2048xf32>
    %jit3A_56 = arith.constant 2048 : i32
    %broadcast_in_dim3A_57 = vector.broadcast %jit3A_56 : i32 to vector<512x2048xi32>
    %select_n3A_58 = arith.select %eq3A_55, %iota3A, %broadcast_in_dim3A_57 : vector<512x2048xi1>, vector<512x2048xi32>
    %reduce_min3A_59 = arith.constant dense<2147483647> : vector<512xi32>
    %reduce_min3A_60 = vector.multi_reduction <minsi>, %select_n3A_58, %reduce_min3A_59 [1] : vector<512x2048xi32> to vector<512xi32>
    %broadcast_in_dim3A_61 = vector.shape_cast %reduce_min3A_60 : vector<512xi32> to vector<512x1xi32>
    %eq3A_62 = vector.broadcast %broadcast_in_dim3A_61 : vector<512x1xi32> to vector<512x2048xi32>
    %eq3A_63 = arith.cmpi eq, %iota3A, %eq3A_62 : vector<512x2048xi32>
    %jit3A_64 = arith.constant -3.000000e+38 : f32
    %broadcast_in_dim3A_65 = vector.broadcast %jit3A_64 : f32 to vector<512x2048xf32>
    %select_n3A_66 = arith.select %eq3A_63, %broadcast_in_dim3A_65, %select_n3A_50 : vector<512x2048xi1>, vector<512x2048xf32>
    %reduce_max3A_67 = arith.constant dense<0xFF800000> : vector<512xf32>
    %reduce_max3A_68 = vector.multi_reduction <maximumf>, %select_n3A_66, %reduce_max3A_67 [1] : vector<512x2048xf32> to vector<512xf32>
    %broadcast_in_dim3A_69 = vector.shape_cast %reduce_max3A_68 : vector<512xf32> to vector<512x1xf32>
    %eq3A_70 = vector.broadcast %broadcast_in_dim3A_69 : vector<512x1xf32> to vector<512x2048xf32>
    %eq3A_71 = arith.cmpf oeq, %select_n3A_66, %eq3A_70 : vector<512x2048xf32>
    %jit3A_72 = arith.constant 2048 : i32
    %broadcast_in_dim3A_73 = vector.broadcast %jit3A_72 : i32 to vector<512x2048xi32>
    %select_n3A_74 = arith.select %eq3A_71, %iota3A, %broadcast_in_dim3A_73 : vector<512x2048xi1>, vector<512x2048xi32>
    %reduce_min3A_75 = arith.constant dense<2147483647> : vector<512xi32>
    %reduce_min3A_76 = vector.multi_reduction <minsi>, %select_n3A_74, %reduce_min3A_75 [1] : vector<512x2048xi32> to vector<512xi32>
    %broadcast_in_dim3A_77 = vector.shape_cast %reduce_min3A_76 : vector<512xi32> to vector<512x1xi32>
    %eq3A_78 = vector.broadcast %broadcast_in_dim3A_77 : vector<512x1xi32> to vector<512x2048xi32>
    %eq3A_79 = arith.cmpi eq, %iota3A, %eq3A_78 : vector<512x2048xi32>
    %jit3A_80 = arith.constant -3.000000e+38 : f32
    %broadcast_in_dim3A_81 = vector.broadcast %jit3A_80 : f32 to vector<512x2048xf32>
    %select_n3A_82 = arith.select %eq3A_79, %broadcast_in_dim3A_81, %select_n3A_66 : vector<512x2048xi1>, vector<512x2048xf32>
    %reduce_max3A_83 = arith.constant dense<0xFF800000> : vector<512xf32>
    %reduce_max3A_84 = vector.multi_reduction <maximumf>, %select_n3A_82, %reduce_max3A_83 [1] : vector<512x2048xf32> to vector<512xf32>
    %broadcast_in_dim3A_85 = vector.shape_cast %reduce_max3A_84 : vector<512xf32> to vector<512x1xf32>
    %eq3A_86 = vector.broadcast %broadcast_in_dim3A_85 : vector<512x1xf32> to vector<512x2048xf32>
    %eq3A_87 = arith.cmpf oeq, %select_n3A_82, %eq3A_86 : vector<512x2048xf32>
    %jit3A_88 = arith.constant 2048 : i32
    %broadcast_in_dim3A_89 = vector.broadcast %jit3A_88 : i32 to vector<512x2048xi32>
    %select_n3A_90 = arith.select %eq3A_87, %iota3A, %broadcast_in_dim3A_89 : vector<512x2048xi1>, vector<512x2048xi32>
    %reduce_min3A_91 = arith.constant dense<2147483647> : vector<512xi32>
    %reduce_min3A_92 = vector.multi_reduction <minsi>, %select_n3A_90, %reduce_min3A_91 [1] : vector<512x2048xi32> to vector<512xi32>
    %broadcast_in_dim3A_93 = vector.shape_cast %reduce_min3A_92 : vector<512xi32> to vector<512x1xi32>
    %eq3A_94 = vector.broadcast %broadcast_in_dim3A_93 : vector<512x1xi32> to vector<512x2048xi32>
    %eq3A_95 = arith.cmpi eq, %iota3A, %eq3A_94 : vector<512x2048xi32>
    %jit3A_96 = arith.constant -3.000000e+38 : f32
    %broadcast_in_dim3A_97 = vector.broadcast %jit3A_96 : f32 to vector<512x2048xf32>
    %select_n3A_98 = arith.select %eq3A_95, %broadcast_in_dim3A_97, %select_n3A_82 : vector<512x2048xi1>, vector<512x2048xf32>
    %reduce_max3A_99 = arith.constant dense<0xFF800000> : vector<512xf32>
    %reduce_max3A_100 = vector.multi_reduction <maximumf>, %select_n3A_98, %reduce_max3A_99 [1] : vector<512x2048xf32> to vector<512xf32>
    %broadcast_in_dim3A_101 = vector.shape_cast %reduce_max3A_100 : vector<512xf32> to vector<512x1xf32>
    %eq3A_102 = vector.broadcast %broadcast_in_dim3A_101 : vector<512x1xf32> to vector<512x2048xf32>
    %eq3A_103 = arith.cmpf oeq, %select_n3A_98, %eq3A_102 : vector<512x2048xf32>
    %jit3A_104 = arith.constant 2048 : i32
    %broadcast_in_dim3A_105 = vector.broadcast %jit3A_104 : i32 to vector<512x2048xi32>
    %select_n3A_106 = arith.select %eq3A_103, %iota3A, %broadcast_in_dim3A_105 : vector<512x2048xi1>, vector<512x2048xi32>
    %reduce_min3A_107 = arith.constant dense<2147483647> : vector<512xi32>
    %reduce_min3A_108 = vector.multi_reduction <minsi>, %select_n3A_106, %reduce_min3A_107 [1] : vector<512x2048xi32> to vector<512xi32>
    %broadcast_in_dim3A_109 = vector.shape_cast %reduce_min3A_108 : vector<512xi32> to vector<512x1xi32>
    %eq3A_110 = vector.broadcast %broadcast_in_dim3A_109 : vector<512x1xi32> to vector<512x2048xi32>
    %eq3A_111 = arith.cmpi eq, %iota3A, %eq3A_110 : vector<512x2048xi32>
    %jit3A_112 = arith.constant -3.000000e+38 : f32
    %broadcast_in_dim3A_113 = vector.broadcast %jit3A_112 : f32 to vector<512x2048xf32>
    %select_n3A_114 = arith.select %eq3A_111, %broadcast_in_dim3A_113, %select_n3A_98 : vector<512x2048xi1>, vector<512x2048xf32>
    %reduce_max3A_115 = arith.constant dense<0xFF800000> : vector<512xf32>
    %reduce_max3A_116 = vector.multi_reduction <maximumf>, %select_n3A_114, %reduce_max3A_115 [1] : vector<512x2048xf32> to vector<512xf32>
    %broadcast_in_dim3A_117 = vector.shape_cast %reduce_max3A_116 : vector<512xf32> to vector<512x1xf32>
    %eq3A_118 = vector.broadcast %broadcast_in_dim3A_117 : vector<512x1xf32> to vector<512x2048xf32>
    %eq3A_119 = arith.cmpf oeq, %select_n3A_114, %eq3A_118 : vector<512x2048xf32>
    %jit3A_120 = arith.constant 2048 : i32
    %broadcast_in_dim3A_121 = vector.broadcast %jit3A_120 : i32 to vector<512x2048xi32>
    %select_n3A_122 = arith.select %eq3A_119, %iota3A, %broadcast_in_dim3A_121 : vector<512x2048xi1>, vector<512x2048xi32>
    %reduce_min3A_123 = arith.constant dense<2147483647> : vector<512xi32>
    %reduce_min3A_124 = vector.multi_reduction <minsi>, %select_n3A_122, %reduce_min3A_123 [1] : vector<512x2048xi32> to vector<512xi32>
    %broadcast_in_dim3A_125 = vector.shape_cast %reduce_min3A_124 : vector<512xi32> to vector<512x1xi32>
    %eq3A_126 = vector.broadcast %broadcast_in_dim3A_125 : vector<512x1xi32> to vector<512x2048xi32>
    %eq3A_127 = arith.cmpi eq, %iota3A, %eq3A_126 : vector<512x2048xi32>
    %jit3A_128 = arith.constant -3.000000e+38 : f32
    %broadcast_in_dim3A_129 = vector.broadcast %jit3A_128 : f32 to vector<512x2048xf32>
    %select_n3A_130 = arith.select %eq3A_127, %broadcast_in_dim3A_129, %select_n3A_114 : vector<512x2048xi1>, vector<512x2048xf32>
    %reduce_max3A_131 = arith.constant dense<0xFF800000> : vector<512xf32>
    %reduce_max3A_132 = vector.multi_reduction <maximumf>, %select_n3A_130, %reduce_max3A_131 [1] : vector<512x2048xf32> to vector<512xf32>
    %broadcast_in_dim3A_133 = vector.shape_cast %reduce_max3A_132 : vector<512xf32> to vector<512x1xf32>
    %eq3A_134 = vector.broadcast %broadcast_in_dim3A_133 : vector<512x1xf32> to vector<512x2048xf32>
    %eq3A_135 = arith.cmpf oeq, %select_n3A_130, %eq3A_134 : vector<512x2048xf32>
    %jit3A_136 = arith.constant 2048 : i32
    %broadcast_in_dim3A_137 = vector.broadcast %jit3A_136 : i32 to vector<512x2048xi32>
    %select_n3A_138 = arith.select %eq3A_135, %iota3A, %broadcast_in_dim3A_137 : vector<512x2048xi1>, vector<512x2048xi32>
    %reduce_min3A_139 = arith.constant dense<2147483647> : vector<512xi32>
    %reduce_min3A_140 = vector.multi_reduction <minsi>, %select_n3A_138, %reduce_min3A_139 [1] : vector<512x2048xi32> to vector<512xi32>
    %broadcast_in_dim3A_141 = vector.shape_cast %reduce_min3A_140 : vector<512xi32> to vector<512x1xi32>
    %eq3A_142 = vector.broadcast %broadcast_in_dim3A_141 : vector<512x1xi32> to vector<512x2048xi32>
    %eq3A_143 = arith.cmpi eq, %iota3A, %eq3A_142 : vector<512x2048xi32>
    %jit3A_144 = arith.constant -3.000000e+38 : f32
    %broadcast_in_dim3A_145 = vector.broadcast %jit3A_144 : f32 to vector<512x2048xf32>
    %select_n3A_146 = arith.select %eq3A_143, %broadcast_in_dim3A_145, %select_n3A_130 : vector<512x2048xi1>, vector<512x2048xf32>
    %reduce_max3A_147 = arith.constant dense<0xFF800000> : vector<512xf32>
    %reduce_max3A_148 = vector.multi_reduction <maximumf>, %select_n3A_146, %reduce_max3A_147 [1] : vector<512x2048xf32> to vector<512xf32>
    %broadcast_in_dim3A_149 = vector.shape_cast %reduce_max3A_148 : vector<512xf32> to vector<512x1xf32>
    %eq3A_150 = vector.broadcast %broadcast_in_dim3A_149 : vector<512x1xf32> to vector<512x2048xf32>
    %eq3A_151 = arith.cmpf oeq, %select_n3A_146, %eq3A_150 : vector<512x2048xf32>
    %jit3A_152 = arith.constant 2048 : i32
    %broadcast_in_dim3A_153 = vector.broadcast %jit3A_152 : i32 to vector<512x2048xi32>
    %select_n3A_154 = arith.select %eq3A_151, %iota3A, %broadcast_in_dim3A_153 : vector<512x2048xi1>, vector<512x2048xi32>
    %reduce_min3A_155 = arith.constant dense<2147483647> : vector<512xi32>
    %reduce_min3A_156 = vector.multi_reduction <minsi>, %select_n3A_154, %reduce_min3A_155 [1] : vector<512x2048xi32> to vector<512xi32>
    %broadcast_in_dim3A_157 = vector.shape_cast %reduce_min3A_156 : vector<512xi32> to vector<512x1xi32>
    %eq3A_158 = vector.broadcast %broadcast_in_dim3A_157 : vector<512x1xi32> to vector<512x2048xi32>
    %eq3A_159 = arith.cmpi eq, %iota3A, %eq3A_158 : vector<512x2048xi32>
    %jit3A_160 = arith.constant -3.000000e+38 : f32
    %broadcast_in_dim3A_161 = vector.broadcast %jit3A_160 : f32 to vector<512x2048xf32>
    %select_n3A_162 = arith.select %eq3A_159, %broadcast_in_dim3A_161, %select_n3A_146 : vector<512x2048xi1>, vector<512x2048xf32>
    %reduce_max3A_163 = arith.constant dense<0xFF800000> : vector<512xf32>
    %reduce_max3A_164 = vector.multi_reduction <maximumf>, %select_n3A_162, %reduce_max3A_163 [1] : vector<512x2048xf32> to vector<512xf32>
    %broadcast_in_dim3A_165 = vector.shape_cast %reduce_max3A_164 : vector<512xf32> to vector<512x1xf32>
    %eq3A_166 = vector.broadcast %broadcast_in_dim3A_165 : vector<512x1xf32> to vector<512x2048xf32>
    %eq3A_167 = arith.cmpf oeq, %select_n3A_162, %eq3A_166 : vector<512x2048xf32>
    %jit3A_168 = arith.constant 2048 : i32
    %broadcast_in_dim3A_169 = vector.broadcast %jit3A_168 : i32 to vector<512x2048xi32>
    %select_n3A_170 = arith.select %eq3A_167, %iota3A, %broadcast_in_dim3A_169 : vector<512x2048xi1>, vector<512x2048xi32>
    %reduce_min3A_171 = arith.constant dense<2147483647> : vector<512xi32>
    %reduce_min3A_172 = vector.multi_reduction <minsi>, %select_n3A_170, %reduce_min3A_171 [1] : vector<512x2048xi32> to vector<512xi32>
    %broadcast_in_dim3A_173 = vector.shape_cast %reduce_min3A_172 : vector<512xi32> to vector<512x1xi32>
    %eq3A_174 = vector.broadcast %broadcast_in_dim3A_173 : vector<512x1xi32> to vector<512x2048xi32>
    %eq3A_175 = arith.cmpi eq, %iota3A, %eq3A_174 : vector<512x2048xi32>
    %jit3A_176 = arith.constant -3.000000e+38 : f32
    %broadcast_in_dim3A_177 = vector.broadcast %jit3A_176 : f32 to vector<512x2048xf32>
    %select_n3A_178 = arith.select %eq3A_175, %broadcast_in_dim3A_177, %select_n3A_162 : vector<512x2048xi1>, vector<512x2048xf32>
    %reduce_max3A_179 = arith.constant dense<0xFF800000> : vector<512xf32>
    %reduce_max3A_180 = vector.multi_reduction <maximumf>, %select_n3A_178, %reduce_max3A_179 [1] : vector<512x2048xf32> to vector<512xf32>
    %broadcast_in_dim3A_181 = vector.shape_cast %reduce_max3A_180 : vector<512xf32> to vector<512x1xf32>
    %eq3A_182 = vector.broadcast %broadcast_in_dim3A_181 : vector<512x1xf32> to vector<512x2048xf32>
    %eq3A_183 = arith.cmpf oeq, %select_n3A_178, %eq3A_182 : vector<512x2048xf32>
    %jit3A_184 = arith.constant 2048 : i32
    %broadcast_in_dim3A_185 = vector.broadcast %jit3A_184 : i32 to vector<512x2048xi32>
    %select_n3A_186 = arith.select %eq3A_183, %iota3A, %broadcast_in_dim3A_185 : vector<512x2048xi1>, vector<512x2048xi32>
    %reduce_min3A_187 = arith.constant dense<2147483647> : vector<512xi32>
    %reduce_min3A_188 = vector.multi_reduction <minsi>, %select_n3A_186, %reduce_min3A_187 [1] : vector<512x2048xi32> to vector<512xi32>
    %broadcast_in_dim3A_189 = vector.shape_cast %reduce_min3A_188 : vector<512xi32> to vector<512x1xi32>
    %eq3A_190 = vector.broadcast %broadcast_in_dim3A_189 : vector<512x1xi32> to vector<512x2048xi32>
    %eq3A_191 = arith.cmpi eq, %iota3A, %eq3A_190 : vector<512x2048xi32>
    %jit3A_192 = arith.constant -3.000000e+38 : f32
    %broadcast_in_dim3A_193 = vector.broadcast %jit3A_192 : f32 to vector<512x2048xf32>
    %select_n3A_194 = arith.select %eq3A_191, %broadcast_in_dim3A_193, %select_n3A_178 : vector<512x2048xi1>, vector<512x2048xf32>
    %reduce_max3A_195 = arith.constant dense<0xFF800000> : vector<512xf32>
    %reduce_max3A_196 = vector.multi_reduction <maximumf>, %select_n3A_194, %reduce_max3A_195 [1] : vector<512x2048xf32> to vector<512xf32>
    %broadcast_in_dim3A_197 = vector.shape_cast %reduce_max3A_196 : vector<512xf32> to vector<512x1xf32>
    %eq3A_198 = vector.broadcast %broadcast_in_dim3A_197 : vector<512x1xf32> to vector<512x2048xf32>
    %eq3A_199 = arith.cmpf oeq, %select_n3A_194, %eq3A_198 : vector<512x2048xf32>
    %jit3A_200 = arith.constant 2048 : i32
    %broadcast_in_dim3A_201 = vector.broadcast %jit3A_200 : i32 to vector<512x2048xi32>
    %select_n3A_202 = arith.select %eq3A_199, %iota3A, %broadcast_in_dim3A_201 : vector<512x2048xi1>, vector<512x2048xi32>
    %reduce_min3A_203 = arith.constant dense<2147483647> : vector<512xi32>
    %reduce_min3A_204 = vector.multi_reduction <minsi>, %select_n3A_202, %reduce_min3A_203 [1] : vector<512x2048xi32> to vector<512xi32>
    %broadcast_in_dim3A_205 = vector.shape_cast %reduce_min3A_204 : vector<512xi32> to vector<512x1xi32>
    %eq3A_206 = vector.broadcast %broadcast_in_dim3A_205 : vector<512x1xi32> to vector<512x2048xi32>
    %eq3A_207 = arith.cmpi eq, %iota3A, %eq3A_206 : vector<512x2048xi32>
    %jit3A_208 = arith.constant -3.000000e+38 : f32
    %broadcast_in_dim3A_209 = vector.broadcast %jit3A_208 : f32 to vector<512x2048xf32>
    %select_n3A_210 = arith.select %eq3A_207, %broadcast_in_dim3A_209, %select_n3A_194 : vector<512x2048xi1>, vector<512x2048xf32>
    %reduce_max3A_211 = arith.constant dense<0xFF800000> : vector<512xf32>
    %reduce_max3A_212 = vector.multi_reduction <maximumf>, %select_n3A_210, %reduce_max3A_211 [1] : vector<512x2048xf32> to vector<512xf32>
    %broadcast_in_dim3A_213 = vector.shape_cast %reduce_max3A_212 : vector<512xf32> to vector<512x1xf32>
    %eq3A_214 = vector.broadcast %broadcast_in_dim3A_213 : vector<512x1xf32> to vector<512x2048xf32>
    %eq3A_215 = arith.cmpf oeq, %select_n3A_210, %eq3A_214 : vector<512x2048xf32>
    %jit3A_216 = arith.constant 2048 : i32
    %broadcast_in_dim3A_217 = vector.broadcast %jit3A_216 : i32 to vector<512x2048xi32>
    %select_n3A_218 = arith.select %eq3A_215, %iota3A, %broadcast_in_dim3A_217 : vector<512x2048xi1>, vector<512x2048xi32>
    %reduce_min3A_219 = arith.constant dense<2147483647> : vector<512xi32>
    %reduce_min3A_220 = vector.multi_reduction <minsi>, %select_n3A_218, %reduce_min3A_219 [1] : vector<512x2048xi32> to vector<512xi32>
    %broadcast_in_dim3A_221 = vector.shape_cast %reduce_min3A_220 : vector<512xi32> to vector<512x1xi32>
    %eq3A_222 = vector.broadcast %broadcast_in_dim3A_221 : vector<512x1xi32> to vector<512x2048xi32>
    %eq3A_223 = arith.cmpi eq, %iota3A, %eq3A_222 : vector<512x2048xi32>
    %jit3A_224 = arith.constant -3.000000e+38 : f32
    %broadcast_in_dim3A_225 = vector.broadcast %jit3A_224 : f32 to vector<512x2048xf32>
    %select_n3A_226 = arith.select %eq3A_223, %broadcast_in_dim3A_225, %select_n3A_210 : vector<512x2048xi1>, vector<512x2048xf32>
    %reduce_max3A_227 = arith.constant dense<0xFF800000> : vector<512xf32>
    %reduce_max3A_228 = vector.multi_reduction <maximumf>, %select_n3A_226, %reduce_max3A_227 [1] : vector<512x2048xf32> to vector<512xf32>
    %broadcast_in_dim3A_229 = vector.shape_cast %reduce_max3A_228 : vector<512xf32> to vector<512x1xf32>
    %eq3A_230 = vector.broadcast %broadcast_in_dim3A_229 : vector<512x1xf32> to vector<512x2048xf32>
    %eq3A_231 = arith.cmpf oeq, %select_n3A_226, %eq3A_230 : vector<512x2048xf32>
    %jit3A_232 = arith.constant 2048 : i32
    %broadcast_in_dim3A_233 = vector.broadcast %jit3A_232 : i32 to vector<512x2048xi32>
    %select_n3A_234 = arith.select %eq3A_231, %iota3A, %broadcast_in_dim3A_233 : vector<512x2048xi1>, vector<512x2048xi32>
    %reduce_min3A_235 = arith.constant dense<2147483647> : vector<512xi32>
    %reduce_min3A_236 = vector.multi_reduction <minsi>, %select_n3A_234, %reduce_min3A_235 [1] : vector<512x2048xi32> to vector<512xi32>
    %broadcast_in_dim3A_237 = vector.shape_cast %reduce_min3A_236 : vector<512xi32> to vector<512x1xi32>
    %eq3A_238 = vector.broadcast %broadcast_in_dim3A_237 : vector<512x1xi32> to vector<512x2048xi32>
    %eq3A_239 = arith.cmpi eq, %iota3A, %eq3A_238 : vector<512x2048xi32>
    %jit3A_240 = arith.constant -3.000000e+38 : f32
    %broadcast_in_dim3A_241 = vector.broadcast %jit3A_240 : f32 to vector<512x2048xf32>
    %select_n3A_242 = arith.select %eq3A_239, %broadcast_in_dim3A_241, %select_n3A_226 : vector<512x2048xi1>, vector<512x2048xf32>
    %reduce_max3A_243 = arith.constant dense<0xFF800000> : vector<512xf32>
    %reduce_max3A_244 = vector.multi_reduction <maximumf>, %select_n3A_242, %reduce_max3A_243 [1] : vector<512x2048xf32> to vector<512xf32>
    %broadcast_in_dim3A_245 = vector.shape_cast %reduce_max3A_244 : vector<512xf32> to vector<512x1xf32>
    %eq3A_246 = vector.broadcast %broadcast_in_dim3A_245 : vector<512x1xf32> to vector<512x2048xf32>
    %eq3A_247 = arith.cmpf oeq, %select_n3A_242, %eq3A_246 : vector<512x2048xf32>
    %jit3A_248 = arith.constant 2048 : i32
    %broadcast_in_dim3A_249 = vector.broadcast %jit3A_248 : i32 to vector<512x2048xi32>
    %select_n3A_250 = arith.select %eq3A_247, %iota3A, %broadcast_in_dim3A_249 : vector<512x2048xi1>, vector<512x2048xi32>
    %reduce_min3A_251 = arith.constant dense<2147483647> : vector<512xi32>
    %reduce_min3A_252 = vector.multi_reduction <minsi>, %select_n3A_250, %reduce_min3A_251 [1] : vector<512x2048xi32> to vector<512xi32>
    %broadcast_in_dim3A_253 = vector.shape_cast %reduce_min3A_252 : vector<512xi32> to vector<512x1xi32>
    %eq3A_254 = vector.broadcast %broadcast_in_dim3A_253 : vector<512x1xi32> to vector<512x2048xi32>
    %eq3A_255 = arith.cmpi eq, %iota3A, %eq3A_254 : vector<512x2048xi32>
    %jit3A_256 = arith.constant -3.000000e+38 : f32
    %broadcast_in_dim3A_257 = vector.broadcast %jit3A_256 : f32 to vector<512x2048xf32>
    %select_n3A_258 = arith.select %eq3A_255, %broadcast_in_dim3A_257, %select_n3A_242 : vector<512x2048xi1>, vector<512x2048xf32>
    %reduce_max3A_259 = arith.constant dense<0xFF800000> : vector<512xf32>
    %reduce_max3A_260 = vector.multi_reduction <maximumf>, %select_n3A_258, %reduce_max3A_259 [1] : vector<512x2048xf32> to vector<512xf32>
    %broadcast_in_dim3A_261 = vector.shape_cast %reduce_max3A_260 : vector<512xf32> to vector<512x1xf32>
    %eq3A_262 = vector.broadcast %broadcast_in_dim3A_261 : vector<512x1xf32> to vector<512x2048xf32>
    %eq3A_263 = arith.cmpf oeq, %select_n3A_258, %eq3A_262 : vector<512x2048xf32>
    %jit3A_264 = arith.constant 2048 : i32
    %broadcast_in_dim3A_265 = vector.broadcast %jit3A_264 : i32 to vector<512x2048xi32>
    %select_n3A_266 = arith.select %eq3A_263, %iota3A, %broadcast_in_dim3A_265 : vector<512x2048xi1>, vector<512x2048xi32>
    %reduce_min3A_267 = arith.constant dense<2147483647> : vector<512xi32>
    %reduce_min3A_268 = vector.multi_reduction <minsi>, %select_n3A_266, %reduce_min3A_267 [1] : vector<512x2048xi32> to vector<512xi32>
    %broadcast_in_dim3A_269 = vector.shape_cast %reduce_min3A_268 : vector<512xi32> to vector<512x1xi32>
    %eq3A_270 = vector.broadcast %broadcast_in_dim3A_269 : vector<512x1xi32> to vector<512x2048xi32>
    %eq3A_271 = arith.cmpi eq, %iota3A, %eq3A_270 : vector<512x2048xi32>
    %jit3A_272 = arith.constant -3.000000e+38 : f32
    %broadcast_in_dim3A_273 = vector.broadcast %jit3A_272 : f32 to vector<512x2048xf32>
    %select_n3A_274 = arith.select %eq3A_271, %broadcast_in_dim3A_273, %select_n3A_258 : vector<512x2048xi1>, vector<512x2048xf32>
    %reduce_max3A_275 = arith.constant dense<0xFF800000> : vector<512xf32>
    %reduce_max3A_276 = vector.multi_reduction <maximumf>, %select_n3A_274, %reduce_max3A_275 [1] : vector<512x2048xf32> to vector<512xf32>
    %broadcast_in_dim3A_277 = vector.shape_cast %reduce_max3A_276 : vector<512xf32> to vector<512x1xf32>
    %eq3A_278 = vector.broadcast %broadcast_in_dim3A_277 : vector<512x1xf32> to vector<512x2048xf32>
    %eq3A_279 = arith.cmpf oeq, %select_n3A_274, %eq3A_278 : vector<512x2048xf32>
    %jit3A_280 = arith.constant 2048 : i32
    %broadcast_in_dim3A_281 = vector.broadcast %jit3A_280 : i32 to vector<512x2048xi32>
    %select_n3A_282 = arith.select %eq3A_279, %iota3A, %broadcast_in_dim3A_281 : vector<512x2048xi1>, vector<512x2048xi32>
    %reduce_min3A_283 = arith.constant dense<2147483647> : vector<512xi32>
    %reduce_min3A_284 = vector.multi_reduction <minsi>, %select_n3A_282, %reduce_min3A_283 [1] : vector<512x2048xi32> to vector<512xi32>
    %broadcast_in_dim3A_285 = vector.shape_cast %reduce_min3A_284 : vector<512xi32> to vector<512x1xi32>
    %eq3A_286 = vector.broadcast %broadcast_in_dim3A_285 : vector<512x1xi32> to vector<512x2048xi32>
    %eq3A_287 = arith.cmpi eq, %iota3A, %eq3A_286 : vector<512x2048xi32>
    %jit3A_288 = arith.constant -3.000000e+38 : f32
    %broadcast_in_dim3A_289 = vector.broadcast %jit3A_288 : f32 to vector<512x2048xf32>
    %select_n3A_290 = arith.select %eq3A_287, %broadcast_in_dim3A_289, %select_n3A_274 : vector<512x2048xi1>, vector<512x2048xf32>
    %reduce_max3A_291 = arith.constant dense<0xFF800000> : vector<512xf32>
    %reduce_max3A_292 = vector.multi_reduction <maximumf>, %select_n3A_290, %reduce_max3A_291 [1] : vector<512x2048xf32> to vector<512xf32>
    %broadcast_in_dim3A_293 = vector.shape_cast %reduce_max3A_292 : vector<512xf32> to vector<512x1xf32>
    %eq3A_294 = vector.broadcast %broadcast_in_dim3A_293 : vector<512x1xf32> to vector<512x2048xf32>
    %eq3A_295 = arith.cmpf oeq, %select_n3A_290, %eq3A_294 : vector<512x2048xf32>
    %jit3A_296 = arith.constant 2048 : i32
    %broadcast_in_dim3A_297 = vector.broadcast %jit3A_296 : i32 to vector<512x2048xi32>
    %select_n3A_298 = arith.select %eq3A_295, %iota3A, %broadcast_in_dim3A_297 : vector<512x2048xi1>, vector<512x2048xi32>
    %reduce_min3A_299 = arith.constant dense<2147483647> : vector<512xi32>
    %reduce_min3A_300 = vector.multi_reduction <minsi>, %select_n3A_298, %reduce_min3A_299 [1] : vector<512x2048xi32> to vector<512xi32>
    %broadcast_in_dim3A_301 = vector.shape_cast %reduce_min3A_300 : vector<512xi32> to vector<512x1xi32>
    %eq3A_302 = vector.broadcast %broadcast_in_dim3A_301 : vector<512x1xi32> to vector<512x2048xi32>
    %eq3A_303 = arith.cmpi eq, %iota3A, %eq3A_302 : vector<512x2048xi32>
    %jit3A_304 = arith.constant -3.000000e+38 : f32
    %broadcast_in_dim3A_305 = vector.broadcast %jit3A_304 : f32 to vector<512x2048xf32>
    %select_n3A_306 = arith.select %eq3A_303, %broadcast_in_dim3A_305, %select_n3A_290 : vector<512x2048xi1>, vector<512x2048xf32>
    %reduce_max3A_307 = arith.constant dense<0xFF800000> : vector<512xf32>
    %reduce_max3A_308 = vector.multi_reduction <maximumf>, %select_n3A_306, %reduce_max3A_307 [1] : vector<512x2048xf32> to vector<512xf32>
    %broadcast_in_dim3A_309 = vector.shape_cast %reduce_max3A_308 : vector<512xf32> to vector<512x1xf32>
    %eq3A_310 = vector.broadcast %broadcast_in_dim3A_309 : vector<512x1xf32> to vector<512x2048xf32>
    %eq3A_311 = arith.cmpf oeq, %select_n3A_306, %eq3A_310 : vector<512x2048xf32>
    %jit3A_312 = arith.constant 2048 : i32
    %broadcast_in_dim3A_313 = vector.broadcast %jit3A_312 : i32 to vector<512x2048xi32>
    %select_n3A_314 = arith.select %eq3A_311, %iota3A, %broadcast_in_dim3A_313 : vector<512x2048xi1>, vector<512x2048xi32>
    %reduce_min3A_315 = arith.constant dense<2147483647> : vector<512xi32>
    %reduce_min3A_316 = vector.multi_reduction <minsi>, %select_n3A_314, %reduce_min3A_315 [1] : vector<512x2048xi32> to vector<512xi32>
    %broadcast_in_dim3A_317 = vector.shape_cast %reduce_min3A_316 : vector<512xi32> to vector<512x1xi32>
    %eq3A_318 = vector.broadcast %broadcast_in_dim3A_317 : vector<512x1xi32> to vector<512x2048xi32>
    %eq3A_319 = arith.cmpi eq, %iota3A, %eq3A_318 : vector<512x2048xi32>
    %jit3A_320 = arith.constant -3.000000e+38 : f32
    %broadcast_in_dim3A_321 = vector.broadcast %jit3A_320 : f32 to vector<512x2048xf32>
    %select_n3A_322 = arith.select %eq3A_319, %broadcast_in_dim3A_321, %select_n3A_306 : vector<512x2048xi1>, vector<512x2048xf32>
    %reduce_max3A_323 = arith.constant dense<0xFF800000> : vector<512xf32>
    %reduce_max3A_324 = vector.multi_reduction <maximumf>, %select_n3A_322, %reduce_max3A_323 [1] : vector<512x2048xf32> to vector<512xf32>
    %broadcast_in_dim3A_325 = vector.shape_cast %reduce_max3A_324 : vector<512xf32> to vector<512x1xf32>
    %eq3A_326 = vector.broadcast %broadcast_in_dim3A_325 : vector<512x1xf32> to vector<512x2048xf32>
    %eq3A_327 = arith.cmpf oeq, %select_n3A_322, %eq3A_326 : vector<512x2048xf32>
    %jit3A_328 = arith.constant 2048 : i32
    %broadcast_in_dim3A_329 = vector.broadcast %jit3A_328 : i32 to vector<512x2048xi32>
    %select_n3A_330 = arith.select %eq3A_327, %iota3A, %broadcast_in_dim3A_329 : vector<512x2048xi1>, vector<512x2048xi32>
    %reduce_min3A_331 = arith.constant dense<2147483647> : vector<512xi32>
    %reduce_min3A_332 = vector.multi_reduction <minsi>, %select_n3A_330, %reduce_min3A_331 [1] : vector<512x2048xi32> to vector<512xi32>
    %broadcast_in_dim3A_333 = vector.shape_cast %reduce_min3A_332 : vector<512xi32> to vector<512x1xi32>
    %concatenate3A = tpu.concatenate %broadcast_in_dim3A_29, %broadcast_in_dim3A_45, %broadcast_in_dim3A_61, %broadcast_in_dim3A_77, %broadcast_in_dim3A_93, %broadcast_in_dim3A_109, %broadcast_in_dim3A_125, %broadcast_in_dim3A_141, %broadcast_in_dim3A_157, %broadcast_in_dim3A_173, %broadcast_in_dim3A_189, %broadcast_in_dim3A_205, %broadcast_in_dim3A_221, %broadcast_in_dim3A_237, %broadcast_in_dim3A_253, %broadcast_in_dim3A_269, %broadcast_in_dim3A_285, %broadcast_in_dim3A_301, %broadcast_in_dim3A_317, %broadcast_in_dim3A_333 in 1 : vector<512x1xi32>, vector<512x1xi32>, vector<512x1xi32>, vector<512x1xi32>, vector<512x1xi32>, vector<512x1xi32>, vector<512x1xi32>, vector<512x1xi32>, vector<512x1xi32>, vector<512x1xi32>, vector<512x1xi32>, vector<512x1xi32>, vector<512x1xi32>, vector<512x1xi32>, vector<512x1xi32>, vector<512x1xi32>, vector<512x1xi32>, vector<512x1xi32>, vector<512x1xi32>, vector<512x1xi32> -> vector<512x20xi32>
    %swap3A = arith.constant 0 : index
    %swap3A_334 = arith.constant 0 : index
    %swap3A_335 = arith.constant 0 : index
    %swap3A_336 = vector.load %arg4[%swap3A, %swap3A_334, %swap3A_335] : memref<1x512x20xi32, #tpu.memory_space<vmem>>, vector<1x512x20xi32>
    %swap3A_337 = vector.shape_cast %swap3A_336 : vector<1x512x20xi32> to vector<512x20xi32>
    %swap3A_338 = vector.shape_cast %concatenate3A : vector<512x20xi32> to vector<1x512x20xi32>
    tpu.vector_store %arg4[%swap3A, %swap3A_334, %swap3A_335], %swap3A_338 {strides = array<i32>} : memref<1x512x20xi32, #tpu.memory_space<vmem>>, vector<1x512x20xi32>,
    return
  }
  func.func @transform_0(%arg0: i32, %arg1: i32) -> (i32, i32, i32) {
    %c0_i32 = arith.constant 0 : i32
    %c0_i32_0 = arith.constant 0 : i32
    %c0_i32_1 = arith.constant 0 : i32
    return %arg0, %c0_i32, %c0_i32_0 : i32, i32, i32
  }
  func.func @transform_1(%arg0: i32, %arg1: i32) -> (i32, i32, i32) {
    %c0_i32 = arith.constant 0 : i32
    %c0_i32_0 = arith.constant 0 : i32
    return %arg0, %arg1, %c0_i32 : i32, i32, i32
  }
  func.func @transform_2(%arg0: i32, %arg1: i32) -> (i32, i32, i32) {
    %c0_i32 = arith.constant 0 : i32
    %c0_i32_0 = arith.constant 0 : i32
    return %arg0, %arg1, %c0_i32 : i32, i32, i32
  }
}

module attributes {stable_mosaic.version = 14 : i64} {
  func.func @_edge_body(%arg0: i32, %arg1: i32, %arg2: memref<1x512x20x128xf32, #tpu.memory_space<vmem>>, %arg3: memref<1x512x3xf32, #tpu.memory_space<vmem>>, %arg4: memref<64x6xf32, #tpu.memory_space<vmem>>, %arg5: memref<1x512x64xf32, #tpu.memory_space<vmem>>, %arg6: memref<2x64xf32, #tpu.memory_space<vmem>>, %arg7: memref<1x64xf32, #tpu.memory_space<vmem>>, %arg8: memref<1x64xf32, #tpu.memory_space<vmem>>) attributes {dimension_semantics = [#tpu.dimension_semantics<arbitrary>, #tpu.dimension_semantics<arbitrary>], iteration_bounds = array<i64: 2, 4>, scalar_prefetch = 0 : i64, scratch_operands = 2 : i64, tpu.core_type = #tpu.core_type<tc>, window_params = [{transform_indices = @transform_0, window_bounds = array<i64: 1, 512, 20, 128>}, {transform_indices = @transform_1, window_bounds = array<i64: 1, 512, 3>}, {pipeline_mode = #tpu.pipeline_mode<synchronous>, transform_indices = @transform_2, window_bounds = array<i64: 64, 6>}, {transform_indices = @transform_3, window_bounds = array<i64: 1, 512, 64>}, {pipeline_mode = #tpu.pipeline_mode<synchronous>, transform_indices = @transform_4, window_bounds = array<i64: 2, 64>}]} {
    %eq3A = arith.constant 0 : i32
    %eq3A_0 = arith.cmpi eq, %arg0, %eq3A : i32
    %eq3A_1 = arith.constant 0 : i32
    %eq3A_2 = arith.cmpi eq, %arg1, %eq3A_1 : i32
    %and3A = arith.andi %eq3A_0, %eq3A_2 : i1
    %convert_element_type3A = arith.extui %and3A : i1 to i32
    %cond3A = arith.constant 0 : i32
    %cond3A_3 = arith.cmpi ne, %convert_element_type3A, %cond3A : i32
    scf.if %cond3A_3 {
      %broadcast_in_dim3A_448 = arith.constant 0.000000e+00 : f32
      %broadcast_in_dim3A_449 = vector.broadcast %broadcast_in_dim3A_448 : f32 to vector<1x64xf32>
      %swap3A_450 = arith.constant 0 : index
      %swap3A_451 = arith.constant 0 : index
      %swap3A_452 = vector.load %arg7[%swap3A_450, %swap3A_451] : memref<1x64xf32, #tpu.memory_space<vmem>>, vector<1x64xf32>
      tpu.vector_store %arg7[%swap3A_450, %swap3A_451], %broadcast_in_dim3A_449 {strides = array<i32>} : memref<1x64xf32, #tpu.memory_space<vmem>>, vector<1x64xf32>,
      %broadcast_in_dim3A_453 = arith.constant 0.000000e+00 : f32
      %broadcast_in_dim3A_454 = vector.broadcast %broadcast_in_dim3A_453 : f32 to vector<1x64xf32>
      %swap3A_455 = arith.constant 0 : index
      %swap3A_456 = arith.constant 0 : index
      %swap3A_457 = vector.load %arg8[%swap3A_455, %swap3A_456] : memref<1x64xf32, #tpu.memory_space<vmem>>, vector<1x64xf32>
      tpu.vector_store %arg8[%swap3A_455, %swap3A_456], %broadcast_in_dim3A_454 {strides = array<i32>} : memref<1x64xf32, #tpu.memory_space<vmem>>, vector<1x64xf32>,
    } else {
    }
    %get3A = arith.constant 0 : index
    %get3A_4 = arith.constant 0 : index
    %get3A_5 = arith.constant 0 : index
    %get3A_6 = vector.load %arg3[%get3A, %get3A_4, %get3A_5] : memref<1x512x3xf32, #tpu.memory_space<vmem>>, vector<1x512x3xf32>
    %get3A_7 = vector.shape_cast %get3A_6 : vector<1x512x3xf32> to vector<512x3xf32>
    %get3A_8 = arith.constant 0 : index
    %get3A_9 = arith.constant 0 : index
    %get3A_10 = vector.load %arg4[%get3A_8, %get3A_9] : memref<64x6xf32, #tpu.memory_space<vmem>>, vector<64x6xf32>
    %convert_element_type3A_11 = arith.truncf %get3A_10 : vector<64x6xf32> to vector<64x6xbf16>
    %get3A_12 = arith.constant 0 : index
    %get3A_13 = arith.constant 0 : index
    %get3A_14 = arith.constant 0 : index
    %get3A_15 = arith.constant 0 : index
    %get3A_16 = vector.load %arg2[%get3A_12, %get3A_13, %get3A_14, %get3A_15] : memref<1x512x20x128xf32, #tpu.memory_space<vmem>>, vector<1x512x1x3xf32>
    %get3A_17 = vector.shape_cast %get3A_16 : vector<1x512x1x3xf32> to vector<512x3xf32>
    %sub3A = arith.subf %get3A_17, %get3A_7 : vector<512x3xf32>
    %concatenate3A = tpu.concatenate %sub3A, %get3A_7 in 1 : vector<512x3xf32>, vector<512x3xf32> -> vector<512x6xf32>
    %convert_element_type3A_18 = arith.truncf %concatenate3A : vector<512x6xf32> to vector<512x6xbf16>
    %dot_general3A = arith.constant dense<0.000000e+00> : vector<512x64xf32>
    %dot_general3A_19 = tpu.matmul %convert_element_type3A_18, %convert_element_type3A_11, %dot_general3A {dimension_numbers = #tpu.dot_dimension_numbers<[1], [1], [0], [0], [0, 0, 1, 0], [], []>, transpose_lhs_hint = false} : vector<512x6xbf16>, vector<64x6xbf16>, vector<512x64xf32> -> vector<512x64xf32>
    %reduce_sum3A = arith.constant dense<0.000000e+00> : vector<64xf32>
    %reduce_sum3A_20 = vector.multi_reduction <add>, %dot_general3A_19, %reduce_sum3A [0] : vector<512x64xf32> to vector<64xf32>
    %broadcast_in_dim3A = vector.shape_cast %reduce_sum3A_20 : vector<64xf32> to vector<1x64xf32>
    %mul3A = arith.mulf %dot_general3A_19, %dot_general3A_19 : vector<512x64xf32>
    %reduce_sum3A_21 = arith.constant dense<0.000000e+00> : vector<64xf32>
    %reduce_sum3A_22 = vector.multi_reduction <add>, %mul3A, %reduce_sum3A_21 [0] : vector<512x64xf32> to vector<64xf32>
    %broadcast_in_dim3A_23 = vector.shape_cast %reduce_sum3A_22 : vector<64xf32> to vector<1x64xf32>
    %get3A_24 = arith.constant 0 : index
    %get3A_25 = arith.constant 0 : index
    %get3A_26 = arith.constant 1 : index
    %get3A_27 = arith.constant 0 : index
    %get3A_28 = vector.load %arg2[%get3A_24, %get3A_25, %get3A_26, %get3A_27] : memref<1x512x20x128xf32, #tpu.memory_space<vmem>>, vector<1x512x1x3xf32>
    %get3A_29 = vector.shape_cast %get3A_28 : vector<1x512x1x3xf32> to vector<512x3xf32>
    %sub3A_30 = arith.subf %get3A_29, %get3A_7 : vector<512x3xf32>
    %concatenate3A_31 = tpu.concatenate %sub3A_30, %get3A_7 in 1 : vector<512x3xf32>, vector<512x3xf32> -> vector<512x6xf32>
    %convert_element_type3A_32 = arith.truncf %concatenate3A_31 : vector<512x6xf32> to vector<512x6xbf16>
    %dot_general3A_33 = arith.constant dense<0.000000e+00> : vector<512x64xf32>
    %dot_general3A_34 = tpu.matmul %convert_element_type3A_32, %convert_element_type3A_11, %dot_general3A_33 {dimension_numbers = #tpu.dot_dimension_numbers<[1], [1], [0], [0], [0, 0, 1, 0], [], []>, transpose_lhs_hint = false} : vector<512x6xbf16>, vector<64x6xbf16>, vector<512x64xf32> -> vector<512x64xf32>
    %max3A = arith.maximumf %dot_general3A_19, %dot_general3A_34 : vector<512x64xf32>
    %reduce_sum3A_35 = arith.constant dense<0.000000e+00> : vector<64xf32>
    %reduce_sum3A_36 = vector.multi_reduction <add>, %dot_general3A_34, %reduce_sum3A_35 [0] : vector<512x64xf32> to vector<64xf32>
    %broadcast_in_dim3A_37 = vector.shape_cast %reduce_sum3A_36 : vector<64xf32> to vector<1x64xf32>
    %mul3A_38 = arith.mulf %dot_general3A_34, %dot_general3A_34 : vector<512x64xf32>
    %reduce_sum3A_39 = arith.constant dense<0.000000e+00> : vector<64xf32>
    %reduce_sum3A_40 = vector.multi_reduction <add>, %mul3A_38, %reduce_sum3A_39 [0] : vector<512x64xf32> to vector<64xf32>
    %broadcast_in_dim3A_41 = vector.shape_cast %reduce_sum3A_40 : vector<64xf32> to vector<1x64xf32>
    %add3A = arith.addf %broadcast_in_dim3A, %broadcast_in_dim3A_37 : vector<1x64xf32>
    %add3A_42 = arith.addf %broadcast_in_dim3A_23, %broadcast_in_dim3A_41 : vector<1x64xf32>
    %get3A_43 = arith.constant 0 : index
    %get3A_44 = arith.constant 0 : index
    %get3A_45 = arith.constant 2 : index
    %get3A_46 = arith.constant 0 : index
    %get3A_47 = vector.load %arg2[%get3A_43, %get3A_44, %get3A_45, %get3A_46] : memref<1x512x20x128xf32, #tpu.memory_space<vmem>>, vector<1x512x1x3xf32>
    %get3A_48 = vector.shape_cast %get3A_47 : vector<1x512x1x3xf32> to vector<512x3xf32>
    %sub3A_49 = arith.subf %get3A_48, %get3A_7 : vector<512x3xf32>
    %concatenate3A_50 = tpu.concatenate %sub3A_49, %get3A_7 in 1 : vector<512x3xf32>, vector<512x3xf32> -> vector<512x6xf32>
    %convert_element_type3A_51 = arith.truncf %concatenate3A_50 : vector<512x6xf32> to vector<512x6xbf16>
    %dot_general3A_52 = arith.constant dense<0.000000e+00> : vector<512x64xf32>
    %dot_general3A_53 = tpu.matmul %convert_element_type3A_51, %convert_element_type3A_11, %dot_general3A_52 {dimension_numbers = #tpu.dot_dimension_numbers<[1], [1], [0], [0], [0, 0, 1, 0], [], []>, transpose_lhs_hint = false} : vector<512x6xbf16>, vector<64x6xbf16>, vector<512x64xf32> -> vector<512x64xf32>
    %max3A_54 = arith.maximumf %max3A, %dot_general3A_53 : vector<512x64xf32>
    %reduce_sum3A_55 = arith.constant dense<0.000000e+00> : vector<64xf32>
    %reduce_sum3A_56 = vector.multi_reduction <add>, %dot_general3A_53, %reduce_sum3A_55 [0] : vector<512x64xf32> to vector<64xf32>
    %broadcast_in_dim3A_57 = vector.shape_cast %reduce_sum3A_56 : vector<64xf32> to vector<1x64xf32>
    %mul3A_58 = arith.mulf %dot_general3A_53, %dot_general3A_53 : vector<512x64xf32>
    %reduce_sum3A_59 = arith.constant dense<0.000000e+00> : vector<64xf32>
    %reduce_sum3A_60 = vector.multi_reduction <add>, %mul3A_58, %reduce_sum3A_59 [0] : vector<512x64xf32> to vector<64xf32>
    %broadcast_in_dim3A_61 = vector.shape_cast %reduce_sum3A_60 : vector<64xf32> to vector<1x64xf32>
    %add3A_62 = arith.addf %add3A, %broadcast_in_dim3A_57 : vector<1x64xf32>
    %add3A_63 = arith.addf %add3A_42, %broadcast_in_dim3A_61 : vector<1x64xf32>
    %get3A_64 = arith.constant 0 : index
    %get3A_65 = arith.constant 0 : index
    %get3A_66 = arith.constant 3 : index
    %get3A_67 = arith.constant 0 : index
    %get3A_68 = vector.load %arg2[%get3A_64, %get3A_65, %get3A_66, %get3A_67] : memref<1x512x20x128xf32, #tpu.memory_space<vmem>>, vector<1x512x1x3xf32>
    %get3A_69 = vector.shape_cast %get3A_68 : vector<1x512x1x3xf32> to vector<512x3xf32>
    %sub3A_70 = arith.subf %get3A_69, %get3A_7 : vector<512x3xf32>
    %concatenate3A_71 = tpu.concatenate %sub3A_70, %get3A_7 in 1 : vector<512x3xf32>, vector<512x3xf32> -> vector<512x6xf32>
    %convert_element_type3A_72 = arith.truncf %concatenate3A_71 : vector<512x6xf32> to vector<512x6xbf16>
    %dot_general3A_73 = arith.constant dense<0.000000e+00> : vector<512x64xf32>
    %dot_general3A_74 = tpu.matmul %convert_element_type3A_72, %convert_element_type3A_11, %dot_general3A_73 {dimension_numbers = #tpu.dot_dimension_numbers<[1], [1], [0], [0], [0, 0, 1, 0], [], []>, transpose_lhs_hint = false} : vector<512x6xbf16>, vector<64x6xbf16>, vector<512x64xf32> -> vector<512x64xf32>
    %max3A_75 = arith.maximumf %max3A_54, %dot_general3A_74 : vector<512x64xf32>
    %reduce_sum3A_76 = arith.constant dense<0.000000e+00> : vector<64xf32>
    %reduce_sum3A_77 = vector.multi_reduction <add>, %dot_general3A_74, %reduce_sum3A_76 [0] : vector<512x64xf32> to vector<64xf32>
    %broadcast_in_dim3A_78 = vector.shape_cast %reduce_sum3A_77 : vector<64xf32> to vector<1x64xf32>
    %mul3A_79 = arith.mulf %dot_general3A_74, %dot_general3A_74 : vector<512x64xf32>
    %reduce_sum3A_80 = arith.constant dense<0.000000e+00> : vector<64xf32>
    %reduce_sum3A_81 = vector.multi_reduction <add>, %mul3A_79, %reduce_sum3A_80 [0] : vector<512x64xf32> to vector<64xf32>
    %broadcast_in_dim3A_82 = vector.shape_cast %reduce_sum3A_81 : vector<64xf32> to vector<1x64xf32>
    %add3A_83 = arith.addf %add3A_62, %broadcast_in_dim3A_78 : vector<1x64xf32>
    %add3A_84 = arith.addf %add3A_63, %broadcast_in_dim3A_82 : vector<1x64xf32>
    %get3A_85 = arith.constant 0 : index
    %get3A_86 = arith.constant 0 : index
    %get3A_87 = arith.constant 4 : index
    %get3A_88 = arith.constant 0 : index
    %get3A_89 = vector.load %arg2[%get3A_85, %get3A_86, %get3A_87, %get3A_88] : memref<1x512x20x128xf32, #tpu.memory_space<vmem>>, vector<1x512x1x3xf32>
    %get3A_90 = vector.shape_cast %get3A_89 : vector<1x512x1x3xf32> to vector<512x3xf32>
    %sub3A_91 = arith.subf %get3A_90, %get3A_7 : vector<512x3xf32>
    %concatenate3A_92 = tpu.concatenate %sub3A_91, %get3A_7 in 1 : vector<512x3xf32>, vector<512x3xf32> -> vector<512x6xf32>
    %convert_element_type3A_93 = arith.truncf %concatenate3A_92 : vector<512x6xf32> to vector<512x6xbf16>
    %dot_general3A_94 = arith.constant dense<0.000000e+00> : vector<512x64xf32>
    %dot_general3A_95 = tpu.matmul %convert_element_type3A_93, %convert_element_type3A_11, %dot_general3A_94 {dimension_numbers = #tpu.dot_dimension_numbers<[1], [1], [0], [0], [0, 0, 1, 0], [], []>, transpose_lhs_hint = false} : vector<512x6xbf16>, vector<64x6xbf16>, vector<512x64xf32> -> vector<512x64xf32>
    %max3A_96 = arith.maximumf %max3A_75, %dot_general3A_95 : vector<512x64xf32>
    %reduce_sum3A_97 = arith.constant dense<0.000000e+00> : vector<64xf32>
    %reduce_sum3A_98 = vector.multi_reduction <add>, %dot_general3A_95, %reduce_sum3A_97 [0] : vector<512x64xf32> to vector<64xf32>
    %broadcast_in_dim3A_99 = vector.shape_cast %reduce_sum3A_98 : vector<64xf32> to vector<1x64xf32>
    %mul3A_100 = arith.mulf %dot_general3A_95, %dot_general3A_95 : vector<512x64xf32>
    %reduce_sum3A_101 = arith.constant dense<0.000000e+00> : vector<64xf32>
    %reduce_sum3A_102 = vector.multi_reduction <add>, %mul3A_100, %reduce_sum3A_101 [0] : vector<512x64xf32> to vector<64xf32>
    %broadcast_in_dim3A_103 = vector.shape_cast %reduce_sum3A_102 : vector<64xf32> to vector<1x64xf32>
    %add3A_104 = arith.addf %add3A_83, %broadcast_in_dim3A_99 : vector<1x64xf32>
    %add3A_105 = arith.addf %add3A_84, %broadcast_in_dim3A_103 : vector<1x64xf32>
    %get3A_106 = arith.constant 0 : index
    %get3A_107 = arith.constant 0 : index
    %get3A_108 = arith.constant 5 : index
    %get3A_109 = arith.constant 0 : index
    %get3A_110 = vector.load %arg2[%get3A_106, %get3A_107, %get3A_108, %get3A_109] : memref<1x512x20x128xf32, #tpu.memory_space<vmem>>, vector<1x512x1x3xf32>
    %get3A_111 = vector.shape_cast %get3A_110 : vector<1x512x1x3xf32> to vector<512x3xf32>
    %sub3A_112 = arith.subf %get3A_111, %get3A_7 : vector<512x3xf32>
    %concatenate3A_113 = tpu.concatenate %sub3A_112, %get3A_7 in 1 : vector<512x3xf32>, vector<512x3xf32> -> vector<512x6xf32>
    %convert_element_type3A_114 = arith.truncf %concatenate3A_113 : vector<512x6xf32> to vector<512x6xbf16>
    %dot_general3A_115 = arith.constant dense<0.000000e+00> : vector<512x64xf32>
    %dot_general3A_116 = tpu.matmul %convert_element_type3A_114, %convert_element_type3A_11, %dot_general3A_115 {dimension_numbers = #tpu.dot_dimension_numbers<[1], [1], [0], [0], [0, 0, 1, 0], [], []>, transpose_lhs_hint = false} : vector<512x6xbf16>, vector<64x6xbf16>, vector<512x64xf32> -> vector<512x64xf32>
    %max3A_117 = arith.maximumf %max3A_96, %dot_general3A_116 : vector<512x64xf32>
    %reduce_sum3A_118 = arith.constant dense<0.000000e+00> : vector<64xf32>
    %reduce_sum3A_119 = vector.multi_reduction <add>, %dot_general3A_116, %reduce_sum3A_118 [0] : vector<512x64xf32> to vector<64xf32>
    %broadcast_in_dim3A_120 = vector.shape_cast %reduce_sum3A_119 : vector<64xf32> to vector<1x64xf32>
    %mul3A_121 = arith.mulf %dot_general3A_116, %dot_general3A_116 : vector<512x64xf32>
    %reduce_sum3A_122 = arith.constant dense<0.000000e+00> : vector<64xf32>
    %reduce_sum3A_123 = vector.multi_reduction <add>, %mul3A_121, %reduce_sum3A_122 [0] : vector<512x64xf32> to vector<64xf32>
    %broadcast_in_dim3A_124 = vector.shape_cast %reduce_sum3A_123 : vector<64xf32> to vector<1x64xf32>
    %add3A_125 = arith.addf %add3A_104, %broadcast_in_dim3A_120 : vector<1x64xf32>
    %add3A_126 = arith.addf %add3A_105, %broadcast_in_dim3A_124 : vector<1x64xf32>
    %get3A_127 = arith.constant 0 : index
    %get3A_128 = arith.constant 0 : index
    %get3A_129 = arith.constant 6 : index
    %get3A_130 = arith.constant 0 : index
    %get3A_131 = vector.load %arg2[%get3A_127, %get3A_128, %get3A_129, %get3A_130] : memref<1x512x20x128xf32, #tpu.memory_space<vmem>>, vector<1x512x1x3xf32>
    %get3A_132 = vector.shape_cast %get3A_131 : vector<1x512x1x3xf32> to vector<512x3xf32>
    %sub3A_133 = arith.subf %get3A_132, %get3A_7 : vector<512x3xf32>
    %concatenate3A_134 = tpu.concatenate %sub3A_133, %get3A_7 in 1 : vector<512x3xf32>, vector<512x3xf32> -> vector<512x6xf32>
    %convert_element_type3A_135 = arith.truncf %concatenate3A_134 : vector<512x6xf32> to vector<512x6xbf16>
    %dot_general3A_136 = arith.constant dense<0.000000e+00> : vector<512x64xf32>
    %dot_general3A_137 = tpu.matmul %convert_element_type3A_135, %convert_element_type3A_11, %dot_general3A_136 {dimension_numbers = #tpu.dot_dimension_numbers<[1], [1], [0], [0], [0, 0, 1, 0], [], []>, transpose_lhs_hint = false} : vector<512x6xbf16>, vector<64x6xbf16>, vector<512x64xf32> -> vector<512x64xf32>
    %max3A_138 = arith.maximumf %max3A_117, %dot_general3A_137 : vector<512x64xf32>
    %reduce_sum3A_139 = arith.constant dense<0.000000e+00> : vector<64xf32>
    %reduce_sum3A_140 = vector.multi_reduction <add>, %dot_general3A_137, %reduce_sum3A_139 [0] : vector<512x64xf32> to vector<64xf32>
    %broadcast_in_dim3A_141 = vector.shape_cast %reduce_sum3A_140 : vector<64xf32> to vector<1x64xf32>
    %mul3A_142 = arith.mulf %dot_general3A_137, %dot_general3A_137 : vector<512x64xf32>
    %reduce_sum3A_143 = arith.constant dense<0.000000e+00> : vector<64xf32>
    %reduce_sum3A_144 = vector.multi_reduction <add>, %mul3A_142, %reduce_sum3A_143 [0] : vector<512x64xf32> to vector<64xf32>
    %broadcast_in_dim3A_145 = vector.shape_cast %reduce_sum3A_144 : vector<64xf32> to vector<1x64xf32>
    %add3A_146 = arith.addf %add3A_125, %broadcast_in_dim3A_141 : vector<1x64xf32>
    %add3A_147 = arith.addf %add3A_126, %broadcast_in_dim3A_145 : vector<1x64xf32>
    %get3A_148 = arith.constant 0 : index
    %get3A_149 = arith.constant 0 : index
    %get3A_150 = arith.constant 7 : index
    %get3A_151 = arith.constant 0 : index
    %get3A_152 = vector.load %arg2[%get3A_148, %get3A_149, %get3A_150, %get3A_151] : memref<1x512x20x128xf32, #tpu.memory_space<vmem>>, vector<1x512x1x3xf32>
    %get3A_153 = vector.shape_cast %get3A_152 : vector<1x512x1x3xf32> to vector<512x3xf32>
    %sub3A_154 = arith.subf %get3A_153, %get3A_7 : vector<512x3xf32>
    %concatenate3A_155 = tpu.concatenate %sub3A_154, %get3A_7 in 1 : vector<512x3xf32>, vector<512x3xf32> -> vector<512x6xf32>
    %convert_element_type3A_156 = arith.truncf %concatenate3A_155 : vector<512x6xf32> to vector<512x6xbf16>
    %dot_general3A_157 = arith.constant dense<0.000000e+00> : vector<512x64xf32>
    %dot_general3A_158 = tpu.matmul %convert_element_type3A_156, %convert_element_type3A_11, %dot_general3A_157 {dimension_numbers = #tpu.dot_dimension_numbers<[1], [1], [0], [0], [0, 0, 1, 0], [], []>, transpose_lhs_hint = false} : vector<512x6xbf16>, vector<64x6xbf16>, vector<512x64xf32> -> vector<512x64xf32>
    %max3A_159 = arith.maximumf %max3A_138, %dot_general3A_158 : vector<512x64xf32>
    %reduce_sum3A_160 = arith.constant dense<0.000000e+00> : vector<64xf32>
    %reduce_sum3A_161 = vector.multi_reduction <add>, %dot_general3A_158, %reduce_sum3A_160 [0] : vector<512x64xf32> to vector<64xf32>
    %broadcast_in_dim3A_162 = vector.shape_cast %reduce_sum3A_161 : vector<64xf32> to vector<1x64xf32>
    %mul3A_163 = arith.mulf %dot_general3A_158, %dot_general3A_158 : vector<512x64xf32>
    %reduce_sum3A_164 = arith.constant dense<0.000000e+00> : vector<64xf32>
    %reduce_sum3A_165 = vector.multi_reduction <add>, %mul3A_163, %reduce_sum3A_164 [0] : vector<512x64xf32> to vector<64xf32>
    %broadcast_in_dim3A_166 = vector.shape_cast %reduce_sum3A_165 : vector<64xf32> to vector<1x64xf32>
    %add3A_167 = arith.addf %add3A_146, %broadcast_in_dim3A_162 : vector<1x64xf32>
    %add3A_168 = arith.addf %add3A_147, %broadcast_in_dim3A_166 : vector<1x64xf32>
    %get3A_169 = arith.constant 0 : index
    %get3A_170 = arith.constant 0 : index
    %get3A_171 = arith.constant 8 : index
    %get3A_172 = arith.constant 0 : index
    %get3A_173 = vector.load %arg2[%get3A_169, %get3A_170, %get3A_171, %get3A_172] : memref<1x512x20x128xf32, #tpu.memory_space<vmem>>, vector<1x512x1x3xf32>
    %get3A_174 = vector.shape_cast %get3A_173 : vector<1x512x1x3xf32> to vector<512x3xf32>
    %sub3A_175 = arith.subf %get3A_174, %get3A_7 : vector<512x3xf32>
    %concatenate3A_176 = tpu.concatenate %sub3A_175, %get3A_7 in 1 : vector<512x3xf32>, vector<512x3xf32> -> vector<512x6xf32>
    %convert_element_type3A_177 = arith.truncf %concatenate3A_176 : vector<512x6xf32> to vector<512x6xbf16>
    %dot_general3A_178 = arith.constant dense<0.000000e+00> : vector<512x64xf32>
    %dot_general3A_179 = tpu.matmul %convert_element_type3A_177, %convert_element_type3A_11, %dot_general3A_178 {dimension_numbers = #tpu.dot_dimension_numbers<[1], [1], [0], [0], [0, 0, 1, 0], [], []>, transpose_lhs_hint = false} : vector<512x6xbf16>, vector<64x6xbf16>, vector<512x64xf32> -> vector<512x64xf32>
    %max3A_180 = arith.maximumf %max3A_159, %dot_general3A_179 : vector<512x64xf32>
    %reduce_sum3A_181 = arith.constant dense<0.000000e+00> : vector<64xf32>
    %reduce_sum3A_182 = vector.multi_reduction <add>, %dot_general3A_179, %reduce_sum3A_181 [0] : vector<512x64xf32> to vector<64xf32>
    %broadcast_in_dim3A_183 = vector.shape_cast %reduce_sum3A_182 : vector<64xf32> to vector<1x64xf32>
    %mul3A_184 = arith.mulf %dot_general3A_179, %dot_general3A_179 : vector<512x64xf32>
    %reduce_sum3A_185 = arith.constant dense<0.000000e+00> : vector<64xf32>
    %reduce_sum3A_186 = vector.multi_reduction <add>, %mul3A_184, %reduce_sum3A_185 [0] : vector<512x64xf32> to vector<64xf32>
    %broadcast_in_dim3A_187 = vector.shape_cast %reduce_sum3A_186 : vector<64xf32> to vector<1x64xf32>
    %add3A_188 = arith.addf %add3A_167, %broadcast_in_dim3A_183 : vector<1x64xf32>
    %add3A_189 = arith.addf %add3A_168, %broadcast_in_dim3A_187 : vector<1x64xf32>
    %get3A_190 = arith.constant 0 : index
    %get3A_191 = arith.constant 0 : index
    %get3A_192 = arith.constant 9 : index
    %get3A_193 = arith.constant 0 : index
    %get3A_194 = vector.load %arg2[%get3A_190, %get3A_191, %get3A_192, %get3A_193] : memref<1x512x20x128xf32, #tpu.memory_space<vmem>>, vector<1x512x1x3xf32>
    %get3A_195 = vector.shape_cast %get3A_194 : vector<1x512x1x3xf32> to vector<512x3xf32>
    %sub3A_196 = arith.subf %get3A_195, %get3A_7 : vector<512x3xf32>
    %concatenate3A_197 = tpu.concatenate %sub3A_196, %get3A_7 in 1 : vector<512x3xf32>, vector<512x3xf32> -> vector<512x6xf32>
    %convert_element_type3A_198 = arith.truncf %concatenate3A_197 : vector<512x6xf32> to vector<512x6xbf16>
    %dot_general3A_199 = arith.constant dense<0.000000e+00> : vector<512x64xf32>
    %dot_general3A_200 = tpu.matmul %convert_element_type3A_198, %convert_element_type3A_11, %dot_general3A_199 {dimension_numbers = #tpu.dot_dimension_numbers<[1], [1], [0], [0], [0, 0, 1, 0], [], []>, transpose_lhs_hint = false} : vector<512x6xbf16>, vector<64x6xbf16>, vector<512x64xf32> -> vector<512x64xf32>
    %max3A_201 = arith.maximumf %max3A_180, %dot_general3A_200 : vector<512x64xf32>
    %reduce_sum3A_202 = arith.constant dense<0.000000e+00> : vector<64xf32>
    %reduce_sum3A_203 = vector.multi_reduction <add>, %dot_general3A_200, %reduce_sum3A_202 [0] : vector<512x64xf32> to vector<64xf32>
    %broadcast_in_dim3A_204 = vector.shape_cast %reduce_sum3A_203 : vector<64xf32> to vector<1x64xf32>
    %mul3A_205 = arith.mulf %dot_general3A_200, %dot_general3A_200 : vector<512x64xf32>
    %reduce_sum3A_206 = arith.constant dense<0.000000e+00> : vector<64xf32>
    %reduce_sum3A_207 = vector.multi_reduction <add>, %mul3A_205, %reduce_sum3A_206 [0] : vector<512x64xf32> to vector<64xf32>
    %broadcast_in_dim3A_208 = vector.shape_cast %reduce_sum3A_207 : vector<64xf32> to vector<1x64xf32>
    %add3A_209 = arith.addf %add3A_188, %broadcast_in_dim3A_204 : vector<1x64xf32>
    %add3A_210 = arith.addf %add3A_189, %broadcast_in_dim3A_208 : vector<1x64xf32>
    %get3A_211 = arith.constant 0 : index
    %get3A_212 = arith.constant 0 : index
    %get3A_213 = arith.constant 10 : index
    %get3A_214 = arith.constant 0 : index
    %get3A_215 = vector.load %arg2[%get3A_211, %get3A_212, %get3A_213, %get3A_214] : memref<1x512x20x128xf32, #tpu.memory_space<vmem>>, vector<1x512x1x3xf32>
    %get3A_216 = vector.shape_cast %get3A_215 : vector<1x512x1x3xf32> to vector<512x3xf32>
    %sub3A_217 = arith.subf %get3A_216, %get3A_7 : vector<512x3xf32>
    %concatenate3A_218 = tpu.concatenate %sub3A_217, %get3A_7 in 1 : vector<512x3xf32>, vector<512x3xf32> -> vector<512x6xf32>
    %convert_element_type3A_219 = arith.truncf %concatenate3A_218 : vector<512x6xf32> to vector<512x6xbf16>
    %dot_general3A_220 = arith.constant dense<0.000000e+00> : vector<512x64xf32>
    %dot_general3A_221 = tpu.matmul %convert_element_type3A_219, %convert_element_type3A_11, %dot_general3A_220 {dimension_numbers = #tpu.dot_dimension_numbers<[1], [1], [0], [0], [0, 0, 1, 0], [], []>, transpose_lhs_hint = false} : vector<512x6xbf16>, vector<64x6xbf16>, vector<512x64xf32> -> vector<512x64xf32>
    %max3A_222 = arith.maximumf %max3A_201, %dot_general3A_221 : vector<512x64xf32>
    %reduce_sum3A_223 = arith.constant dense<0.000000e+00> : vector<64xf32>
    %reduce_sum3A_224 = vector.multi_reduction <add>, %dot_general3A_221, %reduce_sum3A_223 [0] : vector<512x64xf32> to vector<64xf32>
    %broadcast_in_dim3A_225 = vector.shape_cast %reduce_sum3A_224 : vector<64xf32> to vector<1x64xf32>
    %mul3A_226 = arith.mulf %dot_general3A_221, %dot_general3A_221 : vector<512x64xf32>
    %reduce_sum3A_227 = arith.constant dense<0.000000e+00> : vector<64xf32>
    %reduce_sum3A_228 = vector.multi_reduction <add>, %mul3A_226, %reduce_sum3A_227 [0] : vector<512x64xf32> to vector<64xf32>
    %broadcast_in_dim3A_229 = vector.shape_cast %reduce_sum3A_228 : vector<64xf32> to vector<1x64xf32>
    %add3A_230 = arith.addf %add3A_209, %broadcast_in_dim3A_225 : vector<1x64xf32>
    %add3A_231 = arith.addf %add3A_210, %broadcast_in_dim3A_229 : vector<1x64xf32>
    %get3A_232 = arith.constant 0 : index
    %get3A_233 = arith.constant 0 : index
    %get3A_234 = arith.constant 11 : index
    %get3A_235 = arith.constant 0 : index
    %get3A_236 = vector.load %arg2[%get3A_232, %get3A_233, %get3A_234, %get3A_235] : memref<1x512x20x128xf32, #tpu.memory_space<vmem>>, vector<1x512x1x3xf32>
    %get3A_237 = vector.shape_cast %get3A_236 : vector<1x512x1x3xf32> to vector<512x3xf32>
    %sub3A_238 = arith.subf %get3A_237, %get3A_7 : vector<512x3xf32>
    %concatenate3A_239 = tpu.concatenate %sub3A_238, %get3A_7 in 1 : vector<512x3xf32>, vector<512x3xf32> -> vector<512x6xf32>
    %convert_element_type3A_240 = arith.truncf %concatenate3A_239 : vector<512x6xf32> to vector<512x6xbf16>
    %dot_general3A_241 = arith.constant dense<0.000000e+00> : vector<512x64xf32>
    %dot_general3A_242 = tpu.matmul %convert_element_type3A_240, %convert_element_type3A_11, %dot_general3A_241 {dimension_numbers = #tpu.dot_dimension_numbers<[1], [1], [0], [0], [0, 0, 1, 0], [], []>, transpose_lhs_hint = false} : vector<512x6xbf16>, vector<64x6xbf16>, vector<512x64xf32> -> vector<512x64xf32>
    %max3A_243 = arith.maximumf %max3A_222, %dot_general3A_242 : vector<512x64xf32>
    %reduce_sum3A_244 = arith.constant dense<0.000000e+00> : vector<64xf32>
    %reduce_sum3A_245 = vector.multi_reduction <add>, %dot_general3A_242, %reduce_sum3A_244 [0] : vector<512x64xf32> to vector<64xf32>
    %broadcast_in_dim3A_246 = vector.shape_cast %reduce_sum3A_245 : vector<64xf32> to vector<1x64xf32>
    %mul3A_247 = arith.mulf %dot_general3A_242, %dot_general3A_242 : vector<512x64xf32>
    %reduce_sum3A_248 = arith.constant dense<0.000000e+00> : vector<64xf32>
    %reduce_sum3A_249 = vector.multi_reduction <add>, %mul3A_247, %reduce_sum3A_248 [0] : vector<512x64xf32> to vector<64xf32>
    %broadcast_in_dim3A_250 = vector.shape_cast %reduce_sum3A_249 : vector<64xf32> to vector<1x64xf32>
    %add3A_251 = arith.addf %add3A_230, %broadcast_in_dim3A_246 : vector<1x64xf32>
    %add3A_252 = arith.addf %add3A_231, %broadcast_in_dim3A_250 : vector<1x64xf32>
    %get3A_253 = arith.constant 0 : index
    %get3A_254 = arith.constant 0 : index
    %get3A_255 = arith.constant 12 : index
    %get3A_256 = arith.constant 0 : index
    %get3A_257 = vector.load %arg2[%get3A_253, %get3A_254, %get3A_255, %get3A_256] : memref<1x512x20x128xf32, #tpu.memory_space<vmem>>, vector<1x512x1x3xf32>
    %get3A_258 = vector.shape_cast %get3A_257 : vector<1x512x1x3xf32> to vector<512x3xf32>
    %sub3A_259 = arith.subf %get3A_258, %get3A_7 : vector<512x3xf32>
    %concatenate3A_260 = tpu.concatenate %sub3A_259, %get3A_7 in 1 : vector<512x3xf32>, vector<512x3xf32> -> vector<512x6xf32>
    %convert_element_type3A_261 = arith.truncf %concatenate3A_260 : vector<512x6xf32> to vector<512x6xbf16>
    %dot_general3A_262 = arith.constant dense<0.000000e+00> : vector<512x64xf32>
    %dot_general3A_263 = tpu.matmul %convert_element_type3A_261, %convert_element_type3A_11, %dot_general3A_262 {dimension_numbers = #tpu.dot_dimension_numbers<[1], [1], [0], [0], [0, 0, 1, 0], [], []>, transpose_lhs_hint = false} : vector<512x6xbf16>, vector<64x6xbf16>, vector<512x64xf32> -> vector<512x64xf32>
    %max3A_264 = arith.maximumf %max3A_243, %dot_general3A_263 : vector<512x64xf32>
    %reduce_sum3A_265 = arith.constant dense<0.000000e+00> : vector<64xf32>
    %reduce_sum3A_266 = vector.multi_reduction <add>, %dot_general3A_263, %reduce_sum3A_265 [0] : vector<512x64xf32> to vector<64xf32>
    %broadcast_in_dim3A_267 = vector.shape_cast %reduce_sum3A_266 : vector<64xf32> to vector<1x64xf32>
    %mul3A_268 = arith.mulf %dot_general3A_263, %dot_general3A_263 : vector<512x64xf32>
    %reduce_sum3A_269 = arith.constant dense<0.000000e+00> : vector<64xf32>
    %reduce_sum3A_270 = vector.multi_reduction <add>, %mul3A_268, %reduce_sum3A_269 [0] : vector<512x64xf32> to vector<64xf32>
    %broadcast_in_dim3A_271 = vector.shape_cast %reduce_sum3A_270 : vector<64xf32> to vector<1x64xf32>
    %add3A_272 = arith.addf %add3A_251, %broadcast_in_dim3A_267 : vector<1x64xf32>
    %add3A_273 = arith.addf %add3A_252, %broadcast_in_dim3A_271 : vector<1x64xf32>
    %get3A_274 = arith.constant 0 : index
    %get3A_275 = arith.constant 0 : index
    %get3A_276 = arith.constant 13 : index
    %get3A_277 = arith.constant 0 : index
    %get3A_278 = vector.load %arg2[%get3A_274, %get3A_275, %get3A_276, %get3A_277] : memref<1x512x20x128xf32, #tpu.memory_space<vmem>>, vector<1x512x1x3xf32>
    %get3A_279 = vector.shape_cast %get3A_278 : vector<1x512x1x3xf32> to vector<512x3xf32>
    %sub3A_280 = arith.subf %get3A_279, %get3A_7 : vector<512x3xf32>
    %concatenate3A_281 = tpu.concatenate %sub3A_280, %get3A_7 in 1 : vector<512x3xf32>, vector<512x3xf32> -> vector<512x6xf32>
    %convert_element_type3A_282 = arith.truncf %concatenate3A_281 : vector<512x6xf32> to vector<512x6xbf16>
    %dot_general3A_283 = arith.constant dense<0.000000e+00> : vector<512x64xf32>
    %dot_general3A_284 = tpu.matmul %convert_element_type3A_282, %convert_element_type3A_11, %dot_general3A_283 {dimension_numbers = #tpu.dot_dimension_numbers<[1], [1], [0], [0], [0, 0, 1, 0], [], []>, transpose_lhs_hint = false} : vector<512x6xbf16>, vector<64x6xbf16>, vector<512x64xf32> -> vector<512x64xf32>
    %max3A_285 = arith.maximumf %max3A_264, %dot_general3A_284 : vector<512x64xf32>
    %reduce_sum3A_286 = arith.constant dense<0.000000e+00> : vector<64xf32>
    %reduce_sum3A_287 = vector.multi_reduction <add>, %dot_general3A_284, %reduce_sum3A_286 [0] : vector<512x64xf32> to vector<64xf32>
    %broadcast_in_dim3A_288 = vector.shape_cast %reduce_sum3A_287 : vector<64xf32> to vector<1x64xf32>
    %mul3A_289 = arith.mulf %dot_general3A_284, %dot_general3A_284 : vector<512x64xf32>
    %reduce_sum3A_290 = arith.constant dense<0.000000e+00> : vector<64xf32>
    %reduce_sum3A_291 = vector.multi_reduction <add>, %mul3A_289, %reduce_sum3A_290 [0] : vector<512x64xf32> to vector<64xf32>
    %broadcast_in_dim3A_292 = vector.shape_cast %reduce_sum3A_291 : vector<64xf32> to vector<1x64xf32>
    %add3A_293 = arith.addf %add3A_272, %broadcast_in_dim3A_288 : vector<1x64xf32>
    %add3A_294 = arith.addf %add3A_273, %broadcast_in_dim3A_292 : vector<1x64xf32>
    %get3A_295 = arith.constant 0 : index
    %get3A_296 = arith.constant 0 : index
    %get3A_297 = arith.constant 14 : index
    %get3A_298 = arith.constant 0 : index
    %get3A_299 = vector.load %arg2[%get3A_295, %get3A_296, %get3A_297, %get3A_298] : memref<1x512x20x128xf32, #tpu.memory_space<vmem>>, vector<1x512x1x3xf32>
    %get3A_300 = vector.shape_cast %get3A_299 : vector<1x512x1x3xf32> to vector<512x3xf32>
    %sub3A_301 = arith.subf %get3A_300, %get3A_7 : vector<512x3xf32>
    %concatenate3A_302 = tpu.concatenate %sub3A_301, %get3A_7 in 1 : vector<512x3xf32>, vector<512x3xf32> -> vector<512x6xf32>
    %convert_element_type3A_303 = arith.truncf %concatenate3A_302 : vector<512x6xf32> to vector<512x6xbf16>
    %dot_general3A_304 = arith.constant dense<0.000000e+00> : vector<512x64xf32>
    %dot_general3A_305 = tpu.matmul %convert_element_type3A_303, %convert_element_type3A_11, %dot_general3A_304 {dimension_numbers = #tpu.dot_dimension_numbers<[1], [1], [0], [0], [0, 0, 1, 0], [], []>, transpose_lhs_hint = false} : vector<512x6xbf16>, vector<64x6xbf16>, vector<512x64xf32> -> vector<512x64xf32>
    %max3A_306 = arith.maximumf %max3A_285, %dot_general3A_305 : vector<512x64xf32>
    %reduce_sum3A_307 = arith.constant dense<0.000000e+00> : vector<64xf32>
    %reduce_sum3A_308 = vector.multi_reduction <add>, %dot_general3A_305, %reduce_sum3A_307 [0] : vector<512x64xf32> to vector<64xf32>
    %broadcast_in_dim3A_309 = vector.shape_cast %reduce_sum3A_308 : vector<64xf32> to vector<1x64xf32>
    %mul3A_310 = arith.mulf %dot_general3A_305, %dot_general3A_305 : vector<512x64xf32>
    %reduce_sum3A_311 = arith.constant dense<0.000000e+00> : vector<64xf32>
    %reduce_sum3A_312 = vector.multi_reduction <add>, %mul3A_310, %reduce_sum3A_311 [0] : vector<512x64xf32> to vector<64xf32>
    %broadcast_in_dim3A_313 = vector.shape_cast %reduce_sum3A_312 : vector<64xf32> to vector<1x64xf32>
    %add3A_314 = arith.addf %add3A_293, %broadcast_in_dim3A_309 : vector<1x64xf32>
    %add3A_315 = arith.addf %add3A_294, %broadcast_in_dim3A_313 : vector<1x64xf32>
    %get3A_316 = arith.constant 0 : index
    %get3A_317 = arith.constant 0 : index
    %get3A_318 = arith.constant 15 : index
    %get3A_319 = arith.constant 0 : index
    %get3A_320 = vector.load %arg2[%get3A_316, %get3A_317, %get3A_318, %get3A_319] : memref<1x512x20x128xf32, #tpu.memory_space<vmem>>, vector<1x512x1x3xf32>
    %get3A_321 = vector.shape_cast %get3A_320 : vector<1x512x1x3xf32> to vector<512x3xf32>
    %sub3A_322 = arith.subf %get3A_321, %get3A_7 : vector<512x3xf32>
    %concatenate3A_323 = tpu.concatenate %sub3A_322, %get3A_7 in 1 : vector<512x3xf32>, vector<512x3xf32> -> vector<512x6xf32>
    %convert_element_type3A_324 = arith.truncf %concatenate3A_323 : vector<512x6xf32> to vector<512x6xbf16>
    %dot_general3A_325 = arith.constant dense<0.000000e+00> : vector<512x64xf32>
    %dot_general3A_326 = tpu.matmul %convert_element_type3A_324, %convert_element_type3A_11, %dot_general3A_325 {dimension_numbers = #tpu.dot_dimension_numbers<[1], [1], [0], [0], [0, 0, 1, 0], [], []>, transpose_lhs_hint = false} : vector<512x6xbf16>, vector<64x6xbf16>, vector<512x64xf32> -> vector<512x64xf32>
    %max3A_327 = arith.maximumf %max3A_306, %dot_general3A_326 : vector<512x64xf32>
    %reduce_sum3A_328 = arith.constant dense<0.000000e+00> : vector<64xf32>
    %reduce_sum3A_329 = vector.multi_reduction <add>, %dot_general3A_326, %reduce_sum3A_328 [0] : vector<512x64xf32> to vector<64xf32>
    %broadcast_in_dim3A_330 = vector.shape_cast %reduce_sum3A_329 : vector<64xf32> to vector<1x64xf32>
    %mul3A_331 = arith.mulf %dot_general3A_326, %dot_general3A_326 : vector<512x64xf32>
    %reduce_sum3A_332 = arith.constant dense<0.000000e+00> : vector<64xf32>
    %reduce_sum3A_333 = vector.multi_reduction <add>, %mul3A_331, %reduce_sum3A_332 [0] : vector<512x64xf32> to vector<64xf32>
    %broadcast_in_dim3A_334 = vector.shape_cast %reduce_sum3A_333 : vector<64xf32> to vector<1x64xf32>
    %add3A_335 = arith.addf %add3A_314, %broadcast_in_dim3A_330 : vector<1x64xf32>
    %add3A_336 = arith.addf %add3A_315, %broadcast_in_dim3A_334 : vector<1x64xf32>
    %get3A_337 = arith.constant 0 : index
    %get3A_338 = arith.constant 0 : index
    %get3A_339 = arith.constant 16 : index
    %get3A_340 = arith.constant 0 : index
    %get3A_341 = vector.load %arg2[%get3A_337, %get3A_338, %get3A_339, %get3A_340] : memref<1x512x20x128xf32, #tpu.memory_space<vmem>>, vector<1x512x1x3xf32>
    %get3A_342 = vector.shape_cast %get3A_341 : vector<1x512x1x3xf32> to vector<512x3xf32>
    %sub3A_343 = arith.subf %get3A_342, %get3A_7 : vector<512x3xf32>
    %concatenate3A_344 = tpu.concatenate %sub3A_343, %get3A_7 in 1 : vector<512x3xf32>, vector<512x3xf32> -> vector<512x6xf32>
    %convert_element_type3A_345 = arith.truncf %concatenate3A_344 : vector<512x6xf32> to vector<512x6xbf16>
    %dot_general3A_346 = arith.constant dense<0.000000e+00> : vector<512x64xf32>
    %dot_general3A_347 = tpu.matmul %convert_element_type3A_345, %convert_element_type3A_11, %dot_general3A_346 {dimension_numbers = #tpu.dot_dimension_numbers<[1], [1], [0], [0], [0, 0, 1, 0], [], []>, transpose_lhs_hint = false} : vector<512x6xbf16>, vector<64x6xbf16>, vector<512x64xf32> -> vector<512x64xf32>
    %max3A_348 = arith.maximumf %max3A_327, %dot_general3A_347 : vector<512x64xf32>
    %reduce_sum3A_349 = arith.constant dense<0.000000e+00> : vector<64xf32>
    %reduce_sum3A_350 = vector.multi_reduction <add>, %dot_general3A_347, %reduce_sum3A_349 [0] : vector<512x64xf32> to vector<64xf32>
    %broadcast_in_dim3A_351 = vector.shape_cast %reduce_sum3A_350 : vector<64xf32> to vector<1x64xf32>
    %mul3A_352 = arith.mulf %dot_general3A_347, %dot_general3A_347 : vector<512x64xf32>
    %reduce_sum3A_353 = arith.constant dense<0.000000e+00> : vector<64xf32>
    %reduce_sum3A_354 = vector.multi_reduction <add>, %mul3A_352, %reduce_sum3A_353 [0] : vector<512x64xf32> to vector<64xf32>
    %broadcast_in_dim3A_355 = vector.shape_cast %reduce_sum3A_354 : vector<64xf32> to vector<1x64xf32>
    %add3A_356 = arith.addf %add3A_335, %broadcast_in_dim3A_351 : vector<1x64xf32>
    %add3A_357 = arith.addf %add3A_336, %broadcast_in_dim3A_355 : vector<1x64xf32>
    %get3A_358 = arith.constant 0 : index
    %get3A_359 = arith.constant 0 : index
    %get3A_360 = arith.constant 17 : index
    %get3A_361 = arith.constant 0 : index
    %get3A_362 = vector.load %arg2[%get3A_358, %get3A_359, %get3A_360, %get3A_361] : memref<1x512x20x128xf32, #tpu.memory_space<vmem>>, vector<1x512x1x3xf32>
    %get3A_363 = vector.shape_cast %get3A_362 : vector<1x512x1x3xf32> to vector<512x3xf32>
    %sub3A_364 = arith.subf %get3A_363, %get3A_7 : vector<512x3xf32>
    %concatenate3A_365 = tpu.concatenate %sub3A_364, %get3A_7 in 1 : vector<512x3xf32>, vector<512x3xf32> -> vector<512x6xf32>
    %convert_element_type3A_366 = arith.truncf %concatenate3A_365 : vector<512x6xf32> to vector<512x6xbf16>
    %dot_general3A_367 = arith.constant dense<0.000000e+00> : vector<512x64xf32>
    %dot_general3A_368 = tpu.matmul %convert_element_type3A_366, %convert_element_type3A_11, %dot_general3A_367 {dimension_numbers = #tpu.dot_dimension_numbers<[1], [1], [0], [0], [0, 0, 1, 0], [], []>, transpose_lhs_hint = false} : vector<512x6xbf16>, vector<64x6xbf16>, vector<512x64xf32> -> vector<512x64xf32>
    %max3A_369 = arith.maximumf %max3A_348, %dot_general3A_368 : vector<512x64xf32>
    %reduce_sum3A_370 = arith.constant dense<0.000000e+00> : vector<64xf32>
    %reduce_sum3A_371 = vector.multi_reduction <add>, %dot_general3A_368, %reduce_sum3A_370 [0] : vector<512x64xf32> to vector<64xf32>
    %broadcast_in_dim3A_372 = vector.shape_cast %reduce_sum3A_371 : vector<64xf32> to vector<1x64xf32>
    %mul3A_373 = arith.mulf %dot_general3A_368, %dot_general3A_368 : vector<512x64xf32>
    %reduce_sum3A_374 = arith.constant dense<0.000000e+00> : vector<64xf32>
    %reduce_sum3A_375 = vector.multi_reduction <add>, %mul3A_373, %reduce_sum3A_374 [0] : vector<512x64xf32> to vector<64xf32>
    %broadcast_in_dim3A_376 = vector.shape_cast %reduce_sum3A_375 : vector<64xf32> to vector<1x64xf32>
    %add3A_377 = arith.addf %add3A_356, %broadcast_in_dim3A_372 : vector<1x64xf32>
    %add3A_378 = arith.addf %add3A_357, %broadcast_in_dim3A_376 : vector<1x64xf32>
    %get3A_379 = arith.constant 0 : index
    %get3A_380 = arith.constant 0 : index
    %get3A_381 = arith.constant 18 : index
    %get3A_382 = arith.constant 0 : index
    %get3A_383 = vector.load %arg2[%get3A_379, %get3A_380, %get3A_381, %get3A_382] : memref<1x512x20x128xf32, #tpu.memory_space<vmem>>, vector<1x512x1x3xf32>
    %get3A_384 = vector.shape_cast %get3A_383 : vector<1x512x1x3xf32> to vector<512x3xf32>
    %sub3A_385 = arith.subf %get3A_384, %get3A_7 : vector<512x3xf32>
    %concatenate3A_386 = tpu.concatenate %sub3A_385, %get3A_7 in 1 : vector<512x3xf32>, vector<512x3xf32> -> vector<512x6xf32>
    %convert_element_type3A_387 = arith.truncf %concatenate3A_386 : vector<512x6xf32> to vector<512x6xbf16>
    %dot_general3A_388 = arith.constant dense<0.000000e+00> : vector<512x64xf32>
    %dot_general3A_389 = tpu.matmul %convert_element_type3A_387, %convert_element_type3A_11, %dot_general3A_388 {dimension_numbers = #tpu.dot_dimension_numbers<[1], [1], [0], [0], [0, 0, 1, 0], [], []>, transpose_lhs_hint = false} : vector<512x6xbf16>, vector<64x6xbf16>, vector<512x64xf32> -> vector<512x64xf32>
    %max3A_390 = arith.maximumf %max3A_369, %dot_general3A_389 : vector<512x64xf32>
    %reduce_sum3A_391 = arith.constant dense<0.000000e+00> : vector<64xf32>
    %reduce_sum3A_392 = vector.multi_reduction <add>, %dot_general3A_389, %reduce_sum3A_391 [0] : vector<512x64xf32> to vector<64xf32>
    %broadcast_in_dim3A_393 = vector.shape_cast %reduce_sum3A_392 : vector<64xf32> to vector<1x64xf32>
    %mul3A_394 = arith.mulf %dot_general3A_389, %dot_general3A_389 : vector<512x64xf32>
    %reduce_sum3A_395 = arith.constant dense<0.000000e+00> : vector<64xf32>
    %reduce_sum3A_396 = vector.multi_reduction <add>, %mul3A_394, %reduce_sum3A_395 [0] : vector<512x64xf32> to vector<64xf32>
    %broadcast_in_dim3A_397 = vector.shape_cast %reduce_sum3A_396 : vector<64xf32> to vector<1x64xf32>
    %add3A_398 = arith.addf %add3A_377, %broadcast_in_dim3A_393 : vector<1x64xf32>
    %add3A_399 = arith.addf %add3A_378, %broadcast_in_dim3A_397 : vector<1x64xf32>
    %get3A_400 = arith.constant 0 : index
    %get3A_401 = arith.constant 0 : index
    %get3A_402 = arith.constant 19 : index
    %get3A_403 = arith.constant 0 : index
    %get3A_404 = vector.load %arg2[%get3A_400, %get3A_401, %get3A_402, %get3A_403] : memref<1x512x20x128xf32, #tpu.memory_space<vmem>>, vector<1x512x1x3xf32>
    %get3A_405 = vector.shape_cast %get3A_404 : vector<1x512x1x3xf32> to vector<512x3xf32>
    %sub3A_406 = arith.subf %get3A_405, %get3A_7 : vector<512x3xf32>
    %concatenate3A_407 = tpu.concatenate %sub3A_406, %get3A_7 in 1 : vector<512x3xf32>, vector<512x3xf32> -> vector<512x6xf32>
    %convert_element_type3A_408 = arith.truncf %concatenate3A_407 : vector<512x6xf32> to vector<512x6xbf16>
    %dot_general3A_409 = arith.constant dense<0.000000e+00> : vector<512x64xf32>
    %dot_general3A_410 = tpu.matmul %convert_element_type3A_408, %convert_element_type3A_11, %dot_general3A_409 {dimension_numbers = #tpu.dot_dimension_numbers<[1], [1], [0], [0], [0, 0, 1, 0], [], []>, transpose_lhs_hint = false} : vector<512x6xbf16>, vector<64x6xbf16>, vector<512x64xf32> -> vector<512x64xf32>
    %max3A_411 = arith.maximumf %max3A_390, %dot_general3A_410 : vector<512x64xf32>
    %reduce_sum3A_412 = arith.constant dense<0.000000e+00> : vector<64xf32>
    %reduce_sum3A_413 = vector.multi_reduction <add>, %dot_general3A_410, %reduce_sum3A_412 [0] : vector<512x64xf32> to vector<64xf32>
    %broadcast_in_dim3A_414 = vector.shape_cast %reduce_sum3A_413 : vector<64xf32> to vector<1x64xf32>
    %mul3A_415 = arith.mulf %dot_general3A_410, %dot_general3A_410 : vector<512x64xf32>
    %reduce_sum3A_416 = arith.constant dense<0.000000e+00> : vector<64xf32>
    %reduce_sum3A_417 = vector.multi_reduction <add>, %mul3A_415, %reduce_sum3A_416 [0] : vector<512x64xf32> to vector<64xf32>
    %broadcast_in_dim3A_418 = vector.shape_cast %reduce_sum3A_417 : vector<64xf32> to vector<1x64xf32>
    %add3A_419 = arith.addf %add3A_398, %broadcast_in_dim3A_414 : vector<1x64xf32>
    %add3A_420 = arith.addf %add3A_399, %broadcast_in_dim3A_418 : vector<1x64xf32>
    %swap3A = arith.constant 0 : index
    %swap3A_421 = arith.constant 0 : index
    %swap3A_422 = arith.constant 0 : index
    %swap3A_423 = vector.load %arg5[%swap3A, %swap3A_421, %swap3A_422] : memref<1x512x64xf32, #tpu.memory_space<vmem>>, vector<1x512x64xf32>
    %swap3A_424 = vector.shape_cast %swap3A_423 : vector<1x512x64xf32> to vector<512x64xf32>
    %swap3A_425 = vector.shape_cast %max3A_411 : vector<512x64xf32> to vector<1x512x64xf32>
    tpu.vector_store %arg5[%swap3A, %swap3A_421, %swap3A_422], %swap3A_425 {strides = array<i32>} : memref<1x512x64xf32, #tpu.memory_space<vmem>>, vector<1x512x64xf32>,
    %get3A_426 = arith.constant 0 : index
    %get3A_427 = arith.constant 0 : index
    %get3A_428 = vector.load %arg7[%get3A_426, %get3A_427] : memref<1x64xf32, #tpu.memory_space<vmem>>, vector<1x64xf32>
    %add3A_429 = arith.addf %get3A_428, %add3A_419 : vector<1x64xf32>
    %swap3A_430 = arith.constant 0 : index
    %swap3A_431 = arith.constant 0 : index
    %swap3A_432 = vector.load %arg7[%swap3A_430, %swap3A_431] : memref<1x64xf32, #tpu.memory_space<vmem>>, vector<1x64xf32>
    tpu.vector_store %arg7[%swap3A_430, %swap3A_431], %add3A_429 {strides = array<i32>} : memref<1x64xf32, #tpu.memory_space<vmem>>, vector<1x64xf32>,
    %get3A_433 = arith.constant 0 : index
    %get3A_434 = arith.constant 0 : index
    %get3A_435 = vector.load %arg8[%get3A_433, %get3A_434] : memref<1x64xf32, #tpu.memory_space<vmem>>, vector<1x64xf32>
    %add3A_436 = arith.addf %get3A_435, %add3A_420 : vector<1x64xf32>
    %swap3A_437 = arith.constant 0 : index
    %swap3A_438 = arith.constant 0 : index
    %swap3A_439 = vector.load %arg8[%swap3A_437, %swap3A_438] : memref<1x64xf32, #tpu.memory_space<vmem>>, vector<1x64xf32>
    tpu.vector_store %arg8[%swap3A_437, %swap3A_438], %add3A_436 {strides = array<i32>} : memref<1x64xf32, #tpu.memory_space<vmem>>, vector<1x64xf32>,
    %eq3A_440 = arith.constant 1 : i32
    %eq3A_441 = arith.cmpi eq, %arg0, %eq3A_440 : i32
    %eq3A_442 = arith.constant 3 : i32
    %eq3A_443 = arith.cmpi eq, %arg1, %eq3A_442 : i32
    %and3A_444 = arith.andi %eq3A_441, %eq3A_443 : i1
    %convert_element_type3A_445 = arith.extui %and3A_444 : i1 to i32
    %cond3A_446 = arith.constant 0 : i32
    %cond3A_447 = arith.cmpi ne, %convert_element_type3A_445, %cond3A_446 : i32
    scf.if %cond3A_447 {
      %get3A_448 = arith.constant 0 : index
      %get3A_449 = arith.constant 0 : index
      %get3A_450 = vector.load %arg7[%get3A_448, %get3A_449] : memref<1x64xf32, #tpu.memory_space<vmem>>, vector<1x64xf32>
      %swap3A_451 = arith.constant 0 : index
      %swap3A_452 = arith.constant 0 : index
      %swap3A_453 = vector.load %arg6[%swap3A_451, %swap3A_452] : memref<2x64xf32, #tpu.memory_space<vmem>>, vector<1x64xf32>
      tpu.vector_store %arg6[%swap3A_451, %swap3A_452], %get3A_450 {strides = array<i32>} : memref<2x64xf32, #tpu.memory_space<vmem>>, vector<1x64xf32>,
      %get3A_454 = arith.constant 0 : index
      %get3A_455 = arith.constant 0 : index
      %get3A_456 = vector.load %arg8[%get3A_454, %get3A_455] : memref<1x64xf32, #tpu.memory_space<vmem>>, vector<1x64xf32>
      %swap3A_457 = arith.constant 1 : index
      %swap3A_458 = arith.constant 0 : index
      %swap3A_459 = vector.load %arg6[%swap3A_457, %swap3A_458] : memref<2x64xf32, #tpu.memory_space<vmem>>, vector<1x64xf32>
      tpu.vector_store %arg6[%swap3A_457, %swap3A_458], %get3A_456 {strides = array<i32>} : memref<2x64xf32, #tpu.memory_space<vmem>>, vector<1x64xf32>,
    } else {
    }
    return
  }
  func.func @transform_0(%arg0: i32, %arg1: i32) -> (i32, i32, i32, i32) {
    %c0_i32 = arith.constant 0 : i32
    %c0_i32_0 = arith.constant 0 : i32
    %c0_i32_1 = arith.constant 0 : i32
    return %arg0, %arg1, %c0_i32, %c0_i32_0 : i32, i32, i32, i32
  }
  func.func @transform_1(%arg0: i32, %arg1: i32) -> (i32, i32, i32) {
    %c0_i32 = arith.constant 0 : i32
    %c0_i32_0 = arith.constant 0 : i32
    return %arg0, %arg1, %c0_i32 : i32, i32, i32
  }
  func.func @transform_2(%arg0: i32, %arg1: i32) -> (i32, i32) {
    %c0_i32 = arith.constant 0 : i32
    %c0_i32_0 = arith.constant 0 : i32
    %c0_i32_1 = arith.constant 0 : i32
    return %c0_i32, %c0_i32_0 : i32, i32
  }
  func.func @transform_3(%arg0: i32, %arg1: i32) -> (i32, i32, i32) {
    %c0_i32 = arith.constant 0 : i32
    %c0_i32_0 = arith.constant 0 : i32
    return %arg0, %arg1, %c0_i32 : i32, i32, i32
  }
  func.func @transform_4(%arg0: i32, %arg1: i32) -> (i32, i32) {
    %c0_i32 = arith.constant 0 : i32
    %c0_i32_0 = arith.constant 0 : i32
    %c0_i32_1 = arith.constant 0 : i32
    return %c0_i32, %c0_i32_0 : i32, i32
  }
}

module attributes {stable_mosaic.version = 14 : i64} {
  func.func @_fin_body(%arg0: i32, %arg1: i32, %arg2: memref<1x512x64xf32, #tpu.memory_space<vmem>>, %arg3: memref<2x64xf32, #tpu.memory_space<vmem>>, %arg4: memref<1x64xf32, #tpu.memory_space<vmem>>, %arg5: memref<1x64xf32, #tpu.memory_space<vmem>>, %arg6: memref<1xf32, #tpu.memory_space<smem>>, %arg7: memref<1x512x64xf32, #tpu.memory_space<vmem>>) attributes {dimension_semantics = [#tpu.dimension_semantics<arbitrary>, #tpu.dimension_semantics<arbitrary>], iteration_bounds = array<i64: 2, 4>, scalar_prefetch = 0 : i64, scratch_operands = 0 : i64, tpu.core_type = #tpu.core_type<tc>, window_params = [{transform_indices = @transform_0, window_bounds = array<i64: 1, 512, 64>}, {pipeline_mode = #tpu.pipeline_mode<synchronous>, transform_indices = @transform_1, window_bounds = array<i64: 2, 64>}, {pipeline_mode = #tpu.pipeline_mode<synchronous>, transform_indices = @transform_2, window_bounds = array<i64: 1, 64>}, {pipeline_mode = #tpu.pipeline_mode<synchronous>, transform_indices = @transform_3, window_bounds = array<i64: 1, 64>}, {transform_indices = @transform_4, window_bounds = array<i64: 1>}, {transform_indices = @transform_5, window_bounds = array<i64: 1, 512, 64>}]} {
    %get3A = arith.constant 0 : index
    %get3A_0 = memref.load %arg6[%get3A] : memref<1xf32, #tpu.memory_space<smem>>
    %get3A_1 = arith.constant 0 : index
    %get3A_2 = arith.constant 0 : index
    %get3A_3 = vector.load %arg3[%get3A_1, %get3A_2] : memref<2x64xf32, #tpu.memory_space<vmem>>, vector<1x64xf32>
    %div3A = vector.broadcast %get3A_0 : f32 to vector<1x64xf32>
    %div3A_4 = arith.divf %get3A_3, %div3A : vector<1x64xf32>
    %get3A_5 = arith.constant 1 : index
    %get3A_6 = arith.constant 0 : index
    %get3A_7 = vector.load %arg3[%get3A_5, %get3A_6] : memref<2x64xf32, #tpu.memory_space<vmem>>, vector<1x64xf32>
    %div3A_8 = vector.broadcast %get3A_0 : f32 to vector<1x64xf32>
    %div3A_9 = arith.divf %get3A_7, %div3A_8 : vector<1x64xf32>
    %mul3A = arith.mulf %div3A_4, %div3A_4 : vector<1x64xf32>
    %sub3A = arith.subf %div3A_9, %mul3A : vector<1x64xf32>
    %add3A = arith.constant 9.99999974E-6 : f32
    %add3A_10 = vector.broadcast %add3A : f32 to vector<1x64xf32>
    %add3A_11 = arith.addf %sub3A, %add3A_10 : vector<1x64xf32>
    %rsqrt3A = math.rsqrt %add3A_11 : vector<1x64xf32>
    %get3A_12 = arith.constant 0 : index
    %get3A_13 = arith.constant 0 : index
    %get3A_14 = arith.constant 0 : index
    %get3A_15 = vector.load %arg2[%get3A_12, %get3A_13, %get3A_14] : memref<1x512x64xf32, #tpu.memory_space<vmem>>, vector<1x512x64xf32>
    %get3A_16 = vector.shape_cast %get3A_15 : vector<1x512x64xf32> to vector<512x64xf32>
    %sub3A_17 = vector.broadcast %div3A_4 : vector<1x64xf32> to vector<512x64xf32>
    %sub3A_18 = arith.subf %get3A_16, %sub3A_17 : vector<512x64xf32>
    %mul3A_19 = vector.broadcast %rsqrt3A : vector<1x64xf32> to vector<512x64xf32>
    %mul3A_20 = arith.mulf %sub3A_18, %mul3A_19 : vector<512x64xf32>
    %get3A_21 = arith.constant 0 : index
    %get3A_22 = arith.constant 0 : index
    %get3A_23 = vector.load %arg4[%get3A_21, %get3A_22] : memref<1x64xf32, #tpu.memory_space<vmem>>, vector<1x64xf32>
    %mul3A_24 = vector.broadcast %get3A_23 : vector<1x64xf32> to vector<512x64xf32>
    %mul3A_25 = arith.mulf %mul3A_20, %mul3A_24 : vector<512x64xf32>
    %get3A_26 = arith.constant 0 : index
    %get3A_27 = arith.constant 0 : index
    %get3A_28 = vector.load %arg5[%get3A_26, %get3A_27] : memref<1x64xf32, #tpu.memory_space<vmem>>, vector<1x64xf32>
    %add3A_29 = vector.broadcast %get3A_28 : vector<1x64xf32> to vector<512x64xf32>
    %add3A_30 = arith.addf %mul3A_25, %add3A_29 : vector<512x64xf32>
    %ge3A = arith.constant 0.000000e+00 : f32
    %ge3A_31 = vector.broadcast %ge3A : f32 to vector<512x64xf32>
    %ge3A_32 = arith.cmpf oge, %add3A_30, %ge3A_31 : vector<512x64xf32>
    %mul3A_33 = arith.constant 2.000000e-01 : f32
    %mul3A_34 = vector.broadcast %mul3A_33 : f32 to vector<512x64xf32>
    %mul3A_35 = arith.mulf %mul3A_34, %add3A_30 : vector<512x64xf32>
    %select_n3A = arith.select %ge3A_32, %add3A_30, %mul3A_35 : vector<512x64xi1>, vector<512x64xf32>
    %swap3A = arith.constant 0 : index
    %swap3A_36 = arith.constant 0 : index
    %swap3A_37 = arith.constant 0 : index
    %swap3A_38 = vector.load %arg7[%swap3A, %swap3A_36, %swap3A_37] : memref<1x512x64xf32, #tpu.memory_space<vmem>>, vector<1x512x64xf32>
    %swap3A_39 = vector.shape_cast %swap3A_38 : vector<1x512x64xf32> to vector<512x64xf32>
    %swap3A_40 = vector.shape_cast %select_n3A : vector<512x64xf32> to vector<1x512x64xf32>
    tpu.vector_store %arg7[%swap3A, %swap3A_36, %swap3A_37], %swap3A_40 {strides = array<i32>} : memref<1x512x64xf32, #tpu.memory_space<vmem>>, vector<1x512x64xf32>,
    return
  }
  func.func @transform_0(%arg0: i32, %arg1: i32) -> (i32, i32, i32) {
    %c0_i32 = arith.constant 0 : i32
    %c0_i32_0 = arith.constant 0 : i32
    return %arg0, %arg1, %c0_i32 : i32, i32, i32
  }
  func.func @transform_1(%arg0: i32, %arg1: i32) -> (i32, i32) {
    %c0_i32 = arith.constant 0 : i32
    %c0_i32_0 = arith.constant 0 : i32
    %c0_i32_1 = arith.constant 0 : i32
    return %c0_i32, %c0_i32_0 : i32, i32
  }
  func.func @transform_2(%arg0: i32, %arg1: i32) -> (i32, i32) {
    %c0_i32 = arith.constant 0 : i32
    %c0_i32_0 = arith.constant 0 : i32
    %c0_i32_1 = arith.constant 0 : i32
    return %c0_i32, %c0_i32_0 : i32, i32
  }
  func.func @transform_3(%arg0: i32, %arg1: i32) -> (i32, i32) {
    %c0_i32 = arith.constant 0 : i32
    %c0_i32_0 = arith.constant 0 : i32
    %c0_i32_1 = arith.constant 0 : i32
    return %c0_i32, %c0_i32_0 : i32, i32
  }
  func.func @transform_4(%arg0: i32, %arg1: i32) -> i32 {
    %c0_i32 = arith.constant 0 : i32
    %c0_i32_0 = arith.constant 0 : i32
    return %c0_i32 : i32
  }
  func.func @transform_5(%arg0: i32, %arg1: i32) -> (i32, i32, i32) {
    %c0_i32 = arith.constant 0 : i32
    %c0_i32_0 = arith.constant 0 : i32
    return %arg0, %arg1, %c0_i32 : i32, i32, i32
  }
}

module attributes {stable_mosaic.version = 14 : i64} {
  func.func @_topk_body(%arg0: i32, %arg1: i32, %arg2: memref<1x2048x64xf32, #tpu.memory_space<vmem>>, %arg3: memref<1x512x64xf32, #tpu.memory_space<vmem>>, %arg4: memref<1x512x20xi32, #tpu.memory_space<vmem>>) attributes {dimension_semantics = [#tpu.dimension_semantics<arbitrary>, #tpu.dimension_semantics<arbitrary>], iteration_bounds = array<i64: 2, 4>, scalar_prefetch = 0 : i64, scratch_operands = 0 : i64, tpu.core_type = #tpu.core_type<tc>, window_params = [{transform_indices = @transform_0, window_bounds = array<i64: 1, 2048, 64>}, {transform_indices = @transform_1, window_bounds = array<i64: 1, 512, 64>}, {transform_indices = @transform_2, window_bounds = array<i64: 1, 512, 20>}]} {
    %get3A = arith.constant 0 : index
    %get3A_0 = arith.constant 0 : index
    %get3A_1 = arith.constant 0 : index
    %get3A_2 = vector.load %arg2[%get3A, %get3A_0, %get3A_1] : memref<1x2048x64xf32, #tpu.memory_space<vmem>>, vector<1x2048x64xf32>
    %get3A_3 = vector.shape_cast %get3A_2 : vector<1x2048x64xf32> to vector<2048x64xf32>
    %get3A_4 = arith.constant 0 : index
    %get3A_5 = arith.constant 0 : index
    %get3A_6 = arith.constant 0 : index
    %get3A_7 = vector.load %arg3[%get3A_4, %get3A_5, %get3A_6] : memref<1x512x64xf32, #tpu.memory_space<vmem>>, vector<1x512x64xf32>
    %get3A_8 = vector.shape_cast %get3A_7 : vector<1x512x64xf32> to vector<512x64xf32>
    %convert_element_type3A = arith.truncf %get3A_8 : vector<512x64xf32> to vector<512x64xbf16>
    %convert_element_type3A_9 = arith.truncf %get3A_3 : vector<2048x64xf32> to vector<2048x64xbf16>
    %dot_general3A = arith.constant dense<0.000000e+00> : vector<512x2048xf32>
    %dot_general3A_10 = tpu.matmul %convert_element_type3A, %convert_element_type3A_9, %dot_general3A {dimension_numbers = #tpu.dot_dimension_numbers<[1], [1], [0], [0], [0, 0, 1, 0], [], []>, transpose_lhs_hint = false} : vector<512x64xbf16>, vector<2048x64xbf16>, vector<512x2048xf32> -> vector<512x2048xf32>
    %mul3A = arith.mulf %get3A_3, %get3A_3 : vector<2048x64xf32>
    %reduce_sum3A = arith.constant dense<0.000000e+00> : vector<2048xf32>
    %reduce_sum3A_11 = vector.multi_reduction <add>, %mul3A, %reduce_sum3A [1] : vector<2048x64xf32> to vector<2048xf32>
    %mul3A_12 = arith.mulf %get3A_8, %get3A_8 : vector<512x64xf32>
    %reduce_sum3A_13 = arith.constant dense<0.000000e+00> : vector<512xf32>
    %reduce_sum3A_14 = vector.multi_reduction <add>, %mul3A_12, %reduce_sum3A_13 [1] : vector<512x64xf32> to vector<512xf32>
    %broadcast_in_dim3A = vector.shape_cast %reduce_sum3A_14 : vector<512xf32> to vector<512x1xf32>
    %neg3A = arith.constant 0.000000e+00 : f32
    %neg3A_15 = vector.broadcast %neg3A : f32 to vector<512x1xf32>
    %neg3A_16 = arith.subf %neg3A_15, %broadcast_in_dim3A : vector<512x1xf32>
    %mul3A_17 = arith.constant -2.000000e+00 : f32
    %mul3A_18 = vector.broadcast %mul3A_17 : f32 to vector<512x2048xf32>
    %mul3A_19 = arith.mulf %mul3A_18, %dot_general3A_10 : vector<512x2048xf32>
    %sub3A = vector.broadcast %neg3A_16 : vector<512x1xf32> to vector<512x2048xf32>
    %sub3A_20 = arith.subf %sub3A, %mul3A_19 : vector<512x2048xf32>
    %broadcast_in_dim3A_21 = vector.shape_cast %reduce_sum3A_11 : vector<2048xf32> to vector<1x2048xf32>
    %sub3A_22 = vector.broadcast %broadcast_in_dim3A_21 : vector<1x2048xf32> to vector<512x2048xf32>
    %sub3A_23 = arith.subf %sub3A_20, %sub3A_22 : vector<512x2048xf32>
    %iota3A = tpu.iota {dimensions = array<i32: 1>} : vector<512x2048xi32>
    %reduce_max3A = arith.constant dense<0xFF800000> : vector<512xf32>
    %reduce_max3A_24 = vector.multi_reduction <maximumf>, %sub3A_23, %reduce_max3A [1] : vector<512x2048xf32> to vector<512xf32>
    %broadcast_in_dim3A_25 = vector.shape_cast %reduce_max3A_24 : vector<512xf32> to vector<512x1xf32>
    %eq3A = vector.broadcast %broadcast_in_dim3A_25 : vector<512x1xf32> to vector<512x2048xf32>
    %eq3A_26 = arith.cmpf oeq, %sub3A_23, %eq3A : vector<512x2048xf32>
    %jit3A = arith.constant 2048 : i32
    %broadcast_in_dim3A_27 = vector.broadcast %jit3A : i32 to vector<512x2048xi32>
    %select_n3A = arith.select %eq3A_26, %iota3A, %broadcast_in_dim3A_27 : vector<512x2048xi1>, vector<512x2048xi32>
    %reduce_min3A = arith.constant dense<2147483647> : vector<512xi32>
    %reduce_min3A_28 = vector.multi_reduction <minsi>, %select_n3A, %reduce_min3A [1] : vector<512x2048xi32> to vector<512xi32>
    %broadcast_in_dim3A_29 = vector.shape_cast %reduce_min3A_28 : vector<512xi32> to vector<512x1xi32>
    %eq3A_30 = vector.broadcast %broadcast_in_dim3A_29 : vector<512x1xi32> to vector<512x2048xi32>
    %eq3A_31 = arith.cmpi eq, %iota3A, %eq3A_30 : vector<512x2048xi32>
    %jit3A_32 = arith.constant -3.000000e+38 : f32
    %broadcast_in_dim3A_33 = vector.broadcast %jit3A_32 : f32 to vector<512x2048xf32>
    %select_n3A_34 = arith.select %eq3A_31, %broadcast_in_dim3A_33, %sub3A_23 : vector<512x2048xi1>, vector<512x2048xf32>
    %reduce_max3A_35 = arith.constant dense<0xFF800000> : vector<512xf32>
    %reduce_max3A_36 = vector.multi_reduction <maximumf>, %select_n3A_34, %reduce_max3A_35 [1] : vector<512x2048xf32> to vector<512xf32>
    %broadcast_in_dim3A_37 = vector.shape_cast %reduce_max3A_36 : vector<512xf32> to vector<512x1xf32>
    %eq3A_38 = vector.broadcast %broadcast_in_dim3A_37 : vector<512x1xf32> to vector<512x2048xf32>
    %eq3A_39 = arith.cmpf oeq, %select_n3A_34, %eq3A_38 : vector<512x2048xf32>
    %jit3A_40 = arith.constant 2048 : i32
    %broadcast_in_dim3A_41 = vector.broadcast %jit3A_40 : i32 to vector<512x2048xi32>
    %select_n3A_42 = arith.select %eq3A_39, %iota3A, %broadcast_in_dim3A_41 : vector<512x2048xi1>, vector<512x2048xi32>
    %reduce_min3A_43 = arith.constant dense<2147483647> : vector<512xi32>
    %reduce_min3A_44 = vector.multi_reduction <minsi>, %select_n3A_42, %reduce_min3A_43 [1] : vector<512x2048xi32> to vector<512xi32>
    %broadcast_in_dim3A_45 = vector.shape_cast %reduce_min3A_44 : vector<512xi32> to vector<512x1xi32>
    %eq3A_46 = vector.broadcast %broadcast_in_dim3A_45 : vector<512x1xi32> to vector<512x2048xi32>
    %eq3A_47 = arith.cmpi eq, %iota3A, %eq3A_46 : vector<512x2048xi32>
    %jit3A_48 = arith.constant -3.000000e+38 : f32
    %broadcast_in_dim3A_49 = vector.broadcast %jit3A_48 : f32 to vector<512x2048xf32>
    %select_n3A_50 = arith.select %eq3A_47, %broadcast_in_dim3A_49, %select_n3A_34 : vector<512x2048xi1>, vector<512x2048xf32>
    %reduce_max3A_51 = arith.constant dense<0xFF800000> : vector<512xf32>
    %reduce_max3A_52 = vector.multi_reduction <maximumf>, %select_n3A_50, %reduce_max3A_51 [1] : vector<512x2048xf32> to vector<512xf32>
    %broadcast_in_dim3A_53 = vector.shape_cast %reduce_max3A_52 : vector<512xf32> to vector<512x1xf32>
    %eq3A_54 = vector.broadcast %broadcast_in_dim3A_53 : vector<512x1xf32> to vector<512x2048xf32>
    %eq3A_55 = arith.cmpf oeq, %select_n3A_50, %eq3A_54 : vector<512x2048xf32>
    %jit3A_56 = arith.constant 2048 : i32
    %broadcast_in_dim3A_57 = vector.broadcast %jit3A_56 : i32 to vector<512x2048xi32>
    %select_n3A_58 = arith.select %eq3A_55, %iota3A, %broadcast_in_dim3A_57 : vector<512x2048xi1>, vector<512x2048xi32>
    %reduce_min3A_59 = arith.constant dense<2147483647> : vector<512xi32>
    %reduce_min3A_60 = vector.multi_reduction <minsi>, %select_n3A_58, %reduce_min3A_59 [1] : vector<512x2048xi32> to vector<512xi32>
    %broadcast_in_dim3A_61 = vector.shape_cast %reduce_min3A_60 : vector<512xi32> to vector<512x1xi32>
    %eq3A_62 = vector.broadcast %broadcast_in_dim3A_61 : vector<512x1xi32> to vector<512x2048xi32>
    %eq3A_63 = arith.cmpi eq, %iota3A, %eq3A_62 : vector<512x2048xi32>
    %jit3A_64 = arith.constant -3.000000e+38 : f32
    %broadcast_in_dim3A_65 = vector.broadcast %jit3A_64 : f32 to vector<512x2048xf32>
    %select_n3A_66 = arith.select %eq3A_63, %broadcast_in_dim3A_65, %select_n3A_50 : vector<512x2048xi1>, vector<512x2048xf32>
    %reduce_max3A_67 = arith.constant dense<0xFF800000> : vector<512xf32>
    %reduce_max3A_68 = vector.multi_reduction <maximumf>, %select_n3A_66, %reduce_max3A_67 [1] : vector<512x2048xf32> to vector<512xf32>
    %broadcast_in_dim3A_69 = vector.shape_cast %reduce_max3A_68 : vector<512xf32> to vector<512x1xf32>
    %eq3A_70 = vector.broadcast %broadcast_in_dim3A_69 : vector<512x1xf32> to vector<512x2048xf32>
    %eq3A_71 = arith.cmpf oeq, %select_n3A_66, %eq3A_70 : vector<512x2048xf32>
    %jit3A_72 = arith.constant 2048 : i32
    %broadcast_in_dim3A_73 = vector.broadcast %jit3A_72 : i32 to vector<512x2048xi32>
    %select_n3A_74 = arith.select %eq3A_71, %iota3A, %broadcast_in_dim3A_73 : vector<512x2048xi1>, vector<512x2048xi32>
    %reduce_min3A_75 = arith.constant dense<2147483647> : vector<512xi32>
    %reduce_min3A_76 = vector.multi_reduction <minsi>, %select_n3A_74, %reduce_min3A_75 [1] : vector<512x2048xi32> to vector<512xi32>
    %broadcast_in_dim3A_77 = vector.shape_cast %reduce_min3A_76 : vector<512xi32> to vector<512x1xi32>
    %eq3A_78 = vector.broadcast %broadcast_in_dim3A_77 : vector<512x1xi32> to vector<512x2048xi32>
    %eq3A_79 = arith.cmpi eq, %iota3A, %eq3A_78 : vector<512x2048xi32>
    %jit3A_80 = arith.constant -3.000000e+38 : f32
    %broadcast_in_dim3A_81 = vector.broadcast %jit3A_80 : f32 to vector<512x2048xf32>
    %select_n3A_82 = arith.select %eq3A_79, %broadcast_in_dim3A_81, %select_n3A_66 : vector<512x2048xi1>, vector<512x2048xf32>
    %reduce_max3A_83 = arith.constant dense<0xFF800000> : vector<512xf32>
    %reduce_max3A_84 = vector.multi_reduction <maximumf>, %select_n3A_82, %reduce_max3A_83 [1] : vector<512x2048xf32> to vector<512xf32>
    %broadcast_in_dim3A_85 = vector.shape_cast %reduce_max3A_84 : vector<512xf32> to vector<512x1xf32>
    %eq3A_86 = vector.broadcast %broadcast_in_dim3A_85 : vector<512x1xf32> to vector<512x2048xf32>
    %eq3A_87 = arith.cmpf oeq, %select_n3A_82, %eq3A_86 : vector<512x2048xf32>
    %jit3A_88 = arith.constant 2048 : i32
    %broadcast_in_dim3A_89 = vector.broadcast %jit3A_88 : i32 to vector<512x2048xi32>
    %select_n3A_90 = arith.select %eq3A_87, %iota3A, %broadcast_in_dim3A_89 : vector<512x2048xi1>, vector<512x2048xi32>
    %reduce_min3A_91 = arith.constant dense<2147483647> : vector<512xi32>
    %reduce_min3A_92 = vector.multi_reduction <minsi>, %select_n3A_90, %reduce_min3A_91 [1] : vector<512x2048xi32> to vector<512xi32>
    %broadcast_in_dim3A_93 = vector.shape_cast %reduce_min3A_92 : vector<512xi32> to vector<512x1xi32>
    %eq3A_94 = vector.broadcast %broadcast_in_dim3A_93 : vector<512x1xi32> to vector<512x2048xi32>
    %eq3A_95 = arith.cmpi eq, %iota3A, %eq3A_94 : vector<512x2048xi32>
    %jit3A_96 = arith.constant -3.000000e+38 : f32
    %broadcast_in_dim3A_97 = vector.broadcast %jit3A_96 : f32 to vector<512x2048xf32>
    %select_n3A_98 = arith.select %eq3A_95, %broadcast_in_dim3A_97, %select_n3A_82 : vector<512x2048xi1>, vector<512x2048xf32>
    %reduce_max3A_99 = arith.constant dense<0xFF800000> : vector<512xf32>
    %reduce_max3A_100 = vector.multi_reduction <maximumf>, %select_n3A_98, %reduce_max3A_99 [1] : vector<512x2048xf32> to vector<512xf32>
    %broadcast_in_dim3A_101 = vector.shape_cast %reduce_max3A_100 : vector<512xf32> to vector<512x1xf32>
    %eq3A_102 = vector.broadcast %broadcast_in_dim3A_101 : vector<512x1xf32> to vector<512x2048xf32>
    %eq3A_103 = arith.cmpf oeq, %select_n3A_98, %eq3A_102 : vector<512x2048xf32>
    %jit3A_104 = arith.constant 2048 : i32
    %broadcast_in_dim3A_105 = vector.broadcast %jit3A_104 : i32 to vector<512x2048xi32>
    %select_n3A_106 = arith.select %eq3A_103, %iota3A, %broadcast_in_dim3A_105 : vector<512x2048xi1>, vector<512x2048xi32>
    %reduce_min3A_107 = arith.constant dense<2147483647> : vector<512xi32>
    %reduce_min3A_108 = vector.multi_reduction <minsi>, %select_n3A_106, %reduce_min3A_107 [1] : vector<512x2048xi32> to vector<512xi32>
    %broadcast_in_dim3A_109 = vector.shape_cast %reduce_min3A_108 : vector<512xi32> to vector<512x1xi32>
    %eq3A_110 = vector.broadcast %broadcast_in_dim3A_109 : vector<512x1xi32> to vector<512x2048xi32>
    %eq3A_111 = arith.cmpi eq, %iota3A, %eq3A_110 : vector<512x2048xi32>
    %jit3A_112 = arith.constant -3.000000e+38 : f32
    %broadcast_in_dim3A_113 = vector.broadcast %jit3A_112 : f32 to vector<512x2048xf32>
    %select_n3A_114 = arith.select %eq3A_111, %broadcast_in_dim3A_113, %select_n3A_98 : vector<512x2048xi1>, vector<512x2048xf32>
    %reduce_max3A_115 = arith.constant dense<0xFF800000> : vector<512xf32>
    %reduce_max3A_116 = vector.multi_reduction <maximumf>, %select_n3A_114, %reduce_max3A_115 [1] : vector<512x2048xf32> to vector<512xf32>
    %broadcast_in_dim3A_117 = vector.shape_cast %reduce_max3A_116 : vector<512xf32> to vector<512x1xf32>
    %eq3A_118 = vector.broadcast %broadcast_in_dim3A_117 : vector<512x1xf32> to vector<512x2048xf32>
    %eq3A_119 = arith.cmpf oeq, %select_n3A_114, %eq3A_118 : vector<512x2048xf32>
    %jit3A_120 = arith.constant 2048 : i32
    %broadcast_in_dim3A_121 = vector.broadcast %jit3A_120 : i32 to vector<512x2048xi32>
    %select_n3A_122 = arith.select %eq3A_119, %iota3A, %broadcast_in_dim3A_121 : vector<512x2048xi1>, vector<512x2048xi32>
    %reduce_min3A_123 = arith.constant dense<2147483647> : vector<512xi32>
    %reduce_min3A_124 = vector.multi_reduction <minsi>, %select_n3A_122, %reduce_min3A_123 [1] : vector<512x2048xi32> to vector<512xi32>
    %broadcast_in_dim3A_125 = vector.shape_cast %reduce_min3A_124 : vector<512xi32> to vector<512x1xi32>
    %eq3A_126 = vector.broadcast %broadcast_in_dim3A_125 : vector<512x1xi32> to vector<512x2048xi32>
    %eq3A_127 = arith.cmpi eq, %iota3A, %eq3A_126 : vector<512x2048xi32>
    %jit3A_128 = arith.constant -3.000000e+38 : f32
    %broadcast_in_dim3A_129 = vector.broadcast %jit3A_128 : f32 to vector<512x2048xf32>
    %select_n3A_130 = arith.select %eq3A_127, %broadcast_in_dim3A_129, %select_n3A_114 : vector<512x2048xi1>, vector<512x2048xf32>
    %reduce_max3A_131 = arith.constant dense<0xFF800000> : vector<512xf32>
    %reduce_max3A_132 = vector.multi_reduction <maximumf>, %select_n3A_130, %reduce_max3A_131 [1] : vector<512x2048xf32> to vector<512xf32>
    %broadcast_in_dim3A_133 = vector.shape_cast %reduce_max3A_132 : vector<512xf32> to vector<512x1xf32>
    %eq3A_134 = vector.broadcast %broadcast_in_dim3A_133 : vector<512x1xf32> to vector<512x2048xf32>
    %eq3A_135 = arith.cmpf oeq, %select_n3A_130, %eq3A_134 : vector<512x2048xf32>
    %jit3A_136 = arith.constant 2048 : i32
    %broadcast_in_dim3A_137 = vector.broadcast %jit3A_136 : i32 to vector<512x2048xi32>
    %select_n3A_138 = arith.select %eq3A_135, %iota3A, %broadcast_in_dim3A_137 : vector<512x2048xi1>, vector<512x2048xi32>
    %reduce_min3A_139 = arith.constant dense<2147483647> : vector<512xi32>
    %reduce_min3A_140 = vector.multi_reduction <minsi>, %select_n3A_138, %reduce_min3A_139 [1] : vector<512x2048xi32> to vector<512xi32>
    %broadcast_in_dim3A_141 = vector.shape_cast %reduce_min3A_140 : vector<512xi32> to vector<512x1xi32>
    %eq3A_142 = vector.broadcast %broadcast_in_dim3A_141 : vector<512x1xi32> to vector<512x2048xi32>
    %eq3A_143 = arith.cmpi eq, %iota3A, %eq3A_142 : vector<512x2048xi32>
    %jit3A_144 = arith.constant -3.000000e+38 : f32
    %broadcast_in_dim3A_145 = vector.broadcast %jit3A_144 : f32 to vector<512x2048xf32>
    %select_n3A_146 = arith.select %eq3A_143, %broadcast_in_dim3A_145, %select_n3A_130 : vector<512x2048xi1>, vector<512x2048xf32>
    %reduce_max3A_147 = arith.constant dense<0xFF800000> : vector<512xf32>
    %reduce_max3A_148 = vector.multi_reduction <maximumf>, %select_n3A_146, %reduce_max3A_147 [1] : vector<512x2048xf32> to vector<512xf32>
    %broadcast_in_dim3A_149 = vector.shape_cast %reduce_max3A_148 : vector<512xf32> to vector<512x1xf32>
    %eq3A_150 = vector.broadcast %broadcast_in_dim3A_149 : vector<512x1xf32> to vector<512x2048xf32>
    %eq3A_151 = arith.cmpf oeq, %select_n3A_146, %eq3A_150 : vector<512x2048xf32>
    %jit3A_152 = arith.constant 2048 : i32
    %broadcast_in_dim3A_153 = vector.broadcast %jit3A_152 : i32 to vector<512x2048xi32>
    %select_n3A_154 = arith.select %eq3A_151, %iota3A, %broadcast_in_dim3A_153 : vector<512x2048xi1>, vector<512x2048xi32>
    %reduce_min3A_155 = arith.constant dense<2147483647> : vector<512xi32>
    %reduce_min3A_156 = vector.multi_reduction <minsi>, %select_n3A_154, %reduce_min3A_155 [1] : vector<512x2048xi32> to vector<512xi32>
    %broadcast_in_dim3A_157 = vector.shape_cast %reduce_min3A_156 : vector<512xi32> to vector<512x1xi32>
    %eq3A_158 = vector.broadcast %broadcast_in_dim3A_157 : vector<512x1xi32> to vector<512x2048xi32>
    %eq3A_159 = arith.cmpi eq, %iota3A, %eq3A_158 : vector<512x2048xi32>
    %jit3A_160 = arith.constant -3.000000e+38 : f32
    %broadcast_in_dim3A_161 = vector.broadcast %jit3A_160 : f32 to vector<512x2048xf32>
    %select_n3A_162 = arith.select %eq3A_159, %broadcast_in_dim3A_161, %select_n3A_146 : vector<512x2048xi1>, vector<512x2048xf32>
    %reduce_max3A_163 = arith.constant dense<0xFF800000> : vector<512xf32>
    %reduce_max3A_164 = vector.multi_reduction <maximumf>, %select_n3A_162, %reduce_max3A_163 [1] : vector<512x2048xf32> to vector<512xf32>
    %broadcast_in_dim3A_165 = vector.shape_cast %reduce_max3A_164 : vector<512xf32> to vector<512x1xf32>
    %eq3A_166 = vector.broadcast %broadcast_in_dim3A_165 : vector<512x1xf32> to vector<512x2048xf32>
    %eq3A_167 = arith.cmpf oeq, %select_n3A_162, %eq3A_166 : vector<512x2048xf32>
    %jit3A_168 = arith.constant 2048 : i32
    %broadcast_in_dim3A_169 = vector.broadcast %jit3A_168 : i32 to vector<512x2048xi32>
    %select_n3A_170 = arith.select %eq3A_167, %iota3A, %broadcast_in_dim3A_169 : vector<512x2048xi1>, vector<512x2048xi32>
    %reduce_min3A_171 = arith.constant dense<2147483647> : vector<512xi32>
    %reduce_min3A_172 = vector.multi_reduction <minsi>, %select_n3A_170, %reduce_min3A_171 [1] : vector<512x2048xi32> to vector<512xi32>
    %broadcast_in_dim3A_173 = vector.shape_cast %reduce_min3A_172 : vector<512xi32> to vector<512x1xi32>
    %eq3A_174 = vector.broadcast %broadcast_in_dim3A_173 : vector<512x1xi32> to vector<512x2048xi32>
    %eq3A_175 = arith.cmpi eq, %iota3A, %eq3A_174 : vector<512x2048xi32>
    %jit3A_176 = arith.constant -3.000000e+38 : f32
    %broadcast_in_dim3A_177 = vector.broadcast %jit3A_176 : f32 to vector<512x2048xf32>
    %select_n3A_178 = arith.select %eq3A_175, %broadcast_in_dim3A_177, %select_n3A_162 : vector<512x2048xi1>, vector<512x2048xf32>
    %reduce_max3A_179 = arith.constant dense<0xFF800000> : vector<512xf32>
    %reduce_max3A_180 = vector.multi_reduction <maximumf>, %select_n3A_178, %reduce_max3A_179 [1] : vector<512x2048xf32> to vector<512xf32>
    %broadcast_in_dim3A_181 = vector.shape_cast %reduce_max3A_180 : vector<512xf32> to vector<512x1xf32>
    %eq3A_182 = vector.broadcast %broadcast_in_dim3A_181 : vector<512x1xf32> to vector<512x2048xf32>
    %eq3A_183 = arith.cmpf oeq, %select_n3A_178, %eq3A_182 : vector<512x2048xf32>
    %jit3A_184 = arith.constant 2048 : i32
    %broadcast_in_dim3A_185 = vector.broadcast %jit3A_184 : i32 to vector<512x2048xi32>
    %select_n3A_186 = arith.select %eq3A_183, %iota3A, %broadcast_in_dim3A_185 : vector<512x2048xi1>, vector<512x2048xi32>
    %reduce_min3A_187 = arith.constant dense<2147483647> : vector<512xi32>
    %reduce_min3A_188 = vector.multi_reduction <minsi>, %select_n3A_186, %reduce_min3A_187 [1] : vector<512x2048xi32> to vector<512xi32>
    %broadcast_in_dim3A_189 = vector.shape_cast %reduce_min3A_188 : vector<512xi32> to vector<512x1xi32>
    %eq3A_190 = vector.broadcast %broadcast_in_dim3A_189 : vector<512x1xi32> to vector<512x2048xi32>
    %eq3A_191 = arith.cmpi eq, %iota3A, %eq3A_190 : vector<512x2048xi32>
    %jit3A_192 = arith.constant -3.000000e+38 : f32
    %broadcast_in_dim3A_193 = vector.broadcast %jit3A_192 : f32 to vector<512x2048xf32>
    %select_n3A_194 = arith.select %eq3A_191, %broadcast_in_dim3A_193, %select_n3A_178 : vector<512x2048xi1>, vector<512x2048xf32>
    %reduce_max3A_195 = arith.constant dense<0xFF800000> : vector<512xf32>
    %reduce_max3A_196 = vector.multi_reduction <maximumf>, %select_n3A_194, %reduce_max3A_195 [1] : vector<512x2048xf32> to vector<512xf32>
    %broadcast_in_dim3A_197 = vector.shape_cast %reduce_max3A_196 : vector<512xf32> to vector<512x1xf32>
    %eq3A_198 = vector.broadcast %broadcast_in_dim3A_197 : vector<512x1xf32> to vector<512x2048xf32>
    %eq3A_199 = arith.cmpf oeq, %select_n3A_194, %eq3A_198 : vector<512x2048xf32>
    %jit3A_200 = arith.constant 2048 : i32
    %broadcast_in_dim3A_201 = vector.broadcast %jit3A_200 : i32 to vector<512x2048xi32>
    %select_n3A_202 = arith.select %eq3A_199, %iota3A, %broadcast_in_dim3A_201 : vector<512x2048xi1>, vector<512x2048xi32>
    %reduce_min3A_203 = arith.constant dense<2147483647> : vector<512xi32>
    %reduce_min3A_204 = vector.multi_reduction <minsi>, %select_n3A_202, %reduce_min3A_203 [1] : vector<512x2048xi32> to vector<512xi32>
    %broadcast_in_dim3A_205 = vector.shape_cast %reduce_min3A_204 : vector<512xi32> to vector<512x1xi32>
    %eq3A_206 = vector.broadcast %broadcast_in_dim3A_205 : vector<512x1xi32> to vector<512x2048xi32>
    %eq3A_207 = arith.cmpi eq, %iota3A, %eq3A_206 : vector<512x2048xi32>
    %jit3A_208 = arith.constant -3.000000e+38 : f32
    %broadcast_in_dim3A_209 = vector.broadcast %jit3A_208 : f32 to vector<512x2048xf32>
    %select_n3A_210 = arith.select %eq3A_207, %broadcast_in_dim3A_209, %select_n3A_194 : vector<512x2048xi1>, vector<512x2048xf32>
    %reduce_max3A_211 = arith.constant dense<0xFF800000> : vector<512xf32>
    %reduce_max3A_212 = vector.multi_reduction <maximumf>, %select_n3A_210, %reduce_max3A_211 [1] : vector<512x2048xf32> to vector<512xf32>
    %broadcast_in_dim3A_213 = vector.shape_cast %reduce_max3A_212 : vector<512xf32> to vector<512x1xf32>
    %eq3A_214 = vector.broadcast %broadcast_in_dim3A_213 : vector<512x1xf32> to vector<512x2048xf32>
    %eq3A_215 = arith.cmpf oeq, %select_n3A_210, %eq3A_214 : vector<512x2048xf32>
    %jit3A_216 = arith.constant 2048 : i32
    %broadcast_in_dim3A_217 = vector.broadcast %jit3A_216 : i32 to vector<512x2048xi32>
    %select_n3A_218 = arith.select %eq3A_215, %iota3A, %broadcast_in_dim3A_217 : vector<512x2048xi1>, vector<512x2048xi32>
    %reduce_min3A_219 = arith.constant dense<2147483647> : vector<512xi32>
    %reduce_min3A_220 = vector.multi_reduction <minsi>, %select_n3A_218, %reduce_min3A_219 [1] : vector<512x2048xi32> to vector<512xi32>
    %broadcast_in_dim3A_221 = vector.shape_cast %reduce_min3A_220 : vector<512xi32> to vector<512x1xi32>
    %eq3A_222 = vector.broadcast %broadcast_in_dim3A_221 : vector<512x1xi32> to vector<512x2048xi32>
    %eq3A_223 = arith.cmpi eq, %iota3A, %eq3A_222 : vector<512x2048xi32>
    %jit3A_224 = arith.constant -3.000000e+38 : f32
    %broadcast_in_dim3A_225 = vector.broadcast %jit3A_224 : f32 to vector<512x2048xf32>
    %select_n3A_226 = arith.select %eq3A_223, %broadcast_in_dim3A_225, %select_n3A_210 : vector<512x2048xi1>, vector<512x2048xf32>
    %reduce_max3A_227 = arith.constant dense<0xFF800000> : vector<512xf32>
    %reduce_max3A_228 = vector.multi_reduction <maximumf>, %select_n3A_226, %reduce_max3A_227 [1] : vector<512x2048xf32> to vector<512xf32>
    %broadcast_in_dim3A_229 = vector.shape_cast %reduce_max3A_228 : vector<512xf32> to vector<512x1xf32>
    %eq3A_230 = vector.broadcast %broadcast_in_dim3A_229 : vector<512x1xf32> to vector<512x2048xf32>
    %eq3A_231 = arith.cmpf oeq, %select_n3A_226, %eq3A_230 : vector<512x2048xf32>
    %jit3A_232 = arith.constant 2048 : i32
    %broadcast_in_dim3A_233 = vector.broadcast %jit3A_232 : i32 to vector<512x2048xi32>
    %select_n3A_234 = arith.select %eq3A_231, %iota3A, %broadcast_in_dim3A_233 : vector<512x2048xi1>, vector<512x2048xi32>
    %reduce_min3A_235 = arith.constant dense<2147483647> : vector<512xi32>
    %reduce_min3A_236 = vector.multi_reduction <minsi>, %select_n3A_234, %reduce_min3A_235 [1] : vector<512x2048xi32> to vector<512xi32>
    %broadcast_in_dim3A_237 = vector.shape_cast %reduce_min3A_236 : vector<512xi32> to vector<512x1xi32>
    %eq3A_238 = vector.broadcast %broadcast_in_dim3A_237 : vector<512x1xi32> to vector<512x2048xi32>
    %eq3A_239 = arith.cmpi eq, %iota3A, %eq3A_238 : vector<512x2048xi32>
    %jit3A_240 = arith.constant -3.000000e+38 : f32
    %broadcast_in_dim3A_241 = vector.broadcast %jit3A_240 : f32 to vector<512x2048xf32>
    %select_n3A_242 = arith.select %eq3A_239, %broadcast_in_dim3A_241, %select_n3A_226 : vector<512x2048xi1>, vector<512x2048xf32>
    %reduce_max3A_243 = arith.constant dense<0xFF800000> : vector<512xf32>
    %reduce_max3A_244 = vector.multi_reduction <maximumf>, %select_n3A_242, %reduce_max3A_243 [1] : vector<512x2048xf32> to vector<512xf32>
    %broadcast_in_dim3A_245 = vector.shape_cast %reduce_max3A_244 : vector<512xf32> to vector<512x1xf32>
    %eq3A_246 = vector.broadcast %broadcast_in_dim3A_245 : vector<512x1xf32> to vector<512x2048xf32>
    %eq3A_247 = arith.cmpf oeq, %select_n3A_242, %eq3A_246 : vector<512x2048xf32>
    %jit3A_248 = arith.constant 2048 : i32
    %broadcast_in_dim3A_249 = vector.broadcast %jit3A_248 : i32 to vector<512x2048xi32>
    %select_n3A_250 = arith.select %eq3A_247, %iota3A, %broadcast_in_dim3A_249 : vector<512x2048xi1>, vector<512x2048xi32>
    %reduce_min3A_251 = arith.constant dense<2147483647> : vector<512xi32>
    %reduce_min3A_252 = vector.multi_reduction <minsi>, %select_n3A_250, %reduce_min3A_251 [1] : vector<512x2048xi32> to vector<512xi32>
    %broadcast_in_dim3A_253 = vector.shape_cast %reduce_min3A_252 : vector<512xi32> to vector<512x1xi32>
    %eq3A_254 = vector.broadcast %broadcast_in_dim3A_253 : vector<512x1xi32> to vector<512x2048xi32>
    %eq3A_255 = arith.cmpi eq, %iota3A, %eq3A_254 : vector<512x2048xi32>
    %jit3A_256 = arith.constant -3.000000e+38 : f32
    %broadcast_in_dim3A_257 = vector.broadcast %jit3A_256 : f32 to vector<512x2048xf32>
    %select_n3A_258 = arith.select %eq3A_255, %broadcast_in_dim3A_257, %select_n3A_242 : vector<512x2048xi1>, vector<512x2048xf32>
    %reduce_max3A_259 = arith.constant dense<0xFF800000> : vector<512xf32>
    %reduce_max3A_260 = vector.multi_reduction <maximumf>, %select_n3A_258, %reduce_max3A_259 [1] : vector<512x2048xf32> to vector<512xf32>
    %broadcast_in_dim3A_261 = vector.shape_cast %reduce_max3A_260 : vector<512xf32> to vector<512x1xf32>
    %eq3A_262 = vector.broadcast %broadcast_in_dim3A_261 : vector<512x1xf32> to vector<512x2048xf32>
    %eq3A_263 = arith.cmpf oeq, %select_n3A_258, %eq3A_262 : vector<512x2048xf32>
    %jit3A_264 = arith.constant 2048 : i32
    %broadcast_in_dim3A_265 = vector.broadcast %jit3A_264 : i32 to vector<512x2048xi32>
    %select_n3A_266 = arith.select %eq3A_263, %iota3A, %broadcast_in_dim3A_265 : vector<512x2048xi1>, vector<512x2048xi32>
    %reduce_min3A_267 = arith.constant dense<2147483647> : vector<512xi32>
    %reduce_min3A_268 = vector.multi_reduction <minsi>, %select_n3A_266, %reduce_min3A_267 [1] : vector<512x2048xi32> to vector<512xi32>
    %broadcast_in_dim3A_269 = vector.shape_cast %reduce_min3A_268 : vector<512xi32> to vector<512x1xi32>
    %eq3A_270 = vector.broadcast %broadcast_in_dim3A_269 : vector<512x1xi32> to vector<512x2048xi32>
    %eq3A_271 = arith.cmpi eq, %iota3A, %eq3A_270 : vector<512x2048xi32>
    %jit3A_272 = arith.constant -3.000000e+38 : f32
    %broadcast_in_dim3A_273 = vector.broadcast %jit3A_272 : f32 to vector<512x2048xf32>
    %select_n3A_274 = arith.select %eq3A_271, %broadcast_in_dim3A_273, %select_n3A_258 : vector<512x2048xi1>, vector<512x2048xf32>
    %reduce_max3A_275 = arith.constant dense<0xFF800000> : vector<512xf32>
    %reduce_max3A_276 = vector.multi_reduction <maximumf>, %select_n3A_274, %reduce_max3A_275 [1] : vector<512x2048xf32> to vector<512xf32>
    %broadcast_in_dim3A_277 = vector.shape_cast %reduce_max3A_276 : vector<512xf32> to vector<512x1xf32>
    %eq3A_278 = vector.broadcast %broadcast_in_dim3A_277 : vector<512x1xf32> to vector<512x2048xf32>
    %eq3A_279 = arith.cmpf oeq, %select_n3A_274, %eq3A_278 : vector<512x2048xf32>
    %jit3A_280 = arith.constant 2048 : i32
    %broadcast_in_dim3A_281 = vector.broadcast %jit3A_280 : i32 to vector<512x2048xi32>
    %select_n3A_282 = arith.select %eq3A_279, %iota3A, %broadcast_in_dim3A_281 : vector<512x2048xi1>, vector<512x2048xi32>
    %reduce_min3A_283 = arith.constant dense<2147483647> : vector<512xi32>
    %reduce_min3A_284 = vector.multi_reduction <minsi>, %select_n3A_282, %reduce_min3A_283 [1] : vector<512x2048xi32> to vector<512xi32>
    %broadcast_in_dim3A_285 = vector.shape_cast %reduce_min3A_284 : vector<512xi32> to vector<512x1xi32>
    %eq3A_286 = vector.broadcast %broadcast_in_dim3A_285 : vector<512x1xi32> to vector<512x2048xi32>
    %eq3A_287 = arith.cmpi eq, %iota3A, %eq3A_286 : vector<512x2048xi32>
    %jit3A_288 = arith.constant -3.000000e+38 : f32
    %broadcast_in_dim3A_289 = vector.broadcast %jit3A_288 : f32 to vector<512x2048xf32>
    %select_n3A_290 = arith.select %eq3A_287, %broadcast_in_dim3A_289, %select_n3A_274 : vector<512x2048xi1>, vector<512x2048xf32>
    %reduce_max3A_291 = arith.constant dense<0xFF800000> : vector<512xf32>
    %reduce_max3A_292 = vector.multi_reduction <maximumf>, %select_n3A_290, %reduce_max3A_291 [1] : vector<512x2048xf32> to vector<512xf32>
    %broadcast_in_dim3A_293 = vector.shape_cast %reduce_max3A_292 : vector<512xf32> to vector<512x1xf32>
    %eq3A_294 = vector.broadcast %broadcast_in_dim3A_293 : vector<512x1xf32> to vector<512x2048xf32>
    %eq3A_295 = arith.cmpf oeq, %select_n3A_290, %eq3A_294 : vector<512x2048xf32>
    %jit3A_296 = arith.constant 2048 : i32
    %broadcast_in_dim3A_297 = vector.broadcast %jit3A_296 : i32 to vector<512x2048xi32>
    %select_n3A_298 = arith.select %eq3A_295, %iota3A, %broadcast_in_dim3A_297 : vector<512x2048xi1>, vector<512x2048xi32>
    %reduce_min3A_299 = arith.constant dense<2147483647> : vector<512xi32>
    %reduce_min3A_300 = vector.multi_reduction <minsi>, %select_n3A_298, %reduce_min3A_299 [1] : vector<512x2048xi32> to vector<512xi32>
    %broadcast_in_dim3A_301 = vector.shape_cast %reduce_min3A_300 : vector<512xi32> to vector<512x1xi32>
    %eq3A_302 = vector.broadcast %broadcast_in_dim3A_301 : vector<512x1xi32> to vector<512x2048xi32>
    %eq3A_303 = arith.cmpi eq, %iota3A, %eq3A_302 : vector<512x2048xi32>
    %jit3A_304 = arith.constant -3.000000e+38 : f32
    %broadcast_in_dim3A_305 = vector.broadcast %jit3A_304 : f32 to vector<512x2048xf32>
    %select_n3A_306 = arith.select %eq3A_303, %broadcast_in_dim3A_305, %select_n3A_290 : vector<512x2048xi1>, vector<512x2048xf32>
    %reduce_max3A_307 = arith.constant dense<0xFF800000> : vector<512xf32>
    %reduce_max3A_308 = vector.multi_reduction <maximumf>, %select_n3A_306, %reduce_max3A_307 [1] : vector<512x2048xf32> to vector<512xf32>
    %broadcast_in_dim3A_309 = vector.shape_cast %reduce_max3A_308 : vector<512xf32> to vector<512x1xf32>
    %eq3A_310 = vector.broadcast %broadcast_in_dim3A_309 : vector<512x1xf32> to vector<512x2048xf32>
    %eq3A_311 = arith.cmpf oeq, %select_n3A_306, %eq3A_310 : vector<512x2048xf32>
    %jit3A_312 = arith.constant 2048 : i32
    %broadcast_in_dim3A_313 = vector.broadcast %jit3A_312 : i32 to vector<512x2048xi32>
    %select_n3A_314 = arith.select %eq3A_311, %iota3A, %broadcast_in_dim3A_313 : vector<512x2048xi1>, vector<512x2048xi32>
    %reduce_min3A_315 = arith.constant dense<2147483647> : vector<512xi32>
    %reduce_min3A_316 = vector.multi_reduction <minsi>, %select_n3A_314, %reduce_min3A_315 [1] : vector<512x2048xi32> to vector<512xi32>
    %broadcast_in_dim3A_317 = vector.shape_cast %reduce_min3A_316 : vector<512xi32> to vector<512x1xi32>
    %eq3A_318 = vector.broadcast %broadcast_in_dim3A_317 : vector<512x1xi32> to vector<512x2048xi32>
    %eq3A_319 = arith.cmpi eq, %iota3A, %eq3A_318 : vector<512x2048xi32>
    %jit3A_320 = arith.constant -3.000000e+38 : f32
    %broadcast_in_dim3A_321 = vector.broadcast %jit3A_320 : f32 to vector<512x2048xf32>
    %select_n3A_322 = arith.select %eq3A_319, %broadcast_in_dim3A_321, %select_n3A_306 : vector<512x2048xi1>, vector<512x2048xf32>
    %reduce_max3A_323 = arith.constant dense<0xFF800000> : vector<512xf32>
    %reduce_max3A_324 = vector.multi_reduction <maximumf>, %select_n3A_322, %reduce_max3A_323 [1] : vector<512x2048xf32> to vector<512xf32>
    %broadcast_in_dim3A_325 = vector.shape_cast %reduce_max3A_324 : vector<512xf32> to vector<512x1xf32>
    %eq3A_326 = vector.broadcast %broadcast_in_dim3A_325 : vector<512x1xf32> to vector<512x2048xf32>
    %eq3A_327 = arith.cmpf oeq, %select_n3A_322, %eq3A_326 : vector<512x2048xf32>
    %jit3A_328 = arith.constant 2048 : i32
    %broadcast_in_dim3A_329 = vector.broadcast %jit3A_328 : i32 to vector<512x2048xi32>
    %select_n3A_330 = arith.select %eq3A_327, %iota3A, %broadcast_in_dim3A_329 : vector<512x2048xi1>, vector<512x2048xi32>
    %reduce_min3A_331 = arith.constant dense<2147483647> : vector<512xi32>
    %reduce_min3A_332 = vector.multi_reduction <minsi>, %select_n3A_330, %reduce_min3A_331 [1] : vector<512x2048xi32> to vector<512xi32>
    %broadcast_in_dim3A_333 = vector.shape_cast %reduce_min3A_332 : vector<512xi32> to vector<512x1xi32>
    %concatenate3A = tpu.concatenate %broadcast_in_dim3A_29, %broadcast_in_dim3A_45, %broadcast_in_dim3A_61, %broadcast_in_dim3A_77, %broadcast_in_dim3A_93, %broadcast_in_dim3A_109, %broadcast_in_dim3A_125, %broadcast_in_dim3A_141, %broadcast_in_dim3A_157, %broadcast_in_dim3A_173, %broadcast_in_dim3A_189, %broadcast_in_dim3A_205, %broadcast_in_dim3A_221, %broadcast_in_dim3A_237, %broadcast_in_dim3A_253, %broadcast_in_dim3A_269, %broadcast_in_dim3A_285, %broadcast_in_dim3A_301, %broadcast_in_dim3A_317, %broadcast_in_dim3A_333 in 1 : vector<512x1xi32>, vector<512x1xi32>, vector<512x1xi32>, vector<512x1xi32>, vector<512x1xi32>, vector<512x1xi32>, vector<512x1xi32>, vector<512x1xi32>, vector<512x1xi32>, vector<512x1xi32>, vector<512x1xi32>, vector<512x1xi32>, vector<512x1xi32>, vector<512x1xi32>, vector<512x1xi32>, vector<512x1xi32>, vector<512x1xi32>, vector<512x1xi32>, vector<512x1xi32>, vector<512x1xi32> -> vector<512x20xi32>
    %swap3A = arith.constant 0 : index
    %swap3A_334 = arith.constant 0 : index
    %swap3A_335 = arith.constant 0 : index
    %swap3A_336 = vector.load %arg4[%swap3A, %swap3A_334, %swap3A_335] : memref<1x512x20xi32, #tpu.memory_space<vmem>>, vector<1x512x20xi32>
    %swap3A_337 = vector.shape_cast %swap3A_336 : vector<1x512x20xi32> to vector<512x20xi32>
    %swap3A_338 = vector.shape_cast %concatenate3A : vector<512x20xi32> to vector<1x512x20xi32>
    tpu.vector_store %arg4[%swap3A, %swap3A_334, %swap3A_335], %swap3A_338 {strides = array<i32>} : memref<1x512x20xi32, #tpu.memory_space<vmem>>, vector<1x512x20xi32>,
    return
  }
  func.func @transform_0(%arg0: i32, %arg1: i32) -> (i32, i32, i32) {
    %c0_i32 = arith.constant 0 : i32
    %c0_i32_0 = arith.constant 0 : i32
    %c0_i32_1 = arith.constant 0 : i32
    return %arg0, %c0_i32, %c0_i32_0 : i32, i32, i32
  }
  func.func @transform_1(%arg0: i32, %arg1: i32) -> (i32, i32, i32) {
    %c0_i32 = arith.constant 0 : i32
    %c0_i32_0 = arith.constant 0 : i32
    return %arg0, %arg1, %c0_i32 : i32, i32, i32
  }
  func.func @transform_2(%arg0: i32, %arg1: i32) -> (i32, i32, i32) {
    %c0_i32 = arith.constant 0 : i32
    %c0_i32_0 = arith.constant 0 : i32
    return %arg0, %arg1, %c0_i32 : i32, i32, i32
  }
}

module attributes {stable_mosaic.version = 14 : i64} {
  func.func @_edge_body(%arg0: i32, %arg1: i32, %arg2: memref<1x512x20x128xf32, #tpu.memory_space<vmem>>, %arg3: memref<1x512x64xf32, #tpu.memory_space<vmem>>, %arg4: memref<64x128xf32, #tpu.memory_space<vmem>>, %arg5: memref<1x512x64xf32, #tpu.memory_space<vmem>>, %arg6: memref<2x64xf32, #tpu.memory_space<vmem>>, %arg7: memref<1x64xf32, #tpu.memory_space<vmem>>, %arg8: memref<1x64xf32, #tpu.memory_space<vmem>>) attributes {dimension_semantics = [#tpu.dimension_semantics<arbitrary>, #tpu.dimension_semantics<arbitrary>], iteration_bounds = array<i64: 2, 4>, scalar_prefetch = 0 : i64, scratch_operands = 2 : i64, tpu.core_type = #tpu.core_type<tc>, window_params = [{transform_indices = @transform_0, window_bounds = array<i64: 1, 512, 20, 128>}, {transform_indices = @transform_1, window_bounds = array<i64: 1, 512, 64>}, {pipeline_mode = #tpu.pipeline_mode<synchronous>, transform_indices = @transform_2, window_bounds = array<i64: 64, 128>}, {transform_indices = @transform_3, window_bounds = array<i64: 1, 512, 64>}, {pipeline_mode = #tpu.pipeline_mode<synchronous>, transform_indices = @transform_4, window_bounds = array<i64: 2, 64>}]} {
    %eq3A = arith.constant 0 : i32
    %eq3A_0 = arith.cmpi eq, %arg0, %eq3A : i32
    %eq3A_1 = arith.constant 0 : i32
    %eq3A_2 = arith.cmpi eq, %arg1, %eq3A_1 : i32
    %and3A = arith.andi %eq3A_0, %eq3A_2 : i1
    %convert_element_type3A = arith.extui %and3A : i1 to i32
    %cond3A = arith.constant 0 : i32
    %cond3A_3 = arith.cmpi ne, %convert_element_type3A, %cond3A : i32
    scf.if %cond3A_3 {
      %broadcast_in_dim3A_448 = arith.constant 0.000000e+00 : f32
      %broadcast_in_dim3A_449 = vector.broadcast %broadcast_in_dim3A_448 : f32 to vector<1x64xf32>
      %swap3A_450 = arith.constant 0 : index
      %swap3A_451 = arith.constant 0 : index
      %swap3A_452 = vector.load %arg7[%swap3A_450, %swap3A_451] : memref<1x64xf32, #tpu.memory_space<vmem>>, vector<1x64xf32>
      tpu.vector_store %arg7[%swap3A_450, %swap3A_451], %broadcast_in_dim3A_449 {strides = array<i32>} : memref<1x64xf32, #tpu.memory_space<vmem>>, vector<1x64xf32>,
      %broadcast_in_dim3A_453 = arith.constant 0.000000e+00 : f32
      %broadcast_in_dim3A_454 = vector.broadcast %broadcast_in_dim3A_453 : f32 to vector<1x64xf32>
      %swap3A_455 = arith.constant 0 : index
      %swap3A_456 = arith.constant 0 : index
      %swap3A_457 = vector.load %arg8[%swap3A_455, %swap3A_456] : memref<1x64xf32, #tpu.memory_space<vmem>>, vector<1x64xf32>
      tpu.vector_store %arg8[%swap3A_455, %swap3A_456], %broadcast_in_dim3A_454 {strides = array<i32>} : memref<1x64xf32, #tpu.memory_space<vmem>>, vector<1x64xf32>,
    } else {
    }
    %get3A = arith.constant 0 : index
    %get3A_4 = arith.constant 0 : index
    %get3A_5 = arith.constant 0 : index
    %get3A_6 = vector.load %arg3[%get3A, %get3A_4, %get3A_5] : memref<1x512x64xf32, #tpu.memory_space<vmem>>, vector<1x512x64xf32>
    %get3A_7 = vector.shape_cast %get3A_6 : vector<1x512x64xf32> to vector<512x64xf32>
    %get3A_8 = arith.constant 0 : index
    %get3A_9 = arith.constant 0 : index
    %get3A_10 = vector.load %arg4[%get3A_8, %get3A_9] : memref<64x128xf32, #tpu.memory_space<vmem>>, vector<64x128xf32>
    %convert_element_type3A_11 = arith.truncf %get3A_10 : vector<64x128xf32> to vector<64x128xbf16>
    %get3A_12 = arith.constant 0 : index
    %get3A_13 = arith.constant 0 : index
    %get3A_14 = arith.constant 0 : index
    %get3A_15 = arith.constant 0 : index
    %get3A_16 = vector.load %arg2[%get3A_12, %get3A_13, %get3A_14, %get3A_15] : memref<1x512x20x128xf32, #tpu.memory_space<vmem>>, vector<1x512x1x64xf32>
    %get3A_17 = vector.shape_cast %get3A_16 : vector<1x512x1x64xf32> to vector<512x64xf32>
    %sub3A = arith.subf %get3A_17, %get3A_7 : vector<512x64xf32>
    %concatenate3A = tpu.concatenate %sub3A, %get3A_7 in 1 : vector<512x64xf32>, vector<512x64xf32> -> vector<512x128xf32>
    %convert_element_type3A_18 = arith.truncf %concatenate3A : vector<512x128xf32> to vector<512x128xbf16>
    %dot_general3A = arith.constant dense<0.000000e+00> : vector<512x64xf32>
    %dot_general3A_19 = tpu.matmul %convert_element_type3A_18, %convert_element_type3A_11, %dot_general3A {dimension_numbers = #tpu.dot_dimension_numbers<[1], [1], [0], [0], [0, 0, 1, 0], [], []>, transpose_lhs_hint = false} : vector<512x128xbf16>, vector<64x128xbf16>, vector<512x64xf32> -> vector<512x64xf32>
    %reduce_sum3A = arith.constant dense<0.000000e+00> : vector<64xf32>
    %reduce_sum3A_20 = vector.multi_reduction <add>, %dot_general3A_19, %reduce_sum3A [0] : vector<512x64xf32> to vector<64xf32>
    %broadcast_in_dim3A = vector.shape_cast %reduce_sum3A_20 : vector<64xf32> to vector<1x64xf32>
    %mul3A = arith.mulf %dot_general3A_19, %dot_general3A_19 : vector<512x64xf32>
    %reduce_sum3A_21 = arith.constant dense<0.000000e+00> : vector<64xf32>
    %reduce_sum3A_22 = vector.multi_reduction <add>, %mul3A, %reduce_sum3A_21 [0] : vector<512x64xf32> to vector<64xf32>
    %broadcast_in_dim3A_23 = vector.shape_cast %reduce_sum3A_22 : vector<64xf32> to vector<1x64xf32>
    %get3A_24 = arith.constant 0 : index
    %get3A_25 = arith.constant 0 : index
    %get3A_26 = arith.constant 1 : index
    %get3A_27 = arith.constant 0 : index
    %get3A_28 = vector.load %arg2[%get3A_24, %get3A_25, %get3A_26, %get3A_27] : memref<1x512x20x128xf32, #tpu.memory_space<vmem>>, vector<1x512x1x64xf32>
    %get3A_29 = vector.shape_cast %get3A_28 : vector<1x512x1x64xf32> to vector<512x64xf32>
    %sub3A_30 = arith.subf %get3A_29, %get3A_7 : vector<512x64xf32>
    %concatenate3A_31 = tpu.concatenate %sub3A_30, %get3A_7 in 1 : vector<512x64xf32>, vector<512x64xf32> -> vector<512x128xf32>
    %convert_element_type3A_32 = arith.truncf %concatenate3A_31 : vector<512x128xf32> to vector<512x128xbf16>
    %dot_general3A_33 = arith.constant dense<0.000000e+00> : vector<512x64xf32>
    %dot_general3A_34 = tpu.matmul %convert_element_type3A_32, %convert_element_type3A_11, %dot_general3A_33 {dimension_numbers = #tpu.dot_dimension_numbers<[1], [1], [0], [0], [0, 0, 1, 0], [], []>, transpose_lhs_hint = false} : vector<512x128xbf16>, vector<64x128xbf16>, vector<512x64xf32> -> vector<512x64xf32>
    %max3A = arith.maximumf %dot_general3A_19, %dot_general3A_34 : vector<512x64xf32>
    %reduce_sum3A_35 = arith.constant dense<0.000000e+00> : vector<64xf32>
    %reduce_sum3A_36 = vector.multi_reduction <add>, %dot_general3A_34, %reduce_sum3A_35 [0] : vector<512x64xf32> to vector<64xf32>
    %broadcast_in_dim3A_37 = vector.shape_cast %reduce_sum3A_36 : vector<64xf32> to vector<1x64xf32>
    %mul3A_38 = arith.mulf %dot_general3A_34, %dot_general3A_34 : vector<512x64xf32>
    %reduce_sum3A_39 = arith.constant dense<0.000000e+00> : vector<64xf32>
    %reduce_sum3A_40 = vector.multi_reduction <add>, %mul3A_38, %reduce_sum3A_39 [0] : vector<512x64xf32> to vector<64xf32>
    %broadcast_in_dim3A_41 = vector.shape_cast %reduce_sum3A_40 : vector<64xf32> to vector<1x64xf32>
    %add3A = arith.addf %broadcast_in_dim3A, %broadcast_in_dim3A_37 : vector<1x64xf32>
    %add3A_42 = arith.addf %broadcast_in_dim3A_23, %broadcast_in_dim3A_41 : vector<1x64xf32>
    %get3A_43 = arith.constant 0 : index
    %get3A_44 = arith.constant 0 : index
    %get3A_45 = arith.constant 2 : index
    %get3A_46 = arith.constant 0 : index
    %get3A_47 = vector.load %arg2[%get3A_43, %get3A_44, %get3A_45, %get3A_46] : memref<1x512x20x128xf32, #tpu.memory_space<vmem>>, vector<1x512x1x64xf32>
    %get3A_48 = vector.shape_cast %get3A_47 : vector<1x512x1x64xf32> to vector<512x64xf32>
    %sub3A_49 = arith.subf %get3A_48, %get3A_7 : vector<512x64xf32>
    %concatenate3A_50 = tpu.concatenate %sub3A_49, %get3A_7 in 1 : vector<512x64xf32>, vector<512x64xf32> -> vector<512x128xf32>
    %convert_element_type3A_51 = arith.truncf %concatenate3A_50 : vector<512x128xf32> to vector<512x128xbf16>
    %dot_general3A_52 = arith.constant dense<0.000000e+00> : vector<512x64xf32>
    %dot_general3A_53 = tpu.matmul %convert_element_type3A_51, %convert_element_type3A_11, %dot_general3A_52 {dimension_numbers = #tpu.dot_dimension_numbers<[1], [1], [0], [0], [0, 0, 1, 0], [], []>, transpose_lhs_hint = false} : vector<512x128xbf16>, vector<64x128xbf16>, vector<512x64xf32> -> vector<512x64xf32>
    %max3A_54 = arith.maximumf %max3A, %dot_general3A_53 : vector<512x64xf32>
    %reduce_sum3A_55 = arith.constant dense<0.000000e+00> : vector<64xf32>
    %reduce_sum3A_56 = vector.multi_reduction <add>, %dot_general3A_53, %reduce_sum3A_55 [0] : vector<512x64xf32> to vector<64xf32>
    %broadcast_in_dim3A_57 = vector.shape_cast %reduce_sum3A_56 : vector<64xf32> to vector<1x64xf32>
    %mul3A_58 = arith.mulf %dot_general3A_53, %dot_general3A_53 : vector<512x64xf32>
    %reduce_sum3A_59 = arith.constant dense<0.000000e+00> : vector<64xf32>
    %reduce_sum3A_60 = vector.multi_reduction <add>, %mul3A_58, %reduce_sum3A_59 [0] : vector<512x64xf32> to vector<64xf32>
    %broadcast_in_dim3A_61 = vector.shape_cast %reduce_sum3A_60 : vector<64xf32> to vector<1x64xf32>
    %add3A_62 = arith.addf %add3A, %broadcast_in_dim3A_57 : vector<1x64xf32>
    %add3A_63 = arith.addf %add3A_42, %broadcast_in_dim3A_61 : vector<1x64xf32>
    %get3A_64 = arith.constant 0 : index
    %get3A_65 = arith.constant 0 : index
    %get3A_66 = arith.constant 3 : index
    %get3A_67 = arith.constant 0 : index
    %get3A_68 = vector.load %arg2[%get3A_64, %get3A_65, %get3A_66, %get3A_67] : memref<1x512x20x128xf32, #tpu.memory_space<vmem>>, vector<1x512x1x64xf32>
    %get3A_69 = vector.shape_cast %get3A_68 : vector<1x512x1x64xf32> to vector<512x64xf32>
    %sub3A_70 = arith.subf %get3A_69, %get3A_7 : vector<512x64xf32>
    %concatenate3A_71 = tpu.concatenate %sub3A_70, %get3A_7 in 1 : vector<512x64xf32>, vector<512x64xf32> -> vector<512x128xf32>
    %convert_element_type3A_72 = arith.truncf %concatenate3A_71 : vector<512x128xf32> to vector<512x128xbf16>
    %dot_general3A_73 = arith.constant dense<0.000000e+00> : vector<512x64xf32>
    %dot_general3A_74 = tpu.matmul %convert_element_type3A_72, %convert_element_type3A_11, %dot_general3A_73 {dimension_numbers = #tpu.dot_dimension_numbers<[1], [1], [0], [0], [0, 0, 1, 0], [], []>, transpose_lhs_hint = false} : vector<512x128xbf16>, vector<64x128xbf16>, vector<512x64xf32> -> vector<512x64xf32>
    %max3A_75 = arith.maximumf %max3A_54, %dot_general3A_74 : vector<512x64xf32>
    %reduce_sum3A_76 = arith.constant dense<0.000000e+00> : vector<64xf32>
    %reduce_sum3A_77 = vector.multi_reduction <add>, %dot_general3A_74, %reduce_sum3A_76 [0] : vector<512x64xf32> to vector<64xf32>
    %broadcast_in_dim3A_78 = vector.shape_cast %reduce_sum3A_77 : vector<64xf32> to vector<1x64xf32>
    %mul3A_79 = arith.mulf %dot_general3A_74, %dot_general3A_74 : vector<512x64xf32>
    %reduce_sum3A_80 = arith.constant dense<0.000000e+00> : vector<64xf32>
    %reduce_sum3A_81 = vector.multi_reduction <add>, %mul3A_79, %reduce_sum3A_80 [0] : vector<512x64xf32> to vector<64xf32>
    %broadcast_in_dim3A_82 = vector.shape_cast %reduce_sum3A_81 : vector<64xf32> to vector<1x64xf32>
    %add3A_83 = arith.addf %add3A_62, %broadcast_in_dim3A_78 : vector<1x64xf32>
    %add3A_84 = arith.addf %add3A_63, %broadcast_in_dim3A_82 : vector<1x64xf32>
    %get3A_85 = arith.constant 0 : index
    %get3A_86 = arith.constant 0 : index
    %get3A_87 = arith.constant 4 : index
    %get3A_88 = arith.constant 0 : index
    %get3A_89 = vector.load %arg2[%get3A_85, %get3A_86, %get3A_87, %get3A_88] : memref<1x512x20x128xf32, #tpu.memory_space<vmem>>, vector<1x512x1x64xf32>
    %get3A_90 = vector.shape_cast %get3A_89 : vector<1x512x1x64xf32> to vector<512x64xf32>
    %sub3A_91 = arith.subf %get3A_90, %get3A_7 : vector<512x64xf32>
    %concatenate3A_92 = tpu.concatenate %sub3A_91, %get3A_7 in 1 : vector<512x64xf32>, vector<512x64xf32> -> vector<512x128xf32>
    %convert_element_type3A_93 = arith.truncf %concatenate3A_92 : vector<512x128xf32> to vector<512x128xbf16>
    %dot_general3A_94 = arith.constant dense<0.000000e+00> : vector<512x64xf32>
    %dot_general3A_95 = tpu.matmul %convert_element_type3A_93, %convert_element_type3A_11, %dot_general3A_94 {dimension_numbers = #tpu.dot_dimension_numbers<[1], [1], [0], [0], [0, 0, 1, 0], [], []>, transpose_lhs_hint = false} : vector<512x128xbf16>, vector<64x128xbf16>, vector<512x64xf32> -> vector<512x64xf32>
    %max3A_96 = arith.maximumf %max3A_75, %dot_general3A_95 : vector<512x64xf32>
    %reduce_sum3A_97 = arith.constant dense<0.000000e+00> : vector<64xf32>
    %reduce_sum3A_98 = vector.multi_reduction <add>, %dot_general3A_95, %reduce_sum3A_97 [0] : vector<512x64xf32> to vector<64xf32>
    %broadcast_in_dim3A_99 = vector.shape_cast %reduce_sum3A_98 : vector<64xf32> to vector<1x64xf32>
    %mul3A_100 = arith.mulf %dot_general3A_95, %dot_general3A_95 : vector<512x64xf32>
    %reduce_sum3A_101 = arith.constant dense<0.000000e+00> : vector<64xf32>
    %reduce_sum3A_102 = vector.multi_reduction <add>, %mul3A_100, %reduce_sum3A_101 [0] : vector<512x64xf32> to vector<64xf32>
    %broadcast_in_dim3A_103 = vector.shape_cast %reduce_sum3A_102 : vector<64xf32> to vector<1x64xf32>
    %add3A_104 = arith.addf %add3A_83, %broadcast_in_dim3A_99 : vector<1x64xf32>
    %add3A_105 = arith.addf %add3A_84, %broadcast_in_dim3A_103 : vector<1x64xf32>
    %get3A_106 = arith.constant 0 : index
    %get3A_107 = arith.constant 0 : index
    %get3A_108 = arith.constant 5 : index
    %get3A_109 = arith.constant 0 : index
    %get3A_110 = vector.load %arg2[%get3A_106, %get3A_107, %get3A_108, %get3A_109] : memref<1x512x20x128xf32, #tpu.memory_space<vmem>>, vector<1x512x1x64xf32>
    %get3A_111 = vector.shape_cast %get3A_110 : vector<1x512x1x64xf32> to vector<512x64xf32>
    %sub3A_112 = arith.subf %get3A_111, %get3A_7 : vector<512x64xf32>
    %concatenate3A_113 = tpu.concatenate %sub3A_112, %get3A_7 in 1 : vector<512x64xf32>, vector<512x64xf32> -> vector<512x128xf32>
    %convert_element_type3A_114 = arith.truncf %concatenate3A_113 : vector<512x128xf32> to vector<512x128xbf16>
    %dot_general3A_115 = arith.constant dense<0.000000e+00> : vector<512x64xf32>
    %dot_general3A_116 = tpu.matmul %convert_element_type3A_114, %convert_element_type3A_11, %dot_general3A_115 {dimension_numbers = #tpu.dot_dimension_numbers<[1], [1], [0], [0], [0, 0, 1, 0], [], []>, transpose_lhs_hint = false} : vector<512x128xbf16>, vector<64x128xbf16>, vector<512x64xf32> -> vector<512x64xf32>
    %max3A_117 = arith.maximumf %max3A_96, %dot_general3A_116 : vector<512x64xf32>
    %reduce_sum3A_118 = arith.constant dense<0.000000e+00> : vector<64xf32>
    %reduce_sum3A_119 = vector.multi_reduction <add>, %dot_general3A_116, %reduce_sum3A_118 [0] : vector<512x64xf32> to vector<64xf32>
    %broadcast_in_dim3A_120 = vector.shape_cast %reduce_sum3A_119 : vector<64xf32> to vector<1x64xf32>
    %mul3A_121 = arith.mulf %dot_general3A_116, %dot_general3A_116 : vector<512x64xf32>
    %reduce_sum3A_122 = arith.constant dense<0.000000e+00> : vector<64xf32>
    %reduce_sum3A_123 = vector.multi_reduction <add>, %mul3A_121, %reduce_sum3A_122 [0] : vector<512x64xf32> to vector<64xf32>
    %broadcast_in_dim3A_124 = vector.shape_cast %reduce_sum3A_123 : vector<64xf32> to vector<1x64xf32>
    %add3A_125 = arith.addf %add3A_104, %broadcast_in_dim3A_120 : vector<1x64xf32>
    %add3A_126 = arith.addf %add3A_105, %broadcast_in_dim3A_124 : vector<1x64xf32>
    %get3A_127 = arith.constant 0 : index
    %get3A_128 = arith.constant 0 : index
    %get3A_129 = arith.constant 6 : index
    %get3A_130 = arith.constant 0 : index
    %get3A_131 = vector.load %arg2[%get3A_127, %get3A_128, %get3A_129, %get3A_130] : memref<1x512x20x128xf32, #tpu.memory_space<vmem>>, vector<1x512x1x64xf32>
    %get3A_132 = vector.shape_cast %get3A_131 : vector<1x512x1x64xf32> to vector<512x64xf32>
    %sub3A_133 = arith.subf %get3A_132, %get3A_7 : vector<512x64xf32>
    %concatenate3A_134 = tpu.concatenate %sub3A_133, %get3A_7 in 1 : vector<512x64xf32>, vector<512x64xf32> -> vector<512x128xf32>
    %convert_element_type3A_135 = arith.truncf %concatenate3A_134 : vector<512x128xf32> to vector<512x128xbf16>
    %dot_general3A_136 = arith.constant dense<0.000000e+00> : vector<512x64xf32>
    %dot_general3A_137 = tpu.matmul %convert_element_type3A_135, %convert_element_type3A_11, %dot_general3A_136 {dimension_numbers = #tpu.dot_dimension_numbers<[1], [1], [0], [0], [0, 0, 1, 0], [], []>, transpose_lhs_hint = false} : vector<512x128xbf16>, vector<64x128xbf16>, vector<512x64xf32> -> vector<512x64xf32>
    %max3A_138 = arith.maximumf %max3A_117, %dot_general3A_137 : vector<512x64xf32>
    %reduce_sum3A_139 = arith.constant dense<0.000000e+00> : vector<64xf32>
    %reduce_sum3A_140 = vector.multi_reduction <add>, %dot_general3A_137, %reduce_sum3A_139 [0] : vector<512x64xf32> to vector<64xf32>
    %broadcast_in_dim3A_141 = vector.shape_cast %reduce_sum3A_140 : vector<64xf32> to vector<1x64xf32>
    %mul3A_142 = arith.mulf %dot_general3A_137, %dot_general3A_137 : vector<512x64xf32>
    %reduce_sum3A_143 = arith.constant dense<0.000000e+00> : vector<64xf32>
    %reduce_sum3A_144 = vector.multi_reduction <add>, %mul3A_142, %reduce_sum3A_143 [0] : vector<512x64xf32> to vector<64xf32>
    %broadcast_in_dim3A_145 = vector.shape_cast %reduce_sum3A_144 : vector<64xf32> to vector<1x64xf32>
    %add3A_146 = arith.addf %add3A_125, %broadcast_in_dim3A_141 : vector<1x64xf32>
    %add3A_147 = arith.addf %add3A_126, %broadcast_in_dim3A_145 : vector<1x64xf32>
    %get3A_148 = arith.constant 0 : index
    %get3A_149 = arith.constant 0 : index
    %get3A_150 = arith.constant 7 : index
    %get3A_151 = arith.constant 0 : index
    %get3A_152 = vector.load %arg2[%get3A_148, %get3A_149, %get3A_150, %get3A_151] : memref<1x512x20x128xf32, #tpu.memory_space<vmem>>, vector<1x512x1x64xf32>
    %get3A_153 = vector.shape_cast %get3A_152 : vector<1x512x1x64xf32> to vector<512x64xf32>
    %sub3A_154 = arith.subf %get3A_153, %get3A_7 : vector<512x64xf32>
    %concatenate3A_155 = tpu.concatenate %sub3A_154, %get3A_7 in 1 : vector<512x64xf32>, vector<512x64xf32> -> vector<512x128xf32>
    %convert_element_type3A_156 = arith.truncf %concatenate3A_155 : vector<512x128xf32> to vector<512x128xbf16>
    %dot_general3A_157 = arith.constant dense<0.000000e+00> : vector<512x64xf32>
    %dot_general3A_158 = tpu.matmul %convert_element_type3A_156, %convert_element_type3A_11, %dot_general3A_157 {dimension_numbers = #tpu.dot_dimension_numbers<[1], [1], [0], [0], [0, 0, 1, 0], [], []>, transpose_lhs_hint = false} : vector<512x128xbf16>, vector<64x128xbf16>, vector<512x64xf32> -> vector<512x64xf32>
    %max3A_159 = arith.maximumf %max3A_138, %dot_general3A_158 : vector<512x64xf32>
    %reduce_sum3A_160 = arith.constant dense<0.000000e+00> : vector<64xf32>
    %reduce_sum3A_161 = vector.multi_reduction <add>, %dot_general3A_158, %reduce_sum3A_160 [0] : vector<512x64xf32> to vector<64xf32>
    %broadcast_in_dim3A_162 = vector.shape_cast %reduce_sum3A_161 : vector<64xf32> to vector<1x64xf32>
    %mul3A_163 = arith.mulf %dot_general3A_158, %dot_general3A_158 : vector<512x64xf32>
    %reduce_sum3A_164 = arith.constant dense<0.000000e+00> : vector<64xf32>
    %reduce_sum3A_165 = vector.multi_reduction <add>, %mul3A_163, %reduce_sum3A_164 [0] : vector<512x64xf32> to vector<64xf32>
    %broadcast_in_dim3A_166 = vector.shape_cast %reduce_sum3A_165 : vector<64xf32> to vector<1x64xf32>
    %add3A_167 = arith.addf %add3A_146, %broadcast_in_dim3A_162 : vector<1x64xf32>
    %add3A_168 = arith.addf %add3A_147, %broadcast_in_dim3A_166 : vector<1x64xf32>
    %get3A_169 = arith.constant 0 : index
    %get3A_170 = arith.constant 0 : index
    %get3A_171 = arith.constant 8 : index
    %get3A_172 = arith.constant 0 : index
    %get3A_173 = vector.load %arg2[%get3A_169, %get3A_170, %get3A_171, %get3A_172] : memref<1x512x20x128xf32, #tpu.memory_space<vmem>>, vector<1x512x1x64xf32>
    %get3A_174 = vector.shape_cast %get3A_173 : vector<1x512x1x64xf32> to vector<512x64xf32>
    %sub3A_175 = arith.subf %get3A_174, %get3A_7 : vector<512x64xf32>
    %concatenate3A_176 = tpu.concatenate %sub3A_175, %get3A_7 in 1 : vector<512x64xf32>, vector<512x64xf32> -> vector<512x128xf32>
    %convert_element_type3A_177 = arith.truncf %concatenate3A_176 : vector<512x128xf32> to vector<512x128xbf16>
    %dot_general3A_178 = arith.constant dense<0.000000e+00> : vector<512x64xf32>
    %dot_general3A_179 = tpu.matmul %convert_element_type3A_177, %convert_element_type3A_11, %dot_general3A_178 {dimension_numbers = #tpu.dot_dimension_numbers<[1], [1], [0], [0], [0, 0, 1, 0], [], []>, transpose_lhs_hint = false} : vector<512x128xbf16>, vector<64x128xbf16>, vector<512x64xf32> -> vector<512x64xf32>
    %max3A_180 = arith.maximumf %max3A_159, %dot_general3A_179 : vector<512x64xf32>
    %reduce_sum3A_181 = arith.constant dense<0.000000e+00> : vector<64xf32>
    %reduce_sum3A_182 = vector.multi_reduction <add>, %dot_general3A_179, %reduce_sum3A_181 [0] : vector<512x64xf32> to vector<64xf32>
    %broadcast_in_dim3A_183 = vector.shape_cast %reduce_sum3A_182 : vector<64xf32> to vector<1x64xf32>
    %mul3A_184 = arith.mulf %dot_general3A_179, %dot_general3A_179 : vector<512x64xf32>
    %reduce_sum3A_185 = arith.constant dense<0.000000e+00> : vector<64xf32>
    %reduce_sum3A_186 = vector.multi_reduction <add>, %mul3A_184, %reduce_sum3A_185 [0] : vector<512x64xf32> to vector<64xf32>
    %broadcast_in_dim3A_187 = vector.shape_cast %reduce_sum3A_186 : vector<64xf32> to vector<1x64xf32>
    %add3A_188 = arith.addf %add3A_167, %broadcast_in_dim3A_183 : vector<1x64xf32>
    %add3A_189 = arith.addf %add3A_168, %broadcast_in_dim3A_187 : vector<1x64xf32>
    %get3A_190 = arith.constant 0 : index
    %get3A_191 = arith.constant 0 : index
    %get3A_192 = arith.constant 9 : index
    %get3A_193 = arith.constant 0 : index
    %get3A_194 = vector.load %arg2[%get3A_190, %get3A_191, %get3A_192, %get3A_193] : memref<1x512x20x128xf32, #tpu.memory_space<vmem>>, vector<1x512x1x64xf32>
    %get3A_195 = vector.shape_cast %get3A_194 : vector<1x512x1x64xf32> to vector<512x64xf32>
    %sub3A_196 = arith.subf %get3A_195, %get3A_7 : vector<512x64xf32>
    %concatenate3A_197 = tpu.concatenate %sub3A_196, %get3A_7 in 1 : vector<512x64xf32>, vector<512x64xf32> -> vector<512x128xf32>
    %convert_element_type3A_198 = arith.truncf %concatenate3A_197 : vector<512x128xf32> to vector<512x128xbf16>
    %dot_general3A_199 = arith.constant dense<0.000000e+00> : vector<512x64xf32>
    %dot_general3A_200 = tpu.matmul %convert_element_type3A_198, %convert_element_type3A_11, %dot_general3A_199 {dimension_numbers = #tpu.dot_dimension_numbers<[1], [1], [0], [0], [0, 0, 1, 0], [], []>, transpose_lhs_hint = false} : vector<512x128xbf16>, vector<64x128xbf16>, vector<512x64xf32> -> vector<512x64xf32>
    %max3A_201 = arith.maximumf %max3A_180, %dot_general3A_200 : vector<512x64xf32>
    %reduce_sum3A_202 = arith.constant dense<0.000000e+00> : vector<64xf32>
    %reduce_sum3A_203 = vector.multi_reduction <add>, %dot_general3A_200, %reduce_sum3A_202 [0] : vector<512x64xf32> to vector<64xf32>
    %broadcast_in_dim3A_204 = vector.shape_cast %reduce_sum3A_203 : vector<64xf32> to vector<1x64xf32>
    %mul3A_205 = arith.mulf %dot_general3A_200, %dot_general3A_200 : vector<512x64xf32>
    %reduce_sum3A_206 = arith.constant dense<0.000000e+00> : vector<64xf32>
    %reduce_sum3A_207 = vector.multi_reduction <add>, %mul3A_205, %reduce_sum3A_206 [0] : vector<512x64xf32> to vector<64xf32>
    %broadcast_in_dim3A_208 = vector.shape_cast %reduce_sum3A_207 : vector<64xf32> to vector<1x64xf32>
    %add3A_209 = arith.addf %add3A_188, %broadcast_in_dim3A_204 : vector<1x64xf32>
    %add3A_210 = arith.addf %add3A_189, %broadcast_in_dim3A_208 : vector<1x64xf32>
    %get3A_211 = arith.constant 0 : index
    %get3A_212 = arith.constant 0 : index
    %get3A_213 = arith.constant 10 : index
    %get3A_214 = arith.constant 0 : index
    %get3A_215 = vector.load %arg2[%get3A_211, %get3A_212, %get3A_213, %get3A_214] : memref<1x512x20x128xf32, #tpu.memory_space<vmem>>, vector<1x512x1x64xf32>
    %get3A_216 = vector.shape_cast %get3A_215 : vector<1x512x1x64xf32> to vector<512x64xf32>
    %sub3A_217 = arith.subf %get3A_216, %get3A_7 : vector<512x64xf32>
    %concatenate3A_218 = tpu.concatenate %sub3A_217, %get3A_7 in 1 : vector<512x64xf32>, vector<512x64xf32> -> vector<512x128xf32>
    %convert_element_type3A_219 = arith.truncf %concatenate3A_218 : vector<512x128xf32> to vector<512x128xbf16>
    %dot_general3A_220 = arith.constant dense<0.000000e+00> : vector<512x64xf32>
    %dot_general3A_221 = tpu.matmul %convert_element_type3A_219, %convert_element_type3A_11, %dot_general3A_220 {dimension_numbers = #tpu.dot_dimension_numbers<[1], [1], [0], [0], [0, 0, 1, 0], [], []>, transpose_lhs_hint = false} : vector<512x128xbf16>, vector<64x128xbf16>, vector<512x64xf32> -> vector<512x64xf32>
    %max3A_222 = arith.maximumf %max3A_201, %dot_general3A_221 : vector<512x64xf32>
    %reduce_sum3A_223 = arith.constant dense<0.000000e+00> : vector<64xf32>
    %reduce_sum3A_224 = vector.multi_reduction <add>, %dot_general3A_221, %reduce_sum3A_223 [0] : vector<512x64xf32> to vector<64xf32>
    %broadcast_in_dim3A_225 = vector.shape_cast %reduce_sum3A_224 : vector<64xf32> to vector<1x64xf32>
    %mul3A_226 = arith.mulf %dot_general3A_221, %dot_general3A_221 : vector<512x64xf32>
    %reduce_sum3A_227 = arith.constant dense<0.000000e+00> : vector<64xf32>
    %reduce_sum3A_228 = vector.multi_reduction <add>, %mul3A_226, %reduce_sum3A_227 [0] : vector<512x64xf32> to vector<64xf32>
    %broadcast_in_dim3A_229 = vector.shape_cast %reduce_sum3A_228 : vector<64xf32> to vector<1x64xf32>
    %add3A_230 = arith.addf %add3A_209, %broadcast_in_dim3A_225 : vector<1x64xf32>
    %add3A_231 = arith.addf %add3A_210, %broadcast_in_dim3A_229 : vector<1x64xf32>
    %get3A_232 = arith.constant 0 : index
    %get3A_233 = arith.constant 0 : index
    %get3A_234 = arith.constant 11 : index
    %get3A_235 = arith.constant 0 : index
    %get3A_236 = vector.load %arg2[%get3A_232, %get3A_233, %get3A_234, %get3A_235] : memref<1x512x20x128xf32, #tpu.memory_space<vmem>>, vector<1x512x1x64xf32>
    %get3A_237 = vector.shape_cast %get3A_236 : vector<1x512x1x64xf32> to vector<512x64xf32>
    %sub3A_238 = arith.subf %get3A_237, %get3A_7 : vector<512x64xf32>
    %concatenate3A_239 = tpu.concatenate %sub3A_238, %get3A_7 in 1 : vector<512x64xf32>, vector<512x64xf32> -> vector<512x128xf32>
    %convert_element_type3A_240 = arith.truncf %concatenate3A_239 : vector<512x128xf32> to vector<512x128xbf16>
    %dot_general3A_241 = arith.constant dense<0.000000e+00> : vector<512x64xf32>
    %dot_general3A_242 = tpu.matmul %convert_element_type3A_240, %convert_element_type3A_11, %dot_general3A_241 {dimension_numbers = #tpu.dot_dimension_numbers<[1], [1], [0], [0], [0, 0, 1, 0], [], []>, transpose_lhs_hint = false} : vector<512x128xbf16>, vector<64x128xbf16>, vector<512x64xf32> -> vector<512x64xf32>
    %max3A_243 = arith.maximumf %max3A_222, %dot_general3A_242 : vector<512x64xf32>
    %reduce_sum3A_244 = arith.constant dense<0.000000e+00> : vector<64xf32>
    %reduce_sum3A_245 = vector.multi_reduction <add>, %dot_general3A_242, %reduce_sum3A_244 [0] : vector<512x64xf32> to vector<64xf32>
    %broadcast_in_dim3A_246 = vector.shape_cast %reduce_sum3A_245 : vector<64xf32> to vector<1x64xf32>
    %mul3A_247 = arith.mulf %dot_general3A_242, %dot_general3A_242 : vector<512x64xf32>
    %reduce_sum3A_248 = arith.constant dense<0.000000e+00> : vector<64xf32>
    %reduce_sum3A_249 = vector.multi_reduction <add>, %mul3A_247, %reduce_sum3A_248 [0] : vector<512x64xf32> to vector<64xf32>
    %broadcast_in_dim3A_250 = vector.shape_cast %reduce_sum3A_249 : vector<64xf32> to vector<1x64xf32>
    %add3A_251 = arith.addf %add3A_230, %broadcast_in_dim3A_246 : vector<1x64xf32>
    %add3A_252 = arith.addf %add3A_231, %broadcast_in_dim3A_250 : vector<1x64xf32>
    %get3A_253 = arith.constant 0 : index
    %get3A_254 = arith.constant 0 : index
    %get3A_255 = arith.constant 12 : index
    %get3A_256 = arith.constant 0 : index
    %get3A_257 = vector.load %arg2[%get3A_253, %get3A_254, %get3A_255, %get3A_256] : memref<1x512x20x128xf32, #tpu.memory_space<vmem>>, vector<1x512x1x64xf32>
    %get3A_258 = vector.shape_cast %get3A_257 : vector<1x512x1x64xf32> to vector<512x64xf32>
    %sub3A_259 = arith.subf %get3A_258, %get3A_7 : vector<512x64xf32>
    %concatenate3A_260 = tpu.concatenate %sub3A_259, %get3A_7 in 1 : vector<512x64xf32>, vector<512x64xf32> -> vector<512x128xf32>
    %convert_element_type3A_261 = arith.truncf %concatenate3A_260 : vector<512x128xf32> to vector<512x128xbf16>
    %dot_general3A_262 = arith.constant dense<0.000000e+00> : vector<512x64xf32>
    %dot_general3A_263 = tpu.matmul %convert_element_type3A_261, %convert_element_type3A_11, %dot_general3A_262 {dimension_numbers = #tpu.dot_dimension_numbers<[1], [1], [0], [0], [0, 0, 1, 0], [], []>, transpose_lhs_hint = false} : vector<512x128xbf16>, vector<64x128xbf16>, vector<512x64xf32> -> vector<512x64xf32>
    %max3A_264 = arith.maximumf %max3A_243, %dot_general3A_263 : vector<512x64xf32>
    %reduce_sum3A_265 = arith.constant dense<0.000000e+00> : vector<64xf32>
    %reduce_sum3A_266 = vector.multi_reduction <add>, %dot_general3A_263, %reduce_sum3A_265 [0] : vector<512x64xf32> to vector<64xf32>
    %broadcast_in_dim3A_267 = vector.shape_cast %reduce_sum3A_266 : vector<64xf32> to vector<1x64xf32>
    %mul3A_268 = arith.mulf %dot_general3A_263, %dot_general3A_263 : vector<512x64xf32>
    %reduce_sum3A_269 = arith.constant dense<0.000000e+00> : vector<64xf32>
    %reduce_sum3A_270 = vector.multi_reduction <add>, %mul3A_268, %reduce_sum3A_269 [0] : vector<512x64xf32> to vector<64xf32>
    %broadcast_in_dim3A_271 = vector.shape_cast %reduce_sum3A_270 : vector<64xf32> to vector<1x64xf32>
    %add3A_272 = arith.addf %add3A_251, %broadcast_in_dim3A_267 : vector<1x64xf32>
    %add3A_273 = arith.addf %add3A_252, %broadcast_in_dim3A_271 : vector<1x64xf32>
    %get3A_274 = arith.constant 0 : index
    %get3A_275 = arith.constant 0 : index
    %get3A_276 = arith.constant 13 : index
    %get3A_277 = arith.constant 0 : index
    %get3A_278 = vector.load %arg2[%get3A_274, %get3A_275, %get3A_276, %get3A_277] : memref<1x512x20x128xf32, #tpu.memory_space<vmem>>, vector<1x512x1x64xf32>
    %get3A_279 = vector.shape_cast %get3A_278 : vector<1x512x1x64xf32> to vector<512x64xf32>
    %sub3A_280 = arith.subf %get3A_279, %get3A_7 : vector<512x64xf32>
    %concatenate3A_281 = tpu.concatenate %sub3A_280, %get3A_7 in 1 : vector<512x64xf32>, vector<512x64xf32> -> vector<512x128xf32>
    %convert_element_type3A_282 = arith.truncf %concatenate3A_281 : vector<512x128xf32> to vector<512x128xbf16>
    %dot_general3A_283 = arith.constant dense<0.000000e+00> : vector<512x64xf32>
    %dot_general3A_284 = tpu.matmul %convert_element_type3A_282, %convert_element_type3A_11, %dot_general3A_283 {dimension_numbers = #tpu.dot_dimension_numbers<[1], [1], [0], [0], [0, 0, 1, 0], [], []>, transpose_lhs_hint = false} : vector<512x128xbf16>, vector<64x128xbf16>, vector<512x64xf32> -> vector<512x64xf32>
    %max3A_285 = arith.maximumf %max3A_264, %dot_general3A_284 : vector<512x64xf32>
    %reduce_sum3A_286 = arith.constant dense<0.000000e+00> : vector<64xf32>
    %reduce_sum3A_287 = vector.multi_reduction <add>, %dot_general3A_284, %reduce_sum3A_286 [0] : vector<512x64xf32> to vector<64xf32>
    %broadcast_in_dim3A_288 = vector.shape_cast %reduce_sum3A_287 : vector<64xf32> to vector<1x64xf32>
    %mul3A_289 = arith.mulf %dot_general3A_284, %dot_general3A_284 : vector<512x64xf32>
    %reduce_sum3A_290 = arith.constant dense<0.000000e+00> : vector<64xf32>
    %reduce_sum3A_291 = vector.multi_reduction <add>, %mul3A_289, %reduce_sum3A_290 [0] : vector<512x64xf32> to vector<64xf32>
    %broadcast_in_dim3A_292 = vector.shape_cast %reduce_sum3A_291 : vector<64xf32> to vector<1x64xf32>
    %add3A_293 = arith.addf %add3A_272, %broadcast_in_dim3A_288 : vector<1x64xf32>
    %add3A_294 = arith.addf %add3A_273, %broadcast_in_dim3A_292 : vector<1x64xf32>
    %get3A_295 = arith.constant 0 : index
    %get3A_296 = arith.constant 0 : index
    %get3A_297 = arith.constant 14 : index
    %get3A_298 = arith.constant 0 : index
    %get3A_299 = vector.load %arg2[%get3A_295, %get3A_296, %get3A_297, %get3A_298] : memref<1x512x20x128xf32, #tpu.memory_space<vmem>>, vector<1x512x1x64xf32>
    %get3A_300 = vector.shape_cast %get3A_299 : vector<1x512x1x64xf32> to vector<512x64xf32>
    %sub3A_301 = arith.subf %get3A_300, %get3A_7 : vector<512x64xf32>
    %concatenate3A_302 = tpu.concatenate %sub3A_301, %get3A_7 in 1 : vector<512x64xf32>, vector<512x64xf32> -> vector<512x128xf32>
    %convert_element_type3A_303 = arith.truncf %concatenate3A_302 : vector<512x128xf32> to vector<512x128xbf16>
    %dot_general3A_304 = arith.constant dense<0.000000e+00> : vector<512x64xf32>
    %dot_general3A_305 = tpu.matmul %convert_element_type3A_303, %convert_element_type3A_11, %dot_general3A_304 {dimension_numbers = #tpu.dot_dimension_numbers<[1], [1], [0], [0], [0, 0, 1, 0], [], []>, transpose_lhs_hint = false} : vector<512x128xbf16>, vector<64x128xbf16>, vector<512x64xf32> -> vector<512x64xf32>
    %max3A_306 = arith.maximumf %max3A_285, %dot_general3A_305 : vector<512x64xf32>
    %reduce_sum3A_307 = arith.constant dense<0.000000e+00> : vector<64xf32>
    %reduce_sum3A_308 = vector.multi_reduction <add>, %dot_general3A_305, %reduce_sum3A_307 [0] : vector<512x64xf32> to vector<64xf32>
    %broadcast_in_dim3A_309 = vector.shape_cast %reduce_sum3A_308 : vector<64xf32> to vector<1x64xf32>
    %mul3A_310 = arith.mulf %dot_general3A_305, %dot_general3A_305 : vector<512x64xf32>
    %reduce_sum3A_311 = arith.constant dense<0.000000e+00> : vector<64xf32>
    %reduce_sum3A_312 = vector.multi_reduction <add>, %mul3A_310, %reduce_sum3A_311 [0] : vector<512x64xf32> to vector<64xf32>
    %broadcast_in_dim3A_313 = vector.shape_cast %reduce_sum3A_312 : vector<64xf32> to vector<1x64xf32>
    %add3A_314 = arith.addf %add3A_293, %broadcast_in_dim3A_309 : vector<1x64xf32>
    %add3A_315 = arith.addf %add3A_294, %broadcast_in_dim3A_313 : vector<1x64xf32>
    %get3A_316 = arith.constant 0 : index
    %get3A_317 = arith.constant 0 : index
    %get3A_318 = arith.constant 15 : index
    %get3A_319 = arith.constant 0 : index
    %get3A_320 = vector.load %arg2[%get3A_316, %get3A_317, %get3A_318, %get3A_319] : memref<1x512x20x128xf32, #tpu.memory_space<vmem>>, vector<1x512x1x64xf32>
    %get3A_321 = vector.shape_cast %get3A_320 : vector<1x512x1x64xf32> to vector<512x64xf32>
    %sub3A_322 = arith.subf %get3A_321, %get3A_7 : vector<512x64xf32>
    %concatenate3A_323 = tpu.concatenate %sub3A_322, %get3A_7 in 1 : vector<512x64xf32>, vector<512x64xf32> -> vector<512x128xf32>
    %convert_element_type3A_324 = arith.truncf %concatenate3A_323 : vector<512x128xf32> to vector<512x128xbf16>
    %dot_general3A_325 = arith.constant dense<0.000000e+00> : vector<512x64xf32>
    %dot_general3A_326 = tpu.matmul %convert_element_type3A_324, %convert_element_type3A_11, %dot_general3A_325 {dimension_numbers = #tpu.dot_dimension_numbers<[1], [1], [0], [0], [0, 0, 1, 0], [], []>, transpose_lhs_hint = false} : vector<512x128xbf16>, vector<64x128xbf16>, vector<512x64xf32> -> vector<512x64xf32>
    %max3A_327 = arith.maximumf %max3A_306, %dot_general3A_326 : vector<512x64xf32>
    %reduce_sum3A_328 = arith.constant dense<0.000000e+00> : vector<64xf32>
    %reduce_sum3A_329 = vector.multi_reduction <add>, %dot_general3A_326, %reduce_sum3A_328 [0] : vector<512x64xf32> to vector<64xf32>
    %broadcast_in_dim3A_330 = vector.shape_cast %reduce_sum3A_329 : vector<64xf32> to vector<1x64xf32>
    %mul3A_331 = arith.mulf %dot_general3A_326, %dot_general3A_326 : vector<512x64xf32>
    %reduce_sum3A_332 = arith.constant dense<0.000000e+00> : vector<64xf32>
    %reduce_sum3A_333 = vector.multi_reduction <add>, %mul3A_331, %reduce_sum3A_332 [0] : vector<512x64xf32> to vector<64xf32>
    %broadcast_in_dim3A_334 = vector.shape_cast %reduce_sum3A_333 : vector<64xf32> to vector<1x64xf32>
    %add3A_335 = arith.addf %add3A_314, %broadcast_in_dim3A_330 : vector<1x64xf32>
    %add3A_336 = arith.addf %add3A_315, %broadcast_in_dim3A_334 : vector<1x64xf32>
    %get3A_337 = arith.constant 0 : index
    %get3A_338 = arith.constant 0 : index
    %get3A_339 = arith.constant 16 : index
    %get3A_340 = arith.constant 0 : index
    %get3A_341 = vector.load %arg2[%get3A_337, %get3A_338, %get3A_339, %get3A_340] : memref<1x512x20x128xf32, #tpu.memory_space<vmem>>, vector<1x512x1x64xf32>
    %get3A_342 = vector.shape_cast %get3A_341 : vector<1x512x1x64xf32> to vector<512x64xf32>
    %sub3A_343 = arith.subf %get3A_342, %get3A_7 : vector<512x64xf32>
    %concatenate3A_344 = tpu.concatenate %sub3A_343, %get3A_7 in 1 : vector<512x64xf32>, vector<512x64xf32> -> vector<512x128xf32>
    %convert_element_type3A_345 = arith.truncf %concatenate3A_344 : vector<512x128xf32> to vector<512x128xbf16>
    %dot_general3A_346 = arith.constant dense<0.000000e+00> : vector<512x64xf32>
    %dot_general3A_347 = tpu.matmul %convert_element_type3A_345, %convert_element_type3A_11, %dot_general3A_346 {dimension_numbers = #tpu.dot_dimension_numbers<[1], [1], [0], [0], [0, 0, 1, 0], [], []>, transpose_lhs_hint = false} : vector<512x128xbf16>, vector<64x128xbf16>, vector<512x64xf32> -> vector<512x64xf32>
    %max3A_348 = arith.maximumf %max3A_327, %dot_general3A_347 : vector<512x64xf32>
    %reduce_sum3A_349 = arith.constant dense<0.000000e+00> : vector<64xf32>
    %reduce_sum3A_350 = vector.multi_reduction <add>, %dot_general3A_347, %reduce_sum3A_349 [0] : vector<512x64xf32> to vector<64xf32>
    %broadcast_in_dim3A_351 = vector.shape_cast %reduce_sum3A_350 : vector<64xf32> to vector<1x64xf32>
    %mul3A_352 = arith.mulf %dot_general3A_347, %dot_general3A_347 : vector<512x64xf32>
    %reduce_sum3A_353 = arith.constant dense<0.000000e+00> : vector<64xf32>
    %reduce_sum3A_354 = vector.multi_reduction <add>, %mul3A_352, %reduce_sum3A_353 [0] : vector<512x64xf32> to vector<64xf32>
    %broadcast_in_dim3A_355 = vector.shape_cast %reduce_sum3A_354 : vector<64xf32> to vector<1x64xf32>
    %add3A_356 = arith.addf %add3A_335, %broadcast_in_dim3A_351 : vector<1x64xf32>
    %add3A_357 = arith.addf %add3A_336, %broadcast_in_dim3A_355 : vector<1x64xf32>
    %get3A_358 = arith.constant 0 : index
    %get3A_359 = arith.constant 0 : index
    %get3A_360 = arith.constant 17 : index
    %get3A_361 = arith.constant 0 : index
    %get3A_362 = vector.load %arg2[%get3A_358, %get3A_359, %get3A_360, %get3A_361] : memref<1x512x20x128xf32, #tpu.memory_space<vmem>>, vector<1x512x1x64xf32>
    %get3A_363 = vector.shape_cast %get3A_362 : vector<1x512x1x64xf32> to vector<512x64xf32>
    %sub3A_364 = arith.subf %get3A_363, %get3A_7 : vector<512x64xf32>
    %concatenate3A_365 = tpu.concatenate %sub3A_364, %get3A_7 in 1 : vector<512x64xf32>, vector<512x64xf32> -> vector<512x128xf32>
    %convert_element_type3A_366 = arith.truncf %concatenate3A_365 : vector<512x128xf32> to vector<512x128xbf16>
    %dot_general3A_367 = arith.constant dense<0.000000e+00> : vector<512x64xf32>
    %dot_general3A_368 = tpu.matmul %convert_element_type3A_366, %convert_element_type3A_11, %dot_general3A_367 {dimension_numbers = #tpu.dot_dimension_numbers<[1], [1], [0], [0], [0, 0, 1, 0], [], []>, transpose_lhs_hint = false} : vector<512x128xbf16>, vector<64x128xbf16>, vector<512x64xf32> -> vector<512x64xf32>
    %max3A_369 = arith.maximumf %max3A_348, %dot_general3A_368 : vector<512x64xf32>
    %reduce_sum3A_370 = arith.constant dense<0.000000e+00> : vector<64xf32>
    %reduce_sum3A_371 = vector.multi_reduction <add>, %dot_general3A_368, %reduce_sum3A_370 [0] : vector<512x64xf32> to vector<64xf32>
    %broadcast_in_dim3A_372 = vector.shape_cast %reduce_sum3A_371 : vector<64xf32> to vector<1x64xf32>
    %mul3A_373 = arith.mulf %dot_general3A_368, %dot_general3A_368 : vector<512x64xf32>
    %reduce_sum3A_374 = arith.constant dense<0.000000e+00> : vector<64xf32>
    %reduce_sum3A_375 = vector.multi_reduction <add>, %mul3A_373, %reduce_sum3A_374 [0] : vector<512x64xf32> to vector<64xf32>
    %broadcast_in_dim3A_376 = vector.shape_cast %reduce_sum3A_375 : vector<64xf32> to vector<1x64xf32>
    %add3A_377 = arith.addf %add3A_356, %broadcast_in_dim3A_372 : vector<1x64xf32>
    %add3A_378 = arith.addf %add3A_357, %broadcast_in_dim3A_376 : vector<1x64xf32>
    %get3A_379 = arith.constant 0 : index
    %get3A_380 = arith.constant 0 : index
    %get3A_381 = arith.constant 18 : index
    %get3A_382 = arith.constant 0 : index
    %get3A_383 = vector.load %arg2[%get3A_379, %get3A_380, %get3A_381, %get3A_382] : memref<1x512x20x128xf32, #tpu.memory_space<vmem>>, vector<1x512x1x64xf32>
    %get3A_384 = vector.shape_cast %get3A_383 : vector<1x512x1x64xf32> to vector<512x64xf32>
    %sub3A_385 = arith.subf %get3A_384, %get3A_7 : vector<512x64xf32>
    %concatenate3A_386 = tpu.concatenate %sub3A_385, %get3A_7 in 1 : vector<512x64xf32>, vector<512x64xf32> -> vector<512x128xf32>
    %convert_element_type3A_387 = arith.truncf %concatenate3A_386 : vector<512x128xf32> to vector<512x128xbf16>
    %dot_general3A_388 = arith.constant dense<0.000000e+00> : vector<512x64xf32>
    %dot_general3A_389 = tpu.matmul %convert_element_type3A_387, %convert_element_type3A_11, %dot_general3A_388 {dimension_numbers = #tpu.dot_dimension_numbers<[1], [1], [0], [0], [0, 0, 1, 0], [], []>, transpose_lhs_hint = false} : vector<512x128xbf16>, vector<64x128xbf16>, vector<512x64xf32> -> vector<512x64xf32>
    %max3A_390 = arith.maximumf %max3A_369, %dot_general3A_389 : vector<512x64xf32>
    %reduce_sum3A_391 = arith.constant dense<0.000000e+00> : vector<64xf32>
    %reduce_sum3A_392 = vector.multi_reduction <add>, %dot_general3A_389, %reduce_sum3A_391 [0] : vector<512x64xf32> to vector<64xf32>
    %broadcast_in_dim3A_393 = vector.shape_cast %reduce_sum3A_392 : vector<64xf32> to vector<1x64xf32>
    %mul3A_394 = arith.mulf %dot_general3A_389, %dot_general3A_389 : vector<512x64xf32>
    %reduce_sum3A_395 = arith.constant dense<0.000000e+00> : vector<64xf32>
    %reduce_sum3A_396 = vector.multi_reduction <add>, %mul3A_394, %reduce_sum3A_395 [0] : vector<512x64xf32> to vector<64xf32>
    %broadcast_in_dim3A_397 = vector.shape_cast %reduce_sum3A_396 : vector<64xf32> to vector<1x64xf32>
    %add3A_398 = arith.addf %add3A_377, %broadcast_in_dim3A_393 : vector<1x64xf32>
    %add3A_399 = arith.addf %add3A_378, %broadcast_in_dim3A_397 : vector<1x64xf32>
    %get3A_400 = arith.constant 0 : index
    %get3A_401 = arith.constant 0 : index
    %get3A_402 = arith.constant 19 : index
    %get3A_403 = arith.constant 0 : index
    %get3A_404 = vector.load %arg2[%get3A_400, %get3A_401, %get3A_402, %get3A_403] : memref<1x512x20x128xf32, #tpu.memory_space<vmem>>, vector<1x512x1x64xf32>
    %get3A_405 = vector.shape_cast %get3A_404 : vector<1x512x1x64xf32> to vector<512x64xf32>
    %sub3A_406 = arith.subf %get3A_405, %get3A_7 : vector<512x64xf32>
    %concatenate3A_407 = tpu.concatenate %sub3A_406, %get3A_7 in 1 : vector<512x64xf32>, vector<512x64xf32> -> vector<512x128xf32>
    %convert_element_type3A_408 = arith.truncf %concatenate3A_407 : vector<512x128xf32> to vector<512x128xbf16>
    %dot_general3A_409 = arith.constant dense<0.000000e+00> : vector<512x64xf32>
    %dot_general3A_410 = tpu.matmul %convert_element_type3A_408, %convert_element_type3A_11, %dot_general3A_409 {dimension_numbers = #tpu.dot_dimension_numbers<[1], [1], [0], [0], [0, 0, 1, 0], [], []>, transpose_lhs_hint = false} : vector<512x128xbf16>, vector<64x128xbf16>, vector<512x64xf32> -> vector<512x64xf32>
    %max3A_411 = arith.maximumf %max3A_390, %dot_general3A_410 : vector<512x64xf32>
    %reduce_sum3A_412 = arith.constant dense<0.000000e+00> : vector<64xf32>
    %reduce_sum3A_413 = vector.multi_reduction <add>, %dot_general3A_410, %reduce_sum3A_412 [0] : vector<512x64xf32> to vector<64xf32>
    %broadcast_in_dim3A_414 = vector.shape_cast %reduce_sum3A_413 : vector<64xf32> to vector<1x64xf32>
    %mul3A_415 = arith.mulf %dot_general3A_410, %dot_general3A_410 : vector<512x64xf32>
    %reduce_sum3A_416 = arith.constant dense<0.000000e+00> : vector<64xf32>
    %reduce_sum3A_417 = vector.multi_reduction <add>, %mul3A_415, %reduce_sum3A_416 [0] : vector<512x64xf32> to vector<64xf32>
    %broadcast_in_dim3A_418 = vector.shape_cast %reduce_sum3A_417 : vector<64xf32> to vector<1x64xf32>
    %add3A_419 = arith.addf %add3A_398, %broadcast_in_dim3A_414 : vector<1x64xf32>
    %add3A_420 = arith.addf %add3A_399, %broadcast_in_dim3A_418 : vector<1x64xf32>
    %swap3A = arith.constant 0 : index
    %swap3A_421 = arith.constant 0 : index
    %swap3A_422 = arith.constant 0 : index
    %swap3A_423 = vector.load %arg5[%swap3A, %swap3A_421, %swap3A_422] : memref<1x512x64xf32, #tpu.memory_space<vmem>>, vector<1x512x64xf32>
    %swap3A_424 = vector.shape_cast %swap3A_423 : vector<1x512x64xf32> to vector<512x64xf32>
    %swap3A_425 = vector.shape_cast %max3A_411 : vector<512x64xf32> to vector<1x512x64xf32>
    tpu.vector_store %arg5[%swap3A, %swap3A_421, %swap3A_422], %swap3A_425 {strides = array<i32>} : memref<1x512x64xf32, #tpu.memory_space<vmem>>, vector<1x512x64xf32>,
    %get3A_426 = arith.constant 0 : index
    %get3A_427 = arith.constant 0 : index
    %get3A_428 = vector.load %arg7[%get3A_426, %get3A_427] : memref<1x64xf32, #tpu.memory_space<vmem>>, vector<1x64xf32>
    %add3A_429 = arith.addf %get3A_428, %add3A_419 : vector<1x64xf32>
    %swap3A_430 = arith.constant 0 : index
    %swap3A_431 = arith.constant 0 : index
    %swap3A_432 = vector.load %arg7[%swap3A_430, %swap3A_431] : memref<1x64xf32, #tpu.memory_space<vmem>>, vector<1x64xf32>
    tpu.vector_store %arg7[%swap3A_430, %swap3A_431], %add3A_429 {strides = array<i32>} : memref<1x64xf32, #tpu.memory_space<vmem>>, vector<1x64xf32>,
    %get3A_433 = arith.constant 0 : index
    %get3A_434 = arith.constant 0 : index
    %get3A_435 = vector.load %arg8[%get3A_433, %get3A_434] : memref<1x64xf32, #tpu.memory_space<vmem>>, vector<1x64xf32>
    %add3A_436 = arith.addf %get3A_435, %add3A_420 : vector<1x64xf32>
    %swap3A_437 = arith.constant 0 : index
    %swap3A_438 = arith.constant 0 : index
    %swap3A_439 = vector.load %arg8[%swap3A_437, %swap3A_438] : memref<1x64xf32, #tpu.memory_space<vmem>>, vector<1x64xf32>
    tpu.vector_store %arg8[%swap3A_437, %swap3A_438], %add3A_436 {strides = array<i32>} : memref<1x64xf32, #tpu.memory_space<vmem>>, vector<1x64xf32>,
    %eq3A_440 = arith.constant 1 : i32
    %eq3A_441 = arith.cmpi eq, %arg0, %eq3A_440 : i32
    %eq3A_442 = arith.constant 3 : i32
    %eq3A_443 = arith.cmpi eq, %arg1, %eq3A_442 : i32
    %and3A_444 = arith.andi %eq3A_441, %eq3A_443 : i1
    %convert_element_type3A_445 = arith.extui %and3A_444 : i1 to i32
    %cond3A_446 = arith.constant 0 : i32
    %cond3A_447 = arith.cmpi ne, %convert_element_type3A_445, %cond3A_446 : i32
    scf.if %cond3A_447 {
      %get3A_448 = arith.constant 0 : index
      %get3A_449 = arith.constant 0 : index
      %get3A_450 = vector.load %arg7[%get3A_448, %get3A_449] : memref<1x64xf32, #tpu.memory_space<vmem>>, vector<1x64xf32>
      %swap3A_451 = arith.constant 0 : index
      %swap3A_452 = arith.constant 0 : index
      %swap3A_453 = vector.load %arg6[%swap3A_451, %swap3A_452] : memref<2x64xf32, #tpu.memory_space<vmem>>, vector<1x64xf32>
      tpu.vector_store %arg6[%swap3A_451, %swap3A_452], %get3A_450 {strides = array<i32>} : memref<2x64xf32, #tpu.memory_space<vmem>>, vector<1x64xf32>,
      %get3A_454 = arith.constant 0 : index
      %get3A_455 = arith.constant 0 : index
      %get3A_456 = vector.load %arg8[%get3A_454, %get3A_455] : memref<1x64xf32, #tpu.memory_space<vmem>>, vector<1x64xf32>
      %swap3A_457 = arith.constant 1 : index
      %swap3A_458 = arith.constant 0 : index
      %swap3A_459 = vector.load %arg6[%swap3A_457, %swap3A_458] : memref<2x64xf32, #tpu.memory_space<vmem>>, vector<1x64xf32>
      tpu.vector_store %arg6[%swap3A_457, %swap3A_458], %get3A_456 {strides = array<i32>} : memref<2x64xf32, #tpu.memory_space<vmem>>, vector<1x64xf32>,
    } else {
    }
    return
  }
  func.func @transform_0(%arg0: i32, %arg1: i32) -> (i32, i32, i32, i32) {
    %c0_i32 = arith.constant 0 : i32
    %c0_i32_0 = arith.constant 0 : i32
    %c0_i32_1 = arith.constant 0 : i32
    return %arg0, %arg1, %c0_i32, %c0_i32_0 : i32, i32, i32, i32
  }
  func.func @transform_1(%arg0: i32, %arg1: i32) -> (i32, i32, i32) {
    %c0_i32 = arith.constant 0 : i32
    %c0_i32_0 = arith.constant 0 : i32
    return %arg0, %arg1, %c0_i32 : i32, i32, i32
  }
  func.func @transform_2(%arg0: i32, %arg1: i32) -> (i32, i32) {
    %c0_i32 = arith.constant 0 : i32
    %c0_i32_0 = arith.constant 0 : i32
    %c0_i32_1 = arith.constant 0 : i32
    return %c0_i32, %c0_i32_0 : i32, i32
  }
  func.func @transform_3(%arg0: i32, %arg1: i32) -> (i32, i32, i32) {
    %c0_i32 = arith.constant 0 : i32
    %c0_i32_0 = arith.constant 0 : i32
    return %arg0, %arg1, %c0_i32 : i32, i32, i32
  }
  func.func @transform_4(%arg0: i32, %arg1: i32) -> (i32, i32) {
    %c0_i32 = arith.constant 0 : i32
    %c0_i32_0 = arith.constant 0 : i32
    %c0_i32_1 = arith.constant 0 : i32
    return %c0_i32, %c0_i32_0 : i32, i32
  }
}

module attributes {stable_mosaic.version = 14 : i64} {
  func.func @_edge_body(%arg0: i32, %arg1: i32, %arg2: memref<1x512x20x128xf32, #tpu.memory_space<vmem>>, %arg3: memref<1x512x64xf32, #tpu.memory_space<vmem>>, %arg4: memref<128x128xf32, #tpu.memory_space<vmem>>, %arg5: memref<1x512x128xf32, #tpu.memory_space<vmem>>, %arg6: memref<2x128xf32, #tpu.memory_space<vmem>>, %arg7: memref<1x128xf32, #tpu.memory_space<vmem>>, %arg8: memref<1x128xf32, #tpu.memory_space<vmem>>) attributes {dimension_semantics = [#tpu.dimension_semantics<arbitrary>, #tpu.dimension_semantics<arbitrary>], iteration_bounds = array<i64: 2, 4>, scalar_prefetch = 0 : i64, scratch_operands = 2 : i64, tpu.core_type = #tpu.core_type<tc>, window_params = [{transform_indices = @transform_0, window_bounds = array<i64: 1, 512, 20, 128>}, {transform_indices = @transform_1, window_bounds = array<i64: 1, 512, 64>}, {pipeline_mode = #tpu.pipeline_mode<synchronous>, transform_indices = @transform_2, window_bounds = array<i64: 128, 128>}, {transform_indices = @transform_3, window_bounds = array<i64: 1, 512, 128>}, {pipeline_mode = #tpu.pipeline_mode<synchronous>, transform_indices = @transform_4, window_bounds = array<i64: 2, 128>}]} {
    %eq3A = arith.constant 0 : i32
    %eq3A_0 = arith.cmpi eq, %arg0, %eq3A : i32
    %eq3A_1 = arith.constant 0 : i32
    %eq3A_2 = arith.cmpi eq, %arg1, %eq3A_1 : i32
    %and3A = arith.andi %eq3A_0, %eq3A_2 : i1
    %convert_element_type3A = arith.extui %and3A : i1 to i32
    %cond3A = arith.constant 0 : i32
    %cond3A_3 = arith.cmpi ne, %convert_element_type3A, %cond3A : i32
    scf.if %cond3A_3 {
      %broadcast_in_dim3A_448 = arith.constant 0.000000e+00 : f32
      %broadcast_in_dim3A_449 = vector.broadcast %broadcast_in_dim3A_448 : f32 to vector<1x128xf32>
      %swap3A_450 = arith.constant 0 : index
      %swap3A_451 = arith.constant 0 : index
      %swap3A_452 = vector.load %arg7[%swap3A_450, %swap3A_451] : memref<1x128xf32, #tpu.memory_space<vmem>>, vector<1x128xf32>
      tpu.vector_store %arg7[%swap3A_450, %swap3A_451], %broadcast_in_dim3A_449 {strides = array<i32>} : memref<1x128xf32, #tpu.memory_space<vmem>>, vector<1x128xf32>,
      %broadcast_in_dim3A_453 = arith.constant 0.000000e+00 : f32
      %broadcast_in_dim3A_454 = vector.broadcast %broadcast_in_dim3A_453 : f32 to vector<1x128xf32>
      %swap3A_455 = arith.constant 0 : index
      %swap3A_456 = arith.constant 0 : index
      %swap3A_457 = vector.load %arg8[%swap3A_455, %swap3A_456] : memref<1x128xf32, #tpu.memory_space<vmem>>, vector<1x128xf32>
      tpu.vector_store %arg8[%swap3A_455, %swap3A_456], %broadcast_in_dim3A_454 {strides = array<i32>} : memref<1x128xf32, #tpu.memory_space<vmem>>, vector<1x128xf32>,
    } else {
    }
    %get3A = arith.constant 0 : index
    %get3A_4 = arith.constant 0 : index
    %get3A_5 = arith.constant 0 : index
    %get3A_6 = vector.load %arg3[%get3A, %get3A_4, %get3A_5] : memref<1x512x64xf32, #tpu.memory_space<vmem>>, vector<1x512x64xf32>
    %get3A_7 = vector.shape_cast %get3A_6 : vector<1x512x64xf32> to vector<512x64xf32>
    %get3A_8 = arith.constant 0 : index
    %get3A_9 = arith.constant 0 : index
    %get3A_10 = vector.load %arg4[%get3A_8, %get3A_9] : memref<128x128xf32, #tpu.memory_space<vmem>>, vector<128x128xf32>
    %convert_element_type3A_11 = arith.truncf %get3A_10 : vector<128x128xf32> to vector<128x128xbf16>
    %get3A_12 = arith.constant 0 : index
    %get3A_13 = arith.constant 0 : index
    %get3A_14 = arith.constant 0 : index
    %get3A_15 = arith.constant 0 : index
    %get3A_16 = vector.load %arg2[%get3A_12, %get3A_13, %get3A_14, %get3A_15] : memref<1x512x20x128xf32, #tpu.memory_space<vmem>>, vector<1x512x1x64xf32>
    %get3A_17 = vector.shape_cast %get3A_16 : vector<1x512x1x64xf32> to vector<512x64xf32>
    %sub3A = arith.subf %get3A_17, %get3A_7 : vector<512x64xf32>
    %concatenate3A = tpu.concatenate %sub3A, %get3A_7 in 1 : vector<512x64xf32>, vector<512x64xf32> -> vector<512x128xf32>
    %convert_element_type3A_18 = arith.truncf %concatenate3A : vector<512x128xf32> to vector<512x128xbf16>
    %dot_general3A = arith.constant dense<0.000000e+00> : vector<512x128xf32>
    %dot_general3A_19 = tpu.matmul %convert_element_type3A_18, %convert_element_type3A_11, %dot_general3A {dimension_numbers = #tpu.dot_dimension_numbers<[1], [1], [0], [0], [0, 0, 1, 0], [], []>, transpose_lhs_hint = false} : vector<512x128xbf16>, vector<128x128xbf16>, vector<512x128xf32> -> vector<512x128xf32>
    %reduce_sum3A = arith.constant dense<0.000000e+00> : vector<128xf32>
    %reduce_sum3A_20 = vector.multi_reduction <add>, %dot_general3A_19, %reduce_sum3A [0] : vector<512x128xf32> to vector<128xf32>
    %broadcast_in_dim3A = vector.shape_cast %reduce_sum3A_20 : vector<128xf32> to vector<1x128xf32>
    %mul3A = arith.mulf %dot_general3A_19, %dot_general3A_19 : vector<512x128xf32>
    %reduce_sum3A_21 = arith.constant dense<0.000000e+00> : vector<128xf32>
    %reduce_sum3A_22 = vector.multi_reduction <add>, %mul3A, %reduce_sum3A_21 [0] : vector<512x128xf32> to vector<128xf32>
    %broadcast_in_dim3A_23 = vector.shape_cast %reduce_sum3A_22 : vector<128xf32> to vector<1x128xf32>
    %get3A_24 = arith.constant 0 : index
    %get3A_25 = arith.constant 0 : index
    %get3A_26 = arith.constant 1 : index
    %get3A_27 = arith.constant 0 : index
    %get3A_28 = vector.load %arg2[%get3A_24, %get3A_25, %get3A_26, %get3A_27] : memref<1x512x20x128xf32, #tpu.memory_space<vmem>>, vector<1x512x1x64xf32>
    %get3A_29 = vector.shape_cast %get3A_28 : vector<1x512x1x64xf32> to vector<512x64xf32>
    %sub3A_30 = arith.subf %get3A_29, %get3A_7 : vector<512x64xf32>
    %concatenate3A_31 = tpu.concatenate %sub3A_30, %get3A_7 in 1 : vector<512x64xf32>, vector<512x64xf32> -> vector<512x128xf32>
    %convert_element_type3A_32 = arith.truncf %concatenate3A_31 : vector<512x128xf32> to vector<512x128xbf16>
    %dot_general3A_33 = arith.constant dense<0.000000e+00> : vector<512x128xf32>
    %dot_general3A_34 = tpu.matmul %convert_element_type3A_32, %convert_element_type3A_11, %dot_general3A_33 {dimension_numbers = #tpu.dot_dimension_numbers<[1], [1], [0], [0], [0, 0, 1, 0], [], []>, transpose_lhs_hint = false} : vector<512x128xbf16>, vector<128x128xbf16>, vector<512x128xf32> -> vector<512x128xf32>
    %max3A = arith.maximumf %dot_general3A_19, %dot_general3A_34 : vector<512x128xf32>
    %reduce_sum3A_35 = arith.constant dense<0.000000e+00> : vector<128xf32>
    %reduce_sum3A_36 = vector.multi_reduction <add>, %dot_general3A_34, %reduce_sum3A_35 [0] : vector<512x128xf32> to vector<128xf32>
    %broadcast_in_dim3A_37 = vector.shape_cast %reduce_sum3A_36 : vector<128xf32> to vector<1x128xf32>
    %mul3A_38 = arith.mulf %dot_general3A_34, %dot_general3A_34 : vector<512x128xf32>
    %reduce_sum3A_39 = arith.constant dense<0.000000e+00> : vector<128xf32>
    %reduce_sum3A_40 = vector.multi_reduction <add>, %mul3A_38, %reduce_sum3A_39 [0] : vector<512x128xf32> to vector<128xf32>
    %broadcast_in_dim3A_41 = vector.shape_cast %reduce_sum3A_40 : vector<128xf32> to vector<1x128xf32>
    %add3A = arith.addf %broadcast_in_dim3A, %broadcast_in_dim3A_37 : vector<1x128xf32>
    %add3A_42 = arith.addf %broadcast_in_dim3A_23, %broadcast_in_dim3A_41 : vector<1x128xf32>
    %get3A_43 = arith.constant 0 : index
    %get3A_44 = arith.constant 0 : index
    %get3A_45 = arith.constant 2 : index
    %get3A_46 = arith.constant 0 : index
    %get3A_47 = vector.load %arg2[%get3A_43, %get3A_44, %get3A_45, %get3A_46] : memref<1x512x20x128xf32, #tpu.memory_space<vmem>>, vector<1x512x1x64xf32>
    %get3A_48 = vector.shape_cast %get3A_47 : vector<1x512x1x64xf32> to vector<512x64xf32>
    %sub3A_49 = arith.subf %get3A_48, %get3A_7 : vector<512x64xf32>
    %concatenate3A_50 = tpu.concatenate %sub3A_49, %get3A_7 in 1 : vector<512x64xf32>, vector<512x64xf32> -> vector<512x128xf32>
    %convert_element_type3A_51 = arith.truncf %concatenate3A_50 : vector<512x128xf32> to vector<512x128xbf16>
    %dot_general3A_52 = arith.constant dense<0.000000e+00> : vector<512x128xf32>
    %dot_general3A_53 = tpu.matmul %convert_element_type3A_51, %convert_element_type3A_11, %dot_general3A_52 {dimension_numbers = #tpu.dot_dimension_numbers<[1], [1], [0], [0], [0, 0, 1, 0], [], []>, transpose_lhs_hint = false} : vector<512x128xbf16>, vector<128x128xbf16>, vector<512x128xf32> -> vector<512x128xf32>
    %max3A_54 = arith.maximumf %max3A, %dot_general3A_53 : vector<512x128xf32>
    %reduce_sum3A_55 = arith.constant dense<0.000000e+00> : vector<128xf32>
    %reduce_sum3A_56 = vector.multi_reduction <add>, %dot_general3A_53, %reduce_sum3A_55 [0] : vector<512x128xf32> to vector<128xf32>
    %broadcast_in_dim3A_57 = vector.shape_cast %reduce_sum3A_56 : vector<128xf32> to vector<1x128xf32>
    %mul3A_58 = arith.mulf %dot_general3A_53, %dot_general3A_53 : vector<512x128xf32>
    %reduce_sum3A_59 = arith.constant dense<0.000000e+00> : vector<128xf32>
    %reduce_sum3A_60 = vector.multi_reduction <add>, %mul3A_58, %reduce_sum3A_59 [0] : vector<512x128xf32> to vector<128xf32>
    %broadcast_in_dim3A_61 = vector.shape_cast %reduce_sum3A_60 : vector<128xf32> to vector<1x128xf32>
    %add3A_62 = arith.addf %add3A, %broadcast_in_dim3A_57 : vector<1x128xf32>
    %add3A_63 = arith.addf %add3A_42, %broadcast_in_dim3A_61 : vector<1x128xf32>
    %get3A_64 = arith.constant 0 : index
    %get3A_65 = arith.constant 0 : index
    %get3A_66 = arith.constant 3 : index
    %get3A_67 = arith.constant 0 : index
    %get3A_68 = vector.load %arg2[%get3A_64, %get3A_65, %get3A_66, %get3A_67] : memref<1x512x20x128xf32, #tpu.memory_space<vmem>>, vector<1x512x1x64xf32>
    %get3A_69 = vector.shape_cast %get3A_68 : vector<1x512x1x64xf32> to vector<512x64xf32>
    %sub3A_70 = arith.subf %get3A_69, %get3A_7 : vector<512x64xf32>
    %concatenate3A_71 = tpu.concatenate %sub3A_70, %get3A_7 in 1 : vector<512x64xf32>, vector<512x64xf32> -> vector<512x128xf32>
    %convert_element_type3A_72 = arith.truncf %concatenate3A_71 : vector<512x128xf32> to vector<512x128xbf16>
    %dot_general3A_73 = arith.constant dense<0.000000e+00> : vector<512x128xf32>
    %dot_general3A_74 = tpu.matmul %convert_element_type3A_72, %convert_element_type3A_11, %dot_general3A_73 {dimension_numbers = #tpu.dot_dimension_numbers<[1], [1], [0], [0], [0, 0, 1, 0], [], []>, transpose_lhs_hint = false} : vector<512x128xbf16>, vector<128x128xbf16>, vector<512x128xf32> -> vector<512x128xf32>
    %max3A_75 = arith.maximumf %max3A_54, %dot_general3A_74 : vector<512x128xf32>
    %reduce_sum3A_76 = arith.constant dense<0.000000e+00> : vector<128xf32>
    %reduce_sum3A_77 = vector.multi_reduction <add>, %dot_general3A_74, %reduce_sum3A_76 [0] : vector<512x128xf32> to vector<128xf32>
    %broadcast_in_dim3A_78 = vector.shape_cast %reduce_sum3A_77 : vector<128xf32> to vector<1x128xf32>
    %mul3A_79 = arith.mulf %dot_general3A_74, %dot_general3A_74 : vector<512x128xf32>
    %reduce_sum3A_80 = arith.constant dense<0.000000e+00> : vector<128xf32>
    %reduce_sum3A_81 = vector.multi_reduction <add>, %mul3A_79, %reduce_sum3A_80 [0] : vector<512x128xf32> to vector<128xf32>
    %broadcast_in_dim3A_82 = vector.shape_cast %reduce_sum3A_81 : vector<128xf32> to vector<1x128xf32>
    %add3A_83 = arith.addf %add3A_62, %broadcast_in_dim3A_78 : vector<1x128xf32>
    %add3A_84 = arith.addf %add3A_63, %broadcast_in_dim3A_82 : vector<1x128xf32>
    %get3A_85 = arith.constant 0 : index
    %get3A_86 = arith.constant 0 : index
    %get3A_87 = arith.constant 4 : index
    %get3A_88 = arith.constant 0 : index
    %get3A_89 = vector.load %arg2[%get3A_85, %get3A_86, %get3A_87, %get3A_88] : memref<1x512x20x128xf32, #tpu.memory_space<vmem>>, vector<1x512x1x64xf32>
    %get3A_90 = vector.shape_cast %get3A_89 : vector<1x512x1x64xf32> to vector<512x64xf32>
    %sub3A_91 = arith.subf %get3A_90, %get3A_7 : vector<512x64xf32>
    %concatenate3A_92 = tpu.concatenate %sub3A_91, %get3A_7 in 1 : vector<512x64xf32>, vector<512x64xf32> -> vector<512x128xf32>
    %convert_element_type3A_93 = arith.truncf %concatenate3A_92 : vector<512x128xf32> to vector<512x128xbf16>
    %dot_general3A_94 = arith.constant dense<0.000000e+00> : vector<512x128xf32>
    %dot_general3A_95 = tpu.matmul %convert_element_type3A_93, %convert_element_type3A_11, %dot_general3A_94 {dimension_numbers = #tpu.dot_dimension_numbers<[1], [1], [0], [0], [0, 0, 1, 0], [], []>, transpose_lhs_hint = false} : vector<512x128xbf16>, vector<128x128xbf16>, vector<512x128xf32> -> vector<512x128xf32>
    %max3A_96 = arith.maximumf %max3A_75, %dot_general3A_95 : vector<512x128xf32>
    %reduce_sum3A_97 = arith.constant dense<0.000000e+00> : vector<128xf32>
    %reduce_sum3A_98 = vector.multi_reduction <add>, %dot_general3A_95, %reduce_sum3A_97 [0] : vector<512x128xf32> to vector<128xf32>
    %broadcast_in_dim3A_99 = vector.shape_cast %reduce_sum3A_98 : vector<128xf32> to vector<1x128xf32>
    %mul3A_100 = arith.mulf %dot_general3A_95, %dot_general3A_95 : vector<512x128xf32>
    %reduce_sum3A_101 = arith.constant dense<0.000000e+00> : vector<128xf32>
    %reduce_sum3A_102 = vector.multi_reduction <add>, %mul3A_100, %reduce_sum3A_101 [0] : vector<512x128xf32> to vector<128xf32>
    %broadcast_in_dim3A_103 = vector.shape_cast %reduce_sum3A_102 : vector<128xf32> to vector<1x128xf32>
    %add3A_104 = arith.addf %add3A_83, %broadcast_in_dim3A_99 : vector<1x128xf32>
    %add3A_105 = arith.addf %add3A_84, %broadcast_in_dim3A_103 : vector<1x128xf32>
    %get3A_106 = arith.constant 0 : index
    %get3A_107 = arith.constant 0 : index
    %get3A_108 = arith.constant 5 : index
    %get3A_109 = arith.constant 0 : index
    %get3A_110 = vector.load %arg2[%get3A_106, %get3A_107, %get3A_108, %get3A_109] : memref<1x512x20x128xf32, #tpu.memory_space<vmem>>, vector<1x512x1x64xf32>
    %get3A_111 = vector.shape_cast %get3A_110 : vector<1x512x1x64xf32> to vector<512x64xf32>
    %sub3A_112 = arith.subf %get3A_111, %get3A_7 : vector<512x64xf32>
    %concatenate3A_113 = tpu.concatenate %sub3A_112, %get3A_7 in 1 : vector<512x64xf32>, vector<512x64xf32> -> vector<512x128xf32>
    %convert_element_type3A_114 = arith.truncf %concatenate3A_113 : vector<512x128xf32> to vector<512x128xbf16>
    %dot_general3A_115 = arith.constant dense<0.000000e+00> : vector<512x128xf32>
    %dot_general3A_116 = tpu.matmul %convert_element_type3A_114, %convert_element_type3A_11, %dot_general3A_115 {dimension_numbers = #tpu.dot_dimension_numbers<[1], [1], [0], [0], [0, 0, 1, 0], [], []>, transpose_lhs_hint = false} : vector<512x128xbf16>, vector<128x128xbf16>, vector<512x128xf32> -> vector<512x128xf32>
    %max3A_117 = arith.maximumf %max3A_96, %dot_general3A_116 : vector<512x128xf32>
    %reduce_sum3A_118 = arith.constant dense<0.000000e+00> : vector<128xf32>
    %reduce_sum3A_119 = vector.multi_reduction <add>, %dot_general3A_116, %reduce_sum3A_118 [0] : vector<512x128xf32> to vector<128xf32>
    %broadcast_in_dim3A_120 = vector.shape_cast %reduce_sum3A_119 : vector<128xf32> to vector<1x128xf32>
    %mul3A_121 = arith.mulf %dot_general3A_116, %dot_general3A_116 : vector<512x128xf32>
    %reduce_sum3A_122 = arith.constant dense<0.000000e+00> : vector<128xf32>
    %reduce_sum3A_123 = vector.multi_reduction <add>, %mul3A_121, %reduce_sum3A_122 [0] : vector<512x128xf32> to vector<128xf32>
    %broadcast_in_dim3A_124 = vector.shape_cast %reduce_sum3A_123 : vector<128xf32> to vector<1x128xf32>
    %add3A_125 = arith.addf %add3A_104, %broadcast_in_dim3A_120 : vector<1x128xf32>
    %add3A_126 = arith.addf %add3A_105, %broadcast_in_dim3A_124 : vector<1x128xf32>
    %get3A_127 = arith.constant 0 : index
    %get3A_128 = arith.constant 0 : index
    %get3A_129 = arith.constant 6 : index
    %get3A_130 = arith.constant 0 : index
    %get3A_131 = vector.load %arg2[%get3A_127, %get3A_128, %get3A_129, %get3A_130] : memref<1x512x20x128xf32, #tpu.memory_space<vmem>>, vector<1x512x1x64xf32>
    %get3A_132 = vector.shape_cast %get3A_131 : vector<1x512x1x64xf32> to vector<512x64xf32>
    %sub3A_133 = arith.subf %get3A_132, %get3A_7 : vector<512x64xf32>
    %concatenate3A_134 = tpu.concatenate %sub3A_133, %get3A_7 in 1 : vector<512x64xf32>, vector<512x64xf32> -> vector<512x128xf32>
    %convert_element_type3A_135 = arith.truncf %concatenate3A_134 : vector<512x128xf32> to vector<512x128xbf16>
    %dot_general3A_136 = arith.constant dense<0.000000e+00> : vector<512x128xf32>
    %dot_general3A_137 = tpu.matmul %convert_element_type3A_135, %convert_element_type3A_11, %dot_general3A_136 {dimension_numbers = #tpu.dot_dimension_numbers<[1], [1], [0], [0], [0, 0, 1, 0], [], []>, transpose_lhs_hint = false} : vector<512x128xbf16>, vector<128x128xbf16>, vector<512x128xf32> -> vector<512x128xf32>
    %max3A_138 = arith.maximumf %max3A_117, %dot_general3A_137 : vector<512x128xf32>
    %reduce_sum3A_139 = arith.constant dense<0.000000e+00> : vector<128xf32>
    %reduce_sum3A_140 = vector.multi_reduction <add>, %dot_general3A_137, %reduce_sum3A_139 [0] : vector<512x128xf32> to vector<128xf32>
    %broadcast_in_dim3A_141 = vector.shape_cast %reduce_sum3A_140 : vector<128xf32> to vector<1x128xf32>
    %mul3A_142 = arith.mulf %dot_general3A_137, %dot_general3A_137 : vector<512x128xf32>
    %reduce_sum3A_143 = arith.constant dense<0.000000e+00> : vector<128xf32>
    %reduce_sum3A_144 = vector.multi_reduction <add>, %mul3A_142, %reduce_sum3A_143 [0] : vector<512x128xf32> to vector<128xf32>
    %broadcast_in_dim3A_145 = vector.shape_cast %reduce_sum3A_144 : vector<128xf32> to vector<1x128xf32>
    %add3A_146 = arith.addf %add3A_125, %broadcast_in_dim3A_141 : vector<1x128xf32>
    %add3A_147 = arith.addf %add3A_126, %broadcast_in_dim3A_145 : vector<1x128xf32>
    %get3A_148 = arith.constant 0 : index
    %get3A_149 = arith.constant 0 : index
    %get3A_150 = arith.constant 7 : index
    %get3A_151 = arith.constant 0 : index
    %get3A_152 = vector.load %arg2[%get3A_148, %get3A_149, %get3A_150, %get3A_151] : memref<1x512x20x128xf32, #tpu.memory_space<vmem>>, vector<1x512x1x64xf32>
    %get3A_153 = vector.shape_cast %get3A_152 : vector<1x512x1x64xf32> to vector<512x64xf32>
    %sub3A_154 = arith.subf %get3A_153, %get3A_7 : vector<512x64xf32>
    %concatenate3A_155 = tpu.concatenate %sub3A_154, %get3A_7 in 1 : vector<512x64xf32>, vector<512x64xf32> -> vector<512x128xf32>
    %convert_element_type3A_156 = arith.truncf %concatenate3A_155 : vector<512x128xf32> to vector<512x128xbf16>
    %dot_general3A_157 = arith.constant dense<0.000000e+00> : vector<512x128xf32>
    %dot_general3A_158 = tpu.matmul %convert_element_type3A_156, %convert_element_type3A_11, %dot_general3A_157 {dimension_numbers = #tpu.dot_dimension_numbers<[1], [1], [0], [0], [0, 0, 1, 0], [], []>, transpose_lhs_hint = false} : vector<512x128xbf16>, vector<128x128xbf16>, vector<512x128xf32> -> vector<512x128xf32>
    %max3A_159 = arith.maximumf %max3A_138, %dot_general3A_158 : vector<512x128xf32>
    %reduce_sum3A_160 = arith.constant dense<0.000000e+00> : vector<128xf32>
    %reduce_sum3A_161 = vector.multi_reduction <add>, %dot_general3A_158, %reduce_sum3A_160 [0] : vector<512x128xf32> to vector<128xf32>
    %broadcast_in_dim3A_162 = vector.shape_cast %reduce_sum3A_161 : vector<128xf32> to vector<1x128xf32>
    %mul3A_163 = arith.mulf %dot_general3A_158, %dot_general3A_158 : vector<512x128xf32>
    %reduce_sum3A_164 = arith.constant dense<0.000000e+00> : vector<128xf32>
    %reduce_sum3A_165 = vector.multi_reduction <add>, %mul3A_163, %reduce_sum3A_164 [0] : vector<512x128xf32> to vector<128xf32>
    %broadcast_in_dim3A_166 = vector.shape_cast %reduce_sum3A_165 : vector<128xf32> to vector<1x128xf32>
    %add3A_167 = arith.addf %add3A_146, %broadcast_in_dim3A_162 : vector<1x128xf32>
    %add3A_168 = arith.addf %add3A_147, %broadcast_in_dim3A_166 : vector<1x128xf32>
    %get3A_169 = arith.constant 0 : index
    %get3A_170 = arith.constant 0 : index
    %get3A_171 = arith.constant 8 : index
    %get3A_172 = arith.constant 0 : index
    %get3A_173 = vector.load %arg2[%get3A_169, %get3A_170, %get3A_171, %get3A_172] : memref<1x512x20x128xf32, #tpu.memory_space<vmem>>, vector<1x512x1x64xf32>
    %get3A_174 = vector.shape_cast %get3A_173 : vector<1x512x1x64xf32> to vector<512x64xf32>
    %sub3A_175 = arith.subf %get3A_174, %get3A_7 : vector<512x64xf32>
    %concatenate3A_176 = tpu.concatenate %sub3A_175, %get3A_7 in 1 : vector<512x64xf32>, vector<512x64xf32> -> vector<512x128xf32>
    %convert_element_type3A_177 = arith.truncf %concatenate3A_176 : vector<512x128xf32> to vector<512x128xbf16>
    %dot_general3A_178 = arith.constant dense<0.000000e+00> : vector<512x128xf32>
    %dot_general3A_179 = tpu.matmul %convert_element_type3A_177, %convert_element_type3A_11, %dot_general3A_178 {dimension_numbers = #tpu.dot_dimension_numbers<[1], [1], [0], [0], [0, 0, 1, 0], [], []>, transpose_lhs_hint = false} : vector<512x128xbf16>, vector<128x128xbf16>, vector<512x128xf32> -> vector<512x128xf32>
    %max3A_180 = arith.maximumf %max3A_159, %dot_general3A_179 : vector<512x128xf32>
    %reduce_sum3A_181 = arith.constant dense<0.000000e+00> : vector<128xf32>
    %reduce_sum3A_182 = vector.multi_reduction <add>, %dot_general3A_179, %reduce_sum3A_181 [0] : vector<512x128xf32> to vector<128xf32>
    %broadcast_in_dim3A_183 = vector.shape_cast %reduce_sum3A_182 : vector<128xf32> to vector<1x128xf32>
    %mul3A_184 = arith.mulf %dot_general3A_179, %dot_general3A_179 : vector<512x128xf32>
    %reduce_sum3A_185 = arith.constant dense<0.000000e+00> : vector<128xf32>
    %reduce_sum3A_186 = vector.multi_reduction <add>, %mul3A_184, %reduce_sum3A_185 [0] : vector<512x128xf32> to vector<128xf32>
    %broadcast_in_dim3A_187 = vector.shape_cast %reduce_sum3A_186 : vector<128xf32> to vector<1x128xf32>
    %add3A_188 = arith.addf %add3A_167, %broadcast_in_dim3A_183 : vector<1x128xf32>
    %add3A_189 = arith.addf %add3A_168, %broadcast_in_dim3A_187 : vector<1x128xf32>
    %get3A_190 = arith.constant 0 : index
    %get3A_191 = arith.constant 0 : index
    %get3A_192 = arith.constant 9 : index
    %get3A_193 = arith.constant 0 : index
    %get3A_194 = vector.load %arg2[%get3A_190, %get3A_191, %get3A_192, %get3A_193] : memref<1x512x20x128xf32, #tpu.memory_space<vmem>>, vector<1x512x1x64xf32>
    %get3A_195 = vector.shape_cast %get3A_194 : vector<1x512x1x64xf32> to vector<512x64xf32>
    %sub3A_196 = arith.subf %get3A_195, %get3A_7 : vector<512x64xf32>
    %concatenate3A_197 = tpu.concatenate %sub3A_196, %get3A_7 in 1 : vector<512x64xf32>, vector<512x64xf32> -> vector<512x128xf32>
    %convert_element_type3A_198 = arith.truncf %concatenate3A_197 : vector<512x128xf32> to vector<512x128xbf16>
    %dot_general3A_199 = arith.constant dense<0.000000e+00> : vector<512x128xf32>
    %dot_general3A_200 = tpu.matmul %convert_element_type3A_198, %convert_element_type3A_11, %dot_general3A_199 {dimension_numbers = #tpu.dot_dimension_numbers<[1], [1], [0], [0], [0, 0, 1, 0], [], []>, transpose_lhs_hint = false} : vector<512x128xbf16>, vector<128x128xbf16>, vector<512x128xf32> -> vector<512x128xf32>
    %max3A_201 = arith.maximumf %max3A_180, %dot_general3A_200 : vector<512x128xf32>
    %reduce_sum3A_202 = arith.constant dense<0.000000e+00> : vector<128xf32>
    %reduce_sum3A_203 = vector.multi_reduction <add>, %dot_general3A_200, %reduce_sum3A_202 [0] : vector<512x128xf32> to vector<128xf32>
    %broadcast_in_dim3A_204 = vector.shape_cast %reduce_sum3A_203 : vector<128xf32> to vector<1x128xf32>
    %mul3A_205 = arith.mulf %dot_general3A_200, %dot_general3A_200 : vector<512x128xf32>
    %reduce_sum3A_206 = arith.constant dense<0.000000e+00> : vector<128xf32>
    %reduce_sum3A_207 = vector.multi_reduction <add>, %mul3A_205, %reduce_sum3A_206 [0] : vector<512x128xf32> to vector<128xf32>
    %broadcast_in_dim3A_208 = vector.shape_cast %reduce_sum3A_207 : vector<128xf32> to vector<1x128xf32>
    %add3A_209 = arith.addf %add3A_188, %broadcast_in_dim3A_204 : vector<1x128xf32>
    %add3A_210 = arith.addf %add3A_189, %broadcast_in_dim3A_208 : vector<1x128xf32>
    %get3A_211 = arith.constant 0 : index
    %get3A_212 = arith.constant 0 : index
    %get3A_213 = arith.constant 10 : index
    %get3A_214 = arith.constant 0 : index
    %get3A_215 = vector.load %arg2[%get3A_211, %get3A_212, %get3A_213, %get3A_214] : memref<1x512x20x128xf32, #tpu.memory_space<vmem>>, vector<1x512x1x64xf32>
    %get3A_216 = vector.shape_cast %get3A_215 : vector<1x512x1x64xf32> to vector<512x64xf32>
    %sub3A_217 = arith.subf %get3A_216, %get3A_7 : vector<512x64xf32>
    %concatenate3A_218 = tpu.concatenate %sub3A_217, %get3A_7 in 1 : vector<512x64xf32>, vector<512x64xf32> -> vector<512x128xf32>
    %convert_element_type3A_219 = arith.truncf %concatenate3A_218 : vector<512x128xf32> to vector<512x128xbf16>
    %dot_general3A_220 = arith.constant dense<0.000000e+00> : vector<512x128xf32>
    %dot_general3A_221 = tpu.matmul %convert_element_type3A_219, %convert_element_type3A_11, %dot_general3A_220 {dimension_numbers = #tpu.dot_dimension_numbers<[1], [1], [0], [0], [0, 0, 1, 0], [], []>, transpose_lhs_hint = false} : vector<512x128xbf16>, vector<128x128xbf16>, vector<512x128xf32> -> vector<512x128xf32>
    %max3A_222 = arith.maximumf %max3A_201, %dot_general3A_221 : vector<512x128xf32>
    %reduce_sum3A_223 = arith.constant dense<0.000000e+00> : vector<128xf32>
    %reduce_sum3A_224 = vector.multi_reduction <add>, %dot_general3A_221, %reduce_sum3A_223 [0] : vector<512x128xf32> to vector<128xf32>
    %broadcast_in_dim3A_225 = vector.shape_cast %reduce_sum3A_224 : vector<128xf32> to vector<1x128xf32>
    %mul3A_226 = arith.mulf %dot_general3A_221, %dot_general3A_221 : vector<512x128xf32>
    %reduce_sum3A_227 = arith.constant dense<0.000000e+00> : vector<128xf32>
    %reduce_sum3A_228 = vector.multi_reduction <add>, %mul3A_226, %reduce_sum3A_227 [0] : vector<512x128xf32> to vector<128xf32>
    %broadcast_in_dim3A_229 = vector.shape_cast %reduce_sum3A_228 : vector<128xf32> to vector<1x128xf32>
    %add3A_230 = arith.addf %add3A_209, %broadcast_in_dim3A_225 : vector<1x128xf32>
    %add3A_231 = arith.addf %add3A_210, %broadcast_in_dim3A_229 : vector<1x128xf32>
    %get3A_232 = arith.constant 0 : index
    %get3A_233 = arith.constant 0 : index
    %get3A_234 = arith.constant 11 : index
    %get3A_235 = arith.constant 0 : index
    %get3A_236 = vector.load %arg2[%get3A_232, %get3A_233, %get3A_234, %get3A_235] : memref<1x512x20x128xf32, #tpu.memory_space<vmem>>, vector<1x512x1x64xf32>
    %get3A_237 = vector.shape_cast %get3A_236 : vector<1x512x1x64xf32> to vector<512x64xf32>
    %sub3A_238 = arith.subf %get3A_237, %get3A_7 : vector<512x64xf32>
    %concatenate3A_239 = tpu.concatenate %sub3A_238, %get3A_7 in 1 : vector<512x64xf32>, vector<512x64xf32> -> vector<512x128xf32>
    %convert_element_type3A_240 = arith.truncf %concatenate3A_239 : vector<512x128xf32> to vector<512x128xbf16>
    %dot_general3A_241 = arith.constant dense<0.000000e+00> : vector<512x128xf32>
    %dot_general3A_242 = tpu.matmul %convert_element_type3A_240, %convert_element_type3A_11, %dot_general3A_241 {dimension_numbers = #tpu.dot_dimension_numbers<[1], [1], [0], [0], [0, 0, 1, 0], [], []>, transpose_lhs_hint = false} : vector<512x128xbf16>, vector<128x128xbf16>, vector<512x128xf32> -> vector<512x128xf32>
    %max3A_243 = arith.maximumf %max3A_222, %dot_general3A_242 : vector<512x128xf32>
    %reduce_sum3A_244 = arith.constant dense<0.000000e+00> : vector<128xf32>
    %reduce_sum3A_245 = vector.multi_reduction <add>, %dot_general3A_242, %reduce_sum3A_244 [0] : vector<512x128xf32> to vector<128xf32>
    %broadcast_in_dim3A_246 = vector.shape_cast %reduce_sum3A_245 : vector<128xf32> to vector<1x128xf32>
    %mul3A_247 = arith.mulf %dot_general3A_242, %dot_general3A_242 : vector<512x128xf32>
    %reduce_sum3A_248 = arith.constant dense<0.000000e+00> : vector<128xf32>
    %reduce_sum3A_249 = vector.multi_reduction <add>, %mul3A_247, %reduce_sum3A_248 [0] : vector<512x128xf32> to vector<128xf32>
    %broadcast_in_dim3A_250 = vector.shape_cast %reduce_sum3A_249 : vector<128xf32> to vector<1x128xf32>
    %add3A_251 = arith.addf %add3A_230, %broadcast_in_dim3A_246 : vector<1x128xf32>
    %add3A_252 = arith.addf %add3A_231, %broadcast_in_dim3A_250 : vector<1x128xf32>
    %get3A_253 = arith.constant 0 : index
    %get3A_254 = arith.constant 0 : index
    %get3A_255 = arith.constant 12 : index
    %get3A_256 = arith.constant 0 : index
    %get3A_257 = vector.load %arg2[%get3A_253, %get3A_254, %get3A_255, %get3A_256] : memref<1x512x20x128xf32, #tpu.memory_space<vmem>>, vector<1x512x1x64xf32>
    %get3A_258 = vector.shape_cast %get3A_257 : vector<1x512x1x64xf32> to vector<512x64xf32>
    %sub3A_259 = arith.subf %get3A_258, %get3A_7 : vector<512x64xf32>
    %concatenate3A_260 = tpu.concatenate %sub3A_259, %get3A_7 in 1 : vector<512x64xf32>, vector<512x64xf32> -> vector<512x128xf32>
    %convert_element_type3A_261 = arith.truncf %concatenate3A_260 : vector<512x128xf32> to vector<512x128xbf16>
    %dot_general3A_262 = arith.constant dense<0.000000e+00> : vector<512x128xf32>
    %dot_general3A_263 = tpu.matmul %convert_element_type3A_261, %convert_element_type3A_11, %dot_general3A_262 {dimension_numbers = #tpu.dot_dimension_numbers<[1], [1], [0], [0], [0, 0, 1, 0], [], []>, transpose_lhs_hint = false} : vector<512x128xbf16>, vector<128x128xbf16>, vector<512x128xf32> -> vector<512x128xf32>
    %max3A_264 = arith.maximumf %max3A_243, %dot_general3A_263 : vector<512x128xf32>
    %reduce_sum3A_265 = arith.constant dense<0.000000e+00> : vector<128xf32>
    %reduce_sum3A_266 = vector.multi_reduction <add>, %dot_general3A_263, %reduce_sum3A_265 [0] : vector<512x128xf32> to vector<128xf32>
    %broadcast_in_dim3A_267 = vector.shape_cast %reduce_sum3A_266 : vector<128xf32> to vector<1x128xf32>
    %mul3A_268 = arith.mulf %dot_general3A_263, %dot_general3A_263 : vector<512x128xf32>
    %reduce_sum3A_269 = arith.constant dense<0.000000e+00> : vector<128xf32>
    %reduce_sum3A_270 = vector.multi_reduction <add>, %mul3A_268, %reduce_sum3A_269 [0] : vector<512x128xf32> to vector<128xf32>
    %broadcast_in_dim3A_271 = vector.shape_cast %reduce_sum3A_270 : vector<128xf32> to vector<1x128xf32>
    %add3A_272 = arith.addf %add3A_251, %broadcast_in_dim3A_267 : vector<1x128xf32>
    %add3A_273 = arith.addf %add3A_252, %broadcast_in_dim3A_271 : vector<1x128xf32>
    %get3A_274 = arith.constant 0 : index
    %get3A_275 = arith.constant 0 : index
    %get3A_276 = arith.constant 13 : index
    %get3A_277 = arith.constant 0 : index
    %get3A_278 = vector.load %arg2[%get3A_274, %get3A_275, %get3A_276, %get3A_277] : memref<1x512x20x128xf32, #tpu.memory_space<vmem>>, vector<1x512x1x64xf32>
    %get3A_279 = vector.shape_cast %get3A_278 : vector<1x512x1x64xf32> to vector<512x64xf32>
    %sub3A_280 = arith.subf %get3A_279, %get3A_7 : vector<512x64xf32>
    %concatenate3A_281 = tpu.concatenate %sub3A_280, %get3A_7 in 1 : vector<512x64xf32>, vector<512x64xf32> -> vector<512x128xf32>
    %convert_element_type3A_282 = arith.truncf %concatenate3A_281 : vector<512x128xf32> to vector<512x128xbf16>
    %dot_general3A_283 = arith.constant dense<0.000000e+00> : vector<512x128xf32>
    %dot_general3A_284 = tpu.matmul %convert_element_type3A_282, %convert_element_type3A_11, %dot_general3A_283 {dimension_numbers = #tpu.dot_dimension_numbers<[1], [1], [0], [0], [0, 0, 1, 0], [], []>, transpose_lhs_hint = false} : vector<512x128xbf16>, vector<128x128xbf16>, vector<512x128xf32> -> vector<512x128xf32>
    %max3A_285 = arith.maximumf %max3A_264, %dot_general3A_284 : vector<512x128xf32>
    %reduce_sum3A_286 = arith.constant dense<0.000000e+00> : vector<128xf32>
    %reduce_sum3A_287 = vector.multi_reduction <add>, %dot_general3A_284, %reduce_sum3A_286 [0] : vector<512x128xf32> to vector<128xf32>
    %broadcast_in_dim3A_288 = vector.shape_cast %reduce_sum3A_287 : vector<128xf32> to vector<1x128xf32>
    %mul3A_289 = arith.mulf %dot_general3A_284, %dot_general3A_284 : vector<512x128xf32>
    %reduce_sum3A_290 = arith.constant dense<0.000000e+00> : vector<128xf32>
    %reduce_sum3A_291 = vector.multi_reduction <add>, %mul3A_289, %reduce_sum3A_290 [0] : vector<512x128xf32> to vector<128xf32>
    %broadcast_in_dim3A_292 = vector.shape_cast %reduce_sum3A_291 : vector<128xf32> to vector<1x128xf32>
    %add3A_293 = arith.addf %add3A_272, %broadcast_in_dim3A_288 : vector<1x128xf32>
    %add3A_294 = arith.addf %add3A_273, %broadcast_in_dim3A_292 : vector<1x128xf32>
    %get3A_295 = arith.constant 0 : index
    %get3A_296 = arith.constant 0 : index
    %get3A_297 = arith.constant 14 : index
    %get3A_298 = arith.constant 0 : index
    %get3A_299 = vector.load %arg2[%get3A_295, %get3A_296, %get3A_297, %get3A_298] : memref<1x512x20x128xf32, #tpu.memory_space<vmem>>, vector<1x512x1x64xf32>
    %get3A_300 = vector.shape_cast %get3A_299 : vector<1x512x1x64xf32> to vector<512x64xf32>
    %sub3A_301 = arith.subf %get3A_300, %get3A_7 : vector<512x64xf32>
    %concatenate3A_302 = tpu.concatenate %sub3A_301, %get3A_7 in 1 : vector<512x64xf32>, vector<512x64xf32> -> vector<512x128xf32>
    %convert_element_type3A_303 = arith.truncf %concatenate3A_302 : vector<512x128xf32> to vector<512x128xbf16>
    %dot_general3A_304 = arith.constant dense<0.000000e+00> : vector<512x128xf32>
    %dot_general3A_305 = tpu.matmul %convert_element_type3A_303, %convert_element_type3A_11, %dot_general3A_304 {dimension_numbers = #tpu.dot_dimension_numbers<[1], [1], [0], [0], [0, 0, 1, 0], [], []>, transpose_lhs_hint = false} : vector<512x128xbf16>, vector<128x128xbf16>, vector<512x128xf32> -> vector<512x128xf32>
    %max3A_306 = arith.maximumf %max3A_285, %dot_general3A_305 : vector<512x128xf32>
    %reduce_sum3A_307 = arith.constant dense<0.000000e+00> : vector<128xf32>
    %reduce_sum3A_308 = vector.multi_reduction <add>, %dot_general3A_305, %reduce_sum3A_307 [0] : vector<512x128xf32> to vector<128xf32>
    %broadcast_in_dim3A_309 = vector.shape_cast %reduce_sum3A_308 : vector<128xf32> to vector<1x128xf32>
    %mul3A_310 = arith.mulf %dot_general3A_305, %dot_general3A_305 : vector<512x128xf32>
    %reduce_sum3A_311 = arith.constant dense<0.000000e+00> : vector<128xf32>
    %reduce_sum3A_312 = vector.multi_reduction <add>, %mul3A_310, %reduce_sum3A_311 [0] : vector<512x128xf32> to vector<128xf32>
    %broadcast_in_dim3A_313 = vector.shape_cast %reduce_sum3A_312 : vector<128xf32> to vector<1x128xf32>
    %add3A_314 = arith.addf %add3A_293, %broadcast_in_dim3A_309 : vector<1x128xf32>
    %add3A_315 = arith.addf %add3A_294, %broadcast_in_dim3A_313 : vector<1x128xf32>
    %get3A_316 = arith.constant 0 : index
    %get3A_317 = arith.constant 0 : index
    %get3A_318 = arith.constant 15 : index
    %get3A_319 = arith.constant 0 : index
    %get3A_320 = vector.load %arg2[%get3A_316, %get3A_317, %get3A_318, %get3A_319] : memref<1x512x20x128xf32, #tpu.memory_space<vmem>>, vector<1x512x1x64xf32>
    %get3A_321 = vector.shape_cast %get3A_320 : vector<1x512x1x64xf32> to vector<512x64xf32>
    %sub3A_322 = arith.subf %get3A_321, %get3A_7 : vector<512x64xf32>
    %concatenate3A_323 = tpu.concatenate %sub3A_322, %get3A_7 in 1 : vector<512x64xf32>, vector<512x64xf32> -> vector<512x128xf32>
    %convert_element_type3A_324 = arith.truncf %concatenate3A_323 : vector<512x128xf32> to vector<512x128xbf16>
    %dot_general3A_325 = arith.constant dense<0.000000e+00> : vector<512x128xf32>
    %dot_general3A_326 = tpu.matmul %convert_element_type3A_324, %convert_element_type3A_11, %dot_general3A_325 {dimension_numbers = #tpu.dot_dimension_numbers<[1], [1], [0], [0], [0, 0, 1, 0], [], []>, transpose_lhs_hint = false} : vector<512x128xbf16>, vector<128x128xbf16>, vector<512x128xf32> -> vector<512x128xf32>
    %max3A_327 = arith.maximumf %max3A_306, %dot_general3A_326 : vector<512x128xf32>
    %reduce_sum3A_328 = arith.constant dense<0.000000e+00> : vector<128xf32>
    %reduce_sum3A_329 = vector.multi_reduction <add>, %dot_general3A_326, %reduce_sum3A_328 [0] : vector<512x128xf32> to vector<128xf32>
    %broadcast_in_dim3A_330 = vector.shape_cast %reduce_sum3A_329 : vector<128xf32> to vector<1x128xf32>
    %mul3A_331 = arith.mulf %dot_general3A_326, %dot_general3A_326 : vector<512x128xf32>
    %reduce_sum3A_332 = arith.constant dense<0.000000e+00> : vector<128xf32>
    %reduce_sum3A_333 = vector.multi_reduction <add>, %mul3A_331, %reduce_sum3A_332 [0] : vector<512x128xf32> to vector<128xf32>
    %broadcast_in_dim3A_334 = vector.shape_cast %reduce_sum3A_333 : vector<128xf32> to vector<1x128xf32>
    %add3A_335 = arith.addf %add3A_314, %broadcast_in_dim3A_330 : vector<1x128xf32>
    %add3A_336 = arith.addf %add3A_315, %broadcast_in_dim3A_334 : vector<1x128xf32>
    %get3A_337 = arith.constant 0 : index
    %get3A_338 = arith.constant 0 : index
    %get3A_339 = arith.constant 16 : index
    %get3A_340 = arith.constant 0 : index
    %get3A_341 = vector.load %arg2[%get3A_337, %get3A_338, %get3A_339, %get3A_340] : memref<1x512x20x128xf32, #tpu.memory_space<vmem>>, vector<1x512x1x64xf32>
    %get3A_342 = vector.shape_cast %get3A_341 : vector<1x512x1x64xf32> to vector<512x64xf32>
    %sub3A_343 = arith.subf %get3A_342, %get3A_7 : vector<512x64xf32>
    %concatenate3A_344 = tpu.concatenate %sub3A_343, %get3A_7 in 1 : vector<512x64xf32>, vector<512x64xf32> -> vector<512x128xf32>
    %convert_element_type3A_345 = arith.truncf %concatenate3A_344 : vector<512x128xf32> to vector<512x128xbf16>
    %dot_general3A_346 = arith.constant dense<0.000000e+00> : vector<512x128xf32>
    %dot_general3A_347 = tpu.matmul %convert_element_type3A_345, %convert_element_type3A_11, %dot_general3A_346 {dimension_numbers = #tpu.dot_dimension_numbers<[1], [1], [0], [0], [0, 0, 1, 0], [], []>, transpose_lhs_hint = false} : vector<512x128xbf16>, vector<128x128xbf16>, vector<512x128xf32> -> vector<512x128xf32>
    %max3A_348 = arith.maximumf %max3A_327, %dot_general3A_347 : vector<512x128xf32>
    %reduce_sum3A_349 = arith.constant dense<0.000000e+00> : vector<128xf32>
    %reduce_sum3A_350 = vector.multi_reduction <add>, %dot_general3A_347, %reduce_sum3A_349 [0] : vector<512x128xf32> to vector<128xf32>
    %broadcast_in_dim3A_351 = vector.shape_cast %reduce_sum3A_350 : vector<128xf32> to vector<1x128xf32>
    %mul3A_352 = arith.mulf %dot_general3A_347, %dot_general3A_347 : vector<512x128xf32>
    %reduce_sum3A_353 = arith.constant dense<0.000000e+00> : vector<128xf32>
    %reduce_sum3A_354 = vector.multi_reduction <add>, %mul3A_352, %reduce_sum3A_353 [0] : vector<512x128xf32> to vector<128xf32>
    %broadcast_in_dim3A_355 = vector.shape_cast %reduce_sum3A_354 : vector<128xf32> to vector<1x128xf32>
    %add3A_356 = arith.addf %add3A_335, %broadcast_in_dim3A_351 : vector<1x128xf32>
    %add3A_357 = arith.addf %add3A_336, %broadcast_in_dim3A_355 : vector<1x128xf32>
    %get3A_358 = arith.constant 0 : index
    %get3A_359 = arith.constant 0 : index
    %get3A_360 = arith.constant 17 : index
    %get3A_361 = arith.constant 0 : index
    %get3A_362 = vector.load %arg2[%get3A_358, %get3A_359, %get3A_360, %get3A_361] : memref<1x512x20x128xf32, #tpu.memory_space<vmem>>, vector<1x512x1x64xf32>
    %get3A_363 = vector.shape_cast %get3A_362 : vector<1x512x1x64xf32> to vector<512x64xf32>
    %sub3A_364 = arith.subf %get3A_363, %get3A_7 : vector<512x64xf32>
    %concatenate3A_365 = tpu.concatenate %sub3A_364, %get3A_7 in 1 : vector<512x64xf32>, vector<512x64xf32> -> vector<512x128xf32>
    %convert_element_type3A_366 = arith.truncf %concatenate3A_365 : vector<512x128xf32> to vector<512x128xbf16>
    %dot_general3A_367 = arith.constant dense<0.000000e+00> : vector<512x128xf32>
    %dot_general3A_368 = tpu.matmul %convert_element_type3A_366, %convert_element_type3A_11, %dot_general3A_367 {dimension_numbers = #tpu.dot_dimension_numbers<[1], [1], [0], [0], [0, 0, 1, 0], [], []>, transpose_lhs_hint = false} : vector<512x128xbf16>, vector<128x128xbf16>, vector<512x128xf32> -> vector<512x128xf32>
    %max3A_369 = arith.maximumf %max3A_348, %dot_general3A_368 : vector<512x128xf32>
    %reduce_sum3A_370 = arith.constant dense<0.000000e+00> : vector<128xf32>
    %reduce_sum3A_371 = vector.multi_reduction <add>, %dot_general3A_368, %reduce_sum3A_370 [0] : vector<512x128xf32> to vector<128xf32>
    %broadcast_in_dim3A_372 = vector.shape_cast %reduce_sum3A_371 : vector<128xf32> to vector<1x128xf32>
    %mul3A_373 = arith.mulf %dot_general3A_368, %dot_general3A_368 : vector<512x128xf32>
    %reduce_sum3A_374 = arith.constant dense<0.000000e+00> : vector<128xf32>
    %reduce_sum3A_375 = vector.multi_reduction <add>, %mul3A_373, %reduce_sum3A_374 [0] : vector<512x128xf32> to vector<128xf32>
    %broadcast_in_dim3A_376 = vector.shape_cast %reduce_sum3A_375 : vector<128xf32> to vector<1x128xf32>
    %add3A_377 = arith.addf %add3A_356, %broadcast_in_dim3A_372 : vector<1x128xf32>
    %add3A_378 = arith.addf %add3A_357, %broadcast_in_dim3A_376 : vector<1x128xf32>
    %get3A_379 = arith.constant 0 : index
    %get3A_380 = arith.constant 0 : index
    %get3A_381 = arith.constant 18 : index
    %get3A_382 = arith.constant 0 : index
    %get3A_383 = vector.load %arg2[%get3A_379, %get3A_380, %get3A_381, %get3A_382] : memref<1x512x20x128xf32, #tpu.memory_space<vmem>>, vector<1x512x1x64xf32>
    %get3A_384 = vector.shape_cast %get3A_383 : vector<1x512x1x64xf32> to vector<512x64xf32>
    %sub3A_385 = arith.subf %get3A_384, %get3A_7 : vector<512x64xf32>
    %concatenate3A_386 = tpu.concatenate %sub3A_385, %get3A_7 in 1 : vector<512x64xf32>, vector<512x64xf32> -> vector<512x128xf32>
    %convert_element_type3A_387 = arith.truncf %concatenate3A_386 : vector<512x128xf32> to vector<512x128xbf16>
    %dot_general3A_388 = arith.constant dense<0.000000e+00> : vector<512x128xf32>
    %dot_general3A_389 = tpu.matmul %convert_element_type3A_387, %convert_element_type3A_11, %dot_general3A_388 {dimension_numbers = #tpu.dot_dimension_numbers<[1], [1], [0], [0], [0, 0, 1, 0], [], []>, transpose_lhs_hint = false} : vector<512x128xbf16>, vector<128x128xbf16>, vector<512x128xf32> -> vector<512x128xf32>
    %max3A_390 = arith.maximumf %max3A_369, %dot_general3A_389 : vector<512x128xf32>
    %reduce_sum3A_391 = arith.constant dense<0.000000e+00> : vector<128xf32>
    %reduce_sum3A_392 = vector.multi_reduction <add>, %dot_general3A_389, %reduce_sum3A_391 [0] : vector<512x128xf32> to vector<128xf32>
    %broadcast_in_dim3A_393 = vector.shape_cast %reduce_sum3A_392 : vector<128xf32> to vector<1x128xf32>
    %mul3A_394 = arith.mulf %dot_general3A_389, %dot_general3A_389 : vector<512x128xf32>
    %reduce_sum3A_395 = arith.constant dense<0.000000e+00> : vector<128xf32>
    %reduce_sum3A_396 = vector.multi_reduction <add>, %mul3A_394, %reduce_sum3A_395 [0] : vector<512x128xf32> to vector<128xf32>
    %broadcast_in_dim3A_397 = vector.shape_cast %reduce_sum3A_396 : vector<128xf32> to vector<1x128xf32>
    %add3A_398 = arith.addf %add3A_377, %broadcast_in_dim3A_393 : vector<1x128xf32>
    %add3A_399 = arith.addf %add3A_378, %broadcast_in_dim3A_397 : vector<1x128xf32>
    %get3A_400 = arith.constant 0 : index
    %get3A_401 = arith.constant 0 : index
    %get3A_402 = arith.constant 19 : index
    %get3A_403 = arith.constant 0 : index
    %get3A_404 = vector.load %arg2[%get3A_400, %get3A_401, %get3A_402, %get3A_403] : memref<1x512x20x128xf32, #tpu.memory_space<vmem>>, vector<1x512x1x64xf32>
    %get3A_405 = vector.shape_cast %get3A_404 : vector<1x512x1x64xf32> to vector<512x64xf32>
    %sub3A_406 = arith.subf %get3A_405, %get3A_7 : vector<512x64xf32>
    %concatenate3A_407 = tpu.concatenate %sub3A_406, %get3A_7 in 1 : vector<512x64xf32>, vector<512x64xf32> -> vector<512x128xf32>
    %convert_element_type3A_408 = arith.truncf %concatenate3A_407 : vector<512x128xf32> to vector<512x128xbf16>
    %dot_general3A_409 = arith.constant dense<0.000000e+00> : vector<512x128xf32>
    %dot_general3A_410 = tpu.matmul %convert_element_type3A_408, %convert_element_type3A_11, %dot_general3A_409 {dimension_numbers = #tpu.dot_dimension_numbers<[1], [1], [0], [0], [0, 0, 1, 0], [], []>, transpose_lhs_hint = false} : vector<512x128xbf16>, vector<128x128xbf16>, vector<512x128xf32> -> vector<512x128xf32>
    %max3A_411 = arith.maximumf %max3A_390, %dot_general3A_410 : vector<512x128xf32>
    %reduce_sum3A_412 = arith.constant dense<0.000000e+00> : vector<128xf32>
    %reduce_sum3A_413 = vector.multi_reduction <add>, %dot_general3A_410, %reduce_sum3A_412 [0] : vector<512x128xf32> to vector<128xf32>
    %broadcast_in_dim3A_414 = vector.shape_cast %reduce_sum3A_413 : vector<128xf32> to vector<1x128xf32>
    %mul3A_415 = arith.mulf %dot_general3A_410, %dot_general3A_410 : vector<512x128xf32>
    %reduce_sum3A_416 = arith.constant dense<0.000000e+00> : vector<128xf32>
    %reduce_sum3A_417 = vector.multi_reduction <add>, %mul3A_415, %reduce_sum3A_416 [0] : vector<512x128xf32> to vector<128xf32>
    %broadcast_in_dim3A_418 = vector.shape_cast %reduce_sum3A_417 : vector<128xf32> to vector<1x128xf32>
    %add3A_419 = arith.addf %add3A_398, %broadcast_in_dim3A_414 : vector<1x128xf32>
    %add3A_420 = arith.addf %add3A_399, %broadcast_in_dim3A_418 : vector<1x128xf32>
    %swap3A = arith.constant 0 : index
    %swap3A_421 = arith.constant 0 : index
    %swap3A_422 = arith.constant 0 : index
    %swap3A_423 = vector.load %arg5[%swap3A, %swap3A_421, %swap3A_422] : memref<1x512x128xf32, #tpu.memory_space<vmem>>, vector<1x512x128xf32>
    %swap3A_424 = vector.shape_cast %swap3A_423 : vector<1x512x128xf32> to vector<512x128xf32>
    %swap3A_425 = vector.shape_cast %max3A_411 : vector<512x128xf32> to vector<1x512x128xf32>
    tpu.vector_store %arg5[%swap3A, %swap3A_421, %swap3A_422], %swap3A_425 {strides = array<i32>} : memref<1x512x128xf32, #tpu.memory_space<vmem>>, vector<1x512x128xf32>,
    %get3A_426 = arith.constant 0 : index
    %get3A_427 = arith.constant 0 : index
    %get3A_428 = vector.load %arg7[%get3A_426, %get3A_427] : memref<1x128xf32, #tpu.memory_space<vmem>>, vector<1x128xf32>
    %add3A_429 = arith.addf %get3A_428, %add3A_419 : vector<1x128xf32>
    %swap3A_430 = arith.constant 0 : index
    %swap3A_431 = arith.constant 0 : index
    %swap3A_432 = vector.load %arg7[%swap3A_430, %swap3A_431] : memref<1x128xf32, #tpu.memory_space<vmem>>, vector<1x128xf32>
    tpu.vector_store %arg7[%swap3A_430, %swap3A_431], %add3A_429 {strides = array<i32>} : memref<1x128xf32, #tpu.memory_space<vmem>>, vector<1x128xf32>,
    %get3A_433 = arith.constant 0 : index
    %get3A_434 = arith.constant 0 : index
    %get3A_435 = vector.load %arg8[%get3A_433, %get3A_434] : memref<1x128xf32, #tpu.memory_space<vmem>>, vector<1x128xf32>
    %add3A_436 = arith.addf %get3A_435, %add3A_420 : vector<1x128xf32>
    %swap3A_437 = arith.constant 0 : index
    %swap3A_438 = arith.constant 0 : index
    %swap3A_439 = vector.load %arg8[%swap3A_437, %swap3A_438] : memref<1x128xf32, #tpu.memory_space<vmem>>, vector<1x128xf32>
    tpu.vector_store %arg8[%swap3A_437, %swap3A_438], %add3A_436 {strides = array<i32>} : memref<1x128xf32, #tpu.memory_space<vmem>>, vector<1x128xf32>,
    %eq3A_440 = arith.constant 1 : i32
    %eq3A_441 = arith.cmpi eq, %arg0, %eq3A_440 : i32
    %eq3A_442 = arith.constant 3 : i32
    %eq3A_443 = arith.cmpi eq, %arg1, %eq3A_442 : i32
    %and3A_444 = arith.andi %eq3A_441, %eq3A_443 : i1
    %convert_element_type3A_445 = arith.extui %and3A_444 : i1 to i32
    %cond3A_446 = arith.constant 0 : i32
    %cond3A_447 = arith.cmpi ne, %convert_element_type3A_445, %cond3A_446 : i32
    scf.if %cond3A_447 {
      %get3A_448 = arith.constant 0 : index
      %get3A_449 = arith.constant 0 : index
      %get3A_450 = vector.load %arg7[%get3A_448, %get3A_449] : memref<1x128xf32, #tpu.memory_space<vmem>>, vector<1x128xf32>
      %swap3A_451 = arith.constant 0 : index
      %swap3A_452 = arith.constant 0 : index
      %swap3A_453 = vector.load %arg6[%swap3A_451, %swap3A_452] : memref<2x128xf32, #tpu.memory_space<vmem>>, vector<1x128xf32>
      tpu.vector_store %arg6[%swap3A_451, %swap3A_452], %get3A_450 {strides = array<i32>} : memref<2x128xf32, #tpu.memory_space<vmem>>, vector<1x128xf32>,
      %get3A_454 = arith.constant 0 : index
      %get3A_455 = arith.constant 0 : index
      %get3A_456 = vector.load %arg8[%get3A_454, %get3A_455] : memref<1x128xf32, #tpu.memory_space<vmem>>, vector<1x128xf32>
      %swap3A_457 = arith.constant 1 : index
      %swap3A_458 = arith.constant 0 : index
      %swap3A_459 = vector.load %arg6[%swap3A_457, %swap3A_458] : memref<2x128xf32, #tpu.memory_space<vmem>>, vector<1x128xf32>
      tpu.vector_store %arg6[%swap3A_457, %swap3A_458], %get3A_456 {strides = array<i32>} : memref<2x128xf32, #tpu.memory_space<vmem>>, vector<1x128xf32>,
    } else {
    }
    return
  }
  func.func @transform_0(%arg0: i32, %arg1: i32) -> (i32, i32, i32, i32) {
    %c0_i32 = arith.constant 0 : i32
    %c0_i32_0 = arith.constant 0 : i32
    %c0_i32_1 = arith.constant 0 : i32
    return %arg0, %arg1, %c0_i32, %c0_i32_0 : i32, i32, i32, i32
  }
  func.func @transform_1(%arg0: i32, %arg1: i32) -> (i32, i32, i32) {
    %c0_i32 = arith.constant 0 : i32
    %c0_i32_0 = arith.constant 0 : i32
    return %arg0, %arg1, %c0_i32 : i32, i32, i32
  }
  func.func @transform_2(%arg0: i32, %arg1: i32) -> (i32, i32) {
    %c0_i32 = arith.constant 0 : i32
    %c0_i32_0 = arith.constant 0 : i32
    %c0_i32_1 = arith.constant 0 : i32
    return %c0_i32, %c0_i32_0 : i32, i32
  }
  func.func @transform_3(%arg0: i32, %arg1: i32) -> (i32, i32, i32) {
    %c0_i32 = arith.constant 0 : i32
    %c0_i32_0 = arith.constant 0 : i32
    return %arg0, %arg1, %c0_i32 : i32, i32, i32
  }
  func.func @transform_4(%arg0: i32, %arg1: i32) -> (i32, i32) {
    %c0_i32 = arith.constant 0 : i32
    %c0_i32_0 = arith.constant 0 : i32
    %c0_i32_1 = arith.constant 0 : i32
    return %c0_i32, %c0_i32_0 : i32, i32
  }
}

module attributes {stable_mosaic.version = 14 : i64} {
  func.func @_fin_body(%arg0: i32, %arg1: i32, %arg2: memref<1x512x128xf32, #tpu.memory_space<vmem>>, %arg3: memref<2x128xf32, #tpu.memory_space<vmem>>, %arg4: memref<1x128xf32, #tpu.memory_space<vmem>>, %arg5: memref<1x128xf32, #tpu.memory_space<vmem>>, %arg6: memref<1xf32, #tpu.memory_space<smem>>, %arg7: memref<1x512x128xf32, #tpu.memory_space<vmem>>) attributes {dimension_semantics = [#tpu.dimension_semantics<arbitrary>, #tpu.dimension_semantics<arbitrary>], iteration_bounds = array<i64: 2, 4>, scalar_prefetch = 0 : i64, scratch_operands = 0 : i64, tpu.core_type = #tpu.core_type<tc>, window_params = [{transform_indices = @transform_0, window_bounds = array<i64: 1, 512, 128>}, {pipeline_mode = #tpu.pipeline_mode<synchronous>, transform_indices = @transform_1, window_bounds = array<i64: 2, 128>}, {pipeline_mode = #tpu.pipeline_mode<synchronous>, transform_indices = @transform_2, window_bounds = array<i64: 1, 128>}, {pipeline_mode = #tpu.pipeline_mode<synchronous>, transform_indices = @transform_3, window_bounds = array<i64: 1, 128>}, {transform_indices = @transform_4, window_bounds = array<i64: 1>}, {transform_indices = @transform_5, window_bounds = array<i64: 1, 512, 128>}]} {
    %get3A = arith.constant 0 : index
    %get3A_0 = memref.load %arg6[%get3A] : memref<1xf32, #tpu.memory_space<smem>>
    %get3A_1 = arith.constant 0 : index
    %get3A_2 = arith.constant 0 : index
    %get3A_3 = vector.load %arg3[%get3A_1, %get3A_2] : memref<2x128xf32, #tpu.memory_space<vmem>>, vector<1x128xf32>
    %div3A = vector.broadcast %get3A_0 : f32 to vector<1x128xf32>
    %div3A_4 = arith.divf %get3A_3, %div3A : vector<1x128xf32>
    %get3A_5 = arith.constant 1 : index
    %get3A_6 = arith.constant 0 : index
    %get3A_7 = vector.load %arg3[%get3A_5, %get3A_6] : memref<2x128xf32, #tpu.memory_space<vmem>>, vector<1x128xf32>
    %div3A_8 = vector.broadcast %get3A_0 : f32 to vector<1x128xf32>
    %div3A_9 = arith.divf %get3A_7, %div3A_8 : vector<1x128xf32>
    %mul3A = arith.mulf %div3A_4, %div3A_4 : vector<1x128xf32>
    %sub3A = arith.subf %div3A_9, %mul3A : vector<1x128xf32>
    %add3A = arith.constant 9.99999974E-6 : f32
    %add3A_10 = vector.broadcast %add3A : f32 to vector<1x128xf32>
    %add3A_11 = arith.addf %sub3A, %add3A_10 : vector<1x128xf32>
    %rsqrt3A = math.rsqrt %add3A_11 : vector<1x128xf32>
    %get3A_12 = arith.constant 0 : index
    %get3A_13 = arith.constant 0 : index
    %get3A_14 = arith.constant 0 : index
    %get3A_15 = vector.load %arg2[%get3A_12, %get3A_13, %get3A_14] : memref<1x512x128xf32, #tpu.memory_space<vmem>>, vector<1x512x128xf32>
    %get3A_16 = vector.shape_cast %get3A_15 : vector<1x512x128xf32> to vector<512x128xf32>
    %sub3A_17 = vector.broadcast %div3A_4 : vector<1x128xf32> to vector<512x128xf32>
    %sub3A_18 = arith.subf %get3A_16, %sub3A_17 : vector<512x128xf32>
    %mul3A_19 = vector.broadcast %rsqrt3A : vector<1x128xf32> to vector<512x128xf32>
    %mul3A_20 = arith.mulf %sub3A_18, %mul3A_19 : vector<512x128xf32>
    %get3A_21 = arith.constant 0 : index
    %get3A_22 = arith.constant 0 : index
    %get3A_23 = vector.load %arg4[%get3A_21, %get3A_22] : memref<1x128xf32, #tpu.memory_space<vmem>>, vector<1x128xf32>
    %mul3A_24 = vector.broadcast %get3A_23 : vector<1x128xf32> to vector<512x128xf32>
    %mul3A_25 = arith.mulf %mul3A_20, %mul3A_24 : vector<512x128xf32>
    %get3A_26 = arith.constant 0 : index
    %get3A_27 = arith.constant 0 : index
    %get3A_28 = vector.load %arg5[%get3A_26, %get3A_27] : memref<1x128xf32, #tpu.memory_space<vmem>>, vector<1x128xf32>
    %add3A_29 = vector.broadcast %get3A_28 : vector<1x128xf32> to vector<512x128xf32>
    %add3A_30 = arith.addf %mul3A_25, %add3A_29 : vector<512x128xf32>
    %ge3A = arith.constant 0.000000e+00 : f32
    %ge3A_31 = vector.broadcast %ge3A : f32 to vector<512x128xf32>
    %ge3A_32 = arith.cmpf oge, %add3A_30, %ge3A_31 : vector<512x128xf32>
    %mul3A_33 = arith.constant 2.000000e-01 : f32
    %mul3A_34 = vector.broadcast %mul3A_33 : f32 to vector<512x128xf32>
    %mul3A_35 = arith.mulf %mul3A_34, %add3A_30 : vector<512x128xf32>
    %select_n3A = arith.select %ge3A_32, %add3A_30, %mul3A_35 : vector<512x128xi1>, vector<512x128xf32>
    %swap3A = arith.constant 0 : index
    %swap3A_36 = arith.constant 0 : index
    %swap3A_37 = arith.constant 0 : index
    %swap3A_38 = vector.load %arg7[%swap3A, %swap3A_36, %swap3A_37] : memref<1x512x128xf32, #tpu.memory_space<vmem>>, vector<1x512x128xf32>
    %swap3A_39 = vector.shape_cast %swap3A_38 : vector<1x512x128xf32> to vector<512x128xf32>
    %swap3A_40 = vector.shape_cast %select_n3A : vector<512x128xf32> to vector<1x512x128xf32>
    tpu.vector_store %arg7[%swap3A, %swap3A_36, %swap3A_37], %swap3A_40 {strides = array<i32>} : memref<1x512x128xf32, #tpu.memory_space<vmem>>, vector<1x512x128xf32>,
    return
  }
  func.func @transform_0(%arg0: i32, %arg1: i32) -> (i32, i32, i32) {
    %c0_i32 = arith.constant 0 : i32
    %c0_i32_0 = arith.constant 0 : i32
    return %arg0, %arg1, %c0_i32 : i32, i32, i32
  }
  func.func @transform_1(%arg0: i32, %arg1: i32) -> (i32, i32) {
    %c0_i32 = arith.constant 0 : i32
    %c0_i32_0 = arith.constant 0 : i32
    %c0_i32_1 = arith.constant 0 : i32
    return %c0_i32, %c0_i32_0 : i32, i32
  }
  func.func @transform_2(%arg0: i32, %arg1: i32) -> (i32, i32) {
    %c0_i32 = arith.constant 0 : i32
    %c0_i32_0 = arith.constant 0 : i32
    %c0_i32_1 = arith.constant 0 : i32
    return %c0_i32, %c0_i32_0 : i32, i32
  }
  func.func @transform_3(%arg0: i32, %arg1: i32) -> (i32, i32) {
    %c0_i32 = arith.constant 0 : i32
    %c0_i32_0 = arith.constant 0 : i32
    %c0_i32_1 = arith.constant 0 : i32
    return %c0_i32, %c0_i32_0 : i32, i32
  }
  func.func @transform_4(%arg0: i32, %arg1: i32) -> i32 {
    %c0_i32 = arith.constant 0 : i32
    %c0_i32_0 = arith.constant 0 : i32
    return %c0_i32 : i32
  }
  func.func @transform_5(%arg0: i32, %arg1: i32) -> (i32, i32, i32) {
    %c0_i32 = arith.constant 0 : i32
    %c0_i32_0 = arith.constant 0 : i32
    return %arg0, %arg1, %c0_i32 : i32, i32, i32
  }
}

module attributes {stable_mosaic.version = 14 : i64} {
  func.func @_topk_body(%arg0: i32, %arg1: i32, %arg2: memref<1x2048x128xf32, #tpu.memory_space<vmem>>, %arg3: memref<1x512x128xf32, #tpu.memory_space<vmem>>, %arg4: memref<1x512x20xi32, #tpu.memory_space<vmem>>) attributes {dimension_semantics = [#tpu.dimension_semantics<arbitrary>, #tpu.dimension_semantics<arbitrary>], iteration_bounds = array<i64: 2, 4>, scalar_prefetch = 0 : i64, scratch_operands = 0 : i64, tpu.core_type = #tpu.core_type<tc>, window_params = [{transform_indices = @transform_0, window_bounds = array<i64: 1, 2048, 128>}, {transform_indices = @transform_1, window_bounds = array<i64: 1, 512, 128>}, {transform_indices = @transform_2, window_bounds = array<i64: 1, 512, 20>}]} {
    %get3A = arith.constant 0 : index
    %get3A_0 = arith.constant 0 : index
    %get3A_1 = arith.constant 0 : index
    %get3A_2 = vector.load %arg2[%get3A, %get3A_0, %get3A_1] : memref<1x2048x128xf32, #tpu.memory_space<vmem>>, vector<1x2048x128xf32>
    %get3A_3 = vector.shape_cast %get3A_2 : vector<1x2048x128xf32> to vector<2048x128xf32>
    %get3A_4 = arith.constant 0 : index
    %get3A_5 = arith.constant 0 : index
    %get3A_6 = arith.constant 0 : index
    %get3A_7 = vector.load %arg3[%get3A_4, %get3A_5, %get3A_6] : memref<1x512x128xf32, #tpu.memory_space<vmem>>, vector<1x512x128xf32>
    %get3A_8 = vector.shape_cast %get3A_7 : vector<1x512x128xf32> to vector<512x128xf32>
    %convert_element_type3A = arith.truncf %get3A_8 : vector<512x128xf32> to vector<512x128xbf16>
    %convert_element_type3A_9 = arith.truncf %get3A_3 : vector<2048x128xf32> to vector<2048x128xbf16>
    %dot_general3A = arith.constant dense<0.000000e+00> : vector<512x2048xf32>
    %dot_general3A_10 = tpu.matmul %convert_element_type3A, %convert_element_type3A_9, %dot_general3A {dimension_numbers = #tpu.dot_dimension_numbers<[1], [1], [0], [0], [0, 0, 1, 0], [], []>, transpose_lhs_hint = false} : vector<512x128xbf16>, vector<2048x128xbf16>, vector<512x2048xf32> -> vector<512x2048xf32>
    %mul3A = arith.mulf %get3A_3, %get3A_3 : vector<2048x128xf32>
    %reduce_sum3A = arith.constant dense<0.000000e+00> : vector<2048xf32>
    %reduce_sum3A_11 = vector.multi_reduction <add>, %mul3A, %reduce_sum3A [1] : vector<2048x128xf32> to vector<2048xf32>
    %mul3A_12 = arith.mulf %get3A_8, %get3A_8 : vector<512x128xf32>
    %reduce_sum3A_13 = arith.constant dense<0.000000e+00> : vector<512xf32>
    %reduce_sum3A_14 = vector.multi_reduction <add>, %mul3A_12, %reduce_sum3A_13 [1] : vector<512x128xf32> to vector<512xf32>
    %broadcast_in_dim3A = vector.shape_cast %reduce_sum3A_14 : vector<512xf32> to vector<512x1xf32>
    %neg3A = arith.constant 0.000000e+00 : f32
    %neg3A_15 = vector.broadcast %neg3A : f32 to vector<512x1xf32>
    %neg3A_16 = arith.subf %neg3A_15, %broadcast_in_dim3A : vector<512x1xf32>
    %mul3A_17 = arith.constant -2.000000e+00 : f32
    %mul3A_18 = vector.broadcast %mul3A_17 : f32 to vector<512x2048xf32>
    %mul3A_19 = arith.mulf %mul3A_18, %dot_general3A_10 : vector<512x2048xf32>
    %sub3A = vector.broadcast %neg3A_16 : vector<512x1xf32> to vector<512x2048xf32>
    %sub3A_20 = arith.subf %sub3A, %mul3A_19 : vector<512x2048xf32>
    %broadcast_in_dim3A_21 = vector.shape_cast %reduce_sum3A_11 : vector<2048xf32> to vector<1x2048xf32>
    %sub3A_22 = vector.broadcast %broadcast_in_dim3A_21 : vector<1x2048xf32> to vector<512x2048xf32>
    %sub3A_23 = arith.subf %sub3A_20, %sub3A_22 : vector<512x2048xf32>
    %iota3A = tpu.iota {dimensions = array<i32: 1>} : vector<512x2048xi32>
    %reduce_max3A = arith.constant dense<0xFF800000> : vector<512xf32>
    %reduce_max3A_24 = vector.multi_reduction <maximumf>, %sub3A_23, %reduce_max3A [1] : vector<512x2048xf32> to vector<512xf32>
    %broadcast_in_dim3A_25 = vector.shape_cast %reduce_max3A_24 : vector<512xf32> to vector<512x1xf32>
    %eq3A = vector.broadcast %broadcast_in_dim3A_25 : vector<512x1xf32> to vector<512x2048xf32>
    %eq3A_26 = arith.cmpf oeq, %sub3A_23, %eq3A : vector<512x2048xf32>
    %jit3A = arith.constant 2048 : i32
    %broadcast_in_dim3A_27 = vector.broadcast %jit3A : i32 to vector<512x2048xi32>
    %select_n3A = arith.select %eq3A_26, %iota3A, %broadcast_in_dim3A_27 : vector<512x2048xi1>, vector<512x2048xi32>
    %reduce_min3A = arith.constant dense<2147483647> : vector<512xi32>
    %reduce_min3A_28 = vector.multi_reduction <minsi>, %select_n3A, %reduce_min3A [1] : vector<512x2048xi32> to vector<512xi32>
    %broadcast_in_dim3A_29 = vector.shape_cast %reduce_min3A_28 : vector<512xi32> to vector<512x1xi32>
    %eq3A_30 = vector.broadcast %broadcast_in_dim3A_29 : vector<512x1xi32> to vector<512x2048xi32>
    %eq3A_31 = arith.cmpi eq, %iota3A, %eq3A_30 : vector<512x2048xi32>
    %jit3A_32 = arith.constant -3.000000e+38 : f32
    %broadcast_in_dim3A_33 = vector.broadcast %jit3A_32 : f32 to vector<512x2048xf32>
    %select_n3A_34 = arith.select %eq3A_31, %broadcast_in_dim3A_33, %sub3A_23 : vector<512x2048xi1>, vector<512x2048xf32>
    %reduce_max3A_35 = arith.constant dense<0xFF800000> : vector<512xf32>
    %reduce_max3A_36 = vector.multi_reduction <maximumf>, %select_n3A_34, %reduce_max3A_35 [1] : vector<512x2048xf32> to vector<512xf32>
    %broadcast_in_dim3A_37 = vector.shape_cast %reduce_max3A_36 : vector<512xf32> to vector<512x1xf32>
    %eq3A_38 = vector.broadcast %broadcast_in_dim3A_37 : vector<512x1xf32> to vector<512x2048xf32>
    %eq3A_39 = arith.cmpf oeq, %select_n3A_34, %eq3A_38 : vector<512x2048xf32>
    %jit3A_40 = arith.constant 2048 : i32
    %broadcast_in_dim3A_41 = vector.broadcast %jit3A_40 : i32 to vector<512x2048xi32>
    %select_n3A_42 = arith.select %eq3A_39, %iota3A, %broadcast_in_dim3A_41 : vector<512x2048xi1>, vector<512x2048xi32>
    %reduce_min3A_43 = arith.constant dense<2147483647> : vector<512xi32>
    %reduce_min3A_44 = vector.multi_reduction <minsi>, %select_n3A_42, %reduce_min3A_43 [1] : vector<512x2048xi32> to vector<512xi32>
    %broadcast_in_dim3A_45 = vector.shape_cast %reduce_min3A_44 : vector<512xi32> to vector<512x1xi32>
    %eq3A_46 = vector.broadcast %broadcast_in_dim3A_45 : vector<512x1xi32> to vector<512x2048xi32>
    %eq3A_47 = arith.cmpi eq, %iota3A, %eq3A_46 : vector<512x2048xi32>
    %jit3A_48 = arith.constant -3.000000e+38 : f32
    %broadcast_in_dim3A_49 = vector.broadcast %jit3A_48 : f32 to vector<512x2048xf32>
    %select_n3A_50 = arith.select %eq3A_47, %broadcast_in_dim3A_49, %select_n3A_34 : vector<512x2048xi1>, vector<512x2048xf32>
    %reduce_max3A_51 = arith.constant dense<0xFF800000> : vector<512xf32>
    %reduce_max3A_52 = vector.multi_reduction <maximumf>, %select_n3A_50, %reduce_max3A_51 [1] : vector<512x2048xf32> to vector<512xf32>
    %broadcast_in_dim3A_53 = vector.shape_cast %reduce_max3A_52 : vector<512xf32> to vector<512x1xf32>
    %eq3A_54 = vector.broadcast %broadcast_in_dim3A_53 : vector<512x1xf32> to vector<512x2048xf32>
    %eq3A_55 = arith.cmpf oeq, %select_n3A_50, %eq3A_54 : vector<512x2048xf32>
    %jit3A_56 = arith.constant 2048 : i32
    %broadcast_in_dim3A_57 = vector.broadcast %jit3A_56 : i32 to vector<512x2048xi32>
    %select_n3A_58 = arith.select %eq3A_55, %iota3A, %broadcast_in_dim3A_57 : vector<512x2048xi1>, vector<512x2048xi32>
    %reduce_min3A_59 = arith.constant dense<2147483647> : vector<512xi32>
    %reduce_min3A_60 = vector.multi_reduction <minsi>, %select_n3A_58, %reduce_min3A_59 [1] : vector<512x2048xi32> to vector<512xi32>
    %broadcast_in_dim3A_61 = vector.shape_cast %reduce_min3A_60 : vector<512xi32> to vector<512x1xi32>
    %eq3A_62 = vector.broadcast %broadcast_in_dim3A_61 : vector<512x1xi32> to vector<512x2048xi32>
    %eq3A_63 = arith.cmpi eq, %iota3A, %eq3A_62 : vector<512x2048xi32>
    %jit3A_64 = arith.constant -3.000000e+38 : f32
    %broadcast_in_dim3A_65 = vector.broadcast %jit3A_64 : f32 to vector<512x2048xf32>
    %select_n3A_66 = arith.select %eq3A_63, %broadcast_in_dim3A_65, %select_n3A_50 : vector<512x2048xi1>, vector<512x2048xf32>
    %reduce_max3A_67 = arith.constant dense<0xFF800000> : vector<512xf32>
    %reduce_max3A_68 = vector.multi_reduction <maximumf>, %select_n3A_66, %reduce_max3A_67 [1] : vector<512x2048xf32> to vector<512xf32>
    %broadcast_in_dim3A_69 = vector.shape_cast %reduce_max3A_68 : vector<512xf32> to vector<512x1xf32>
    %eq3A_70 = vector.broadcast %broadcast_in_dim3A_69 : vector<512x1xf32> to vector<512x2048xf32>
    %eq3A_71 = arith.cmpf oeq, %select_n3A_66, %eq3A_70 : vector<512x2048xf32>
    %jit3A_72 = arith.constant 2048 : i32
    %broadcast_in_dim3A_73 = vector.broadcast %jit3A_72 : i32 to vector<512x2048xi32>
    %select_n3A_74 = arith.select %eq3A_71, %iota3A, %broadcast_in_dim3A_73 : vector<512x2048xi1>, vector<512x2048xi32>
    %reduce_min3A_75 = arith.constant dense<2147483647> : vector<512xi32>
    %reduce_min3A_76 = vector.multi_reduction <minsi>, %select_n3A_74, %reduce_min3A_75 [1] : vector<512x2048xi32> to vector<512xi32>
    %broadcast_in_dim3A_77 = vector.shape_cast %reduce_min3A_76 : vector<512xi32> to vector<512x1xi32>
    %eq3A_78 = vector.broadcast %broadcast_in_dim3A_77 : vector<512x1xi32> to vector<512x2048xi32>
    %eq3A_79 = arith.cmpi eq, %iota3A, %eq3A_78 : vector<512x2048xi32>
    %jit3A_80 = arith.constant -3.000000e+38 : f32
    %broadcast_in_dim3A_81 = vector.broadcast %jit3A_80 : f32 to vector<512x2048xf32>
    %select_n3A_82 = arith.select %eq3A_79, %broadcast_in_dim3A_81, %select_n3A_66 : vector<512x2048xi1>, vector<512x2048xf32>
    %reduce_max3A_83 = arith.constant dense<0xFF800000> : vector<512xf32>
    %reduce_max3A_84 = vector.multi_reduction <maximumf>, %select_n3A_82, %reduce_max3A_83 [1] : vector<512x2048xf32> to vector<512xf32>
    %broadcast_in_dim3A_85 = vector.shape_cast %reduce_max3A_84 : vector<512xf32> to vector<512x1xf32>
    %eq3A_86 = vector.broadcast %broadcast_in_dim3A_85 : vector<512x1xf32> to vector<512x2048xf32>
    %eq3A_87 = arith.cmpf oeq, %select_n3A_82, %eq3A_86 : vector<512x2048xf32>
    %jit3A_88 = arith.constant 2048 : i32
    %broadcast_in_dim3A_89 = vector.broadcast %jit3A_88 : i32 to vector<512x2048xi32>
    %select_n3A_90 = arith.select %eq3A_87, %iota3A, %broadcast_in_dim3A_89 : vector<512x2048xi1>, vector<512x2048xi32>
    %reduce_min3A_91 = arith.constant dense<2147483647> : vector<512xi32>
    %reduce_min3A_92 = vector.multi_reduction <minsi>, %select_n3A_90, %reduce_min3A_91 [1] : vector<512x2048xi32> to vector<512xi32>
    %broadcast_in_dim3A_93 = vector.shape_cast %reduce_min3A_92 : vector<512xi32> to vector<512x1xi32>
    %eq3A_94 = vector.broadcast %broadcast_in_dim3A_93 : vector<512x1xi32> to vector<512x2048xi32>
    %eq3A_95 = arith.cmpi eq, %iota3A, %eq3A_94 : vector<512x2048xi32>
    %jit3A_96 = arith.constant -3.000000e+38 : f32
    %broadcast_in_dim3A_97 = vector.broadcast %jit3A_96 : f32 to vector<512x2048xf32>
    %select_n3A_98 = arith.select %eq3A_95, %broadcast_in_dim3A_97, %select_n3A_82 : vector<512x2048xi1>, vector<512x2048xf32>
    %reduce_max3A_99 = arith.constant dense<0xFF800000> : vector<512xf32>
    %reduce_max3A_100 = vector.multi_reduction <maximumf>, %select_n3A_98, %reduce_max3A_99 [1] : vector<512x2048xf32> to vector<512xf32>
    %broadcast_in_dim3A_101 = vector.shape_cast %reduce_max3A_100 : vector<512xf32> to vector<512x1xf32>
    %eq3A_102 = vector.broadcast %broadcast_in_dim3A_101 : vector<512x1xf32> to vector<512x2048xf32>
    %eq3A_103 = arith.cmpf oeq, %select_n3A_98, %eq3A_102 : vector<512x2048xf32>
    %jit3A_104 = arith.constant 2048 : i32
    %broadcast_in_dim3A_105 = vector.broadcast %jit3A_104 : i32 to vector<512x2048xi32>
    %select_n3A_106 = arith.select %eq3A_103, %iota3A, %broadcast_in_dim3A_105 : vector<512x2048xi1>, vector<512x2048xi32>
    %reduce_min3A_107 = arith.constant dense<2147483647> : vector<512xi32>
    %reduce_min3A_108 = vector.multi_reduction <minsi>, %select_n3A_106, %reduce_min3A_107 [1] : vector<512x2048xi32> to vector<512xi32>
    %broadcast_in_dim3A_109 = vector.shape_cast %reduce_min3A_108 : vector<512xi32> to vector<512x1xi32>
    %eq3A_110 = vector.broadcast %broadcast_in_dim3A_109 : vector<512x1xi32> to vector<512x2048xi32>
    %eq3A_111 = arith.cmpi eq, %iota3A, %eq3A_110 : vector<512x2048xi32>
    %jit3A_112 = arith.constant -3.000000e+38 : f32
    %broadcast_in_dim3A_113 = vector.broadcast %jit3A_112 : f32 to vector<512x2048xf32>
    %select_n3A_114 = arith.select %eq3A_111, %broadcast_in_dim3A_113, %select_n3A_98 : vector<512x2048xi1>, vector<512x2048xf32>
    %reduce_max3A_115 = arith.constant dense<0xFF800000> : vector<512xf32>
    %reduce_max3A_116 = vector.multi_reduction <maximumf>, %select_n3A_114, %reduce_max3A_115 [1] : vector<512x2048xf32> to vector<512xf32>
    %broadcast_in_dim3A_117 = vector.shape_cast %reduce_max3A_116 : vector<512xf32> to vector<512x1xf32>
    %eq3A_118 = vector.broadcast %broadcast_in_dim3A_117 : vector<512x1xf32> to vector<512x2048xf32>
    %eq3A_119 = arith.cmpf oeq, %select_n3A_114, %eq3A_118 : vector<512x2048xf32>
    %jit3A_120 = arith.constant 2048 : i32
    %broadcast_in_dim3A_121 = vector.broadcast %jit3A_120 : i32 to vector<512x2048xi32>
    %select_n3A_122 = arith.select %eq3A_119, %iota3A, %broadcast_in_dim3A_121 : vector<512x2048xi1>, vector<512x2048xi32>
    %reduce_min3A_123 = arith.constant dense<2147483647> : vector<512xi32>
    %reduce_min3A_124 = vector.multi_reduction <minsi>, %select_n3A_122, %reduce_min3A_123 [1] : vector<512x2048xi32> to vector<512xi32>
    %broadcast_in_dim3A_125 = vector.shape_cast %reduce_min3A_124 : vector<512xi32> to vector<512x1xi32>
    %eq3A_126 = vector.broadcast %broadcast_in_dim3A_125 : vector<512x1xi32> to vector<512x2048xi32>
    %eq3A_127 = arith.cmpi eq, %iota3A, %eq3A_126 : vector<512x2048xi32>
    %jit3A_128 = arith.constant -3.000000e+38 : f32
    %broadcast_in_dim3A_129 = vector.broadcast %jit3A_128 : f32 to vector<512x2048xf32>
    %select_n3A_130 = arith.select %eq3A_127, %broadcast_in_dim3A_129, %select_n3A_114 : vector<512x2048xi1>, vector<512x2048xf32>
    %reduce_max3A_131 = arith.constant dense<0xFF800000> : vector<512xf32>
    %reduce_max3A_132 = vector.multi_reduction <maximumf>, %select_n3A_130, %reduce_max3A_131 [1] : vector<512x2048xf32> to vector<512xf32>
    %broadcast_in_dim3A_133 = vector.shape_cast %reduce_max3A_132 : vector<512xf32> to vector<512x1xf32>
    %eq3A_134 = vector.broadcast %broadcast_in_dim3A_133 : vector<512x1xf32> to vector<512x2048xf32>
    %eq3A_135 = arith.cmpf oeq, %select_n3A_130, %eq3A_134 : vector<512x2048xf32>
    %jit3A_136 = arith.constant 2048 : i32
    %broadcast_in_dim3A_137 = vector.broadcast %jit3A_136 : i32 to vector<512x2048xi32>
    %select_n3A_138 = arith.select %eq3A_135, %iota3A, %broadcast_in_dim3A_137 : vector<512x2048xi1>, vector<512x2048xi32>
    %reduce_min3A_139 = arith.constant dense<2147483647> : vector<512xi32>
    %reduce_min3A_140 = vector.multi_reduction <minsi>, %select_n3A_138, %reduce_min3A_139 [1] : vector<512x2048xi32> to vector<512xi32>
    %broadcast_in_dim3A_141 = vector.shape_cast %reduce_min3A_140 : vector<512xi32> to vector<512x1xi32>
    %eq3A_142 = vector.broadcast %broadcast_in_dim3A_141 : vector<512x1xi32> to vector<512x2048xi32>
    %eq3A_143 = arith.cmpi eq, %iota3A, %eq3A_142 : vector<512x2048xi32>
    %jit3A_144 = arith.constant -3.000000e+38 : f32
    %broadcast_in_dim3A_145 = vector.broadcast %jit3A_144 : f32 to vector<512x2048xf32>
    %select_n3A_146 = arith.select %eq3A_143, %broadcast_in_dim3A_145, %select_n3A_130 : vector<512x2048xi1>, vector<512x2048xf32>
    %reduce_max3A_147 = arith.constant dense<0xFF800000> : vector<512xf32>
    %reduce_max3A_148 = vector.multi_reduction <maximumf>, %select_n3A_146, %reduce_max3A_147 [1] : vector<512x2048xf32> to vector<512xf32>
    %broadcast_in_dim3A_149 = vector.shape_cast %reduce_max3A_148 : vector<512xf32> to vector<512x1xf32>
    %eq3A_150 = vector.broadcast %broadcast_in_dim3A_149 : vector<512x1xf32> to vector<512x2048xf32>
    %eq3A_151 = arith.cmpf oeq, %select_n3A_146, %eq3A_150 : vector<512x2048xf32>
    %jit3A_152 = arith.constant 2048 : i32
    %broadcast_in_dim3A_153 = vector.broadcast %jit3A_152 : i32 to vector<512x2048xi32>
    %select_n3A_154 = arith.select %eq3A_151, %iota3A, %broadcast_in_dim3A_153 : vector<512x2048xi1>, vector<512x2048xi32>
    %reduce_min3A_155 = arith.constant dense<2147483647> : vector<512xi32>
    %reduce_min3A_156 = vector.multi_reduction <minsi>, %select_n3A_154, %reduce_min3A_155 [1] : vector<512x2048xi32> to vector<512xi32>
    %broadcast_in_dim3A_157 = vector.shape_cast %reduce_min3A_156 : vector<512xi32> to vector<512x1xi32>
    %eq3A_158 = vector.broadcast %broadcast_in_dim3A_157 : vector<512x1xi32> to vector<512x2048xi32>
    %eq3A_159 = arith.cmpi eq, %iota3A, %eq3A_158 : vector<512x2048xi32>
    %jit3A_160 = arith.constant -3.000000e+38 : f32
    %broadcast_in_dim3A_161 = vector.broadcast %jit3A_160 : f32 to vector<512x2048xf32>
    %select_n3A_162 = arith.select %eq3A_159, %broadcast_in_dim3A_161, %select_n3A_146 : vector<512x2048xi1>, vector<512x2048xf32>
    %reduce_max3A_163 = arith.constant dense<0xFF800000> : vector<512xf32>
    %reduce_max3A_164 = vector.multi_reduction <maximumf>, %select_n3A_162, %reduce_max3A_163 [1] : vector<512x2048xf32> to vector<512xf32>
    %broadcast_in_dim3A_165 = vector.shape_cast %reduce_max3A_164 : vector<512xf32> to vector<512x1xf32>
    %eq3A_166 = vector.broadcast %broadcast_in_dim3A_165 : vector<512x1xf32> to vector<512x2048xf32>
    %eq3A_167 = arith.cmpf oeq, %select_n3A_162, %eq3A_166 : vector<512x2048xf32>
    %jit3A_168 = arith.constant 2048 : i32
    %broadcast_in_dim3A_169 = vector.broadcast %jit3A_168 : i32 to vector<512x2048xi32>
    %select_n3A_170 = arith.select %eq3A_167, %iota3A, %broadcast_in_dim3A_169 : vector<512x2048xi1>, vector<512x2048xi32>
    %reduce_min3A_171 = arith.constant dense<2147483647> : vector<512xi32>
    %reduce_min3A_172 = vector.multi_reduction <minsi>, %select_n3A_170, %reduce_min3A_171 [1] : vector<512x2048xi32> to vector<512xi32>
    %broadcast_in_dim3A_173 = vector.shape_cast %reduce_min3A_172 : vector<512xi32> to vector<512x1xi32>
    %eq3A_174 = vector.broadcast %broadcast_in_dim3A_173 : vector<512x1xi32> to vector<512x2048xi32>
    %eq3A_175 = arith.cmpi eq, %iota3A, %eq3A_174 : vector<512x2048xi32>
    %jit3A_176 = arith.constant -3.000000e+38 : f32
    %broadcast_in_dim3A_177 = vector.broadcast %jit3A_176 : f32 to vector<512x2048xf32>
    %select_n3A_178 = arith.select %eq3A_175, %broadcast_in_dim3A_177, %select_n3A_162 : vector<512x2048xi1>, vector<512x2048xf32>
    %reduce_max3A_179 = arith.constant dense<0xFF800000> : vector<512xf32>
    %reduce_max3A_180 = vector.multi_reduction <maximumf>, %select_n3A_178, %reduce_max3A_179 [1] : vector<512x2048xf32> to vector<512xf32>
    %broadcast_in_dim3A_181 = vector.shape_cast %reduce_max3A_180 : vector<512xf32> to vector<512x1xf32>
    %eq3A_182 = vector.broadcast %broadcast_in_dim3A_181 : vector<512x1xf32> to vector<512x2048xf32>
    %eq3A_183 = arith.cmpf oeq, %select_n3A_178, %eq3A_182 : vector<512x2048xf32>
    %jit3A_184 = arith.constant 2048 : i32
    %broadcast_in_dim3A_185 = vector.broadcast %jit3A_184 : i32 to vector<512x2048xi32>
    %select_n3A_186 = arith.select %eq3A_183, %iota3A, %broadcast_in_dim3A_185 : vector<512x2048xi1>, vector<512x2048xi32>
    %reduce_min3A_187 = arith.constant dense<2147483647> : vector<512xi32>
    %reduce_min3A_188 = vector.multi_reduction <minsi>, %select_n3A_186, %reduce_min3A_187 [1] : vector<512x2048xi32> to vector<512xi32>
    %broadcast_in_dim3A_189 = vector.shape_cast %reduce_min3A_188 : vector<512xi32> to vector<512x1xi32>
    %eq3A_190 = vector.broadcast %broadcast_in_dim3A_189 : vector<512x1xi32> to vector<512x2048xi32>
    %eq3A_191 = arith.cmpi eq, %iota3A, %eq3A_190 : vector<512x2048xi32>
    %jit3A_192 = arith.constant -3.000000e+38 : f32
    %broadcast_in_dim3A_193 = vector.broadcast %jit3A_192 : f32 to vector<512x2048xf32>
    %select_n3A_194 = arith.select %eq3A_191, %broadcast_in_dim3A_193, %select_n3A_178 : vector<512x2048xi1>, vector<512x2048xf32>
    %reduce_max3A_195 = arith.constant dense<0xFF800000> : vector<512xf32>
    %reduce_max3A_196 = vector.multi_reduction <maximumf>, %select_n3A_194, %reduce_max3A_195 [1] : vector<512x2048xf32> to vector<512xf32>
    %broadcast_in_dim3A_197 = vector.shape_cast %reduce_max3A_196 : vector<512xf32> to vector<512x1xf32>
    %eq3A_198 = vector.broadcast %broadcast_in_dim3A_197 : vector<512x1xf32> to vector<512x2048xf32>
    %eq3A_199 = arith.cmpf oeq, %select_n3A_194, %eq3A_198 : vector<512x2048xf32>
    %jit3A_200 = arith.constant 2048 : i32
    %broadcast_in_dim3A_201 = vector.broadcast %jit3A_200 : i32 to vector<512x2048xi32>
    %select_n3A_202 = arith.select %eq3A_199, %iota3A, %broadcast_in_dim3A_201 : vector<512x2048xi1>, vector<512x2048xi32>
    %reduce_min3A_203 = arith.constant dense<2147483647> : vector<512xi32>
    %reduce_min3A_204 = vector.multi_reduction <minsi>, %select_n3A_202, %reduce_min3A_203 [1] : vector<512x2048xi32> to vector<512xi32>
    %broadcast_in_dim3A_205 = vector.shape_cast %reduce_min3A_204 : vector<512xi32> to vector<512x1xi32>
    %eq3A_206 = vector.broadcast %broadcast_in_dim3A_205 : vector<512x1xi32> to vector<512x2048xi32>
    %eq3A_207 = arith.cmpi eq, %iota3A, %eq3A_206 : vector<512x2048xi32>
    %jit3A_208 = arith.constant -3.000000e+38 : f32
    %broadcast_in_dim3A_209 = vector.broadcast %jit3A_208 : f32 to vector<512x2048xf32>
    %select_n3A_210 = arith.select %eq3A_207, %broadcast_in_dim3A_209, %select_n3A_194 : vector<512x2048xi1>, vector<512x2048xf32>
    %reduce_max3A_211 = arith.constant dense<0xFF800000> : vector<512xf32>
    %reduce_max3A_212 = vector.multi_reduction <maximumf>, %select_n3A_210, %reduce_max3A_211 [1] : vector<512x2048xf32> to vector<512xf32>
    %broadcast_in_dim3A_213 = vector.shape_cast %reduce_max3A_212 : vector<512xf32> to vector<512x1xf32>
    %eq3A_214 = vector.broadcast %broadcast_in_dim3A_213 : vector<512x1xf32> to vector<512x2048xf32>
    %eq3A_215 = arith.cmpf oeq, %select_n3A_210, %eq3A_214 : vector<512x2048xf32>
    %jit3A_216 = arith.constant 2048 : i32
    %broadcast_in_dim3A_217 = vector.broadcast %jit3A_216 : i32 to vector<512x2048xi32>
    %select_n3A_218 = arith.select %eq3A_215, %iota3A, %broadcast_in_dim3A_217 : vector<512x2048xi1>, vector<512x2048xi32>
    %reduce_min3A_219 = arith.constant dense<2147483647> : vector<512xi32>
    %reduce_min3A_220 = vector.multi_reduction <minsi>, %select_n3A_218, %reduce_min3A_219 [1] : vector<512x2048xi32> to vector<512xi32>
    %broadcast_in_dim3A_221 = vector.shape_cast %reduce_min3A_220 : vector<512xi32> to vector<512x1xi32>
    %eq3A_222 = vector.broadcast %broadcast_in_dim3A_221 : vector<512x1xi32> to vector<512x2048xi32>
    %eq3A_223 = arith.cmpi eq, %iota3A, %eq3A_222 : vector<512x2048xi32>
    %jit3A_224 = arith.constant -3.000000e+38 : f32
    %broadcast_in_dim3A_225 = vector.broadcast %jit3A_224 : f32 to vector<512x2048xf32>
    %select_n3A_226 = arith.select %eq3A_223, %broadcast_in_dim3A_225, %select_n3A_210 : vector<512x2048xi1>, vector<512x2048xf32>
    %reduce_max3A_227 = arith.constant dense<0xFF800000> : vector<512xf32>
    %reduce_max3A_228 = vector.multi_reduction <maximumf>, %select_n3A_226, %reduce_max3A_227 [1] : vector<512x2048xf32> to vector<512xf32>
    %broadcast_in_dim3A_229 = vector.shape_cast %reduce_max3A_228 : vector<512xf32> to vector<512x1xf32>
    %eq3A_230 = vector.broadcast %broadcast_in_dim3A_229 : vector<512x1xf32> to vector<512x2048xf32>
    %eq3A_231 = arith.cmpf oeq, %select_n3A_226, %eq3A_230 : vector<512x2048xf32>
    %jit3A_232 = arith.constant 2048 : i32
    %broadcast_in_dim3A_233 = vector.broadcast %jit3A_232 : i32 to vector<512x2048xi32>
    %select_n3A_234 = arith.select %eq3A_231, %iota3A, %broadcast_in_dim3A_233 : vector<512x2048xi1>, vector<512x2048xi32>
    %reduce_min3A_235 = arith.constant dense<2147483647> : vector<512xi32>
    %reduce_min3A_236 = vector.multi_reduction <minsi>, %select_n3A_234, %reduce_min3A_235 [1] : vector<512x2048xi32> to vector<512xi32>
    %broadcast_in_dim3A_237 = vector.shape_cast %reduce_min3A_236 : vector<512xi32> to vector<512x1xi32>
    %eq3A_238 = vector.broadcast %broadcast_in_dim3A_237 : vector<512x1xi32> to vector<512x2048xi32>
    %eq3A_239 = arith.cmpi eq, %iota3A, %eq3A_238 : vector<512x2048xi32>
    %jit3A_240 = arith.constant -3.000000e+38 : f32
    %broadcast_in_dim3A_241 = vector.broadcast %jit3A_240 : f32 to vector<512x2048xf32>
    %select_n3A_242 = arith.select %eq3A_239, %broadcast_in_dim3A_241, %select_n3A_226 : vector<512x2048xi1>, vector<512x2048xf32>
    %reduce_max3A_243 = arith.constant dense<0xFF800000> : vector<512xf32>
    %reduce_max3A_244 = vector.multi_reduction <maximumf>, %select_n3A_242, %reduce_max3A_243 [1] : vector<512x2048xf32> to vector<512xf32>
    %broadcast_in_dim3A_245 = vector.shape_cast %reduce_max3A_244 : vector<512xf32> to vector<512x1xf32>
    %eq3A_246 = vector.broadcast %broadcast_in_dim3A_245 : vector<512x1xf32> to vector<512x2048xf32>
    %eq3A_247 = arith.cmpf oeq, %select_n3A_242, %eq3A_246 : vector<512x2048xf32>
    %jit3A_248 = arith.constant 2048 : i32
    %broadcast_in_dim3A_249 = vector.broadcast %jit3A_248 : i32 to vector<512x2048xi32>
    %select_n3A_250 = arith.select %eq3A_247, %iota3A, %broadcast_in_dim3A_249 : vector<512x2048xi1>, vector<512x2048xi32>
    %reduce_min3A_251 = arith.constant dense<2147483647> : vector<512xi32>
    %reduce_min3A_252 = vector.multi_reduction <minsi>, %select_n3A_250, %reduce_min3A_251 [1] : vector<512x2048xi32> to vector<512xi32>
    %broadcast_in_dim3A_253 = vector.shape_cast %reduce_min3A_252 : vector<512xi32> to vector<512x1xi32>
    %eq3A_254 = vector.broadcast %broadcast_in_dim3A_253 : vector<512x1xi32> to vector<512x2048xi32>
    %eq3A_255 = arith.cmpi eq, %iota3A, %eq3A_254 : vector<512x2048xi32>
    %jit3A_256 = arith.constant -3.000000e+38 : f32
    %broadcast_in_dim3A_257 = vector.broadcast %jit3A_256 : f32 to vector<512x2048xf32>
    %select_n3A_258 = arith.select %eq3A_255, %broadcast_in_dim3A_257, %select_n3A_242 : vector<512x2048xi1>, vector<512x2048xf32>
    %reduce_max3A_259 = arith.constant dense<0xFF800000> : vector<512xf32>
    %reduce_max3A_260 = vector.multi_reduction <maximumf>, %select_n3A_258, %reduce_max3A_259 [1] : vector<512x2048xf32> to vector<512xf32>
    %broadcast_in_dim3A_261 = vector.shape_cast %reduce_max3A_260 : vector<512xf32> to vector<512x1xf32>
    %eq3A_262 = vector.broadcast %broadcast_in_dim3A_261 : vector<512x1xf32> to vector<512x2048xf32>
    %eq3A_263 = arith.cmpf oeq, %select_n3A_258, %eq3A_262 : vector<512x2048xf32>
    %jit3A_264 = arith.constant 2048 : i32
    %broadcast_in_dim3A_265 = vector.broadcast %jit3A_264 : i32 to vector<512x2048xi32>
    %select_n3A_266 = arith.select %eq3A_263, %iota3A, %broadcast_in_dim3A_265 : vector<512x2048xi1>, vector<512x2048xi32>
    %reduce_min3A_267 = arith.constant dense<2147483647> : vector<512xi32>
    %reduce_min3A_268 = vector.multi_reduction <minsi>, %select_n3A_266, %reduce_min3A_267 [1] : vector<512x2048xi32> to vector<512xi32>
    %broadcast_in_dim3A_269 = vector.shape_cast %reduce_min3A_268 : vector<512xi32> to vector<512x1xi32>
    %eq3A_270 = vector.broadcast %broadcast_in_dim3A_269 : vector<512x1xi32> to vector<512x2048xi32>
    %eq3A_271 = arith.cmpi eq, %iota3A, %eq3A_270 : vector<512x2048xi32>
    %jit3A_272 = arith.constant -3.000000e+38 : f32
    %broadcast_in_dim3A_273 = vector.broadcast %jit3A_272 : f32 to vector<512x2048xf32>
    %select_n3A_274 = arith.select %eq3A_271, %broadcast_in_dim3A_273, %select_n3A_258 : vector<512x2048xi1>, vector<512x2048xf32>
    %reduce_max3A_275 = arith.constant dense<0xFF800000> : vector<512xf32>
    %reduce_max3A_276 = vector.multi_reduction <maximumf>, %select_n3A_274, %reduce_max3A_275 [1] : vector<512x2048xf32> to vector<512xf32>
    %broadcast_in_dim3A_277 = vector.shape_cast %reduce_max3A_276 : vector<512xf32> to vector<512x1xf32>
    %eq3A_278 = vector.broadcast %broadcast_in_dim3A_277 : vector<512x1xf32> to vector<512x2048xf32>
    %eq3A_279 = arith.cmpf oeq, %select_n3A_274, %eq3A_278 : vector<512x2048xf32>
    %jit3A_280 = arith.constant 2048 : i32
    %broadcast_in_dim3A_281 = vector.broadcast %jit3A_280 : i32 to vector<512x2048xi32>
    %select_n3A_282 = arith.select %eq3A_279, %iota3A, %broadcast_in_dim3A_281 : vector<512x2048xi1>, vector<512x2048xi32>
    %reduce_min3A_283 = arith.constant dense<2147483647> : vector<512xi32>
    %reduce_min3A_284 = vector.multi_reduction <minsi>, %select_n3A_282, %reduce_min3A_283 [1] : vector<512x2048xi32> to vector<512xi32>
    %broadcast_in_dim3A_285 = vector.shape_cast %reduce_min3A_284 : vector<512xi32> to vector<512x1xi32>
    %eq3A_286 = vector.broadcast %broadcast_in_dim3A_285 : vector<512x1xi32> to vector<512x2048xi32>
    %eq3A_287 = arith.cmpi eq, %iota3A, %eq3A_286 : vector<512x2048xi32>
    %jit3A_288 = arith.constant -3.000000e+38 : f32
    %broadcast_in_dim3A_289 = vector.broadcast %jit3A_288 : f32 to vector<512x2048xf32>
    %select_n3A_290 = arith.select %eq3A_287, %broadcast_in_dim3A_289, %select_n3A_274 : vector<512x2048xi1>, vector<512x2048xf32>
    %reduce_max3A_291 = arith.constant dense<0xFF800000> : vector<512xf32>
    %reduce_max3A_292 = vector.multi_reduction <maximumf>, %select_n3A_290, %reduce_max3A_291 [1] : vector<512x2048xf32> to vector<512xf32>
    %broadcast_in_dim3A_293 = vector.shape_cast %reduce_max3A_292 : vector<512xf32> to vector<512x1xf32>
    %eq3A_294 = vector.broadcast %broadcast_in_dim3A_293 : vector<512x1xf32> to vector<512x2048xf32>
    %eq3A_295 = arith.cmpf oeq, %select_n3A_290, %eq3A_294 : vector<512x2048xf32>
    %jit3A_296 = arith.constant 2048 : i32
    %broadcast_in_dim3A_297 = vector.broadcast %jit3A_296 : i32 to vector<512x2048xi32>
    %select_n3A_298 = arith.select %eq3A_295, %iota3A, %broadcast_in_dim3A_297 : vector<512x2048xi1>, vector<512x2048xi32>
    %reduce_min3A_299 = arith.constant dense<2147483647> : vector<512xi32>
    %reduce_min3A_300 = vector.multi_reduction <minsi>, %select_n3A_298, %reduce_min3A_299 [1] : vector<512x2048xi32> to vector<512xi32>
    %broadcast_in_dim3A_301 = vector.shape_cast %reduce_min3A_300 : vector<512xi32> to vector<512x1xi32>
    %eq3A_302 = vector.broadcast %broadcast_in_dim3A_301 : vector<512x1xi32> to vector<512x2048xi32>
    %eq3A_303 = arith.cmpi eq, %iota3A, %eq3A_302 : vector<512x2048xi32>
    %jit3A_304 = arith.constant -3.000000e+38 : f32
    %broadcast_in_dim3A_305 = vector.broadcast %jit3A_304 : f32 to vector<512x2048xf32>
    %select_n3A_306 = arith.select %eq3A_303, %broadcast_in_dim3A_305, %select_n3A_290 : vector<512x2048xi1>, vector<512x2048xf32>
    %reduce_max3A_307 = arith.constant dense<0xFF800000> : vector<512xf32>
    %reduce_max3A_308 = vector.multi_reduction <maximumf>, %select_n3A_306, %reduce_max3A_307 [1] : vector<512x2048xf32> to vector<512xf32>
    %broadcast_in_dim3A_309 = vector.shape_cast %reduce_max3A_308 : vector<512xf32> to vector<512x1xf32>
    %eq3A_310 = vector.broadcast %broadcast_in_dim3A_309 : vector<512x1xf32> to vector<512x2048xf32>
    %eq3A_311 = arith.cmpf oeq, %select_n3A_306, %eq3A_310 : vector<512x2048xf32>
    %jit3A_312 = arith.constant 2048 : i32
    %broadcast_in_dim3A_313 = vector.broadcast %jit3A_312 : i32 to vector<512x2048xi32>
    %select_n3A_314 = arith.select %eq3A_311, %iota3A, %broadcast_in_dim3A_313 : vector<512x2048xi1>, vector<512x2048xi32>
    %reduce_min3A_315 = arith.constant dense<2147483647> : vector<512xi32>
    %reduce_min3A_316 = vector.multi_reduction <minsi>, %select_n3A_314, %reduce_min3A_315 [1] : vector<512x2048xi32> to vector<512xi32>
    %broadcast_in_dim3A_317 = vector.shape_cast %reduce_min3A_316 : vector<512xi32> to vector<512x1xi32>
    %eq3A_318 = vector.broadcast %broadcast_in_dim3A_317 : vector<512x1xi32> to vector<512x2048xi32>
    %eq3A_319 = arith.cmpi eq, %iota3A, %eq3A_318 : vector<512x2048xi32>
    %jit3A_320 = arith.constant -3.000000e+38 : f32
    %broadcast_in_dim3A_321 = vector.broadcast %jit3A_320 : f32 to vector<512x2048xf32>
    %select_n3A_322 = arith.select %eq3A_319, %broadcast_in_dim3A_321, %select_n3A_306 : vector<512x2048xi1>, vector<512x2048xf32>
    %reduce_max3A_323 = arith.constant dense<0xFF800000> : vector<512xf32>
    %reduce_max3A_324 = vector.multi_reduction <maximumf>, %select_n3A_322, %reduce_max3A_323 [1] : vector<512x2048xf32> to vector<512xf32>
    %broadcast_in_dim3A_325 = vector.shape_cast %reduce_max3A_324 : vector<512xf32> to vector<512x1xf32>
    %eq3A_326 = vector.broadcast %broadcast_in_dim3A_325 : vector<512x1xf32> to vector<512x2048xf32>
    %eq3A_327 = arith.cmpf oeq, %select_n3A_322, %eq3A_326 : vector<512x2048xf32>
    %jit3A_328 = arith.constant 2048 : i32
    %broadcast_in_dim3A_329 = vector.broadcast %jit3A_328 : i32 to vector<512x2048xi32>
    %select_n3A_330 = arith.select %eq3A_327, %iota3A, %broadcast_in_dim3A_329 : vector<512x2048xi1>, vector<512x2048xi32>
    %reduce_min3A_331 = arith.constant dense<2147483647> : vector<512xi32>
    %reduce_min3A_332 = vector.multi_reduction <minsi>, %select_n3A_330, %reduce_min3A_331 [1] : vector<512x2048xi32> to vector<512xi32>
    %broadcast_in_dim3A_333 = vector.shape_cast %reduce_min3A_332 : vector<512xi32> to vector<512x1xi32>
    %concatenate3A = tpu.concatenate %broadcast_in_dim3A_29, %broadcast_in_dim3A_45, %broadcast_in_dim3A_61, %broadcast_in_dim3A_77, %broadcast_in_dim3A_93, %broadcast_in_dim3A_109, %broadcast_in_dim3A_125, %broadcast_in_dim3A_141, %broadcast_in_dim3A_157, %broadcast_in_dim3A_173, %broadcast_in_dim3A_189, %broadcast_in_dim3A_205, %broadcast_in_dim3A_221, %broadcast_in_dim3A_237, %broadcast_in_dim3A_253, %broadcast_in_dim3A_269, %broadcast_in_dim3A_285, %broadcast_in_dim3A_301, %broadcast_in_dim3A_317, %broadcast_in_dim3A_333 in 1 : vector<512x1xi32>, vector<512x1xi32>, vector<512x1xi32>, vector<512x1xi32>, vector<512x1xi32>, vector<512x1xi32>, vector<512x1xi32>, vector<512x1xi32>, vector<512x1xi32>, vector<512x1xi32>, vector<512x1xi32>, vector<512x1xi32>, vector<512x1xi32>, vector<512x1xi32>, vector<512x1xi32>, vector<512x1xi32>, vector<512x1xi32>, vector<512x1xi32>, vector<512x1xi32>, vector<512x1xi32> -> vector<512x20xi32>
    %swap3A = arith.constant 0 : index
    %swap3A_334 = arith.constant 0 : index
    %swap3A_335 = arith.constant 0 : index
    %swap3A_336 = vector.load %arg4[%swap3A, %swap3A_334, %swap3A_335] : memref<1x512x20xi32, #tpu.memory_space<vmem>>, vector<1x512x20xi32>
    %swap3A_337 = vector.shape_cast %swap3A_336 : vector<1x512x20xi32> to vector<512x20xi32>
    %swap3A_338 = vector.shape_cast %concatenate3A : vector<512x20xi32> to vector<1x512x20xi32>
    tpu.vector_store %arg4[%swap3A, %swap3A_334, %swap3A_335], %swap3A_338 {strides = array<i32>} : memref<1x512x20xi32, #tpu.memory_space<vmem>>, vector<1x512x20xi32>,
    return
  }
  func.func @transform_0(%arg0: i32, %arg1: i32) -> (i32, i32, i32) {
    %c0_i32 = arith.constant 0 : i32
    %c0_i32_0 = arith.constant 0 : i32
    %c0_i32_1 = arith.constant 0 : i32
    return %arg0, %c0_i32, %c0_i32_0 : i32, i32, i32
  }
  func.func @transform_1(%arg0: i32, %arg1: i32) -> (i32, i32, i32) {
    %c0_i32 = arith.constant 0 : i32
    %c0_i32_0 = arith.constant 0 : i32
    return %arg0, %arg1, %c0_i32 : i32, i32, i32
  }
  func.func @transform_2(%arg0: i32, %arg1: i32) -> (i32, i32, i32) {
    %c0_i32 = arith.constant 0 : i32
    %c0_i32_0 = arith.constant 0 : i32
    return %arg0, %arg1, %c0_i32 : i32, i32, i32
  }
}

module attributes {stable_mosaic.version = 14 : i64} {
  func.func @_edge_body(%arg0: i32, %arg1: i32, %arg2: memref<1x512x20x128xf32, #tpu.memory_space<vmem>>, %arg3: memref<1x512x128xf32, #tpu.memory_space<vmem>>, %arg4: memref<256x256xf32, #tpu.memory_space<vmem>>, %arg5: memref<1x512x256xf32, #tpu.memory_space<vmem>>, %arg6: memref<2x256xf32, #tpu.memory_space<vmem>>, %arg7: memref<1x256xf32, #tpu.memory_space<vmem>>, %arg8: memref<1x256xf32, #tpu.memory_space<vmem>>) attributes {dimension_semantics = [#tpu.dimension_semantics<arbitrary>, #tpu.dimension_semantics<arbitrary>], iteration_bounds = array<i64: 2, 4>, scalar_prefetch = 0 : i64, scratch_operands = 2 : i64, tpu.core_type = #tpu.core_type<tc>, window_params = [{transform_indices = @transform_0, window_bounds = array<i64: 1, 512, 20, 128>}, {transform_indices = @transform_1, window_bounds = array<i64: 1, 512, 128>}, {pipeline_mode = #tpu.pipeline_mode<synchronous>, transform_indices = @transform_2, window_bounds = array<i64: 256, 256>}, {transform_indices = @transform_3, window_bounds = array<i64: 1, 512, 256>}, {pipeline_mode = #tpu.pipeline_mode<synchronous>, transform_indices = @transform_4, window_bounds = array<i64: 2, 256>}]} {
    %eq3A = arith.constant 0 : i32
    %eq3A_0 = arith.cmpi eq, %arg0, %eq3A : i32
    %eq3A_1 = arith.constant 0 : i32
    %eq3A_2 = arith.cmpi eq, %arg1, %eq3A_1 : i32
    %and3A = arith.andi %eq3A_0, %eq3A_2 : i1
    %convert_element_type3A = arith.extui %and3A : i1 to i32
    %cond3A = arith.constant 0 : i32
    %cond3A_3 = arith.cmpi ne, %convert_element_type3A, %cond3A : i32
    scf.if %cond3A_3 {
      %broadcast_in_dim3A_448 = arith.constant 0.000000e+00 : f32
      %broadcast_in_dim3A_449 = vector.broadcast %broadcast_in_dim3A_448 : f32 to vector<1x256xf32>
      %swap3A_450 = arith.constant 0 : index
      %swap3A_451 = arith.constant 0 : index
      %swap3A_452 = vector.load %arg7[%swap3A_450, %swap3A_451] : memref<1x256xf32, #tpu.memory_space<vmem>>, vector<1x256xf32>
      tpu.vector_store %arg7[%swap3A_450, %swap3A_451], %broadcast_in_dim3A_449 {strides = array<i32>} : memref<1x256xf32, #tpu.memory_space<vmem>>, vector<1x256xf32>,
      %broadcast_in_dim3A_453 = arith.constant 0.000000e+00 : f32
      %broadcast_in_dim3A_454 = vector.broadcast %broadcast_in_dim3A_453 : f32 to vector<1x256xf32>
      %swap3A_455 = arith.constant 0 : index
      %swap3A_456 = arith.constant 0 : index
      %swap3A_457 = vector.load %arg8[%swap3A_455, %swap3A_456] : memref<1x256xf32, #tpu.memory_space<vmem>>, vector<1x256xf32>
      tpu.vector_store %arg8[%swap3A_455, %swap3A_456], %broadcast_in_dim3A_454 {strides = array<i32>} : memref<1x256xf32, #tpu.memory_space<vmem>>, vector<1x256xf32>,
    } else {
    }
    %get3A = arith.constant 0 : index
    %get3A_4 = arith.constant 0 : index
    %get3A_5 = arith.constant 0 : index
    %get3A_6 = vector.load %arg3[%get3A, %get3A_4, %get3A_5] : memref<1x512x128xf32, #tpu.memory_space<vmem>>, vector<1x512x128xf32>
    %get3A_7 = vector.shape_cast %get3A_6 : vector<1x512x128xf32> to vector<512x128xf32>
    %get3A_8 = arith.constant 0 : index
    %get3A_9 = arith.constant 0 : index
    %get3A_10 = vector.load %arg4[%get3A_8, %get3A_9] : memref<256x256xf32, #tpu.memory_space<vmem>>, vector<256x256xf32>
    %convert_element_type3A_11 = arith.truncf %get3A_10 : vector<256x256xf32> to vector<256x256xbf16>
    %get3A_12 = arith.constant 0 : index
    %get3A_13 = arith.constant 0 : index
    %get3A_14 = arith.constant 0 : index
    %get3A_15 = arith.constant 0 : index
    %get3A_16 = vector.load %arg2[%get3A_12, %get3A_13, %get3A_14, %get3A_15] : memref<1x512x20x128xf32, #tpu.memory_space<vmem>>, vector<1x512x1x128xf32>
    %get3A_17 = vector.shape_cast %get3A_16 : vector<1x512x1x128xf32> to vector<512x128xf32>
    %sub3A = arith.subf %get3A_17, %get3A_7 : vector<512x128xf32>
    %concatenate3A = tpu.concatenate %sub3A, %get3A_7 in 1 : vector<512x128xf32>, vector<512x128xf32> -> vector<512x256xf32>
    %convert_element_type3A_18 = arith.truncf %concatenate3A : vector<512x256xf32> to vector<512x256xbf16>
    %dot_general3A = arith.constant dense<0.000000e+00> : vector<512x256xf32>
    %dot_general3A_19 = tpu.matmul %convert_element_type3A_18, %convert_element_type3A_11, %dot_general3A {dimension_numbers = #tpu.dot_dimension_numbers<[1], [1], [0], [0], [0, 0, 1, 0], [], []>, transpose_lhs_hint = false} : vector<512x256xbf16>, vector<256x256xbf16>, vector<512x256xf32> -> vector<512x256xf32>
    %reduce_sum3A = arith.constant dense<0.000000e+00> : vector<256xf32>
    %reduce_sum3A_20 = vector.multi_reduction <add>, %dot_general3A_19, %reduce_sum3A [0] : vector<512x256xf32> to vector<256xf32>
    %broadcast_in_dim3A = vector.shape_cast %reduce_sum3A_20 : vector<256xf32> to vector<1x256xf32>
    %mul3A = arith.mulf %dot_general3A_19, %dot_general3A_19 : vector<512x256xf32>
    %reduce_sum3A_21 = arith.constant dense<0.000000e+00> : vector<256xf32>
    %reduce_sum3A_22 = vector.multi_reduction <add>, %mul3A, %reduce_sum3A_21 [0] : vector<512x256xf32> to vector<256xf32>
    %broadcast_in_dim3A_23 = vector.shape_cast %reduce_sum3A_22 : vector<256xf32> to vector<1x256xf32>
    %get3A_24 = arith.constant 0 : index
    %get3A_25 = arith.constant 0 : index
    %get3A_26 = arith.constant 1 : index
    %get3A_27 = arith.constant 0 : index
    %get3A_28 = vector.load %arg2[%get3A_24, %get3A_25, %get3A_26, %get3A_27] : memref<1x512x20x128xf32, #tpu.memory_space<vmem>>, vector<1x512x1x128xf32>
    %get3A_29 = vector.shape_cast %get3A_28 : vector<1x512x1x128xf32> to vector<512x128xf32>
    %sub3A_30 = arith.subf %get3A_29, %get3A_7 : vector<512x128xf32>
    %concatenate3A_31 = tpu.concatenate %sub3A_30, %get3A_7 in 1 : vector<512x128xf32>, vector<512x128xf32> -> vector<512x256xf32>
    %convert_element_type3A_32 = arith.truncf %concatenate3A_31 : vector<512x256xf32> to vector<512x256xbf16>
    %dot_general3A_33 = arith.constant dense<0.000000e+00> : vector<512x256xf32>
    %dot_general3A_34 = tpu.matmul %convert_element_type3A_32, %convert_element_type3A_11, %dot_general3A_33 {dimension_numbers = #tpu.dot_dimension_numbers<[1], [1], [0], [0], [0, 0, 1, 0], [], []>, transpose_lhs_hint = false} : vector<512x256xbf16>, vector<256x256xbf16>, vector<512x256xf32> -> vector<512x256xf32>
    %max3A = arith.maximumf %dot_general3A_19, %dot_general3A_34 : vector<512x256xf32>
    %reduce_sum3A_35 = arith.constant dense<0.000000e+00> : vector<256xf32>
    %reduce_sum3A_36 = vector.multi_reduction <add>, %dot_general3A_34, %reduce_sum3A_35 [0] : vector<512x256xf32> to vector<256xf32>
    %broadcast_in_dim3A_37 = vector.shape_cast %reduce_sum3A_36 : vector<256xf32> to vector<1x256xf32>
    %mul3A_38 = arith.mulf %dot_general3A_34, %dot_general3A_34 : vector<512x256xf32>
    %reduce_sum3A_39 = arith.constant dense<0.000000e+00> : vector<256xf32>
    %reduce_sum3A_40 = vector.multi_reduction <add>, %mul3A_38, %reduce_sum3A_39 [0] : vector<512x256xf32> to vector<256xf32>
    %broadcast_in_dim3A_41 = vector.shape_cast %reduce_sum3A_40 : vector<256xf32> to vector<1x256xf32>
    %add3A = arith.addf %broadcast_in_dim3A, %broadcast_in_dim3A_37 : vector<1x256xf32>
    %add3A_42 = arith.addf %broadcast_in_dim3A_23, %broadcast_in_dim3A_41 : vector<1x256xf32>
    %get3A_43 = arith.constant 0 : index
    %get3A_44 = arith.constant 0 : index
    %get3A_45 = arith.constant 2 : index
    %get3A_46 = arith.constant 0 : index
    %get3A_47 = vector.load %arg2[%get3A_43, %get3A_44, %get3A_45, %get3A_46] : memref<1x512x20x128xf32, #tpu.memory_space<vmem>>, vector<1x512x1x128xf32>
    %get3A_48 = vector.shape_cast %get3A_47 : vector<1x512x1x128xf32> to vector<512x128xf32>
    %sub3A_49 = arith.subf %get3A_48, %get3A_7 : vector<512x128xf32>
    %concatenate3A_50 = tpu.concatenate %sub3A_49, %get3A_7 in 1 : vector<512x128xf32>, vector<512x128xf32> -> vector<512x256xf32>
    %convert_element_type3A_51 = arith.truncf %concatenate3A_50 : vector<512x256xf32> to vector<512x256xbf16>
    %dot_general3A_52 = arith.constant dense<0.000000e+00> : vector<512x256xf32>
    %dot_general3A_53 = tpu.matmul %convert_element_type3A_51, %convert_element_type3A_11, %dot_general3A_52 {dimension_numbers = #tpu.dot_dimension_numbers<[1], [1], [0], [0], [0, 0, 1, 0], [], []>, transpose_lhs_hint = false} : vector<512x256xbf16>, vector<256x256xbf16>, vector<512x256xf32> -> vector<512x256xf32>
    %max3A_54 = arith.maximumf %max3A, %dot_general3A_53 : vector<512x256xf32>
    %reduce_sum3A_55 = arith.constant dense<0.000000e+00> : vector<256xf32>
    %reduce_sum3A_56 = vector.multi_reduction <add>, %dot_general3A_53, %reduce_sum3A_55 [0] : vector<512x256xf32> to vector<256xf32>
    %broadcast_in_dim3A_57 = vector.shape_cast %reduce_sum3A_56 : vector<256xf32> to vector<1x256xf32>
    %mul3A_58 = arith.mulf %dot_general3A_53, %dot_general3A_53 : vector<512x256xf32>
    %reduce_sum3A_59 = arith.constant dense<0.000000e+00> : vector<256xf32>
    %reduce_sum3A_60 = vector.multi_reduction <add>, %mul3A_58, %reduce_sum3A_59 [0] : vector<512x256xf32> to vector<256xf32>
    %broadcast_in_dim3A_61 = vector.shape_cast %reduce_sum3A_60 : vector<256xf32> to vector<1x256xf32>
    %add3A_62 = arith.addf %add3A, %broadcast_in_dim3A_57 : vector<1x256xf32>
    %add3A_63 = arith.addf %add3A_42, %broadcast_in_dim3A_61 : vector<1x256xf32>
    %get3A_64 = arith.constant 0 : index
    %get3A_65 = arith.constant 0 : index
    %get3A_66 = arith.constant 3 : index
    %get3A_67 = arith.constant 0 : index
    %get3A_68 = vector.load %arg2[%get3A_64, %get3A_65, %get3A_66, %get3A_67] : memref<1x512x20x128xf32, #tpu.memory_space<vmem>>, vector<1x512x1x128xf32>
    %get3A_69 = vector.shape_cast %get3A_68 : vector<1x512x1x128xf32> to vector<512x128xf32>
    %sub3A_70 = arith.subf %get3A_69, %get3A_7 : vector<512x128xf32>
    %concatenate3A_71 = tpu.concatenate %sub3A_70, %get3A_7 in 1 : vector<512x128xf32>, vector<512x128xf32> -> vector<512x256xf32>
    %convert_element_type3A_72 = arith.truncf %concatenate3A_71 : vector<512x256xf32> to vector<512x256xbf16>
    %dot_general3A_73 = arith.constant dense<0.000000e+00> : vector<512x256xf32>
    %dot_general3A_74 = tpu.matmul %convert_element_type3A_72, %convert_element_type3A_11, %dot_general3A_73 {dimension_numbers = #tpu.dot_dimension_numbers<[1], [1], [0], [0], [0, 0, 1, 0], [], []>, transpose_lhs_hint = false} : vector<512x256xbf16>, vector<256x256xbf16>, vector<512x256xf32> -> vector<512x256xf32>
    %max3A_75 = arith.maximumf %max3A_54, %dot_general3A_74 : vector<512x256xf32>
    %reduce_sum3A_76 = arith.constant dense<0.000000e+00> : vector<256xf32>
    %reduce_sum3A_77 = vector.multi_reduction <add>, %dot_general3A_74, %reduce_sum3A_76 [0] : vector<512x256xf32> to vector<256xf32>
    %broadcast_in_dim3A_78 = vector.shape_cast %reduce_sum3A_77 : vector<256xf32> to vector<1x256xf32>
    %mul3A_79 = arith.mulf %dot_general3A_74, %dot_general3A_74 : vector<512x256xf32>
    %reduce_sum3A_80 = arith.constant dense<0.000000e+00> : vector<256xf32>
    %reduce_sum3A_81 = vector.multi_reduction <add>, %mul3A_79, %reduce_sum3A_80 [0] : vector<512x256xf32> to vector<256xf32>
    %broadcast_in_dim3A_82 = vector.shape_cast %reduce_sum3A_81 : vector<256xf32> to vector<1x256xf32>
    %add3A_83 = arith.addf %add3A_62, %broadcast_in_dim3A_78 : vector<1x256xf32>
    %add3A_84 = arith.addf %add3A_63, %broadcast_in_dim3A_82 : vector<1x256xf32>
    %get3A_85 = arith.constant 0 : index
    %get3A_86 = arith.constant 0 : index
    %get3A_87 = arith.constant 4 : index
    %get3A_88 = arith.constant 0 : index
    %get3A_89 = vector.load %arg2[%get3A_85, %get3A_86, %get3A_87, %get3A_88] : memref<1x512x20x128xf32, #tpu.memory_space<vmem>>, vector<1x512x1x128xf32>
    %get3A_90 = vector.shape_cast %get3A_89 : vector<1x512x1x128xf32> to vector<512x128xf32>
    %sub3A_91 = arith.subf %get3A_90, %get3A_7 : vector<512x128xf32>
    %concatenate3A_92 = tpu.concatenate %sub3A_91, %get3A_7 in 1 : vector<512x128xf32>, vector<512x128xf32> -> vector<512x256xf32>
    %convert_element_type3A_93 = arith.truncf %concatenate3A_92 : vector<512x256xf32> to vector<512x256xbf16>
    %dot_general3A_94 = arith.constant dense<0.000000e+00> : vector<512x256xf32>
    %dot_general3A_95 = tpu.matmul %convert_element_type3A_93, %convert_element_type3A_11, %dot_general3A_94 {dimension_numbers = #tpu.dot_dimension_numbers<[1], [1], [0], [0], [0, 0, 1, 0], [], []>, transpose_lhs_hint = false} : vector<512x256xbf16>, vector<256x256xbf16>, vector<512x256xf32> -> vector<512x256xf32>
    %max3A_96 = arith.maximumf %max3A_75, %dot_general3A_95 : vector<512x256xf32>
    %reduce_sum3A_97 = arith.constant dense<0.000000e+00> : vector<256xf32>
    %reduce_sum3A_98 = vector.multi_reduction <add>, %dot_general3A_95, %reduce_sum3A_97 [0] : vector<512x256xf32> to vector<256xf32>
    %broadcast_in_dim3A_99 = vector.shape_cast %reduce_sum3A_98 : vector<256xf32> to vector<1x256xf32>
    %mul3A_100 = arith.mulf %dot_general3A_95, %dot_general3A_95 : vector<512x256xf32>
    %reduce_sum3A_101 = arith.constant dense<0.000000e+00> : vector<256xf32>
    %reduce_sum3A_102 = vector.multi_reduction <add>, %mul3A_100, %reduce_sum3A_101 [0] : vector<512x256xf32> to vector<256xf32>
    %broadcast_in_dim3A_103 = vector.shape_cast %reduce_sum3A_102 : vector<256xf32> to vector<1x256xf32>
    %add3A_104 = arith.addf %add3A_83, %broadcast_in_dim3A_99 : vector<1x256xf32>
    %add3A_105 = arith.addf %add3A_84, %broadcast_in_dim3A_103 : vector<1x256xf32>
    %get3A_106 = arith.constant 0 : index
    %get3A_107 = arith.constant 0 : index
    %get3A_108 = arith.constant 5 : index
    %get3A_109 = arith.constant 0 : index
    %get3A_110 = vector.load %arg2[%get3A_106, %get3A_107, %get3A_108, %get3A_109] : memref<1x512x20x128xf32, #tpu.memory_space<vmem>>, vector<1x512x1x128xf32>
    %get3A_111 = vector.shape_cast %get3A_110 : vector<1x512x1x128xf32> to vector<512x128xf32>
    %sub3A_112 = arith.subf %get3A_111, %get3A_7 : vector<512x128xf32>
    %concatenate3A_113 = tpu.concatenate %sub3A_112, %get3A_7 in 1 : vector<512x128xf32>, vector<512x128xf32> -> vector<512x256xf32>
    %convert_element_type3A_114 = arith.truncf %concatenate3A_113 : vector<512x256xf32> to vector<512x256xbf16>
    %dot_general3A_115 = arith.constant dense<0.000000e+00> : vector<512x256xf32>
    %dot_general3A_116 = tpu.matmul %convert_element_type3A_114, %convert_element_type3A_11, %dot_general3A_115 {dimension_numbers = #tpu.dot_dimension_numbers<[1], [1], [0], [0], [0, 0, 1, 0], [], []>, transpose_lhs_hint = false} : vector<512x256xbf16>, vector<256x256xbf16>, vector<512x256xf32> -> vector<512x256xf32>
    %max3A_117 = arith.maximumf %max3A_96, %dot_general3A_116 : vector<512x256xf32>
    %reduce_sum3A_118 = arith.constant dense<0.000000e+00> : vector<256xf32>
    %reduce_sum3A_119 = vector.multi_reduction <add>, %dot_general3A_116, %reduce_sum3A_118 [0] : vector<512x256xf32> to vector<256xf32>
    %broadcast_in_dim3A_120 = vector.shape_cast %reduce_sum3A_119 : vector<256xf32> to vector<1x256xf32>
    %mul3A_121 = arith.mulf %dot_general3A_116, %dot_general3A_116 : vector<512x256xf32>
    %reduce_sum3A_122 = arith.constant dense<0.000000e+00> : vector<256xf32>
    %reduce_sum3A_123 = vector.multi_reduction <add>, %mul3A_121, %reduce_sum3A_122 [0] : vector<512x256xf32> to vector<256xf32>
    %broadcast_in_dim3A_124 = vector.shape_cast %reduce_sum3A_123 : vector<256xf32> to vector<1x256xf32>
    %add3A_125 = arith.addf %add3A_104, %broadcast_in_dim3A_120 : vector<1x256xf32>
    %add3A_126 = arith.addf %add3A_105, %broadcast_in_dim3A_124 : vector<1x256xf32>
    %get3A_127 = arith.constant 0 : index
    %get3A_128 = arith.constant 0 : index
    %get3A_129 = arith.constant 6 : index
    %get3A_130 = arith.constant 0 : index
    %get3A_131 = vector.load %arg2[%get3A_127, %get3A_128, %get3A_129, %get3A_130] : memref<1x512x20x128xf32, #tpu.memory_space<vmem>>, vector<1x512x1x128xf32>
    %get3A_132 = vector.shape_cast %get3A_131 : vector<1x512x1x128xf32> to vector<512x128xf32>
    %sub3A_133 = arith.subf %get3A_132, %get3A_7 : vector<512x128xf32>
    %concatenate3A_134 = tpu.concatenate %sub3A_133, %get3A_7 in 1 : vector<512x128xf32>, vector<512x128xf32> -> vector<512x256xf32>
    %convert_element_type3A_135 = arith.truncf %concatenate3A_134 : vector<512x256xf32> to vector<512x256xbf16>
    %dot_general3A_136 = arith.constant dense<0.000000e+00> : vector<512x256xf32>
    %dot_general3A_137 = tpu.matmul %convert_element_type3A_135, %convert_element_type3A_11, %dot_general3A_136 {dimension_numbers = #tpu.dot_dimension_numbers<[1], [1], [0], [0], [0, 0, 1, 0], [], []>, transpose_lhs_hint = false} : vector<512x256xbf16>, vector<256x256xbf16>, vector<512x256xf32> -> vector<512x256xf32>
    %max3A_138 = arith.maximumf %max3A_117, %dot_general3A_137 : vector<512x256xf32>
    %reduce_sum3A_139 = arith.constant dense<0.000000e+00> : vector<256xf32>
    %reduce_sum3A_140 = vector.multi_reduction <add>, %dot_general3A_137, %reduce_sum3A_139 [0] : vector<512x256xf32> to vector<256xf32>
    %broadcast_in_dim3A_141 = vector.shape_cast %reduce_sum3A_140 : vector<256xf32> to vector<1x256xf32>
    %mul3A_142 = arith.mulf %dot_general3A_137, %dot_general3A_137 : vector<512x256xf32>
    %reduce_sum3A_143 = arith.constant dense<0.000000e+00> : vector<256xf32>
    %reduce_sum3A_144 = vector.multi_reduction <add>, %mul3A_142, %reduce_sum3A_143 [0] : vector<512x256xf32> to vector<256xf32>
    %broadcast_in_dim3A_145 = vector.shape_cast %reduce_sum3A_144 : vector<256xf32> to vector<1x256xf32>
    %add3A_146 = arith.addf %add3A_125, %broadcast_in_dim3A_141 : vector<1x256xf32>
    %add3A_147 = arith.addf %add3A_126, %broadcast_in_dim3A_145 : vector<1x256xf32>
    %get3A_148 = arith.constant 0 : index
    %get3A_149 = arith.constant 0 : index
    %get3A_150 = arith.constant 7 : index
    %get3A_151 = arith.constant 0 : index
    %get3A_152 = vector.load %arg2[%get3A_148, %get3A_149, %get3A_150, %get3A_151] : memref<1x512x20x128xf32, #tpu.memory_space<vmem>>, vector<1x512x1x128xf32>
    %get3A_153 = vector.shape_cast %get3A_152 : vector<1x512x1x128xf32> to vector<512x128xf32>
    %sub3A_154 = arith.subf %get3A_153, %get3A_7 : vector<512x128xf32>
    %concatenate3A_155 = tpu.concatenate %sub3A_154, %get3A_7 in 1 : vector<512x128xf32>, vector<512x128xf32> -> vector<512x256xf32>
    %convert_element_type3A_156 = arith.truncf %concatenate3A_155 : vector<512x256xf32> to vector<512x256xbf16>
    %dot_general3A_157 = arith.constant dense<0.000000e+00> : vector<512x256xf32>
    %dot_general3A_158 = tpu.matmul %convert_element_type3A_156, %convert_element_type3A_11, %dot_general3A_157 {dimension_numbers = #tpu.dot_dimension_numbers<[1], [1], [0], [0], [0, 0, 1, 0], [], []>, transpose_lhs_hint = false} : vector<512x256xbf16>, vector<256x256xbf16>, vector<512x256xf32> -> vector<512x256xf32>
    %max3A_159 = arith.maximumf %max3A_138, %dot_general3A_158 : vector<512x256xf32>
    %reduce_sum3A_160 = arith.constant dense<0.000000e+00> : vector<256xf32>
    %reduce_sum3A_161 = vector.multi_reduction <add>, %dot_general3A_158, %reduce_sum3A_160 [0] : vector<512x256xf32> to vector<256xf32>
    %broadcast_in_dim3A_162 = vector.shape_cast %reduce_sum3A_161 : vector<256xf32> to vector<1x256xf32>
    %mul3A_163 = arith.mulf %dot_general3A_158, %dot_general3A_158 : vector<512x256xf32>
    %reduce_sum3A_164 = arith.constant dense<0.000000e+00> : vector<256xf32>
    %reduce_sum3A_165 = vector.multi_reduction <add>, %mul3A_163, %reduce_sum3A_164 [0] : vector<512x256xf32> to vector<256xf32>
    %broadcast_in_dim3A_166 = vector.shape_cast %reduce_sum3A_165 : vector<256xf32> to vector<1x256xf32>
    %add3A_167 = arith.addf %add3A_146, %broadcast_in_dim3A_162 : vector<1x256xf32>
    %add3A_168 = arith.addf %add3A_147, %broadcast_in_dim3A_166 : vector<1x256xf32>
    %get3A_169 = arith.constant 0 : index
    %get3A_170 = arith.constant 0 : index
    %get3A_171 = arith.constant 8 : index
    %get3A_172 = arith.constant 0 : index
    %get3A_173 = vector.load %arg2[%get3A_169, %get3A_170, %get3A_171, %get3A_172] : memref<1x512x20x128xf32, #tpu.memory_space<vmem>>, vector<1x512x1x128xf32>
    %get3A_174 = vector.shape_cast %get3A_173 : vector<1x512x1x128xf32> to vector<512x128xf32>
    %sub3A_175 = arith.subf %get3A_174, %get3A_7 : vector<512x128xf32>
    %concatenate3A_176 = tpu.concatenate %sub3A_175, %get3A_7 in 1 : vector<512x128xf32>, vector<512x128xf32> -> vector<512x256xf32>
    %convert_element_type3A_177 = arith.truncf %concatenate3A_176 : vector<512x256xf32> to vector<512x256xbf16>
    %dot_general3A_178 = arith.constant dense<0.000000e+00> : vector<512x256xf32>
    %dot_general3A_179 = tpu.matmul %convert_element_type3A_177, %convert_element_type3A_11, %dot_general3A_178 {dimension_numbers = #tpu.dot_dimension_numbers<[1], [1], [0], [0], [0, 0, 1, 0], [], []>, transpose_lhs_hint = false} : vector<512x256xbf16>, vector<256x256xbf16>, vector<512x256xf32> -> vector<512x256xf32>
    %max3A_180 = arith.maximumf %max3A_159, %dot_general3A_179 : vector<512x256xf32>
    %reduce_sum3A_181 = arith.constant dense<0.000000e+00> : vector<256xf32>
    %reduce_sum3A_182 = vector.multi_reduction <add>, %dot_general3A_179, %reduce_sum3A_181 [0] : vector<512x256xf32> to vector<256xf32>
    %broadcast_in_dim3A_183 = vector.shape_cast %reduce_sum3A_182 : vector<256xf32> to vector<1x256xf32>
    %mul3A_184 = arith.mulf %dot_general3A_179, %dot_general3A_179 : vector<512x256xf32>
    %reduce_sum3A_185 = arith.constant dense<0.000000e+00> : vector<256xf32>
    %reduce_sum3A_186 = vector.multi_reduction <add>, %mul3A_184, %reduce_sum3A_185 [0] : vector<512x256xf32> to vector<256xf32>
    %broadcast_in_dim3A_187 = vector.shape_cast %reduce_sum3A_186 : vector<256xf32> to vector<1x256xf32>
    %add3A_188 = arith.addf %add3A_167, %broadcast_in_dim3A_183 : vector<1x256xf32>
    %add3A_189 = arith.addf %add3A_168, %broadcast_in_dim3A_187 : vector<1x256xf32>
    %get3A_190 = arith.constant 0 : index
    %get3A_191 = arith.constant 0 : index
    %get3A_192 = arith.constant 9 : index
    %get3A_193 = arith.constant 0 : index
    %get3A_194 = vector.load %arg2[%get3A_190, %get3A_191, %get3A_192, %get3A_193] : memref<1x512x20x128xf32, #tpu.memory_space<vmem>>, vector<1x512x1x128xf32>
    %get3A_195 = vector.shape_cast %get3A_194 : vector<1x512x1x128xf32> to vector<512x128xf32>
    %sub3A_196 = arith.subf %get3A_195, %get3A_7 : vector<512x128xf32>
    %concatenate3A_197 = tpu.concatenate %sub3A_196, %get3A_7 in 1 : vector<512x128xf32>, vector<512x128xf32> -> vector<512x256xf32>
    %convert_element_type3A_198 = arith.truncf %concatenate3A_197 : vector<512x256xf32> to vector<512x256xbf16>
    %dot_general3A_199 = arith.constant dense<0.000000e+00> : vector<512x256xf32>
    %dot_general3A_200 = tpu.matmul %convert_element_type3A_198, %convert_element_type3A_11, %dot_general3A_199 {dimension_numbers = #tpu.dot_dimension_numbers<[1], [1], [0], [0], [0, 0, 1, 0], [], []>, transpose_lhs_hint = false} : vector<512x256xbf16>, vector<256x256xbf16>, vector<512x256xf32> -> vector<512x256xf32>
    %max3A_201 = arith.maximumf %max3A_180, %dot_general3A_200 : vector<512x256xf32>
    %reduce_sum3A_202 = arith.constant dense<0.000000e+00> : vector<256xf32>
    %reduce_sum3A_203 = vector.multi_reduction <add>, %dot_general3A_200, %reduce_sum3A_202 [0] : vector<512x256xf32> to vector<256xf32>
    %broadcast_in_dim3A_204 = vector.shape_cast %reduce_sum3A_203 : vector<256xf32> to vector<1x256xf32>
    %mul3A_205 = arith.mulf %dot_general3A_200, %dot_general3A_200 : vector<512x256xf32>
    %reduce_sum3A_206 = arith.constant dense<0.000000e+00> : vector<256xf32>
    %reduce_sum3A_207 = vector.multi_reduction <add>, %mul3A_205, %reduce_sum3A_206 [0] : vector<512x256xf32> to vector<256xf32>
    %broadcast_in_dim3A_208 = vector.shape_cast %reduce_sum3A_207 : vector<256xf32> to vector<1x256xf32>
    %add3A_209 = arith.addf %add3A_188, %broadcast_in_dim3A_204 : vector<1x256xf32>
    %add3A_210 = arith.addf %add3A_189, %broadcast_in_dim3A_208 : vector<1x256xf32>
    %get3A_211 = arith.constant 0 : index
    %get3A_212 = arith.constant 0 : index
    %get3A_213 = arith.constant 10 : index
    %get3A_214 = arith.constant 0 : index
    %get3A_215 = vector.load %arg2[%get3A_211, %get3A_212, %get3A_213, %get3A_214] : memref<1x512x20x128xf32, #tpu.memory_space<vmem>>, vector<1x512x1x128xf32>
    %get3A_216 = vector.shape_cast %get3A_215 : vector<1x512x1x128xf32> to vector<512x128xf32>
    %sub3A_217 = arith.subf %get3A_216, %get3A_7 : vector<512x128xf32>
    %concatenate3A_218 = tpu.concatenate %sub3A_217, %get3A_7 in 1 : vector<512x128xf32>, vector<512x128xf32> -> vector<512x256xf32>
    %convert_element_type3A_219 = arith.truncf %concatenate3A_218 : vector<512x256xf32> to vector<512x256xbf16>
    %dot_general3A_220 = arith.constant dense<0.000000e+00> : vector<512x256xf32>
    %dot_general3A_221 = tpu.matmul %convert_element_type3A_219, %convert_element_type3A_11, %dot_general3A_220 {dimension_numbers = #tpu.dot_dimension_numbers<[1], [1], [0], [0], [0, 0, 1, 0], [], []>, transpose_lhs_hint = false} : vector<512x256xbf16>, vector<256x256xbf16>, vector<512x256xf32> -> vector<512x256xf32>
    %max3A_222 = arith.maximumf %max3A_201, %dot_general3A_221 : vector<512x256xf32>
    %reduce_sum3A_223 = arith.constant dense<0.000000e+00> : vector<256xf32>
    %reduce_sum3A_224 = vector.multi_reduction <add>, %dot_general3A_221, %reduce_sum3A_223 [0] : vector<512x256xf32> to vector<256xf32>
    %broadcast_in_dim3A_225 = vector.shape_cast %reduce_sum3A_224 : vector<256xf32> to vector<1x256xf32>
    %mul3A_226 = arith.mulf %dot_general3A_221, %dot_general3A_221 : vector<512x256xf32>
    %reduce_sum3A_227 = arith.constant dense<0.000000e+00> : vector<256xf32>
    %reduce_sum3A_228 = vector.multi_reduction <add>, %mul3A_226, %reduce_sum3A_227 [0] : vector<512x256xf32> to vector<256xf32>
    %broadcast_in_dim3A_229 = vector.shape_cast %reduce_sum3A_228 : vector<256xf32> to vector<1x256xf32>
    %add3A_230 = arith.addf %add3A_209, %broadcast_in_dim3A_225 : vector<1x256xf32>
    %add3A_231 = arith.addf %add3A_210, %broadcast_in_dim3A_229 : vector<1x256xf32>
    %get3A_232 = arith.constant 0 : index
    %get3A_233 = arith.constant 0 : index
    %get3A_234 = arith.constant 11 : index
    %get3A_235 = arith.constant 0 : index
    %get3A_236 = vector.load %arg2[%get3A_232, %get3A_233, %get3A_234, %get3A_235] : memref<1x512x20x128xf32, #tpu.memory_space<vmem>>, vector<1x512x1x128xf32>
    %get3A_237 = vector.shape_cast %get3A_236 : vector<1x512x1x128xf32> to vector<512x128xf32>
    %sub3A_238 = arith.subf %get3A_237, %get3A_7 : vector<512x128xf32>
    %concatenate3A_239 = tpu.concatenate %sub3A_238, %get3A_7 in 1 : vector<512x128xf32>, vector<512x128xf32> -> vector<512x256xf32>
    %convert_element_type3A_240 = arith.truncf %concatenate3A_239 : vector<512x256xf32> to vector<512x256xbf16>
    %dot_general3A_241 = arith.constant dense<0.000000e+00> : vector<512x256xf32>
    %dot_general3A_242 = tpu.matmul %convert_element_type3A_240, %convert_element_type3A_11, %dot_general3A_241 {dimension_numbers = #tpu.dot_dimension_numbers<[1], [1], [0], [0], [0, 0, 1, 0], [], []>, transpose_lhs_hint = false} : vector<512x256xbf16>, vector<256x256xbf16>, vector<512x256xf32> -> vector<512x256xf32>
    %max3A_243 = arith.maximumf %max3A_222, %dot_general3A_242 : vector<512x256xf32>
    %reduce_sum3A_244 = arith.constant dense<0.000000e+00> : vector<256xf32>
    %reduce_sum3A_245 = vector.multi_reduction <add>, %dot_general3A_242, %reduce_sum3A_244 [0] : vector<512x256xf32> to vector<256xf32>
    %broadcast_in_dim3A_246 = vector.shape_cast %reduce_sum3A_245 : vector<256xf32> to vector<1x256xf32>
    %mul3A_247 = arith.mulf %dot_general3A_242, %dot_general3A_242 : vector<512x256xf32>
    %reduce_sum3A_248 = arith.constant dense<0.000000e+00> : vector<256xf32>
    %reduce_sum3A_249 = vector.multi_reduction <add>, %mul3A_247, %reduce_sum3A_248 [0] : vector<512x256xf32> to vector<256xf32>
    %broadcast_in_dim3A_250 = vector.shape_cast %reduce_sum3A_249 : vector<256xf32> to vector<1x256xf32>
    %add3A_251 = arith.addf %add3A_230, %broadcast_in_dim3A_246 : vector<1x256xf32>
    %add3A_252 = arith.addf %add3A_231, %broadcast_in_dim3A_250 : vector<1x256xf32>
    %get3A_253 = arith.constant 0 : index
    %get3A_254 = arith.constant 0 : index
    %get3A_255 = arith.constant 12 : index
    %get3A_256 = arith.constant 0 : index
    %get3A_257 = vector.load %arg2[%get3A_253, %get3A_254, %get3A_255, %get3A_256] : memref<1x512x20x128xf32, #tpu.memory_space<vmem>>, vector<1x512x1x128xf32>
    %get3A_258 = vector.shape_cast %get3A_257 : vector<1x512x1x128xf32> to vector<512x128xf32>
    %sub3A_259 = arith.subf %get3A_258, %get3A_7 : vector<512x128xf32>
    %concatenate3A_260 = tpu.concatenate %sub3A_259, %get3A_7 in 1 : vector<512x128xf32>, vector<512x128xf32> -> vector<512x256xf32>
    %convert_element_type3A_261 = arith.truncf %concatenate3A_260 : vector<512x256xf32> to vector<512x256xbf16>
    %dot_general3A_262 = arith.constant dense<0.000000e+00> : vector<512x256xf32>
    %dot_general3A_263 = tpu.matmul %convert_element_type3A_261, %convert_element_type3A_11, %dot_general3A_262 {dimension_numbers = #tpu.dot_dimension_numbers<[1], [1], [0], [0], [0, 0, 1, 0], [], []>, transpose_lhs_hint = false} : vector<512x256xbf16>, vector<256x256xbf16>, vector<512x256xf32> -> vector<512x256xf32>
    %max3A_264 = arith.maximumf %max3A_243, %dot_general3A_263 : vector<512x256xf32>
    %reduce_sum3A_265 = arith.constant dense<0.000000e+00> : vector<256xf32>
    %reduce_sum3A_266 = vector.multi_reduction <add>, %dot_general3A_263, %reduce_sum3A_265 [0] : vector<512x256xf32> to vector<256xf32>
    %broadcast_in_dim3A_267 = vector.shape_cast %reduce_sum3A_266 : vector<256xf32> to vector<1x256xf32>
    %mul3A_268 = arith.mulf %dot_general3A_263, %dot_general3A_263 : vector<512x256xf32>
    %reduce_sum3A_269 = arith.constant dense<0.000000e+00> : vector<256xf32>
    %reduce_sum3A_270 = vector.multi_reduction <add>, %mul3A_268, %reduce_sum3A_269 [0] : vector<512x256xf32> to vector<256xf32>
    %broadcast_in_dim3A_271 = vector.shape_cast %reduce_sum3A_270 : vector<256xf32> to vector<1x256xf32>
    %add3A_272 = arith.addf %add3A_251, %broadcast_in_dim3A_267 : vector<1x256xf32>
    %add3A_273 = arith.addf %add3A_252, %broadcast_in_dim3A_271 : vector<1x256xf32>
    %get3A_274 = arith.constant 0 : index
    %get3A_275 = arith.constant 0 : index
    %get3A_276 = arith.constant 13 : index
    %get3A_277 = arith.constant 0 : index
    %get3A_278 = vector.load %arg2[%get3A_274, %get3A_275, %get3A_276, %get3A_277] : memref<1x512x20x128xf32, #tpu.memory_space<vmem>>, vector<1x512x1x128xf32>
    %get3A_279 = vector.shape_cast %get3A_278 : vector<1x512x1x128xf32> to vector<512x128xf32>
    %sub3A_280 = arith.subf %get3A_279, %get3A_7 : vector<512x128xf32>
    %concatenate3A_281 = tpu.concatenate %sub3A_280, %get3A_7 in 1 : vector<512x128xf32>, vector<512x128xf32> -> vector<512x256xf32>
    %convert_element_type3A_282 = arith.truncf %concatenate3A_281 : vector<512x256xf32> to vector<512x256xbf16>
    %dot_general3A_283 = arith.constant dense<0.000000e+00> : vector<512x256xf32>
    %dot_general3A_284 = tpu.matmul %convert_element_type3A_282, %convert_element_type3A_11, %dot_general3A_283 {dimension_numbers = #tpu.dot_dimension_numbers<[1], [1], [0], [0], [0, 0, 1, 0], [], []>, transpose_lhs_hint = false} : vector<512x256xbf16>, vector<256x256xbf16>, vector<512x256xf32> -> vector<512x256xf32>
    %max3A_285 = arith.maximumf %max3A_264, %dot_general3A_284 : vector<512x256xf32>
    %reduce_sum3A_286 = arith.constant dense<0.000000e+00> : vector<256xf32>
    %reduce_sum3A_287 = vector.multi_reduction <add>, %dot_general3A_284, %reduce_sum3A_286 [0] : vector<512x256xf32> to vector<256xf32>
    %broadcast_in_dim3A_288 = vector.shape_cast %reduce_sum3A_287 : vector<256xf32> to vector<1x256xf32>
    %mul3A_289 = arith.mulf %dot_general3A_284, %dot_general3A_284 : vector<512x256xf32>
    %reduce_sum3A_290 = arith.constant dense<0.000000e+00> : vector<256xf32>
    %reduce_sum3A_291 = vector.multi_reduction <add>, %mul3A_289, %reduce_sum3A_290 [0] : vector<512x256xf32> to vector<256xf32>
    %broadcast_in_dim3A_292 = vector.shape_cast %reduce_sum3A_291 : vector<256xf32> to vector<1x256xf32>
    %add3A_293 = arith.addf %add3A_272, %broadcast_in_dim3A_288 : vector<1x256xf32>
    %add3A_294 = arith.addf %add3A_273, %broadcast_in_dim3A_292 : vector<1x256xf32>
    %get3A_295 = arith.constant 0 : index
    %get3A_296 = arith.constant 0 : index
    %get3A_297 = arith.constant 14 : index
    %get3A_298 = arith.constant 0 : index
    %get3A_299 = vector.load %arg2[%get3A_295, %get3A_296, %get3A_297, %get3A_298] : memref<1x512x20x128xf32, #tpu.memory_space<vmem>>, vector<1x512x1x128xf32>
    %get3A_300 = vector.shape_cast %get3A_299 : vector<1x512x1x128xf32> to vector<512x128xf32>
    %sub3A_301 = arith.subf %get3A_300, %get3A_7 : vector<512x128xf32>
    %concatenate3A_302 = tpu.concatenate %sub3A_301, %get3A_7 in 1 : vector<512x128xf32>, vector<512x128xf32> -> vector<512x256xf32>
    %convert_element_type3A_303 = arith.truncf %concatenate3A_302 : vector<512x256xf32> to vector<512x256xbf16>
    %dot_general3A_304 = arith.constant dense<0.000000e+00> : vector<512x256xf32>
    %dot_general3A_305 = tpu.matmul %convert_element_type3A_303, %convert_element_type3A_11, %dot_general3A_304 {dimension_numbers = #tpu.dot_dimension_numbers<[1], [1], [0], [0], [0, 0, 1, 0], [], []>, transpose_lhs_hint = false} : vector<512x256xbf16>, vector<256x256xbf16>, vector<512x256xf32> -> vector<512x256xf32>
    %max3A_306 = arith.maximumf %max3A_285, %dot_general3A_305 : vector<512x256xf32>
    %reduce_sum3A_307 = arith.constant dense<0.000000e+00> : vector<256xf32>
    %reduce_sum3A_308 = vector.multi_reduction <add>, %dot_general3A_305, %reduce_sum3A_307 [0] : vector<512x256xf32> to vector<256xf32>
    %broadcast_in_dim3A_309 = vector.shape_cast %reduce_sum3A_308 : vector<256xf32> to vector<1x256xf32>
    %mul3A_310 = arith.mulf %dot_general3A_305, %dot_general3A_305 : vector<512x256xf32>
    %reduce_sum3A_311 = arith.constant dense<0.000000e+00> : vector<256xf32>
    %reduce_sum3A_312 = vector.multi_reduction <add>, %mul3A_310, %reduce_sum3A_311 [0] : vector<512x256xf32> to vector<256xf32>
    %broadcast_in_dim3A_313 = vector.shape_cast %reduce_sum3A_312 : vector<256xf32> to vector<1x256xf32>
    %add3A_314 = arith.addf %add3A_293, %broadcast_in_dim3A_309 : vector<1x256xf32>
    %add3A_315 = arith.addf %add3A_294, %broadcast_in_dim3A_313 : vector<1x256xf32>
    %get3A_316 = arith.constant 0 : index
    %get3A_317 = arith.constant 0 : index
    %get3A_318 = arith.constant 15 : index
    %get3A_319 = arith.constant 0 : index
    %get3A_320 = vector.load %arg2[%get3A_316, %get3A_317, %get3A_318, %get3A_319] : memref<1x512x20x128xf32, #tpu.memory_space<vmem>>, vector<1x512x1x128xf32>
    %get3A_321 = vector.shape_cast %get3A_320 : vector<1x512x1x128xf32> to vector<512x128xf32>
    %sub3A_322 = arith.subf %get3A_321, %get3A_7 : vector<512x128xf32>
    %concatenate3A_323 = tpu.concatenate %sub3A_322, %get3A_7 in 1 : vector<512x128xf32>, vector<512x128xf32> -> vector<512x256xf32>
    %convert_element_type3A_324 = arith.truncf %concatenate3A_323 : vector<512x256xf32> to vector<512x256xbf16>
    %dot_general3A_325 = arith.constant dense<0.000000e+00> : vector<512x256xf32>
    %dot_general3A_326 = tpu.matmul %convert_element_type3A_324, %convert_element_type3A_11, %dot_general3A_325 {dimension_numbers = #tpu.dot_dimension_numbers<[1], [1], [0], [0], [0, 0, 1, 0], [], []>, transpose_lhs_hint = false} : vector<512x256xbf16>, vector<256x256xbf16>, vector<512x256xf32> -> vector<512x256xf32>
    %max3A_327 = arith.maximumf %max3A_306, %dot_general3A_326 : vector<512x256xf32>
    %reduce_sum3A_328 = arith.constant dense<0.000000e+00> : vector<256xf32>
    %reduce_sum3A_329 = vector.multi_reduction <add>, %dot_general3A_326, %reduce_sum3A_328 [0] : vector<512x256xf32> to vector<256xf32>
    %broadcast_in_dim3A_330 = vector.shape_cast %reduce_sum3A_329 : vector<256xf32> to vector<1x256xf32>
    %mul3A_331 = arith.mulf %dot_general3A_326, %dot_general3A_326 : vector<512x256xf32>
    %reduce_sum3A_332 = arith.constant dense<0.000000e+00> : vector<256xf32>
    %reduce_sum3A_333 = vector.multi_reduction <add>, %mul3A_331, %reduce_sum3A_332 [0] : vector<512x256xf32> to vector<256xf32>
    %broadcast_in_dim3A_334 = vector.shape_cast %reduce_sum3A_333 : vector<256xf32> to vector<1x256xf32>
    %add3A_335 = arith.addf %add3A_314, %broadcast_in_dim3A_330 : vector<1x256xf32>
    %add3A_336 = arith.addf %add3A_315, %broadcast_in_dim3A_334 : vector<1x256xf32>
    %get3A_337 = arith.constant 0 : index
    %get3A_338 = arith.constant 0 : index
    %get3A_339 = arith.constant 16 : index
    %get3A_340 = arith.constant 0 : index
    %get3A_341 = vector.load %arg2[%get3A_337, %get3A_338, %get3A_339, %get3A_340] : memref<1x512x20x128xf32, #tpu.memory_space<vmem>>, vector<1x512x1x128xf32>
    %get3A_342 = vector.shape_cast %get3A_341 : vector<1x512x1x128xf32> to vector<512x128xf32>
    %sub3A_343 = arith.subf %get3A_342, %get3A_7 : vector<512x128xf32>
    %concatenate3A_344 = tpu.concatenate %sub3A_343, %get3A_7 in 1 : vector<512x128xf32>, vector<512x128xf32> -> vector<512x256xf32>
    %convert_element_type3A_345 = arith.truncf %concatenate3A_344 : vector<512x256xf32> to vector<512x256xbf16>
    %dot_general3A_346 = arith.constant dense<0.000000e+00> : vector<512x256xf32>
    %dot_general3A_347 = tpu.matmul %convert_element_type3A_345, %convert_element_type3A_11, %dot_general3A_346 {dimension_numbers = #tpu.dot_dimension_numbers<[1], [1], [0], [0], [0, 0, 1, 0], [], []>, transpose_lhs_hint = false} : vector<512x256xbf16>, vector<256x256xbf16>, vector<512x256xf32> -> vector<512x256xf32>
    %max3A_348 = arith.maximumf %max3A_327, %dot_general3A_347 : vector<512x256xf32>
    %reduce_sum3A_349 = arith.constant dense<0.000000e+00> : vector<256xf32>
    %reduce_sum3A_350 = vector.multi_reduction <add>, %dot_general3A_347, %reduce_sum3A_349 [0] : vector<512x256xf32> to vector<256xf32>
    %broadcast_in_dim3A_351 = vector.shape_cast %reduce_sum3A_350 : vector<256xf32> to vector<1x256xf32>
    %mul3A_352 = arith.mulf %dot_general3A_347, %dot_general3A_347 : vector<512x256xf32>
    %reduce_sum3A_353 = arith.constant dense<0.000000e+00> : vector<256xf32>
    %reduce_sum3A_354 = vector.multi_reduction <add>, %mul3A_352, %reduce_sum3A_353 [0] : vector<512x256xf32> to vector<256xf32>
    %broadcast_in_dim3A_355 = vector.shape_cast %reduce_sum3A_354 : vector<256xf32> to vector<1x256xf32>
    %add3A_356 = arith.addf %add3A_335, %broadcast_in_dim3A_351 : vector<1x256xf32>
    %add3A_357 = arith.addf %add3A_336, %broadcast_in_dim3A_355 : vector<1x256xf32>
    %get3A_358 = arith.constant 0 : index
    %get3A_359 = arith.constant 0 : index
    %get3A_360 = arith.constant 17 : index
    %get3A_361 = arith.constant 0 : index
    %get3A_362 = vector.load %arg2[%get3A_358, %get3A_359, %get3A_360, %get3A_361] : memref<1x512x20x128xf32, #tpu.memory_space<vmem>>, vector<1x512x1x128xf32>
    %get3A_363 = vector.shape_cast %get3A_362 : vector<1x512x1x128xf32> to vector<512x128xf32>
    %sub3A_364 = arith.subf %get3A_363, %get3A_7 : vector<512x128xf32>
    %concatenate3A_365 = tpu.concatenate %sub3A_364, %get3A_7 in 1 : vector<512x128xf32>, vector<512x128xf32> -> vector<512x256xf32>
    %convert_element_type3A_366 = arith.truncf %concatenate3A_365 : vector<512x256xf32> to vector<512x256xbf16>
    %dot_general3A_367 = arith.constant dense<0.000000e+00> : vector<512x256xf32>
    %dot_general3A_368 = tpu.matmul %convert_element_type3A_366, %convert_element_type3A_11, %dot_general3A_367 {dimension_numbers = #tpu.dot_dimension_numbers<[1], [1], [0], [0], [0, 0, 1, 0], [], []>, transpose_lhs_hint = false} : vector<512x256xbf16>, vector<256x256xbf16>, vector<512x256xf32> -> vector<512x256xf32>
    %max3A_369 = arith.maximumf %max3A_348, %dot_general3A_368 : vector<512x256xf32>
    %reduce_sum3A_370 = arith.constant dense<0.000000e+00> : vector<256xf32>
    %reduce_sum3A_371 = vector.multi_reduction <add>, %dot_general3A_368, %reduce_sum3A_370 [0] : vector<512x256xf32> to vector<256xf32>
    %broadcast_in_dim3A_372 = vector.shape_cast %reduce_sum3A_371 : vector<256xf32> to vector<1x256xf32>
    %mul3A_373 = arith.mulf %dot_general3A_368, %dot_general3A_368 : vector<512x256xf32>
    %reduce_sum3A_374 = arith.constant dense<0.000000e+00> : vector<256xf32>
    %reduce_sum3A_375 = vector.multi_reduction <add>, %mul3A_373, %reduce_sum3A_374 [0] : vector<512x256xf32> to vector<256xf32>
    %broadcast_in_dim3A_376 = vector.shape_cast %reduce_sum3A_375 : vector<256xf32> to vector<1x256xf32>
    %add3A_377 = arith.addf %add3A_356, %broadcast_in_dim3A_372 : vector<1x256xf32>
    %add3A_378 = arith.addf %add3A_357, %broadcast_in_dim3A_376 : vector<1x256xf32>
    %get3A_379 = arith.constant 0 : index
    %get3A_380 = arith.constant 0 : index
    %get3A_381 = arith.constant 18 : index
    %get3A_382 = arith.constant 0 : index
    %get3A_383 = vector.load %arg2[%get3A_379, %get3A_380, %get3A_381, %get3A_382] : memref<1x512x20x128xf32, #tpu.memory_space<vmem>>, vector<1x512x1x128xf32>
    %get3A_384 = vector.shape_cast %get3A_383 : vector<1x512x1x128xf32> to vector<512x128xf32>
    %sub3A_385 = arith.subf %get3A_384, %get3A_7 : vector<512x128xf32>
    %concatenate3A_386 = tpu.concatenate %sub3A_385, %get3A_7 in 1 : vector<512x128xf32>, vector<512x128xf32> -> vector<512x256xf32>
    %convert_element_type3A_387 = arith.truncf %concatenate3A_386 : vector<512x256xf32> to vector<512x256xbf16>
    %dot_general3A_388 = arith.constant dense<0.000000e+00> : vector<512x256xf32>
    %dot_general3A_389 = tpu.matmul %convert_element_type3A_387, %convert_element_type3A_11, %dot_general3A_388 {dimension_numbers = #tpu.dot_dimension_numbers<[1], [1], [0], [0], [0, 0, 1, 0], [], []>, transpose_lhs_hint = false} : vector<512x256xbf16>, vector<256x256xbf16>, vector<512x256xf32> -> vector<512x256xf32>
    %max3A_390 = arith.maximumf %max3A_369, %dot_general3A_389 : vector<512x256xf32>
    %reduce_sum3A_391 = arith.constant dense<0.000000e+00> : vector<256xf32>
    %reduce_sum3A_392 = vector.multi_reduction <add>, %dot_general3A_389, %reduce_sum3A_391 [0] : vector<512x256xf32> to vector<256xf32>
    %broadcast_in_dim3A_393 = vector.shape_cast %reduce_sum3A_392 : vector<256xf32> to vector<1x256xf32>
    %mul3A_394 = arith.mulf %dot_general3A_389, %dot_general3A_389 : vector<512x256xf32>
    %reduce_sum3A_395 = arith.constant dense<0.000000e+00> : vector<256xf32>
    %reduce_sum3A_396 = vector.multi_reduction <add>, %mul3A_394, %reduce_sum3A_395 [0] : vector<512x256xf32> to vector<256xf32>
    %broadcast_in_dim3A_397 = vector.shape_cast %reduce_sum3A_396 : vector<256xf32> to vector<1x256xf32>
    %add3A_398 = arith.addf %add3A_377, %broadcast_in_dim3A_393 : vector<1x256xf32>
    %add3A_399 = arith.addf %add3A_378, %broadcast_in_dim3A_397 : vector<1x256xf32>
    %get3A_400 = arith.constant 0 : index
    %get3A_401 = arith.constant 0 : index
    %get3A_402 = arith.constant 19 : index
    %get3A_403 = arith.constant 0 : index
    %get3A_404 = vector.load %arg2[%get3A_400, %get3A_401, %get3A_402, %get3A_403] : memref<1x512x20x128xf32, #tpu.memory_space<vmem>>, vector<1x512x1x128xf32>
    %get3A_405 = vector.shape_cast %get3A_404 : vector<1x512x1x128xf32> to vector<512x128xf32>
    %sub3A_406 = arith.subf %get3A_405, %get3A_7 : vector<512x128xf32>
    %concatenate3A_407 = tpu.concatenate %sub3A_406, %get3A_7 in 1 : vector<512x128xf32>, vector<512x128xf32> -> vector<512x256xf32>
    %convert_element_type3A_408 = arith.truncf %concatenate3A_407 : vector<512x256xf32> to vector<512x256xbf16>
    %dot_general3A_409 = arith.constant dense<0.000000e+00> : vector<512x256xf32>
    %dot_general3A_410 = tpu.matmul %convert_element_type3A_408, %convert_element_type3A_11, %dot_general3A_409 {dimension_numbers = #tpu.dot_dimension_numbers<[1], [1], [0], [0], [0, 0, 1, 0], [], []>, transpose_lhs_hint = false} : vector<512x256xbf16>, vector<256x256xbf16>, vector<512x256xf32> -> vector<512x256xf32>
    %max3A_411 = arith.maximumf %max3A_390, %dot_general3A_410 : vector<512x256xf32>
    %reduce_sum3A_412 = arith.constant dense<0.000000e+00> : vector<256xf32>
    %reduce_sum3A_413 = vector.multi_reduction <add>, %dot_general3A_410, %reduce_sum3A_412 [0] : vector<512x256xf32> to vector<256xf32>
    %broadcast_in_dim3A_414 = vector.shape_cast %reduce_sum3A_413 : vector<256xf32> to vector<1x256xf32>
    %mul3A_415 = arith.mulf %dot_general3A_410, %dot_general3A_410 : vector<512x256xf32>
    %reduce_sum3A_416 = arith.constant dense<0.000000e+00> : vector<256xf32>
    %reduce_sum3A_417 = vector.multi_reduction <add>, %mul3A_415, %reduce_sum3A_416 [0] : vector<512x256xf32> to vector<256xf32>
    %broadcast_in_dim3A_418 = vector.shape_cast %reduce_sum3A_417 : vector<256xf32> to vector<1x256xf32>
    %add3A_419 = arith.addf %add3A_398, %broadcast_in_dim3A_414 : vector<1x256xf32>
    %add3A_420 = arith.addf %add3A_399, %broadcast_in_dim3A_418 : vector<1x256xf32>
    %swap3A = arith.constant 0 : index
    %swap3A_421 = arith.constant 0 : index
    %swap3A_422 = arith.constant 0 : index
    %swap3A_423 = vector.load %arg5[%swap3A, %swap3A_421, %swap3A_422] : memref<1x512x256xf32, #tpu.memory_space<vmem>>, vector<1x512x256xf32>
    %swap3A_424 = vector.shape_cast %swap3A_423 : vector<1x512x256xf32> to vector<512x256xf32>
    %swap3A_425 = vector.shape_cast %max3A_411 : vector<512x256xf32> to vector<1x512x256xf32>
    tpu.vector_store %arg5[%swap3A, %swap3A_421, %swap3A_422], %swap3A_425 {strides = array<i32>} : memref<1x512x256xf32, #tpu.memory_space<vmem>>, vector<1x512x256xf32>,
    %get3A_426 = arith.constant 0 : index
    %get3A_427 = arith.constant 0 : index
    %get3A_428 = vector.load %arg7[%get3A_426, %get3A_427] : memref<1x256xf32, #tpu.memory_space<vmem>>, vector<1x256xf32>
    %add3A_429 = arith.addf %get3A_428, %add3A_419 : vector<1x256xf32>
    %swap3A_430 = arith.constant 0 : index
    %swap3A_431 = arith.constant 0 : index
    %swap3A_432 = vector.load %arg7[%swap3A_430, %swap3A_431] : memref<1x256xf32, #tpu.memory_space<vmem>>, vector<1x256xf32>
    tpu.vector_store %arg7[%swap3A_430, %swap3A_431], %add3A_429 {strides = array<i32>} : memref<1x256xf32, #tpu.memory_space<vmem>>, vector<1x256xf32>,
    %get3A_433 = arith.constant 0 : index
    %get3A_434 = arith.constant 0 : index
    %get3A_435 = vector.load %arg8[%get3A_433, %get3A_434] : memref<1x256xf32, #tpu.memory_space<vmem>>, vector<1x256xf32>
    %add3A_436 = arith.addf %get3A_435, %add3A_420 : vector<1x256xf32>
    %swap3A_437 = arith.constant 0 : index
    %swap3A_438 = arith.constant 0 : index
    %swap3A_439 = vector.load %arg8[%swap3A_437, %swap3A_438] : memref<1x256xf32, #tpu.memory_space<vmem>>, vector<1x256xf32>
    tpu.vector_store %arg8[%swap3A_437, %swap3A_438], %add3A_436 {strides = array<i32>} : memref<1x256xf32, #tpu.memory_space<vmem>>, vector<1x256xf32>,
    %eq3A_440 = arith.constant 1 : i32
    %eq3A_441 = arith.cmpi eq, %arg0, %eq3A_440 : i32
    %eq3A_442 = arith.constant 3 : i32
    %eq3A_443 = arith.cmpi eq, %arg1, %eq3A_442 : i32
    %and3A_444 = arith.andi %eq3A_441, %eq3A_443 : i1
    %convert_element_type3A_445 = arith.extui %and3A_444 : i1 to i32
    %cond3A_446 = arith.constant 0 : i32
    %cond3A_447 = arith.cmpi ne, %convert_element_type3A_445, %cond3A_446 : i32
    scf.if %cond3A_447 {
      %get3A_448 = arith.constant 0 : index
      %get3A_449 = arith.constant 0 : index
      %get3A_450 = vector.load %arg7[%get3A_448, %get3A_449] : memref<1x256xf32, #tpu.memory_space<vmem>>, vector<1x256xf32>
      %swap3A_451 = arith.constant 0 : index
      %swap3A_452 = arith.constant 0 : index
      %swap3A_453 = vector.load %arg6[%swap3A_451, %swap3A_452] : memref<2x256xf32, #tpu.memory_space<vmem>>, vector<1x256xf32>
      tpu.vector_store %arg6[%swap3A_451, %swap3A_452], %get3A_450 {strides = array<i32>} : memref<2x256xf32, #tpu.memory_space<vmem>>, vector<1x256xf32>,
      %get3A_454 = arith.constant 0 : index
      %get3A_455 = arith.constant 0 : index
      %get3A_456 = vector.load %arg8[%get3A_454, %get3A_455] : memref<1x256xf32, #tpu.memory_space<vmem>>, vector<1x256xf32>
      %swap3A_457 = arith.constant 1 : index
      %swap3A_458 = arith.constant 0 : index
      %swap3A_459 = vector.load %arg6[%swap3A_457, %swap3A_458] : memref<2x256xf32, #tpu.memory_space<vmem>>, vector<1x256xf32>
      tpu.vector_store %arg6[%swap3A_457, %swap3A_458], %get3A_456 {strides = array<i32>} : memref<2x256xf32, #tpu.memory_space<vmem>>, vector<1x256xf32>,
    } else {
    }
    return
  }
  func.func @transform_0(%arg0: i32, %arg1: i32) -> (i32, i32, i32, i32) {
    %c0_i32 = arith.constant 0 : i32
    %c0_i32_0 = arith.constant 0 : i32
    %c0_i32_1 = arith.constant 0 : i32
    return %arg0, %arg1, %c0_i32, %c0_i32_0 : i32, i32, i32, i32
  }
  func.func @transform_1(%arg0: i32, %arg1: i32) -> (i32, i32, i32) {
    %c0_i32 = arith.constant 0 : i32
    %c0_i32_0 = arith.constant 0 : i32
    return %arg0, %arg1, %c0_i32 : i32, i32, i32
  }
  func.func @transform_2(%arg0: i32, %arg1: i32) -> (i32, i32) {
    %c0_i32 = arith.constant 0 : i32
    %c0_i32_0 = arith.constant 0 : i32
    %c0_i32_1 = arith.constant 0 : i32
    return %c0_i32, %c0_i32_0 : i32, i32
  }
  func.func @transform_3(%arg0: i32, %arg1: i32) -> (i32, i32, i32) {
    %c0_i32 = arith.constant 0 : i32
    %c0_i32_0 = arith.constant 0 : i32
    return %arg0, %arg1, %c0_i32 : i32, i32, i32
  }
  func.func @transform_4(%arg0: i32, %arg1: i32) -> (i32, i32) {
    %c0_i32 = arith.constant 0 : i32
    %c0_i32_0 = arith.constant 0 : i32
    %c0_i32_1 = arith.constant 0 : i32
    return %c0_i32, %c0_i32_0 : i32, i32
  }
}

module attributes {stable_mosaic.version = 14 : i64} {
  func.func @_fin_body(%arg0: i32, %arg1: i32, %arg2: memref<1x512x256xf32, #tpu.memory_space<vmem>>, %arg3: memref<2x256xf32, #tpu.memory_space<vmem>>, %arg4: memref<1x256xf32, #tpu.memory_space<vmem>>, %arg5: memref<1x256xf32, #tpu.memory_space<vmem>>, %arg6: memref<1xf32, #tpu.memory_space<smem>>, %arg7: memref<1x512x256xf32, #tpu.memory_space<vmem>>) attributes {dimension_semantics = [#tpu.dimension_semantics<arbitrary>, #tpu.dimension_semantics<arbitrary>], iteration_bounds = array<i64: 2, 4>, scalar_prefetch = 0 : i64, scratch_operands = 0 : i64, tpu.core_type = #tpu.core_type<tc>, window_params = [{transform_indices = @transform_0, window_bounds = array<i64: 1, 512, 256>}, {pipeline_mode = #tpu.pipeline_mode<synchronous>, transform_indices = @transform_1, window_bounds = array<i64: 2, 256>}, {pipeline_mode = #tpu.pipeline_mode<synchronous>, transform_indices = @transform_2, window_bounds = array<i64: 1, 256>}, {pipeline_mode = #tpu.pipeline_mode<synchronous>, transform_indices = @transform_3, window_bounds = array<i64: 1, 256>}, {transform_indices = @transform_4, window_bounds = array<i64: 1>}, {transform_indices = @transform_5, window_bounds = array<i64: 1, 512, 256>}]} {
    %get3A = arith.constant 0 : index
    %get3A_0 = memref.load %arg6[%get3A] : memref<1xf32, #tpu.memory_space<smem>>
    %get3A_1 = arith.constant 0 : index
    %get3A_2 = arith.constant 0 : index
    %get3A_3 = vector.load %arg3[%get3A_1, %get3A_2] : memref<2x256xf32, #tpu.memory_space<vmem>>, vector<1x256xf32>
    %div3A = vector.broadcast %get3A_0 : f32 to vector<1x256xf32>
    %div3A_4 = arith.divf %get3A_3, %div3A : vector<1x256xf32>
    %get3A_5 = arith.constant 1 : index
    %get3A_6 = arith.constant 0 : index
    %get3A_7 = vector.load %arg3[%get3A_5, %get3A_6] : memref<2x256xf32, #tpu.memory_space<vmem>>, vector<1x256xf32>
    %div3A_8 = vector.broadcast %get3A_0 : f32 to vector<1x256xf32>
    %div3A_9 = arith.divf %get3A_7, %div3A_8 : vector<1x256xf32>
    %mul3A = arith.mulf %div3A_4, %div3A_4 : vector<1x256xf32>
    %sub3A = arith.subf %div3A_9, %mul3A : vector<1x256xf32>
    %add3A = arith.constant 9.99999974E-6 : f32
    %add3A_10 = vector.broadcast %add3A : f32 to vector<1x256xf32>
    %add3A_11 = arith.addf %sub3A, %add3A_10 : vector<1x256xf32>
    %rsqrt3A = math.rsqrt %add3A_11 : vector<1x256xf32>
    %get3A_12 = arith.constant 0 : index
    %get3A_13 = arith.constant 0 : index
    %get3A_14 = arith.constant 0 : index
    %get3A_15 = vector.load %arg2[%get3A_12, %get3A_13, %get3A_14] : memref<1x512x256xf32, #tpu.memory_space<vmem>>, vector<1x512x256xf32>
    %get3A_16 = vector.shape_cast %get3A_15 : vector<1x512x256xf32> to vector<512x256xf32>
    %sub3A_17 = vector.broadcast %div3A_4 : vector<1x256xf32> to vector<512x256xf32>
    %sub3A_18 = arith.subf %get3A_16, %sub3A_17 : vector<512x256xf32>
    %mul3A_19 = vector.broadcast %rsqrt3A : vector<1x256xf32> to vector<512x256xf32>
    %mul3A_20 = arith.mulf %sub3A_18, %mul3A_19 : vector<512x256xf32>
    %get3A_21 = arith.constant 0 : index
    %get3A_22 = arith.constant 0 : index
    %get3A_23 = vector.load %arg4[%get3A_21, %get3A_22] : memref<1x256xf32, #tpu.memory_space<vmem>>, vector<1x256xf32>
    %mul3A_24 = vector.broadcast %get3A_23 : vector<1x256xf32> to vector<512x256xf32>
    %mul3A_25 = arith.mulf %mul3A_20, %mul3A_24 : vector<512x256xf32>
    %get3A_26 = arith.constant 0 : index
    %get3A_27 = arith.constant 0 : index
    %get3A_28 = vector.load %arg5[%get3A_26, %get3A_27] : memref<1x256xf32, #tpu.memory_space<vmem>>, vector<1x256xf32>
    %add3A_29 = vector.broadcast %get3A_28 : vector<1x256xf32> to vector<512x256xf32>
    %add3A_30 = arith.addf %mul3A_25, %add3A_29 : vector<512x256xf32>
    %ge3A = arith.constant 0.000000e+00 : f32
    %ge3A_31 = vector.broadcast %ge3A : f32 to vector<512x256xf32>
    %ge3A_32 = arith.cmpf oge, %add3A_30, %ge3A_31 : vector<512x256xf32>
    %mul3A_33 = arith.constant 2.000000e-01 : f32
    %mul3A_34 = vector.broadcast %mul3A_33 : f32 to vector<512x256xf32>
    %mul3A_35 = arith.mulf %mul3A_34, %add3A_30 : vector<512x256xf32>
    %select_n3A = arith.select %ge3A_32, %add3A_30, %mul3A_35 : vector<512x256xi1>, vector<512x256xf32>
    %swap3A = arith.constant 0 : index
    %swap3A_36 = arith.constant 0 : index
    %swap3A_37 = arith.constant 0 : index
    %swap3A_38 = vector.load %arg7[%swap3A, %swap3A_36, %swap3A_37] : memref<1x512x256xf32, #tpu.memory_space<vmem>>, vector<1x512x256xf32>
    %swap3A_39 = vector.shape_cast %swap3A_38 : vector<1x512x256xf32> to vector<512x256xf32>
    %swap3A_40 = vector.shape_cast %select_n3A : vector<512x256xf32> to vector<1x512x256xf32>
    tpu.vector_store %arg7[%swap3A, %swap3A_36, %swap3A_37], %swap3A_40 {strides = array<i32>} : memref<1x512x256xf32, #tpu.memory_space<vmem>>, vector<1x512x256xf32>,
    return
  }
  func.func @transform_0(%arg0: i32, %arg1: i32) -> (i32, i32, i32) {
    %c0_i32 = arith.constant 0 : i32
    %c0_i32_0 = arith.constant 0 : i32
    return %arg0, %arg1, %c0_i32 : i32, i32, i32
  }
  func.func @transform_1(%arg0: i32, %arg1: i32) -> (i32, i32) {
    %c0_i32 = arith.constant 0 : i32
    %c0_i32_0 = arith.constant 0 : i32
    %c0_i32_1 = arith.constant 0 : i32
    return %c0_i32, %c0_i32_0 : i32, i32
  }
  func.func @transform_2(%arg0: i32, %arg1: i32) -> (i32, i32) {
    %c0_i32 = arith.constant 0 : i32
    %c0_i32_0 = arith.constant 0 : i32
    %c0_i32_1 = arith.constant 0 : i32
    return %c0_i32, %c0_i32_0 : i32, i32
  }
  func.func @transform_3(%arg0: i32, %arg1: i32) -> (i32, i32) {
    %c0_i32 = arith.constant 0 : i32
    %c0_i32_0 = arith.constant 0 : i32
    %c0_i32_1 = arith.constant 0 : i32
    return %c0_i32, %c0_i32_0 : i32, i32
  }
  func.func @transform_4(%arg0: i32, %arg1: i32) -> i32 {
    %c0_i32 = arith.constant 0 : i32
    %c0_i32_0 = arith.constant 0 : i32
    return %c0_i32 : i32
  }
  func.func @transform_5(%arg0: i32, %arg1: i32) -> (i32, i32, i32) {
    %c0_i32 = arith.constant 0 : i32
    %c0_i32_0 = arith.constant 0 : i32
    return %arg0, %arg1, %c0_i32 : i32, i32, i32
  }
}

module attributes {stable_mosaic.version = 14 : i64} {
  func.func @_l5_body(%arg0: i32, %arg1: i32, %arg2: memref<1x512x512xf32, #tpu.memory_space<vmem>>, %arg3: memref<512x512xf32, #tpu.memory_space<vmem>>, %arg4: memref<2x512xf32, #tpu.memory_space<vmem>>, %arg5: memref<2x512xf32, #tpu.memory_space<vmem>>, %arg6: memref<1x512xf32, #tpu.memory_space<vmem>>, %arg7: memref<1x512xf32, #tpu.memory_space<vmem>>, %arg8: memref<1x512xf32, #tpu.memory_space<vmem>>) attributes {dimension_semantics = [#tpu.dimension_semantics<arbitrary>, #tpu.dimension_semantics<arbitrary>], iteration_bounds = array<i64: 2, 4>, scalar_prefetch = 0 : i64, scratch_operands = 3 : i64, tpu.core_type = #tpu.core_type<tc>, window_params = [{transform_indices = @transform_0, window_bounds = array<i64: 1, 512, 512>}, {pipeline_mode = #tpu.pipeline_mode<synchronous>, transform_indices = @transform_1, window_bounds = array<i64: 512, 512>}, {pipeline_mode = #tpu.pipeline_mode<synchronous>, transform_indices = @transform_2, window_bounds = array<i64: 2, 512>}, {pipeline_mode = #tpu.pipeline_mode<synchronous>, transform_indices = @transform_3, window_bounds = array<i64: 2, 512>}]} {
    %eq3A = arith.constant 0 : i32
    %eq3A_0 = arith.cmpi eq, %arg0, %eq3A : i32
    %eq3A_1 = arith.constant 0 : i32
    %eq3A_2 = arith.cmpi eq, %arg1, %eq3A_1 : i32
    %and3A = arith.andi %eq3A_0, %eq3A_2 : i1
    %convert_element_type3A = arith.extui %and3A : i1 to i32
    %cond3A = arith.constant 0 : i32
    %cond3A_3 = arith.cmpi ne, %convert_element_type3A, %cond3A : i32
    scf.if %cond3A_3 {
      %broadcast_in_dim3A_56 = arith.constant 0.000000e+00 : f32
      %broadcast_in_dim3A_57 = vector.broadcast %broadcast_in_dim3A_56 : f32 to vector<1x512xf32>
      %swap3A_58 = arith.constant 0 : index
      %swap3A_59 = arith.constant 0 : index
      %swap3A_60 = vector.load %arg6[%swap3A_58, %swap3A_59] : memref<1x512xf32, #tpu.memory_space<vmem>>, vector<1x512xf32>
      tpu.vector_store %arg6[%swap3A_58, %swap3A_59], %broadcast_in_dim3A_57 {strides = array<i32>} : memref<1x512xf32, #tpu.memory_space<vmem>>, vector<1x512xf32>,
      %broadcast_in_dim3A_61 = arith.constant 0.000000e+00 : f32
      %broadcast_in_dim3A_62 = vector.broadcast %broadcast_in_dim3A_61 : f32 to vector<1x512xf32>
      %swap3A_63 = arith.constant 0 : index
      %swap3A_64 = arith.constant 0 : index
      %swap3A_65 = vector.load %arg7[%swap3A_63, %swap3A_64] : memref<1x512xf32, #tpu.memory_space<vmem>>, vector<1x512xf32>
      tpu.vector_store %arg7[%swap3A_63, %swap3A_64], %broadcast_in_dim3A_62 {strides = array<i32>} : memref<1x512xf32, #tpu.memory_space<vmem>>, vector<1x512xf32>,
    } else {
    }
    %eq3A_4 = arith.constant 0 : i32
    %eq3A_5 = arith.cmpi eq, %arg1, %eq3A_4 : i32
    %convert_element_type3A_6 = arith.extui %eq3A_5 : i1 to i32
    %cond3A_7 = arith.constant 0 : i32
    %cond3A_8 = arith.cmpi ne, %convert_element_type3A_6, %cond3A_7 : i32
    scf.if %cond3A_8 {
      %broadcast_in_dim3A_56 = arith.constant -3.000000e+38 : f32
      %broadcast_in_dim3A_57 = vector.broadcast %broadcast_in_dim3A_56 : f32 to vector<1x512xf32>
      %swap3A_58 = arith.constant 0 : index
      %swap3A_59 = arith.constant 0 : index
      %swap3A_60 = vector.load %arg8[%swap3A_58, %swap3A_59] : memref<1x512xf32, #tpu.memory_space<vmem>>, vector<1x512xf32>
      tpu.vector_store %arg8[%swap3A_58, %swap3A_59], %broadcast_in_dim3A_57 {strides = array<i32>} : memref<1x512xf32, #tpu.memory_space<vmem>>, vector<1x512xf32>,
    } else {
    }
    %get3A = arith.constant 0 : index
    %get3A_9 = arith.constant 0 : index
    %get3A_10 = arith.constant 0 : index
    %get3A_11 = vector.load %arg2[%get3A, %get3A_9, %get3A_10] : memref<1x512x512xf32, #tpu.memory_space<vmem>>, vector<1x512x512xf32>
    %get3A_12 = vector.shape_cast %get3A_11 : vector<1x512x512xf32> to vector<512x512xf32>
    %convert_element_type3A_13 = arith.truncf %get3A_12 : vector<512x512xf32> to vector<512x512xbf16>
    %get3A_14 = arith.constant 0 : index
    %get3A_15 = arith.constant 0 : index
    %get3A_16 = vector.load %arg3[%get3A_14, %get3A_15] : memref<512x512xf32, #tpu.memory_space<vmem>>, vector<512x512xf32>
    %convert_element_type3A_17 = arith.truncf %get3A_16 : vector<512x512xf32> to vector<512x512xbf16>
    %dot_general3A = arith.constant dense<0.000000e+00> : vector<512x512xf32>
    %dot_general3A_18 = tpu.matmul %convert_element_type3A_13, %convert_element_type3A_17, %dot_general3A {dimension_numbers = #tpu.dot_dimension_numbers<[1], [1], [0], [0], [0, 0, 1, 0], [], []>, transpose_lhs_hint = false} : vector<512x512xbf16>, vector<512x512xbf16>, vector<512x512xf32> -> vector<512x512xf32>
    %get3A_19 = arith.constant 0 : index
    %get3A_20 = arith.constant 0 : index
    %get3A_21 = vector.load %arg6[%get3A_19, %get3A_20] : memref<1x512xf32, #tpu.memory_space<vmem>>, vector<1x512xf32>
    %reduce_sum3A = arith.constant dense<0.000000e+00> : vector<512xf32>
    %reduce_sum3A_22 = vector.multi_reduction <add>, %dot_general3A_18, %reduce_sum3A [0] : vector<512x512xf32> to vector<512xf32>
    %broadcast_in_dim3A = vector.shape_cast %reduce_sum3A_22 : vector<512xf32> to vector<1x512xf32>
    %add3A = arith.addf %get3A_21, %broadcast_in_dim3A : vector<1x512xf32>
    %swap3A = arith.constant 0 : index
    %swap3A_23 = arith.constant 0 : index
    %swap3A_24 = vector.load %arg6[%swap3A, %swap3A_23] : memref<1x512xf32, #tpu.memory_space<vmem>>, vector<1x512xf32>
    tpu.vector_store %arg6[%swap3A, %swap3A_23], %add3A {strides = array<i32>} : memref<1x512xf32, #tpu.memory_space<vmem>>, vector<1x512xf32>,
    %get3A_25 = arith.constant 0 : index
    %get3A_26 = arith.constant 0 : index
    %get3A_27 = vector.load %arg7[%get3A_25, %get3A_26] : memref<1x512xf32, #tpu.memory_space<vmem>>, vector<1x512xf32>
    %mul3A = arith.mulf %dot_general3A_18, %dot_general3A_18 : vector<512x512xf32>
    %reduce_sum3A_28 = arith.constant dense<0.000000e+00> : vector<512xf32>
    %reduce_sum3A_29 = vector.multi_reduction <add>, %mul3A, %reduce_sum3A_28 [0] : vector<512x512xf32> to vector<512xf32>
    %broadcast_in_dim3A_30 = vector.shape_cast %reduce_sum3A_29 : vector<512xf32> to vector<1x512xf32>
    %add3A_31 = arith.addf %get3A_27, %broadcast_in_dim3A_30 : vector<1x512xf32>
    %swap3A_32 = arith.constant 0 : index
    %swap3A_33 = arith.constant 0 : index
    %swap3A_34 = vector.load %arg7[%swap3A_32, %swap3A_33] : memref<1x512xf32, #tpu.memory_space<vmem>>, vector<1x512xf32>
    tpu.vector_store %arg7[%swap3A_32, %swap3A_33], %add3A_31 {strides = array<i32>} : memref<1x512xf32, #tpu.memory_space<vmem>>, vector<1x512xf32>,
    %get3A_35 = arith.constant 0 : index
    %get3A_36 = arith.constant 0 : index
    %get3A_37 = vector.load %arg8[%get3A_35, %get3A_36] : memref<1x512xf32, #tpu.memory_space<vmem>>, vector<1x512xf32>
    %reduce_max3A = arith.constant dense<0xFF800000> : vector<512xf32>
    %reduce_max3A_38 = vector.multi_reduction <maximumf>, %dot_general3A_18, %reduce_max3A [0] : vector<512x512xf32> to vector<512xf32>
    %broadcast_in_dim3A_39 = vector.shape_cast %reduce_max3A_38 : vector<512xf32> to vector<1x512xf32>
    %max3A = arith.maximumf %get3A_37, %broadcast_in_dim3A_39 : vector<1x512xf32>
    %swap3A_40 = arith.constant 0 : index
    %swap3A_41 = arith.constant 0 : index
    %swap3A_42 = vector.load %arg8[%swap3A_40, %swap3A_41] : memref<1x512xf32, #tpu.memory_space<vmem>>, vector<1x512xf32>
    tpu.vector_store %arg8[%swap3A_40, %swap3A_41], %max3A {strides = array<i32>} : memref<1x512xf32, #tpu.memory_space<vmem>>, vector<1x512xf32>,
    %eq3A_43 = arith.constant 3 : i32
    %eq3A_44 = arith.cmpi eq, %arg1, %eq3A_43 : i32
    %convert_element_type3A_45 = arith.extui %eq3A_44 : i1 to i32
    %cond3A_46 = arith.constant 0 : i32
    %cond3A_47 = arith.cmpi ne, %convert_element_type3A_45, %cond3A_46 : i32
    scf.if %cond3A_47 {
      %get3A_56 = arith.constant 0 : index
      %get3A_57 = arith.constant 0 : index
      %get3A_58 = vector.load %arg8[%get3A_56, %get3A_57] : memref<1x512xf32, #tpu.memory_space<vmem>>, vector<1x512xf32>
      %swap3A_59 = arith.index_cast %arg0 : i32 to index
      %swap3A_60 = arith.constant 0 : index
      %swap3A_61 = vector.load %arg4[%swap3A_59, %swap3A_60] : memref<2x512xf32, #tpu.memory_space<vmem>>, vector<1x512xf32>
      tpu.vector_store %arg4[%swap3A_59, %swap3A_60], %get3A_58 {strides = array<i32>} : memref<2x512xf32, #tpu.memory_space<vmem>>, vector<1x512xf32>,
    } else {
    }
    %eq3A_48 = arith.constant 1 : i32
    %eq3A_49 = arith.cmpi eq, %arg0, %eq3A_48 : i32
    %eq3A_50 = arith.constant 3 : i32
    %eq3A_51 = arith.cmpi eq, %arg1, %eq3A_50 : i32
    %and3A_52 = arith.andi %eq3A_49, %eq3A_51 : i1
    %convert_element_type3A_53 = arith.extui %and3A_52 : i1 to i32
    %cond3A_54 = arith.constant 0 : i32
    %cond3A_55 = arith.cmpi ne, %convert_element_type3A_53, %cond3A_54 : i32
    scf.if %cond3A_55 {
      %get3A_56 = arith.constant 0 : index
      %get3A_57 = arith.constant 0 : index
      %get3A_58 = vector.load %arg6[%get3A_56, %get3A_57] : memref<1x512xf32, #tpu.memory_space<vmem>>, vector<1x512xf32>
      %swap3A_59 = arith.constant 0 : index
      %swap3A_60 = arith.constant 0 : index
      %swap3A_61 = vector.load %arg5[%swap3A_59, %swap3A_60] : memref<2x512xf32, #tpu.memory_space<vmem>>, vector<1x512xf32>
      tpu.vector_store %arg5[%swap3A_59, %swap3A_60], %get3A_58 {strides = array<i32>} : memref<2x512xf32, #tpu.memory_space<vmem>>, vector<1x512xf32>,
      %get3A_62 = arith.constant 0 : index
      %get3A_63 = arith.constant 0 : index
      %get3A_64 = vector.load %arg7[%get3A_62, %get3A_63] : memref<1x512xf32, #tpu.memory_space<vmem>>, vector<1x512xf32>
      %swap3A_65 = arith.constant 1 : index
      %swap3A_66 = arith.constant 0 : index
      %swap3A_67 = vector.load %arg5[%swap3A_65, %swap3A_66] : memref<2x512xf32, #tpu.memory_space<vmem>>, vector<1x512xf32>
      tpu.vector_store %arg5[%swap3A_65, %swap3A_66], %get3A_64 {strides = array<i32>} : memref<2x512xf32, #tpu.memory_space<vmem>>, vector<1x512xf32>,
    } else {
    }
    return
  }
  func.func @transform_0(%arg0: i32, %arg1: i32) -> (i32, i32, i32) {
    %c0_i32 = arith.constant 0 : i32
    %c0_i32_0 = arith.constant 0 : i32
    return %arg0, %arg1, %c0_i32 : i32, i32, i32
  }
  func.func @transform_1(%arg0: i32, %arg1: i32) -> (i32, i32) {
    %c0_i32 = arith.constant 0 : i32
    %c0_i32_0 = arith.constant 0 : i32
    %c0_i32_1 = arith.constant 0 : i32
    return %c0_i32, %c0_i32_0 : i32, i32
  }
  func.func @transform_2(%arg0: i32, %arg1: i32) -> (i32, i32) {
    %c0_i32 = arith.constant 0 : i32
    %c0_i32_0 = arith.constant 0 : i32
    %c0_i32_1 = arith.constant 0 : i32
    return %c0_i32, %c0_i32_0 : i32, i32
  }
  func.func @transform_3(%arg0: i32, %arg1: i32) -> (i32, i32) {
    %c0_i32 = arith.constant 0 : i32
    %c0_i32_0 = arith.constant 0 : i32
    %c0_i32_1 = arith.constant 0 : i32
    return %c0_i32, %c0_i32_0 : i32, i32
  }
}

module attributes {stable_mosaic.version = 14 : i64} {
  func.func @_emb_body(%arg0: memref<2x512xf32, #tpu.memory_space<vmem>>, %arg1: memref<2x512xf32, #tpu.memory_space<vmem>>, %arg2: memref<1x512xf32, #tpu.memory_space<vmem>>, %arg3: memref<1x512xf32, #tpu.memory_space<vmem>>, %arg4: memref<1xf32, #tpu.memory_space<smem>>, %arg5: memref<256x512xf32, #tpu.memory_space<vmem>>, %arg6: memref<2x256xf32, #tpu.memory_space<vmem>>) attributes {dimension_semantics = [], scalar_prefetch = 0 : i64, scratch_operands = 0 : i64, tpu.core_type = #tpu.core_type<tc>} {
    %get3A = arith.constant 0 : index
    %get3A_0 = memref.load %arg4[%get3A] : memref<1xf32, #tpu.memory_space<smem>>
    %get3A_1 = arith.constant 0 : index
    %get3A_2 = arith.constant 0 : index
    %get3A_3 = vector.load %arg1[%get3A_1, %get3A_2] : memref<2x512xf32, #tpu.memory_space<vmem>>, vector<1x512xf32>
    %div3A = vector.broadcast %get3A_0 : f32 to vector<1x512xf32>
    %div3A_4 = arith.divf %get3A_3, %div3A : vector<1x512xf32>
    %get3A_5 = arith.constant 1 : index
    %get3A_6 = arith.constant 0 : index
    %get3A_7 = vector.load %arg1[%get3A_5, %get3A_6] : memref<2x512xf32, #tpu.memory_space<vmem>>, vector<1x512xf32>
    %div3A_8 = vector.broadcast %get3A_0 : f32 to vector<1x512xf32>
    %div3A_9 = arith.divf %get3A_7, %div3A_8 : vector<1x512xf32>
    %mul3A = arith.mulf %div3A_4, %div3A_4 : vector<1x512xf32>
    %sub3A = arith.subf %div3A_9, %mul3A : vector<1x512xf32>
    %add3A = arith.constant 9.99999974E-6 : f32
    %add3A_10 = vector.broadcast %add3A : f32 to vector<1x512xf32>
    %add3A_11 = arith.addf %sub3A, %add3A_10 : vector<1x512xf32>
    %rsqrt3A = math.rsqrt %add3A_11 : vector<1x512xf32>
    %get3A_12 = arith.constant 0 : index
    %get3A_13 = arith.constant 0 : index
    %get3A_14 = vector.load %arg0[%get3A_12, %get3A_13] : memref<2x512xf32, #tpu.memory_space<vmem>>, vector<2x512xf32>
    %sub3A_15 = vector.broadcast %div3A_4 : vector<1x512xf32> to vector<2x512xf32>
    %sub3A_16 = arith.subf %get3A_14, %sub3A_15 : vector<2x512xf32>
    %mul3A_17 = vector.broadcast %rsqrt3A : vector<1x512xf32> to vector<2x512xf32>
    %mul3A_18 = arith.mulf %sub3A_16, %mul3A_17 : vector<2x512xf32>
    %get3A_19 = arith.constant 0 : index
    %get3A_20 = arith.constant 0 : index
    %get3A_21 = vector.load %arg2[%get3A_19, %get3A_20] : memref<1x512xf32, #tpu.memory_space<vmem>>, vector<1x512xf32>
    %mul3A_22 = vector.broadcast %get3A_21 : vector<1x512xf32> to vector<2x512xf32>
    %mul3A_23 = arith.mulf %mul3A_18, %mul3A_22 : vector<2x512xf32>
    %get3A_24 = arith.constant 0 : index
    %get3A_25 = arith.constant 0 : index
    %get3A_26 = vector.load %arg3[%get3A_24, %get3A_25] : memref<1x512xf32, #tpu.memory_space<vmem>>, vector<1x512xf32>
    %add3A_27 = vector.broadcast %get3A_26 : vector<1x512xf32> to vector<2x512xf32>
    %add3A_28 = arith.addf %mul3A_23, %add3A_27 : vector<2x512xf32>
    %ge3A = arith.constant 0.000000e+00 : f32
    %ge3A_29 = vector.broadcast %ge3A : f32 to vector<2x512xf32>
    %ge3A_30 = arith.cmpf oge, %add3A_28, %ge3A_29 : vector<2x512xf32>
    %mul3A_31 = arith.constant 2.000000e-01 : f32
    %mul3A_32 = vector.broadcast %mul3A_31 : f32 to vector<2x512xf32>
    %mul3A_33 = arith.mulf %mul3A_32, %add3A_28 : vector<2x512xf32>
    %select_n3A = arith.select %ge3A_30, %add3A_28, %mul3A_33 : vector<2x512xi1>, vector<2x512xf32>
    %convert_element_type3A = arith.truncf %select_n3A : vector<2x512xf32> to vector<2x512xbf16>
    %get3A_34 = arith.constant 0 : index
    %get3A_35 = arith.constant 0 : index
    %get3A_36 = vector.load %arg5[%get3A_34, %get3A_35] : memref<256x512xf32, #tpu.memory_space<vmem>>, vector<256x512xf32>
    %convert_element_type3A_37 = arith.truncf %get3A_36 : vector<256x512xf32> to vector<256x512xbf16>
    %dot_general3A = arith.constant dense<0.000000e+00> : vector<2x256xf32>
    %dot_general3A_38 = tpu.matmul %convert_element_type3A, %convert_element_type3A_37, %dot_general3A {dimension_numbers = #tpu.dot_dimension_numbers<[1], [1], [0], [0], [0, 0, 1, 0], [], []>, transpose_lhs_hint = false} : vector<2x512xbf16>, vector<256x512xbf16>, vector<2x256xf32> -> vector<2x256xf32>
    %swap3A = arith.constant 0 : index
    %swap3A_39 = arith.constant 0 : index
    %swap3A_40 = vector.load %arg6[%swap3A, %swap3A_39] : memref<2x256xf32, #tpu.memory_space<vmem>>, vector<2x256xf32>
    tpu.vector_store %arg6[%swap3A, %swap3A_39], %dot_general3A_38 {strides = array<i32>} : memref<2x256xf32, #tpu.memory_space<vmem>>, vector<2x256xf32>,
    return
  }
}

</mosaic_0001>

<sc_bundles>
// kernel: kernel.20.cloned.1.call-start
scs
__scs_entry_jumppad:
0x0: {  	(pc) =	sbr.rel $0x88, $3  }
0x1: {  	(tag) =	ssettag $0x0;
	lr =	simm.s32 $0x1  }
0x2: {  	[smem:$0x3F90] =	sst lr;
	_ =	strace $0xD0000000  }
0x3: {  	_ = 	snop  }
0x4: {  	_ = 	snop  }
0x5: {  	_ = 	snop  }
0x6: {  	_ = 	snop  }
0x7: {  	_ = 	snop  }
__scs_overlays_trampoline_lowered:
0x8: {  	[smem:$0x3F9F] =	sst s0  }
0x9: {  	[smem:$0x3FA0] =	sst s1  }
0xa: {  	[smem:$0x3FA1] =	sst s2  }
0xb: {  	[smem:$0x3FA2] =	sst s3  }
0xc: {  	[smem:$0x3FA3] =	sst s4  }
0xd: {  	[smem:$0x3FA4] =	sst s5  }
0xe: {  	[smem:$0x3FA5] =	sst s6  }
0xf: {  	[smem:$0x3FA6] =	sst s7  }
0x10: {  	[smem:$0x3FA7] =	sst s8  }
0x11: {  	[smem:$0x3FA8] =	sst s9;
	s0 =	simm.s32 @!p0 $0x0  }
0x12: {  	s1 =	sld [smem:$0x3F8E];
	s0 =	simm.s32 @p0 $0x1  }
0x13: {  	[smem:$0x3FA9] =	sst s0;
	s0 =	simm.s32 @!p1 $0x0  }
0x14: {  	s2 =	sld [smem:$0x3F8D];
	s0 =	simm.s32 @p1 $0x1  }
0x15: {  	[smem:$0x3FAA] =	sst s0;
	s0 =	simm.s32 @!p2 $0x0  }
0x16: {  	s3 =	sld [smem:$0x3FDB];
	s0 =	simm.s32 @p2 $0x1  }
0x17: {  	s4 =	simm.s32 $0x1BF5;
	[smem:$0x3FAC] =	sst s0  }
0x18: {  	s0 =	sld [smem:$0x3F8F];
	_ =	swait.ge [sflag:s4], $0x0  }
0x19: {  	s7 =	sld [smem:$0x3F90]  }
0x1a: {  	s8 =	sadd.s32 $0xFFFFE003, lr  }
0x1b: {  	s9 =	sadd.s32 $0xFFFFFEF7, lr;
	s5 =	simm.s32 $0xFFFFFFFF;
	p2 =	slt.u32 s8, $0xFFFFF086  }
0x1c: {  	p1 =	slt.u32 s9, $0xF7A;
	s5 =	simm.s32 @!p2 $0x0  }
0x1d: {  	s5 =	simm.s32 @p1 $0x1;
	p0 =	seq.s32 s7, s2  }
0x1e: {  	s7 =	smul.u32 @!p0 $0xF7A, s2;
	p2 =	seq.s32 @!p0 s5, $0x0  }
0x1f: {  	s9 =	smul.u32 $0xF7A, s1;
	s8 =	simm.s32 @!p0 $0x1BF5;
	p2 =	por !p2, p0  }
0x20: {  	[sflag:s8] =	ssyncset.s32 @!p0 $0xFFFFF086;
	s6 =	sadd.s32 @!p0 s3, s7;
	s7 =	simm.s32 @!p0 $0x108  }
0x21: {  	s3 =	sadd.s32 s3, s9;
	s6 =	sadd.s32 @!p0 $0x88, s6;
	s7 =	simm.s32 @p2 $0x1082  }
0x22: {  	[simem:s7], [sflag:s8] =	dma.local @!p0 [hbm:s6], $0xF7A  }
0x23: {  	s9 =	sor.u32 $0xD0000000, s2;
	s6 =	simm.s32 $0x108;
	_ =	swait.ge @!p0 [sflag:s8], $0x0  }
0x24: {  	s3 =	sadd.s32 $0x88, s3;
	s6 =	simm.s32 @!p1 $0x1082;
	[sflag:s4] =	ssyncset.s32 $0xFFFFF086  }
0x25: {  	[simem:s6], [sflag:s4] =	dma.local [hbm:s3], $0xF7A  }
0x26: {  	[smem:$0x3F90] =	sst s1;
	(tag) =	ssettag s2;
	_ =	strace s9  }
0x27: {  	s1 =	sld [smem:$0x3FA0]  }
0x28: {  	s2 =	sld [smem:$0x3FA1]  }
0x29: {  	s4 =	sld [smem:$0x3FA3]  }
0x2a: {  	p0 =	seq.s32 s5, $0x0;
	s5 =	sld [smem:$0x3FA4]  }
0x2b: {  	s6 =	sld [smem:$0x3FA5]  }
0x2c: {  	s7 =	sld [smem:$0x3FA6]  }
0x2d: {  	s3 =	simm.s32 $0x108;
	s8 =	sld [smem:$0x3FA7]  }
0x2e: {  	s3 =	simm.s32 @!p0 $0x1082;
	s9 =	sld [smem:$0x3FA8]  }
0x2f: {  	lr =	sadd.s32 s0, s3;
	s0 =	sld [smem:$0x3F9F]  }
0x30: {  	s3 =	sld [smem:$0x3FA2]  }
0x31: {  	[smem:$0x3FAB] =	sst s10  }
0x32: {  	s10 =	sld [smem:$0x3FA9];
	_ =	sdelay $0x3  }
0x33: {  	p0 =	seq.s32 s10, $0x1;
	s10 =	sld [smem:$0x3FAB];
	_ =	sdelay $0x3  }
0x34: {  	[smem:$0x3FAB] =	sst s10  }
0x35: {  	s10 =	sld [smem:$0x3FAA];
	_ =	sdelay $0x3  }
0x36: {  	p1 =	seq.s32 s10, $0x1;
	s10 =	sld [smem:$0x3FAB];
	_ =	sdelay $0x3  }
0x37: {  	[smem:$0x3FAB] =	sst s10  }
0x38: {  	s10 =	sld [smem:$0x3FAC]  }
0x39: {  	_ = 	snop;
	(pc) =	sbr.ind lr, $3  }
0x3a: {  	_ = 	snop  }
0x3b: {  	_ = 	snop  }
0x3c: {  	p2 =	seq.s32 s10, $0x1;
	s10 =	sld [smem:$0x3FAB]  }
0x3d: {  	_ =	shalt  }
0x3e: {  	_ =	shalt  }
0x3f: {  	_ =	shalt  }
0x40: {  	_ =	shalt  }
0x41: {  	_ =	shalt  }
0x42: {  	_ =	shalt  }
0x43: {  	_ =	shalt  }
0x44: {  	_ =	shalt  }
0x45: {  	_ =	shalt  }
0x46: {  	_ =	shalt  }
0x47: {  	_ =	shalt  }
0x48: {  	_ =	shalt  }
0x49: {  	_ =	shalt  }
0x4a: {  	_ =	shalt  }
0x4b: {  	_ =	shalt  }
0x4c: {  	_ =	shalt  }
0x4d: {  	_ =	shalt  }
0x4e: {  	_ =	shalt  }
0x4f: {  	_ =	shalt  }
0x50: {  	_ =	shalt  }
0x51: {  	_ =	shalt  }
0x52: {  	_ =	shalt  }
0x53: {  	_ =	shalt  }
0x54: {  	_ =	shalt  }
0x55: {  	_ =	shalt  }
0x56: {  	_ =	shalt  }
0x57: {  	_ =	shalt  }
0x58: {  	_ =	shalt  }
0x59: {  	_ =	shalt  }
0x5a: {  	_ =	shalt  }
0x5b: {  	_ =	shalt  }
0x5c: {  	_ =	shalt  }
0x5d: {  	_ =	shalt  }
0x5e: {  	_ =	shalt  }
0x5f: {  	_ =	shalt  }
0x60: {  	_ =	shalt  }
0x61: {  	_ =	shalt  }
0x62: {  	_ =	shalt  }
0x63: {  	_ =	shalt  }
0x64: {  	_ =	shalt  }
0x65: {  	_ =	shalt  }
0x66: {  	_ =	shalt  }
0x67: {  	_ =	shalt  }
0x68: {  	_ =	shalt  }
0x69: {  	_ =	shalt  }
0x6a: {  	_ =	shalt  }
0x6b: {  	_ =	shalt  }
0x6c: {  	_ =	shalt  }
0x6d: {  	_ =	shalt  }
0x6e: {  	_ =	shalt  }
0x6f: {  	_ =	shalt  }
0x70: {  	_ =	shalt  }
0x71: {  	_ =	shalt  }
0x72: {  	_ =	shalt  }
0x73: {  	_ =	shalt  }
0x74: {  	_ =	shalt  }
0x75: {  	_ =	shalt  }
0x76: {  	_ =	shalt  }
0x77: {  	_ =	shalt  }
0x78: {  	_ =	shalt  }
0x79: {  	_ =	shalt  }
0x7a: {  	_ =	shalt  }
0x7b: {  	_ =	shalt  }
0x7c: {  	_ =	shalt  }
0x7d: {  	_ =	shalt  }
0x7e: {  	_ =	shalt  }
0x7f: {  	_ =	shalt  }
0x80: {  	_ =	shalt  }
0x81: {  	_ =	shalt  }
0x82: {  	_ =	shalt  }
0x83: {  	_ =	shalt  }
0x84: {  	_ =	shalt  }
0x85: {  	_ =	shalt  }
0x86: {  	_ =	shalt  }
0x87: {  	_ =	shalt  }
.Lfunc_end0:
.L_simem_size_0:
called_computation_lowered:
.L_overlay_start_0:
0x88: {  	s2 =	sld [smem:$0x3FD9]  }
0x89: {  	s3 =	sld [smem:$0x3FFE];
	_ =	sdelay $0x1  }
0x8a: {  	s1 =	srdreg.scid  }
0x8b: {  	s0 =	sand.u32 $0x1, s1  }
0x8c: {  	s16 =	sshll.u32 s0, $0xA;
	s2 =	sadd.s32 s3, s2  }
0x8d: {  	s2 =	sadd.s32 s2, s16  }
0x8e: {  	[smem:$0x3FB7] =	sst s2  }
0x8f: {  	_ = 	snop  }
0x90: {  	(tm) =	ssettm $0x1  }
0x91: {  	s17 =	sld [smem:$0x3FFB];
	_ =	sdelay $0x3  }
0x92: {  	_ =	strace s17  }
0x93: {  	s2 =	sld [smem:$0x3FFC];
	_ =	sdelay $0x3  }
0x94: {  	_ =	strace s2  }
0x95: {  	s2 =	sld [smem:$0x3FFD];
	_ =	sdelay $0x3  }
0x96: {  	_ =	strace s2  }
0x97: {  	_ =	strace $0x8FFFFFFF  }
0x98: {  	s18 =	sld [smem:$0x3FDB];
	_ =	sdelay $0x1  }
0x99: {  	s19 =	simm.s32 $_scs_section_size  }
0x9a: {  	s4 =	simm.s32 $_size__tile_overlayer_lowered;
	s5 =	simm.s32 $_tile_overlayer_lowered  }
0x9b: {  	s22 =	simm.s32 $0x1BFF;
	s21 =	sshll.u32 s5, $0x1;
	s2 =	sadd.s32 s19, s18  }
0x9c: {  	s6 =	simm.s32 $0x0;
	s20 =	sshll.u32 s4, $0x1;
	s4 =	sadd.s32 s21, s2  }
0x9d: {  	[timem:s6], [sflag:s22] =	dma.local [hbm:s4], s20  }
0x9e: {  	_ =	swait.ge [sflag:s22], s20  }
0x9f: {  	s3 =	ssub.s32 $0x0, s20;
	[sflag:s22] =	ssyncset.done $0x0  }
0xa0: {  	[sflag:s22] =	ssyncadd.s32 s3;
	_ =	sdelay $0x1  }
0xa1: {  	s23 =	simm.s32 $0x1B8B  }
0xa2: {  	_ =	swait.ge [sflag:s23], $0x1  }
0xa3: {  	[sflag:s23] =	ssyncset.done $0x0  }
0xa4: {  	s25 =	simm.s32 $0x1B8E;
	s24 =	sld [smem:$0x3FFE];
	[sflag:s23] =	ssyncadd.s32 $0xFFFFFFFF  }
0xa5: {  	s26 =	simm.s32 $execute0_lowered;
	[smem:$0x3FD2] =	sst s25  }
0xa6: {  	s4 =	sshll.u32 s26, $0x1;
	_ =	strace $0x80000046;
	[dreg:$0x1] =	wrdreg $0xFFFFFFFF  }
0xa7: {  	s28 =	simm.s32 $_size_execute0_lowered;
	s2 =	sadd.s32 s2, s4;
	[dreg:$0x0] =	wrdreg $0x0  }
0xa8: {  	s4 =	sshll.u32 s28, $0x1;
	[dreg:$0x2] =	wrdreg s2  }
0xa9: {  	[dreg:$0x3] =	wrdreg s4  }
0xaa: {  	[dreg:$0x4] =	wrdreg $0xC0  }
0xab: {  	_ =	task [dreg:s6], $0x5FFFF  }
0xac: {  	[dreg:$0x1] =	wrdreg $0xFFFFFFFF  }
0xad: {  	[dreg:$0x0] =	wrdreg $0x60  }
0xae: {  	[dreg:$0x2] =	wrdreg s24  }
0xaf: {  	[dreg:$0x3] =	wrdreg $0x9  }
0xb0: {  	_ =	task.clear_ibuf [dreg:s6], $0x4FFFF;
	_ =	strace $0x90000046  }
0xb1: {  	s29 =	simm.s32 $0x9;
	_ =	strace $0x80000048  }
0xb2: {  	_ =	swait.ge [sflag:s29], $0x1  }
0xb3: {  	[sflag:s29] =	ssyncadd.s32 $0xFFFFFFFF  }
0xb4: {  	_ =	strace $0x90000048  }
0xb5: {  	_ =	sfence  }
0xb6: {  	s30 =	sld [smem:$0x0];
	_ =	sdelay $0x2  }
0xb7: {  	s31 =	sshll.u32 s1, $0xD;
	s1 =	sshrl.u32 s1, $0x2  }
0xb8: {  	s3 =	sand.u32 $0x4000, s31;
	s1 =	sadd.s32 s1, s30  }
0xb9: {  	s0 =	sor.u32 s3, s0;
	s1 =	sshll.u32 s1, $0x11  }
0xba: {  	s0 =	sor.u32 s1, s0  }
0xbb: {  	s0 =	sadd.s32 $0x8F2B, s0  }
0xbc: {  	[sflag:s0] =	ssyncadd.remote.s32 $0x1  }
0xbd: {  	_ =	sfence.sel $0xFFFF  }
0xbe: {  	[dreg:$0x0] =	wrdreg $0xFFFFFFFF;
	(pc) =	sbr.abs _section_cstart, $3  }
0xbf: {  	[dreg:$0x1] =	wrdreg $0xFFFFFFFF  }
0xc0: {  	_ =	task.clear_ibuf [dreg:s6], $0x2FFFF;
	_ =	strace $0x9FFFFFFF  }
0xc1: {  	(tm) =	ssettm $0x7FFFFFFF  }
tec
execute0_lowered:
.L_overlay_start_1:
0x0: {  	(tag) =	ssettag $0x1  }
0x1: {  	s4 =	rddreg [dreg:$0x0]  }
0x2: {  	s0 =	rddreg [dreg:$0x1];
	s2 =	simm.s32 $0x0  }
0x3: {  	s1 =	stileid.u32;
	s3 =	srdreg.scid;
	s12 =	simm.s32 $0x1  }
0x4: {  	s13 =	simm.s32 $0x2;
	s14 =	simm.s32 $0x3;
	s15 =	simm.s32 $0x4  }
0x5: {  	s16 =	simm.s32 $0x0;
	[smem:$0x7FF] =	sst s2;
	s6 =	smul.u32 $0x1400, s1  }
0x6: {  	s5 =	sand.u32 $0x1, s3;
	s3 =	sadd.s32 $0x6A00, s4;
	s10 =	smul.u32 $0x14000, s1  }
0x7: {  	s9 =	sadd.s32 $0x4200, s4;
	s7 =	ssub.s32 $0x2, s5;
	s8 =	smul.u32 $0xA00, s5  }
0x8: {  	_ =	strace $0x80000047;
	s5 =	smul.u32 $0xA000, s5;
	s11 =	sshrl.u32 s7, $0x1  }
0x9: {  	s29 =	sadd.s32 s10, s4;
	s10 =	simm.s32 $0x200;
	s7 =	ssub.s32 s7, s11  }
0xa: {  	s6 =	sadd.s32 s8, s6;
	s5 =	sadd.s32 s5, s29;
	s8 =	simm.s32 $0x5  }
0xb: {  	s11 =	simm.s32 $0x8200;
	s4 =	smax.u32 s7, $0x1;
	s30 =	sor.u32 $0x100, s6  }
0xc: {  	s31 =	sshrl.u32 s6, $0x3;
	s5 =	sadd.s32 $0x17A00, s5;
	s7 =	sshrl.u32 s30, $0x3  }
0xd: {  	s6 =	sadd.s32 s7, s9;
	s7 =	sadd.s32 s31, s9;
	s9 =	simm.s32 $0x100  }
.LBB2_1:
0xe: {  	s17 =	sadd.s32 $0x0, s7  }
0xf: {  	[tilespmem:s2], [sflag:$0x5] =	stream.linear.gather [hbm4b:s17+s2], $0x100, $0x38;
	[tilespmem:$0x10200] =	vst v63  }
0x10: {  	_ =	swait.ge [sflag:s8], $0x100  }
0x11: {  	[sflag:s8] =	ssyncset.done $0x0  }
0x12: {  	s30 =	sadd.s32 $0x0, s6;
	[sflag:s8] =	ssyncadd.s32 $0xFFFFFF00  }
0x13: {  	[tilespmem:s9], [sflag:$0x5] =	stream.linear.gather [hbm4b:s30+s2], $0x100, $0x38;
	[tilespmem:$0x10200] =	vst v63  }
0x14: {  	_ =	swait.ge [sflag:s8], $0x100  }
0x15: {  	[sflag:s8] =	ssyncset.done $0x0  }
0x16: {  	[sflag:s8] =	ssyncadd.s32 $0xFFFFFF00  }
0x17: {  	[tilespmem:s10], [sflag:$0x1] =	stream.indirect.gather [hbm4b:s3+s9], $0x80, s2, s9, $0xb8;
	[tilespmem:$0x10200] =	vst v63  }
0x18: {  	_ = 	snop  }
0x19: {  	[tilespmem:s11], [sflag:$0x2] =	stream.indirect.gather [hbm4b:s3+s9], $0x80, s9, s9, $0xb8;
	[tilespmem:$0x10200] =	vst v63  }
0x1a: {  	_ =	swait.ge [sflag:s12], $0x8000  }
0x1b: {  	[sflag:s12] =	ssyncset.done $0x0  }
0x1c: {  	s31 =	sadd.s32 $0xFFFFF000, s5;
	[sflag:s12] =	ssyncadd.s32 $0xFFFF8000  }
0x1d: {  	[hbm4b:s31+s2] =	stream.linear.scatter [tilespmem:s10], [sflag:$0x3], $0x8000, $0x38;
	[tilespmem:$0x10200] =	vst v63  }
0x1e: {  	_ =	swait.ge [sflag:s13], $0x8000  }
0x1f: {  	[sflag:s13] =	ssyncset.done $0x0  }
0x20: {  	[sflag:s13] =	ssyncadd.s32 $0xFFFF8000  }
0x21: {  	[hbm4b:s5+s2] =	stream.linear.scatter [tilespmem:s11], [sflag:$0x4], $0x8000, $0x38;
	[tilespmem:$0x10200] =	vst v63  }
0x22: {  	_ =	swait.ge [sflag:s14], $0x8000  }
0x23: {  	[sflag:s14] =	ssyncset.done $0x0  }
0x24: {  	[sflag:s14] =	ssyncadd.s32 $0xFFFF8000  }
0x25: {  	s18 =	simm.s32 $0x40;
	_ =	swait.ge [sflag:s15], $0x8000  }
0x26: {  	s19 =	simm.s32 $0x80;
	s17 =	sadd.s32 $0x2000, s5;
	[sflag:s15] =	ssyncset.done $0x0  }
.LBB2_2:
0x27: {  	s20 =	sadd.s32 s18, s7  }
0x28: {  	[sflag:s15] =	ssyncadd.s32 $0xFFFF8000;
	s21 =	smov.u32 s19;
	s22 =	sadd.s32 $0x40, s19  }
0x29: {  	[tilespmem:s2], [sflag:$0x5] =	stream.linear.gather [hbm4b:s20+s2], $0x100, $0x38;
	[tilespmem:$0x10200] =	vst v63  }
0x2a: {  	p0 =	sne.s32 s19, $0x100;
	_ =	swait.ge [sflag:s8], $0x100  }
0x2b: {  	[sflag:s8] =	ssyncset.done $0x0  }
0x2c: {  	s19 =	sadd.s32 s18, s6;
	s18 =	smov.u32 s21;
	[sflag:s8] =	ssyncadd.s32 $0xFFFFFF00  }
0x2d: {  	[tilespmem:s9], [sflag:$0x5] =	stream.linear.gather [hbm4b:s19+s2], $0x100, $0x38;
	[tilespmem:$0x10200] =	vst v63  }
0x2e: {  	_ =	swait.ge [sflag:s8], $0x100  }
0x2f: {  	[sflag:s8] =	ssyncset.done $0x0  }
0x30: {  	[sflag:s8] =	ssyncadd.s32 $0xFFFFFF00  }
0x31: {  	[tilespmem:s10], [sflag:$0x1] =	stream.indirect.gather [hbm4b:s3+s9], $0x80, s2, s9, $0xb8;
	[tilespmem:$0x10200] =	vst v63  }
0x32: {  	_ = 	snop  }
0x33: {  	[tilespmem:s11], [sflag:$0x2] =	stream.indirect.gather [hbm4b:s3+s9], $0x80, s9, s9, $0xb8;
	[tilespmem:$0x10200] =	vst v63  }
0x34: {  	_ =	swait.ge [sflag:s12], $0x8000  }
0x35: {  	[sflag:s12] =	ssyncset.done $0x0  }
0x36: {  	s19 =	sadd.s32 $0xFFFFF000, s17;
	[sflag:s12] =	ssyncadd.s32 $0xFFFF8000  }
0x37: {  	[hbm4b:s19+s2] =	stream.linear.scatter [tilespmem:s10], [sflag:$0x3], $0x8000, $0x38;
	[tilespmem:$0x10200] =	vst v63  }
0x38: {  	_ =	swait.ge [sflag:s13], $0x8000  }
0x39: {  	[sflag:s13] =	ssyncset.done $0x0  }
0x3a: {  	[sflag:s13] =	ssyncadd.s32 $0xFFFF8000  }
0x3b: {  	[hbm4b:s17+s2] =	stream.linear.scatter [tilespmem:s11], [sflag:$0x4], $0x8000, $0x38;
	[tilespmem:$0x10200] =	vst v63  }
.Ltmp0:
0x3c: {  	_ =	swait.ge [sflag:s14], $0x8000;
	(pc) =	sbr.rel @p0 .LBB2_2-.Ltmp0, $4  }
0x3d: {  	[sflag:s14] =	ssyncset.done $0x0  }
0x3e: {  	[sflag:s14] =	ssyncadd.s32 $0xFFFF8000  }
0x3f: {  	_ =	swait.ge [sflag:s15], $0x8000  }
0x40: {  	s19 =	smov.u32 s22;
	s17 =	sadd.s32 $0x2000, s17;
	[sflag:s15] =	ssyncset.done $0x0  }
0x41: {  	s19 =	sadd.s32 s18, s7;
	[sflag:s15] =	ssyncadd.s32 $0xFFFF8000  }
0x42: {  	[tilespmem:s2], [sflag:$0x5] =	stream.linear.gather [hbm4b:s19+s2], $0x100, $0x38;
	[tilespmem:$0x10200] =	vst v63  }
0x43: {  	_ =	swait.ge [sflag:s8], $0x100  }
0x44: {  	[sflag:s8] =	ssyncset.done $0x0  }
0x45: {  	s30 =	sadd.s32 s18, s6;
	[sflag:s8] =	ssyncadd.s32 $0xFFFFFF00  }
0x46: {  	[tilespmem:s9], [sflag:$0x5] =	stream.linear.gather [hbm4b:s30+s2], $0x100, $0x38;
	[tilespmem:$0x10200] =	vst v63  }
0x47: {  	_ =	swait.ge [sflag:s8], $0x100  }
0x48: {  	[sflag:s8] =	ssyncset.done $0x0  }
0x49: {  	[sflag:s8] =	ssyncadd.s32 $0xFFFFFF00  }
0x4a: {  	[tilespmem:s10], [sflag:$0x1] =	stream.indirect.gather [hbm4b:s3+s9], $0x80, s2, s9, $0xb8;
	[tilespmem:$0x10200] =	vst v63  }
0x4b: {  	_ = 	snop  }
0x4c: {  	[tilespmem:s11], [sflag:$0x2] =	stream.indirect.gather [hbm4b:s3+s9], $0x80, s9, s9, $0xb8;
	[tilespmem:$0x10200] =	vst v63  }
0x4d: {  	_ =	swait.ge [sflag:s12], $0x8000  }
0x4e: {  	[sflag:s12] =	ssyncset.done $0x0  }
0x4f: {  	s31 =	sadd.s32 $0xFFFFF000, s17;
	[sflag:s12] =	ssyncadd.s32 $0xFFFF8000  }
0x50: {  	[hbm4b:s31+s2] =	stream.linear.scatter [tilespmem:s10], [sflag:$0x3], $0x8000, $0x38;
	[tilespmem:$0x10200] =	vst v63  }
0x51: {  	_ =	swait.ge [sflag:s13], $0x8000  }
0x52: {  	[sflag:s13] =	ssyncset.done $0x0  }
0x53: {  	s16 =	sadd.s32 $0x1, s16;
	[sflag:s13] =	ssyncadd.s32 $0xFFFF8000  }
0x54: {  	[hbm4b:s17+s2] =	stream.linear.scatter [tilespmem:s11], [sflag:$0x4], $0x8000, $0x38;
	[tilespmem:$0x10200] =	vst v63  }
0x55: {  	p0 =	sne.s32 s16, s4;
	_ =	swait.ge [sflag:s14], $0x8000  }
.Ltmp1:
0x56: {  	[sflag:s14] =	ssyncset.done $0x0;
	(pc) =	sbr.rel @p0 .LBB2_1-.Ltmp1, $4  }
0x57: {  	[sflag:s14] =	ssyncadd.s32 $0xFFFF8000  }
0x58: {  	_ =	swait.ge [sflag:s15], $0x8000  }
0x59: {  	[sflag:s15] =	ssyncset.done $0x0  }
0x5a: {  	[sflag:s15] =	ssyncadd.s32 $0xFFFF8000  }
0x5b: {  	_ =	sfence.sel $0x180000  }
0x5c: {  	[bflag:$0x0] =	sbarrier.arrive $0xFFFF  }
0x5d: {  	p0 =	sne.s32 s1, $0x0;
	_ =	strace $0x90000047  }
0x5e: {  	s0 =	sadd.s32 @!p0 $0x100000, s0;
	[bflag:$0x2] =	sbarrier.arrive $0xFFFF  }
0x5f: {  	[sflag:s0] =	ssyncadd.tile.s32 @!p0 $0x1;
	_ =	shalt  }
.Lfunc_end2:
_tile_overlayer_lowered:
.L_overlay_start_2:
0x60: {  	(tag) =	ssettag $0x2  }
0x61: {  	s0 =	rddreg [dreg:$0x0];
	s2 =	stileid.u32  }
0x62: {  	s1 =	rddreg [dreg:$0x1];
	p0 =	sne.s32 s2, $0x0  }
0x63: {  	s3 =	rddreg [dreg:$0x2];
	[bflag:$0x3] =	sbarrier.arrive $0xFFFF;
	s2 =	simm.s32 @!p0 $0x1C05  }
0x64: {  	[timem:s3], [sflag:s2] =	dma.local @!p0 [hbm:s0], s1  }
0x65: {  	s0 =	simm.s32 @!p0 $0x5  }
0x66: {  	_ =	swait.ge @!p0 [sflag:s0], s1  }
0x67: {  	s1 =	ssub.s32 @!p0 $0x0, s1;
	[sflag:s0] =	ssyncset.done @!p0 $0x0  }
0x68: {  	[sflag:s0] =	ssyncadd.s32 @!p0 s1  }
0x69: {  	[bflag:$0x3] =	sbarrier.arrive $0xFFFF  }
0x6a: {  	_ =	shalt  }

// kernel: kernel.23.cloned.1.call-start
scs
__scs_entry_jumppad:
0x0: {  	(pc) =	sbr.rel $0x88, $3  }
0x1: {  	(tag) =	ssettag $0x0;
	lr =	simm.s32 $0x1  }
0x2: {  	[smem:$0x3F90] =	sst lr;
	_ =	strace $0xD0000000  }
0x3: {  	_ = 	snop  }
0x4: {  	_ = 	snop  }
0x5: {  	_ = 	snop  }
0x6: {  	_ = 	snop  }
0x7: {  	_ = 	snop  }
__scs_overlays_trampoline_lowered:
0x8: {  	[smem:$0x3F9F] =	sst s0  }
0x9: {  	[smem:$0x3FA0] =	sst s1  }
0xa: {  	[smem:$0x3FA1] =	sst s2  }
0xb: {  	[smem:$0x3FA2] =	sst s3  }
0xc: {  	[smem:$0x3FA3] =	sst s4  }
0xd: {  	[smem:$0x3FA4] =	sst s5  }
0xe: {  	[smem:$0x3FA5] =	sst s6  }
0xf: {  	[smem:$0x3FA6] =	sst s7  }
0x10: {  	[smem:$0x3FA7] =	sst s8  }
0x11: {  	[smem:$0x3FA8] =	sst s9;
	s0 =	simm.s32 @!p0 $0x0  }
0x12: {  	s1 =	sld [smem:$0x3F8E];
	s0 =	simm.s32 @p0 $0x1  }
0x13: {  	[smem:$0x3FA9] =	sst s0;
	s0 =	simm.s32 @!p1 $0x0  }
0x14: {  	s2 =	sld [smem:$0x3F8D];
	s0 =	simm.s32 @p1 $0x1  }
0x15: {  	[smem:$0x3FAA] =	sst s0;
	s0 =	simm.s32 @!p2 $0x0  }
0x16: {  	s3 =	sld [smem:$0x3FDB];
	s0 =	simm.s32 @p2 $0x1  }
0x17: {  	s4 =	simm.s32 $0x1BF5;
	[smem:$0x3FAC] =	sst s0  }
0x18: {  	s0 =	sld [smem:$0x3F8F];
	_ =	swait.ge [sflag:s4], $0x0  }
0x19: {  	s7 =	sld [smem:$0x3F90]  }
0x1a: {  	s8 =	sadd.s32 $0xFFFFE003, lr  }
0x1b: {  	s9 =	sadd.s32 $0xFFFFFEF7, lr;
	s5 =	simm.s32 $0xFFFFFFFF;
	p2 =	slt.u32 s8, $0xFFFFF086  }
0x1c: {  	p1 =	slt.u32 s9, $0xF7A;
	s5 =	simm.s32 @!p2 $0x0  }
0x1d: {  	s5 =	simm.s32 @p1 $0x1;
	p0 =	seq.s32 s7, s2  }
0x1e: {  	s7 =	smul.u32 @!p0 $0xF7A, s2;
	p2 =	seq.s32 @!p0 s5, $0x0  }
0x1f: {  	s9 =	smul.u32 $0xF7A, s1;
	s8 =	simm.s32 @!p0 $0x1BF5;
	p2 =	por !p2, p0  }
0x20: {  	[sflag:s8] =	ssyncset.s32 @!p0 $0xFFFFF086;
	s6 =	sadd.s32 @!p0 s3, s7;
	s7 =	simm.s32 @!p0 $0x108  }
0x21: {  	s3 =	sadd.s32 s3, s9;
	s6 =	sadd.s32 @!p0 $0x88, s6;
	s7 =	simm.s32 @p2 $0x1082  }
0x22: {  	[simem:s7], [sflag:s8] =	dma.local @!p0 [hbm:s6], $0xF7A  }
0x23: {  	s9 =	sor.u32 $0xD0000000, s2;
	s6 =	simm.s32 $0x108;
	_ =	swait.ge @!p0 [sflag:s8], $0x0  }
0x24: {  	s3 =	sadd.s32 $0x88, s3;
	s6 =	simm.s32 @!p1 $0x1082;
	[sflag:s4] =	ssyncset.s32 $0xFFFFF086  }
0x25: {  	[simem:s6], [sflag:s4] =	dma.local [hbm:s3], $0xF7A  }
0x26: {  	[smem:$0x3F90] =	sst s1;
	(tag) =	ssettag s2;
	_ =	strace s9  }
0x27: {  	s1 =	sld [smem:$0x3FA0]  }
0x28: {  	s2 =	sld [smem:$0x3FA1]  }
0x29: {  	s4 =	sld [smem:$0x3FA3]  }
0x2a: {  	p0 =	seq.s32 s5, $0x0;
	s5 =	sld [smem:$0x3FA4]  }
0x2b: {  	s6 =	sld [smem:$0x3FA5]  }
0x2c: {  	s7 =	sld [smem:$0x3FA6]  }
0x2d: {  	s3 =	simm.s32 $0x108;
	s8 =	sld [smem:$0x3FA7]  }
0x2e: {  	s3 =	simm.s32 @!p0 $0x1082;
	s9 =	sld [smem:$0x3FA8]  }
0x2f: {  	lr =	sadd.s32 s0, s3;
	s0 =	sld [smem:$0x3F9F]  }
0x30: {  	s3 =	sld [smem:$0x3FA2]  }
0x31: {  	[smem:$0x3FAB] =	sst s10  }
0x32: {  	s10 =	sld [smem:$0x3FA9];
	_ =	sdelay $0x3  }
0x33: {  	p0 =	seq.s32 s10, $0x1;
	s10 =	sld [smem:$0x3FAB];
	_ =	sdelay $0x3  }
0x34: {  	[smem:$0x3FAB] =	sst s10  }
0x35: {  	s10 =	sld [smem:$0x3FAA];
	_ =	sdelay $0x3  }
0x36: {  	p1 =	seq.s32 s10, $0x1;
	s10 =	sld [smem:$0x3FAB];
	_ =	sdelay $0x3  }
0x37: {  	[smem:$0x3FAB] =	sst s10  }
0x38: {  	s10 =	sld [smem:$0x3FAC]  }
0x39: {  	_ = 	snop;
	(pc) =	sbr.ind lr, $3  }
0x3a: {  	_ = 	snop  }
0x3b: {  	_ = 	snop  }
0x3c: {  	p2 =	seq.s32 s10, $0x1;
	s10 =	sld [smem:$0x3FAB]  }
0x3d: {  	_ =	shalt  }
0x3e: {  	_ =	shalt  }
0x3f: {  	_ =	shalt  }
0x40: {  	_ =	shalt  }
0x41: {  	_ =	shalt  }
0x42: {  	_ =	shalt  }
0x43: {  	_ =	shalt  }
0x44: {  	_ =	shalt  }
0x45: {  	_ =	shalt  }
0x46: {  	_ =	shalt  }
0x47: {  	_ =	shalt  }
0x48: {  	_ =	shalt  }
0x49: {  	_ =	shalt  }
0x4a: {  	_ =	shalt  }
0x4b: {  	_ =	shalt  }
0x4c: {  	_ =	shalt  }
0x4d: {  	_ =	shalt  }
0x4e: {  	_ =	shalt  }
0x4f: {  	_ =	shalt  }
0x50: {  	_ =	shalt  }
0x51: {  	_ =	shalt  }
0x52: {  	_ =	shalt  }
0x53: {  	_ =	shalt  }
0x54: {  	_ =	shalt  }
0x55: {  	_ =	shalt  }
0x56: {  	_ =	shalt  }
0x57: {  	_ =	shalt  }
0x58: {  	_ =	shalt  }
0x59: {  	_ =	shalt  }
0x5a: {  	_ =	shalt  }
0x5b: {  	_ =	shalt  }
0x5c: {  	_ =	shalt  }
0x5d: {  	_ =	shalt  }
0x5e: {  	_ =	shalt  }
0x5f: {  	_ =	shalt  }
0x60: {  	_ =	shalt  }
0x61: {  	_ =	shalt  }
0x62: {  	_ =	shalt  }
0x63: {  	_ =	shalt  }
0x64: {  	_ =	shalt  }
0x65: {  	_ =	shalt  }
0x66: {  	_ =	shalt  }
0x67: {  	_ =	shalt  }
0x68: {  	_ =	shalt  }
0x69: {  	_ =	shalt  }
0x6a: {  	_ =	shalt  }
0x6b: {  	_ =	shalt  }
0x6c: {  	_ =	shalt  }
0x6d: {  	_ =	shalt  }
0x6e: {  	_ =	shalt  }
0x6f: {  	_ =	shalt  }
0x70: {  	_ =	shalt  }
0x71: {  	_ =	shalt  }
0x72: {  	_ =	shalt  }
0x73: {  	_ =	shalt  }
0x74: {  	_ =	shalt  }
0x75: {  	_ =	shalt  }
0x76: {  	_ =	shalt  }
0x77: {  	_ =	shalt  }
0x78: {  	_ =	shalt  }
0x79: {  	_ =	shalt  }
0x7a: {  	_ =	shalt  }
0x7b: {  	_ =	shalt  }
0x7c: {  	_ =	shalt  }
0x7d: {  	_ =	shalt  }
0x7e: {  	_ =	shalt  }
0x7f: {  	_ =	shalt  }
0x80: {  	_ =	shalt  }
0x81: {  	_ =	shalt  }
0x82: {  	_ =	shalt  }
0x83: {  	_ =	shalt  }
0x84: {  	_ =	shalt  }
0x85: {  	_ =	shalt  }
0x86: {  	_ =	shalt  }
0x87: {  	_ =	shalt  }
.Lfunc_end0:
.L_simem_size_0:
called_computation.1_lowered:
.L_overlay_start_0:
0x88: {  	s2 =	sld [smem:$0x3FD9]  }
0x89: {  	s3 =	sld [smem:$0x3FFE];
	_ =	sdelay $0x1  }
0x8a: {  	s1 =	srdreg.scid  }
0x8b: {  	s0 =	sand.u32 $0x1, s1  }
0x8c: {  	s16 =	sshll.u32 s0, $0xA;
	s2 =	sadd.s32 s3, s2  }
0x8d: {  	s2 =	sadd.s32 s2, s16  }
0x8e: {  	[smem:$0x3FB7] =	sst s2  }
0x8f: {  	_ = 	snop  }
0x90: {  	(tm) =	ssettm $0x1  }
0x91: {  	s17 =	sld [smem:$0x3FFB];
	_ =	sdelay $0x3  }
0x92: {  	_ =	strace s17  }
0x93: {  	s2 =	sld [smem:$0x3FFC];
	_ =	sdelay $0x3  }
0x94: {  	_ =	strace s2  }
0x95: {  	s2 =	sld [smem:$0x3FFD];
	_ =	sdelay $0x3  }
0x96: {  	_ =	strace s2  }
0x97: {  	_ =	strace $0x8FFFFFFF  }
0x98: {  	s18 =	sld [smem:$0x3FDB];
	_ =	sdelay $0x1  }
0x99: {  	s19 =	simm.s32 $_scs_section_size  }
0x9a: {  	s4 =	simm.s32 $_size__tile_overlayer_lowered;
	s5 =	simm.s32 $_tile_overlayer_lowered  }
0x9b: {  	s22 =	simm.s32 $0x1BFF;
	s21 =	sshll.u32 s5, $0x1;
	s2 =	sadd.s32 s19, s18  }
0x9c: {  	s6 =	simm.s32 $0x0;
	s20 =	sshll.u32 s4, $0x1;
	s4 =	sadd.s32 s21, s2  }
0x9d: {  	[timem:s6], [sflag:s22] =	dma.local [hbm:s4], s20  }
0x9e: {  	_ =	swait.ge [sflag:s22], s20  }
0x9f: {  	s3 =	ssub.s32 $0x0, s20;
	[sflag:s22] =	ssyncset.done $0x0  }
0xa0: {  	[sflag:s22] =	ssyncadd.s32 s3;
	_ =	sdelay $0x1  }
0xa1: {  	s23 =	simm.s32 $0x1B8B  }
0xa2: {  	_ =	swait.ge [sflag:s23], $0x1  }
0xa3: {  	[sflag:s23] =	ssyncset.done $0x0  }
0xa4: {  	s25 =	simm.s32 $0x1B8E;
	s24 =	sld [smem:$0x3FFE];
	[sflag:s23] =	ssyncadd.s32 $0xFFFFFFFF  }
0xa5: {  	s26 =	simm.s32 $execute0_lowered;
	[smem:$0x3FD2] =	sst s25  }
0xa6: {  	s4 =	sshll.u32 s26, $0x1;
	_ =	strace $0x80000049;
	[dreg:$0x1] =	wrdreg $0xFFFFFFFF  }
0xa7: {  	s28 =	simm.s32 $_size_execute0_lowered;
	s2 =	sadd.s32 s2, s4;
	[dreg:$0x0] =	wrdreg $0x0  }
0xa8: {  	s4 =	sshll.u32 s28, $0x1;
	[dreg:$0x2] =	wrdreg s2  }
0xa9: {  	[dreg:$0x3] =	wrdreg s4  }
0xaa: {  	[dreg:$0x4] =	wrdreg $0xC0  }
0xab: {  	_ =	task [dreg:s6], $0x5FFFF  }
0xac: {  	[dreg:$0x1] =	wrdreg $0xFFFFFFFF  }
0xad: {  	[dreg:$0x0] =	wrdreg $0x60  }
0xae: {  	[dreg:$0x2] =	wrdreg s24  }
0xaf: {  	[dreg:$0x3] =	wrdreg $0x9  }
0xb0: {  	_ =	task.clear_ibuf [dreg:s6], $0x4FFFF;
	_ =	strace $0x90000049  }
0xb1: {  	s29 =	simm.s32 $0x9;
	_ =	strace $0x8000004B  }
0xb2: {  	_ =	swait.ge [sflag:s29], $0x1  }
0xb3: {  	[sflag:s29] =	ssyncadd.s32 $0xFFFFFFFF  }
0xb4: {  	_ =	strace $0x9000004B  }
0xb5: {  	_ =	sfence  }
0xb6: {  	s30 =	sld [smem:$0x0];
	_ =	sdelay $0x2  }
0xb7: {  	s31 =	sshll.u32 s1, $0xD;
	s1 =	sshrl.u32 s1, $0x2  }
0xb8: {  	s3 =	sand.u32 $0x4000, s31;
	s1 =	sadd.s32 s1, s30  }
0xb9: {  	s0 =	sor.u32 s3, s0;
	s1 =	sshll.u32 s1, $0x11  }
0xba: {  	s0 =	sor.u32 s1, s0  }
0xbb: {  	s0 =	sadd.s32 $0x8F2B, s0  }
0xbc: {  	[sflag:s0] =	ssyncadd.remote.s32 $0x1  }
0xbd: {  	_ =	sfence.sel $0xFFFF  }
0xbe: {  	[dreg:$0x0] =	wrdreg $0xFFFFFFFF;
	(pc) =	sbr.abs _section_cstart, $3  }
0xbf: {  	[dreg:$0x1] =	wrdreg $0xFFFFFFFF  }
0xc0: {  	_ =	task.clear_ibuf [dreg:s6], $0x2FFFF;
	_ =	strace $0x9FFFFFFF  }
0xc1: {  	(tm) =	ssettm $0x7FFFFFFF  }
tec
execute0_lowered:
.L_overlay_start_1:
0x0: {  	(tag) =	ssettag $0x1  }
0x1: {  	s4 =	rddreg [dreg:$0x0]  }
0x2: {  	s0 =	rddreg [dreg:$0x1];
	s2 =	simm.s32 $0x0  }
0x3: {  	s1 =	stileid.u32;
	s3 =	srdreg.scid;
	s12 =	simm.s32 $0x1  }
0x4: {  	s13 =	simm.s32 $0x2;
	s14 =	simm.s32 $0x3;
	s15 =	simm.s32 $0x4  }
0x5: {  	s16 =	simm.s32 $0x0;
	[smem:$0x7FF] =	sst s2;
	s6 =	smul.u32 $0x1400, s1  }
0x6: {  	s5 =	sand.u32 $0x1, s3;
	s3 =	sadd.s32 $0x14200, s4;
	s10 =	smul.u32 $0x14000, s1  }
0x7: {  	s9 =	sadd.s32 $0x24200, s4;
	s7 =	ssub.s32 $0x2, s5;
	s8 =	smul.u32 $0xA00, s5  }
0x8: {  	_ =	strace $0x8000004A;
	s5 =	smul.u32 $0xA000, s5;
	s11 =	sshrl.u32 s7, $0x1  }
0x9: {  	s29 =	sadd.s32 s10, s4;
	s10 =	simm.s32 $0x200;
	s7 =	ssub.s32 s7, s11  }
0xa: {  	s6 =	sadd.s32 s8, s6;
	s5 =	sadd.s32 s5, s29;
	s8 =	simm.s32 $0x5  }
0xb: {  	s11 =	simm.s32 $0x8200;
	s4 =	smax.u32 s7, $0x1;
	s30 =	sor.u32 $0x100, s6  }
0xc: {  	s31 =	sshrl.u32 s6, $0x3;
	s5 =	sadd.s32 $0x27A00, s5;
	s7 =	sshrl.u32 s30, $0x3  }
0xd: {  	s6 =	sadd.s32 s7, s9;
	s7 =	sadd.s32 s31, s9;
	s9 =	simm.s32 $0x100  }
.LBB2_1:
0xe: {  	s17 =	sadd.s32 $0x0, s7  }
0xf: {  	[tilespmem:s2], [sflag:$0x5] =	stream.linear.gather [hbm4b:s17+s2], $0x100, $0x38;
	[tilespmem:$0x10200] =	vst v63  }
0x10: {  	_ =	swait.ge [sflag:s8], $0x100  }
0x11: {  	[sflag:s8] =	ssyncset.done $0x0  }
0x12: {  	s30 =	sadd.s32 $0x0, s6;
	[sflag:s8] =	ssyncadd.s32 $0xFFFFFF00  }
0x13: {  	[tilespmem:s9], [sflag:$0x5] =	stream.linear.gather [hbm4b:s30+s2], $0x100, $0x38;
	[tilespmem:$0x10200] =	vst v63  }
0x14: {  	_ =	swait.ge [sflag:s8], $0x100  }
0x15: {  	[sflag:s8] =	ssyncset.done $0x0  }
0x16: {  	[sflag:s8] =	ssyncadd.s32 $0xFFFFFF00  }
0x17: {  	[tilespmem:s10], [sflag:$0x1] =	stream.indirect.gather [hbm4b:s3+s9], $0x80, s2, s9, $0xb8;
	[tilespmem:$0x10200] =	vst v63  }
0x18: {  	_ = 	snop  }
0x19: {  	[tilespmem:s11], [sflag:$0x2] =	stream.indirect.gather [hbm4b:s3+s9], $0x80, s9, s9, $0xb8;
	[tilespmem:$0x10200] =	vst v63  }
0x1a: {  	_ =	swait.ge [sflag:s12], $0x8000  }
0x1b: {  	[sflag:s12] =	ssyncset.done $0x0  }
0x1c: {  	s31 =	sadd.s32 $0xFFFFF000, s5;
	[sflag:s12] =	ssyncadd.s32 $0xFFFF8000  }
0x1d: {  	[hbm4b:s31+s2] =	stream.linear.scatter [tilespmem:s10], [sflag:$0x3], $0x8000, $0x38;
	[tilespmem:$0x10200] =	vst v63  }
0x1e: {  	_ =	swait.ge [sflag:s13], $0x8000  }
0x1f: {  	[sflag:s13] =	ssyncset.done $0x0  }
0x20: {  	[sflag:s13] =	ssyncadd.s32 $0xFFFF8000  }
0x21: {  	[hbm4b:s5+s2] =	stream.linear.scatter [tilespmem:s11], [sflag:$0x4], $0x8000, $0x38;
	[tilespmem:$0x10200] =	vst v63  }
0x22: {  	_ =	swait.ge [sflag:s14], $0x8000  }
0x23: {  	[sflag:s14] =	ssyncset.done $0x0  }
0x24: {  	[sflag:s14] =	ssyncadd.s32 $0xFFFF8000  }
0x25: {  	s18 =	simm.s32 $0x40;
	_ =	swait.ge [sflag:s15], $0x8000  }
0x26: {  	s19 =	simm.s32 $0x80;
	s17 =	sadd.s32 $0x2000, s5;
	[sflag:s15] =	ssyncset.done $0x0  }
.LBB2_2:
0x27: {  	s20 =	sadd.s32 s18, s7  }
0x28: {  	[sflag:s15] =	ssyncadd.s32 $0xFFFF8000;
	s21 =	smov.u32 s19;
	s22 =	sadd.s32 $0x40, s19  }
0x29: {  	[tilespmem:s2], [sflag:$0x5] =	stream.linear.gather [hbm4b:s20+s2], $0x100, $0x38;
	[tilespmem:$0x10200] =	vst v63  }
0x2a: {  	p0 =	sne.s32 s19, $0x100;
	_ =	swait.ge [sflag:s8], $0x100  }
0x2b: {  	[sflag:s8] =	ssyncset.done $0x0  }
0x2c: {  	s19 =	sadd.s32 s18, s6;
	s18 =	smov.u32 s21;
	[sflag:s8] =	ssyncadd.s32 $0xFFFFFF00  }
0x2d: {  	[tilespmem:s9], [sflag:$0x5] =	stream.linear.gather [hbm4b:s19+s2], $0x100, $0x38;
	[tilespmem:$0x10200] =	vst v63  }
0x2e: {  	_ =	swait.ge [sflag:s8], $0x100  }
0x2f: {  	[sflag:s8] =	ssyncset.done $0x0  }
0x30: {  	[sflag:s8] =	ssyncadd.s32 $0xFFFFFF00  }
0x31: {  	[tilespmem:s10], [sflag:$0x1] =	stream.indirect.gather [hbm4b:s3+s9], $0x80, s2, s9, $0xb8;
	[tilespmem:$0x10200] =	vst v63  }
0x32: {  	_ = 	snop  }
0x33: {  	[tilespmem:s11], [sflag:$0x2] =	stream.indirect.gather [hbm4b:s3+s9], $0x80, s9, s9, $0xb8;
	[tilespmem:$0x10200] =	vst v63  }
0x34: {  	_ =	swait.ge [sflag:s12], $0x8000  }
0x35: {  	[sflag:s12] =	ssyncset.done $0x0  }
0x36: {  	s19 =	sadd.s32 $0xFFFFF000, s17;
	[sflag:s12] =	ssyncadd.s32 $0xFFFF8000  }
0x37: {  	[hbm4b:s19+s2] =	stream.linear.scatter [tilespmem:s10], [sflag:$0x3], $0x8000, $0x38;
	[tilespmem:$0x10200] =	vst v63  }
0x38: {  	_ =	swait.ge [sflag:s13], $0x8000  }
0x39: {  	[sflag:s13] =	ssyncset.done $0x0  }
0x3a: {  	[sflag:s13] =	ssyncadd.s32 $0xFFFF8000  }
0x3b: {  	[hbm4b:s17+s2] =	stream.linear.scatter [tilespmem:s11], [sflag:$0x4], $0x8000, $0x38;
	[tilespmem:$0x10200] =	vst v63  }
.Ltmp0:
0x3c: {  	_ =	swait.ge [sflag:s14], $0x8000;
	(pc) =	sbr.rel @p0 .LBB2_2-.Ltmp0, $4  }
0x3d: {  	[sflag:s14] =	ssyncset.done $0x0  }
0x3e: {  	[sflag:s14] =	ssyncadd.s32 $0xFFFF8000  }
0x3f: {  	_ =	swait.ge [sflag:s15], $0x8000  }
0x40: {  	s19 =	smov.u32 s22;
	s17 =	sadd.s32 $0x2000, s17;
	[sflag:s15] =	ssyncset.done $0x0  }
0x41: {  	s19 =	sadd.s32 s18, s7;
	[sflag:s15] =	ssyncadd.s32 $0xFFFF8000  }
0x42: {  	[tilespmem:s2], [sflag:$0x5] =	stream.linear.gather [hbm4b:s19+s2], $0x100, $0x38;
	[tilespmem:$0x10200] =	vst v63  }
0x43: {  	_ =	swait.ge [sflag:s8], $0x100  }
0x44: {  	[sflag:s8] =	ssyncset.done $0x0  }
0x45: {  	s30 =	sadd.s32 s18, s6;
	[sflag:s8] =	ssyncadd.s32 $0xFFFFFF00  }
0x46: {  	[tilespmem:s9], [sflag:$0x5] =	stream.linear.gather [hbm4b:s30+s2], $0x100, $0x38;
	[tilespmem:$0x10200] =	vst v63  }
0x47: {  	_ =	swait.ge [sflag:s8], $0x100  }
0x48: {  	[sflag:s8] =	ssyncset.done $0x0  }
0x49: {  	[sflag:s8] =	ssyncadd.s32 $0xFFFFFF00  }
0x4a: {  	[tilespmem:s10], [sflag:$0x1] =	stream.indirect.gather [hbm4b:s3+s9], $0x80, s2, s9, $0xb8;
	[tilespmem:$0x10200] =	vst v63  }
0x4b: {  	_ = 	snop  }
0x4c: {  	[tilespmem:s11], [sflag:$0x2] =	stream.indirect.gather [hbm4b:s3+s9], $0x80, s9, s9, $0xb8;
	[tilespmem:$0x10200] =	vst v63  }
0x4d: {  	_ =	swait.ge [sflag:s12], $0x8000  }
0x4e: {  	[sflag:s12] =	ssyncset.done $0x0  }
0x4f: {  	s31 =	sadd.s32 $0xFFFFF000, s17;
	[sflag:s12] =	ssyncadd.s32 $0xFFFF8000  }
0x50: {  	[hbm4b:s31+s2] =	stream.linear.scatter [tilespmem:s10], [sflag:$0x3], $0x8000, $0x38;
	[tilespmem:$0x10200] =	vst v63  }
0x51: {  	_ =	swait.ge [sflag:s13], $0x8000  }
0x52: {  	[sflag:s13] =	ssyncset.done $0x0  }
0x53: {  	s16 =	sadd.s32 $0x1, s16;
	[sflag:s13] =	ssyncadd.s32 $0xFFFF8000  }
0x54: {  	[hbm4b:s17+s2] =	stream.linear.scatter [tilespmem:s11], [sflag:$0x4], $0x8000, $0x38;
	[tilespmem:$0x10200] =	vst v63  }
0x55: {  	p0 =	sne.s32 s16, s4;
	_ =	swait.ge [sflag:s14], $0x8000  }
.Ltmp1:
0x56: {  	[sflag:s14] =	ssyncset.done $0x0;
	(pc) =	sbr.rel @p0 .LBB2_1-.Ltmp1, $4  }
0x57: {  	[sflag:s14] =	ssyncadd.s32 $0xFFFF8000  }
0x58: {  	_ =	swait.ge [sflag:s15], $0x8000  }
0x59: {  	[sflag:s15] =	ssyncset.done $0x0  }
0x5a: {  	[sflag:s15] =	ssyncadd.s32 $0xFFFF8000  }
0x5b: {  	_ =	sfence.sel $0x180000  }
0x5c: {  	[bflag:$0x0] =	sbarrier.arrive $0xFFFF  }
0x5d: {  	p0 =	sne.s32 s1, $0x0;
	_ =	strace $0x9000004A  }
0x5e: {  	s0 =	sadd.s32 @!p0 $0x100000, s0;
	[bflag:$0x2] =	sbarrier.arrive $0xFFFF  }
0x5f: {  	[sflag:s0] =	ssyncadd.tile.s32 @!p0 $0x1;
	_ =	shalt  }
.Lfunc_end2:
_tile_overlayer_lowered:
.L_overlay_start_2:
0x60: {  	(tag) =	ssettag $0x2  }
0x61: {  	s0 =	rddreg [dreg:$0x0];
	s2 =	stileid.u32  }
0x62: {  	s1 =	rddreg [dreg:$0x1];
	p0 =	sne.s32 s2, $0x0  }
0x63: {  	s3 =	rddreg [dreg:$0x2];
	[bflag:$0x3] =	sbarrier.arrive $0xFFFF;
	s2 =	simm.s32 @!p0 $0x1C05  }
0x64: {  	[timem:s3], [sflag:s2] =	dma.local @!p0 [hbm:s0], s1  }
0x65: {  	s0 =	simm.s32 @!p0 $0x5  }
0x66: {  	_ =	swait.ge @!p0 [sflag:s0], s1  }
0x67: {  	s1 =	ssub.s32 @!p0 $0x0, s1;
	[sflag:s0] =	ssyncset.done @!p0 $0x0  }
0x68: {  	[sflag:s0] =	ssyncadd.s32 @!p0 s1  }
0x69: {  	[bflag:$0x3] =	sbarrier.arrive $0xFFFF  }
0x6a: {  	_ =	shalt  }

// kernel: kernel.26.cloned.1.call-start
scs
__scs_entry_jumppad:
0x0: {  	(pc) =	sbr.rel $0x88, $3  }
0x1: {  	(tag) =	ssettag $0x0;
	lr =	simm.s32 $0x1  }
0x2: {  	[smem:$0x3F90] =	sst lr;
	_ =	strace $0xD0000000  }
0x3: {  	_ = 	snop  }
0x4: {  	_ = 	snop  }
0x5: {  	_ = 	snop  }
0x6: {  	_ = 	snop  }
0x7: {  	_ = 	snop  }
__scs_overlays_trampoline_lowered:
0x8: {  	[smem:$0x3F9F] =	sst s0  }
0x9: {  	[smem:$0x3FA0] =	sst s1  }
0xa: {  	[smem:$0x3FA1] =	sst s2  }
0xb: {  	[smem:$0x3FA2] =	sst s3  }
0xc: {  	[smem:$0x3FA3] =	sst s4  }
0xd: {  	[smem:$0x3FA4] =	sst s5  }
0xe: {  	[smem:$0x3FA5] =	sst s6  }
0xf: {  	[smem:$0x3FA6] =	sst s7  }
0x10: {  	[smem:$0x3FA7] =	sst s8  }
0x11: {  	[smem:$0x3FA8] =	sst s9;
	s0 =	simm.s32 @!p0 $0x0  }
0x12: {  	s1 =	sld [smem:$0x3F8E];
	s0 =	simm.s32 @p0 $0x1  }
0x13: {  	[smem:$0x3FA9] =	sst s0;
	s0 =	simm.s32 @!p1 $0x0  }
0x14: {  	s2 =	sld [smem:$0x3F8D];
	s0 =	simm.s32 @p1 $0x1  }
0x15: {  	[smem:$0x3FAA] =	sst s0;
	s0 =	simm.s32 @!p2 $0x0  }
0x16: {  	s3 =	sld [smem:$0x3FDB];
	s0 =	simm.s32 @p2 $0x1  }
0x17: {  	s4 =	simm.s32 $0x1BF5;
	[smem:$0x3FAC] =	sst s0  }
0x18: {  	s0 =	sld [smem:$0x3F8F];
	_ =	swait.ge [sflag:s4], $0x0  }
0x19: {  	s7 =	sld [smem:$0x3F90]  }
0x1a: {  	s8 =	sadd.s32 $0xFFFFE003, lr  }
0x1b: {  	s9 =	sadd.s32 $0xFFFFFEF7, lr;
	s5 =	simm.s32 $0xFFFFFFFF;
	p2 =	slt.u32 s8, $0xFFFFF086  }
0x1c: {  	p1 =	slt.u32 s9, $0xF7A;
	s5 =	simm.s32 @!p2 $0x0  }
0x1d: {  	s5 =	simm.s32 @p1 $0x1;
	p0 =	seq.s32 s7, s2  }
0x1e: {  	s7 =	smul.u32 @!p0 $0xF7A, s2;
	p2 =	seq.s32 @!p0 s5, $0x0  }
0x1f: {  	s9 =	smul.u32 $0xF7A, s1;
	s8 =	simm.s32 @!p0 $0x1BF5;
	p2 =	por !p2, p0  }
0x20: {  	[sflag:s8] =	ssyncset.s32 @!p0 $0xFFFFF086;
	s6 =	sadd.s32 @!p0 s3, s7;
	s7 =	simm.s32 @!p0 $0x108  }
0x21: {  	s3 =	sadd.s32 s3, s9;
	s6 =	sadd.s32 @!p0 $0x88, s6;
	s7 =	simm.s32 @p2 $0x1082  }
0x22: {  	[simem:s7], [sflag:s8] =	dma.local @!p0 [hbm:s6], $0xF7A  }
0x23: {  	s9 =	sor.u32 $0xD0000000, s2;
	s6 =	simm.s32 $0x108;
	_ =	swait.ge @!p0 [sflag:s8], $0x0  }
0x24: {  	s3 =	sadd.s32 $0x88, s3;
	s6 =	simm.s32 @!p1 $0x1082;
	[sflag:s4] =	ssyncset.s32 $0xFFFFF086  }
0x25: {  	[simem:s6], [sflag:s4] =	dma.local [hbm:s3], $0xF7A  }
0x26: {  	[smem:$0x3F90] =	sst s1;
	(tag) =	ssettag s2;
	_ =	strace s9  }
0x27: {  	s1 =	sld [smem:$0x3FA0]  }
0x28: {  	s2 =	sld [smem:$0x3FA1]  }
0x29: {  	s4 =	sld [smem:$0x3FA3]  }
0x2a: {  	p0 =	seq.s32 s5, $0x0;
	s5 =	sld [smem:$0x3FA4]  }
0x2b: {  	s6 =	sld [smem:$0x3FA5]  }
0x2c: {  	s7 =	sld [smem:$0x3FA6]  }
0x2d: {  	s3 =	simm.s32 $0x108;
	s8 =	sld [smem:$0x3FA7]  }
0x2e: {  	s3 =	simm.s32 @!p0 $0x1082;
	s9 =	sld [smem:$0x3FA8]  }
0x2f: {  	lr =	sadd.s32 s0, s3;
	s0 =	sld [smem:$0x3F9F]  }
0x30: {  	s3 =	sld [smem:$0x3FA2]  }
0x31: {  	[smem:$0x3FAB] =	sst s10  }
0x32: {  	s10 =	sld [smem:$0x3FA9];
	_ =	sdelay $0x3  }
0x33: {  	p0 =	seq.s32 s10, $0x1;
	s10 =	sld [smem:$0x3FAB];
	_ =	sdelay $0x3  }
0x34: {  	[smem:$0x3FAB] =	sst s10  }
0x35: {  	s10 =	sld [smem:$0x3FAA];
	_ =	sdelay $0x3  }
0x36: {  	p1 =	seq.s32 s10, $0x1;
	s10 =	sld [smem:$0x3FAB];
	_ =	sdelay $0x3  }
0x37: {  	[smem:$0x3FAB] =	sst s10  }
0x38: {  	s10 =	sld [smem:$0x3FAC]  }
0x39: {  	_ = 	snop;
	(pc) =	sbr.ind lr, $3  }
0x3a: {  	_ = 	snop  }
0x3b: {  	_ = 	snop  }
0x3c: {  	p2 =	seq.s32 s10, $0x1;
	s10 =	sld [smem:$0x3FAB]  }
0x3d: {  	_ =	shalt  }
0x3e: {  	_ =	shalt  }
0x3f: {  	_ =	shalt  }
0x40: {  	_ =	shalt  }
0x41: {  	_ =	shalt  }
0x42: {  	_ =	shalt  }
0x43: {  	_ =	shalt  }
0x44: {  	_ =	shalt  }
0x45: {  	_ =	shalt  }
0x46: {  	_ =	shalt  }
0x47: {  	_ =	shalt  }
0x48: {  	_ =	shalt  }
0x49: {  	_ =	shalt  }
0x4a: {  	_ =	shalt  }
0x4b: {  	_ =	shalt  }
0x4c: {  	_ =	shalt  }
0x4d: {  	_ =	shalt  }
0x4e: {  	_ =	shalt  }
0x4f: {  	_ =	shalt  }
0x50: {  	_ =	shalt  }
0x51: {  	_ =	shalt  }
0x52: {  	_ =	shalt  }
0x53: {  	_ =	shalt  }
0x54: {  	_ =	shalt  }
0x55: {  	_ =	shalt  }
0x56: {  	_ =	shalt  }
0x57: {  	_ =	shalt  }
0x58: {  	_ =	shalt  }
0x59: {  	_ =	shalt  }
0x5a: {  	_ =	shalt  }
0x5b: {  	_ =	shalt  }
0x5c: {  	_ =	shalt  }
0x5d: {  	_ =	shalt  }
0x5e: {  	_ =	shalt  }
0x5f: {  	_ =	shalt  }
0x60: {  	_ =	shalt  }
0x61: {  	_ =	shalt  }
0x62: {  	_ =	shalt  }
0x63: {  	_ =	shalt  }
0x64: {  	_ =	shalt  }
0x65: {  	_ =	shalt  }
0x66: {  	_ =	shalt  }
0x67: {  	_ =	shalt  }
0x68: {  	_ =	shalt  }
0x69: {  	_ =	shalt  }
0x6a: {  	_ =	shalt  }
0x6b: {  	_ =	shalt  }
0x6c: {  	_ =	shalt  }
0x6d: {  	_ =	shalt  }
0x6e: {  	_ =	shalt  }
0x6f: {  	_ =	shalt  }
0x70: {  	_ =	shalt  }
0x71: {  	_ =	shalt  }
0x72: {  	_ =	shalt  }
0x73: {  	_ =	shalt  }
0x74: {  	_ =	shalt  }
0x75: {  	_ =	shalt  }
0x76: {  	_ =	shalt  }
0x77: {  	_ =	shalt  }
0x78: {  	_ =	shalt  }
0x79: {  	_ =	shalt  }
0x7a: {  	_ =	shalt  }
0x7b: {  	_ =	shalt  }
0x7c: {  	_ =	shalt  }
0x7d: {  	_ =	shalt  }
0x7e: {  	_ =	shalt  }
0x7f: {  	_ =	shalt  }
0x80: {  	_ =	shalt  }
0x81: {  	_ =	shalt  }
0x82: {  	_ =	shalt  }
0x83: {  	_ =	shalt  }
0x84: {  	_ =	shalt  }
0x85: {  	_ =	shalt  }
0x86: {  	_ =	shalt  }
0x87: {  	_ =	shalt  }
.Lfunc_end0:
.L_simem_size_0:
called_computation.2_lowered:
.L_overlay_start_0:
0x88: {  	s2 =	sld [smem:$0x3FD9]  }
0x89: {  	s3 =	sld [smem:$0x3FFE];
	_ =	sdelay $0x1  }
0x8a: {  	s1 =	srdreg.scid  }
0x8b: {  	s0 =	sand.u32 $0x1, s1  }
0x8c: {  	s16 =	sshll.u32 s0, $0xA;
	s2 =	sadd.s32 s3, s2  }
0x8d: {  	s2 =	sadd.s32 s2, s16  }
0x8e: {  	[smem:$0x3FB7] =	sst s2  }
0x8f: {  	_ = 	snop  }
0x90: {  	(tm) =	ssettm $0x1  }
0x91: {  	s17 =	sld [smem:$0x3FFB];
	_ =	sdelay $0x3  }
0x92: {  	_ =	strace s17  }
0x93: {  	s2 =	sld [smem:$0x3FFC];
	_ =	sdelay $0x3  }
0x94: {  	_ =	strace s2  }
0x95: {  	s2 =	sld [smem:$0x3FFD];
	_ =	sdelay $0x3  }
0x96: {  	_ =	strace s2  }
0x97: {  	_ =	strace $0x8FFFFFFF  }
0x98: {  	s18 =	sld [smem:$0x3FDB];
	_ =	sdelay $0x1  }
0x99: {  	s19 =	simm.s32 $_scs_section_size  }
0x9a: {  	s4 =	simm.s32 $_size__tile_overlayer_lowered;
	s5 =	simm.s32 $_tile_overlayer_lowered  }
0x9b: {  	s22 =	simm.s32 $0x1BFF;
	s21 =	sshll.u32 s5, $0x1;
	s2 =	sadd.s32 s19, s18  }
0x9c: {  	s6 =	simm.s32 $0x0;
	s20 =	sshll.u32 s4, $0x1;
	s4 =	sadd.s32 s21, s2  }
0x9d: {  	[timem:s6], [sflag:s22] =	dma.local [hbm:s4], s20  }
0x9e: {  	_ =	swait.ge [sflag:s22], s20  }
0x9f: {  	s3 =	ssub.s32 $0x0, s20;
	[sflag:s22] =	ssyncset.done $0x0  }
0xa0: {  	[sflag:s22] =	ssyncadd.s32 s3;
	_ =	sdelay $0x1  }
0xa1: {  	s23 =	simm.s32 $0x1B8B  }
0xa2: {  	_ =	swait.ge [sflag:s23], $0x1  }
0xa3: {  	[sflag:s23] =	ssyncset.done $0x0  }
0xa4: {  	s25 =	simm.s32 $0x1B8E;
	s24 =	sld [smem:$0x3FFE];
	[sflag:s23] =	ssyncadd.s32 $0xFFFFFFFF  }
0xa5: {  	s26 =	simm.s32 $execute0_lowered;
	[smem:$0x3FD2] =	sst s25  }
0xa6: {  	s4 =	sshll.u32 s26, $0x1;
	_ =	strace $0x8000004C;
	[dreg:$0x1] =	wrdreg $0xFFFFFFFF  }
0xa7: {  	s28 =	simm.s32 $_size_execute0_lowered;
	s2 =	sadd.s32 s2, s4;
	[dreg:$0x0] =	wrdreg $0x0  }
0xa8: {  	s4 =	sshll.u32 s28, $0x1;
	[dreg:$0x2] =	wrdreg s2  }
0xa9: {  	[dreg:$0x3] =	wrdreg s4  }
0xaa: {  	[dreg:$0x4] =	wrdreg $0xC0  }
0xab: {  	_ =	task [dreg:s6], $0x5FFFF  }
0xac: {  	[dreg:$0x1] =	wrdreg $0xFFFFFFFF  }
0xad: {  	[dreg:$0x0] =	wrdreg $0x60  }
0xae: {  	[dreg:$0x2] =	wrdreg s24  }
0xaf: {  	[dreg:$0x3] =	wrdreg $0x9  }
0xb0: {  	_ =	task.clear_ibuf [dreg:s6], $0x4FFFF;
	_ =	strace $0x9000004C  }
0xb1: {  	s29 =	simm.s32 $0x9;
	_ =	strace $0x8000004E  }
0xb2: {  	_ =	swait.ge [sflag:s29], $0x1  }
0xb3: {  	[sflag:s29] =	ssyncadd.s32 $0xFFFFFFFF  }
0xb4: {  	_ =	strace $0x9000004E  }
0xb5: {  	_ =	sfence  }
0xb6: {  	s30 =	sld [smem:$0x0];
	_ =	sdelay $0x2  }
0xb7: {  	s31 =	sshll.u32 s1, $0xD;
	s1 =	sshrl.u32 s1, $0x2  }
0xb8: {  	s3 =	sand.u32 $0x4000, s31;
	s1 =	sadd.s32 s1, s30  }
0xb9: {  	s0 =	sor.u32 s3, s0;
	s1 =	sshll.u32 s1, $0x11  }
0xba: {  	s0 =	sor.u32 s1, s0  }
0xbb: {  	s0 =	sadd.s32 $0x8F2B, s0  }
0xbc: {  	[sflag:s0] =	ssyncadd.remote.s32 $0x1  }
0xbd: {  	_ =	sfence.sel $0xFFFF  }
0xbe: {  	[dreg:$0x0] =	wrdreg $0xFFFFFFFF;
	(pc) =	sbr.abs _section_cstart, $3  }
0xbf: {  	[dreg:$0x1] =	wrdreg $0xFFFFFFFF  }
0xc0: {  	_ =	task.clear_ibuf [dreg:s6], $0x2FFFF;
	_ =	strace $0x9FFFFFFF  }
0xc1: {  	(tm) =	ssettm $0x7FFFFFFF  }
tec
execute0_lowered:
.L_overlay_start_1:
0x0: {  	(tag) =	ssettag $0x1  }
0x1: {  	s4 =	rddreg [dreg:$0x0]  }
0x2: {  	s0 =	rddreg [dreg:$0x1];
	s2 =	simm.s32 $0x0  }
0x3: {  	s1 =	stileid.u32;
	s3 =	srdreg.scid;
	s12 =	simm.s32 $0x1  }
0x4: {  	s13 =	simm.s32 $0x2;
	s14 =	simm.s32 $0x3;
	s15 =	simm.s32 $0x4  }
0x5: {  	s16 =	simm.s32 $0x0;
	[smem:$0x7FF] =	sst s2;
	s6 =	smul.u32 $0x1400, s1  }
0x6: {  	s5 =	sand.u32 $0x1, s3;
	s3 =	sadd.s32 $0x14200, s4;
	s10 =	smul.u32 $0x14000, s1  }
0x7: {  	s9 =	sadd.s32 $0x24200, s4;
	s7 =	ssub.s32 $0x2, s5;
	s8 =	smul.u32 $0xA00, s5  }
0x8: {  	_ =	strace $0x8000004D;
	s5 =	smul.u32 $0xA000, s5;
	s11 =	sshrl.u32 s7, $0x1  }
0x9: {  	s29 =	sadd.s32 s10, s4;
	s10 =	simm.s32 $0x200;
	s7 =	ssub.s32 s7, s11  }
0xa: {  	s6 =	sadd.s32 s8, s6;
	s5 =	sadd.s32 s5, s29;
	s8 =	simm.s32 $0x5  }
0xb: {  	s11 =	simm.s32 $0x8200;
	s4 =	smax.u32 s7, $0x1;
	s30 =	sor.u32 $0x100, s6  }
0xc: {  	s31 =	sshrl.u32 s6, $0x3;
	s5 =	sadd.s32 $0x27A00, s5;
	s7 =	sshrl.u32 s30, $0x3  }
0xd: {  	s6 =	sadd.s32 s7, s9;
	s7 =	sadd.s32 s31, s9;
	s9 =	simm.s32 $0x100  }
.LBB2_1:
0xe: {  	s17 =	sadd.s32 $0x0, s7  }
0xf: {  	[tilespmem:s2], [sflag:$0x5] =	stream.linear.gather [hbm4b:s17+s2], $0x100, $0x38;
	[tilespmem:$0x10200] =	vst v63  }
0x10: {  	_ =	swait.ge [sflag:s8], $0x100  }
0x11: {  	[sflag:s8] =	ssyncset.done $0x0  }
0x12: {  	s30 =	sadd.s32 $0x0, s6;
	[sflag:s8] =	ssyncadd.s32 $0xFFFFFF00  }
0x13: {  	[tilespmem:s9], [sflag:$0x5] =	stream.linear.gather [hbm4b:s30+s2], $0x100, $0x38;
	[tilespmem:$0x10200] =	vst v63  }
0x14: {  	_ =	swait.ge [sflag:s8], $0x100  }
0x15: {  	[sflag:s8] =	ssyncset.done $0x0  }
0x16: {  	[sflag:s8] =	ssyncadd.s32 $0xFFFFFF00  }
0x17: {  	[tilespmem:s10], [sflag:$0x1] =	stream.indirect.gather [hbm4b:s3+s9], $0x80, s2, s9, $0xb8;
	[tilespmem:$0x10200] =	vst v63  }
0x18: {  	_ = 	snop  }
0x19: {  	[tilespmem:s11], [sflag:$0x2] =	stream.indirect.gather [hbm4b:s3+s9], $0x80, s9, s9, $0xb8;
	[tilespmem:$0x10200] =	vst v63  }
0x1a: {  	_ =	swait.ge [sflag:s12], $0x8000  }
0x1b: {  	[sflag:s12] =	ssyncset.done $0x0  }
0x1c: {  	s31 =	sadd.s32 $0xFFFFF000, s5;
	[sflag:s12] =	ssyncadd.s32 $0xFFFF8000  }
0x1d: {  	[hbm4b:s31+s2] =	stream.linear.scatter [tilespmem:s10], [sflag:$0x3], $0x8000, $0x38;
	[tilespmem:$0x10200] =	vst v63  }
0x1e: {  	_ =	swait.ge [sflag:s13], $0x8000  }
0x1f: {  	[sflag:s13] =	ssyncset.done $0x0  }
0x20: {  	[sflag:s13] =	ssyncadd.s32 $0xFFFF8000  }
0x21: {  	[hbm4b:s5+s2] =	stream.linear.scatter [tilespmem:s11], [sflag:$0x4], $0x8000, $0x38;
	[tilespmem:$0x10200] =	vst v63  }
0x22: {  	_ =	swait.ge [sflag:s14], $0x8000  }
0x23: {  	[sflag:s14] =	ssyncset.done $0x0  }
0x24: {  	[sflag:s14] =	ssyncadd.s32 $0xFFFF8000  }
0x25: {  	s18 =	simm.s32 $0x40;
	_ =	swait.ge [sflag:s15], $0x8000  }
0x26: {  	s19 =	simm.s32 $0x80;
	s17 =	sadd.s32 $0x2000, s5;
	[sflag:s15] =	ssyncset.done $0x0  }
.LBB2_2:
0x27: {  	s20 =	sadd.s32 s18, s7  }
0x28: {  	[sflag:s15] =	ssyncadd.s32 $0xFFFF8000;
	s21 =	smov.u32 s19;
	s22 =	sadd.s32 $0x40, s19  }
0x29: {  	[tilespmem:s2], [sflag:$0x5] =	stream.linear.gather [hbm4b:s20+s2], $0x100, $0x38;
	[tilespmem:$0x10200] =	vst v63  }
0x2a: {  	p0 =	sne.s32 s19, $0x100;
	_ =	swait.ge [sflag:s8], $0x100  }
0x2b: {  	[sflag:s8] =	ssyncset.done $0x0  }
0x2c: {  	s19 =	sadd.s32 s18, s6;
	s18 =	smov.u32 s21;
	[sflag:s8] =	ssyncadd.s32 $0xFFFFFF00  }
0x2d: {  	[tilespmem:s9], [sflag:$0x5] =	stream.linear.gather [hbm4b:s19+s2], $0x100, $0x38;
	[tilespmem:$0x10200] =	vst v63  }
0x2e: {  	_ =	swait.ge [sflag:s8], $0x100  }
0x2f: {  	[sflag:s8] =	ssyncset.done $0x0  }
0x30: {  	[sflag:s8] =	ssyncadd.s32 $0xFFFFFF00  }
0x31: {  	[tilespmem:s10], [sflag:$0x1] =	stream.indirect.gather [hbm4b:s3+s9], $0x80, s2, s9, $0xb8;
	[tilespmem:$0x10200] =	vst v63  }
0x32: {  	_ = 	snop  }
0x33: {  	[tilespmem:s11], [sflag:$0x2] =	stream.indirect.gather [hbm4b:s3+s9], $0x80, s9, s9, $0xb8;
	[tilespmem:$0x10200] =	vst v63  }
0x34: {  	_ =	swait.ge [sflag:s12], $0x8000  }
0x35: {  	[sflag:s12] =	ssyncset.done $0x0  }
0x36: {  	s19 =	sadd.s32 $0xFFFFF000, s17;
	[sflag:s12] =	ssyncadd.s32 $0xFFFF8000  }
0x37: {  	[hbm4b:s19+s2] =	stream.linear.scatter [tilespmem:s10], [sflag:$0x3], $0x8000, $0x38;
	[tilespmem:$0x10200] =	vst v63  }
0x38: {  	_ =	swait.ge [sflag:s13], $0x8000  }
0x39: {  	[sflag:s13] =	ssyncset.done $0x0  }
0x3a: {  	[sflag:s13] =	ssyncadd.s32 $0xFFFF8000  }
0x3b: {  	[hbm4b:s17+s2] =	stream.linear.scatter [tilespmem:s11], [sflag:$0x4], $0x8000, $0x38;
	[tilespmem:$0x10200] =	vst v63  }
.Ltmp0:
0x3c: {  	_ =	swait.ge [sflag:s14], $0x8000;
	(pc) =	sbr.rel @p0 .LBB2_2-.Ltmp0, $4  }
0x3d: {  	[sflag:s14] =	ssyncset.done $0x0  }
0x3e: {  	[sflag:s14] =	ssyncadd.s32 $0xFFFF8000  }
0x3f: {  	_ =	swait.ge [sflag:s15], $0x8000  }
0x40: {  	s19 =	smov.u32 s22;
	s17 =	sadd.s32 $0x2000, s17;
	[sflag:s15] =	ssyncset.done $0x0  }
0x41: {  	s19 =	sadd.s32 s18, s7;
	[sflag:s15] =	ssyncadd.s32 $0xFFFF8000  }
0x42: {  	[tilespmem:s2], [sflag:$0x5] =	stream.linear.gather [hbm4b:s19+s2], $0x100, $0x38;
	[tilespmem:$0x10200] =	vst v63  }
0x43: {  	_ =	swait.ge [sflag:s8], $0x100  }
0x44: {  	[sflag:s8] =	ssyncset.done $0x0  }
0x45: {  	s30 =	sadd.s32 s18, s6;
	[sflag:s8] =	ssyncadd.s32 $0xFFFFFF00  }
0x46: {  	[tilespmem:s9], [sflag:$0x5] =	stream.linear.gather [hbm4b:s30+s2], $0x100, $0x38;
	[tilespmem:$0x10200] =	vst v63  }
0x47: {  	_ =	swait.ge [sflag:s8], $0x100  }
0x48: {  	[sflag:s8] =	ssyncset.done $0x0  }
0x49: {  	[sflag:s8] =	ssyncadd.s32 $0xFFFFFF00  }
0x4a: {  	[tilespmem:s10], [sflag:$0x1] =	stream.indirect.gather [hbm4b:s3+s9], $0x80, s2, s9, $0xb8;
	[tilespmem:$0x10200] =	vst v63  }
0x4b: {  	_ = 	snop  }
0x4c: {  	[tilespmem:s11], [sflag:$0x2] =	stream.indirect.gather [hbm4b:s3+s9], $0x80, s9, s9, $0xb8;
	[tilespmem:$0x10200] =	vst v63  }
0x4d: {  	_ =	swait.ge [sflag:s12], $0x8000  }
0x4e: {  	[sflag:s12] =	ssyncset.done $0x0  }
0x4f: {  	s31 =	sadd.s32 $0xFFFFF000, s17;
	[sflag:s12] =	ssyncadd.s32 $0xFFFF8000  }
0x50: {  	[hbm4b:s31+s2] =	stream.linear.scatter [tilespmem:s10], [sflag:$0x3], $0x8000, $0x38;
	[tilespmem:$0x10200] =	vst v63  }
0x51: {  	_ =	swait.ge [sflag:s13], $0x8000  }
0x52: {  	[sflag:s13] =	ssyncset.done $0x0  }
0x53: {  	s16 =	sadd.s32 $0x1, s16;
	[sflag:s13] =	ssyncadd.s32 $0xFFFF8000  }
0x54: {  	[hbm4b:s17+s2] =	stream.linear.scatter [tilespmem:s11], [sflag:$0x4], $0x8000, $0x38;
	[tilespmem:$0x10200] =	vst v63  }
0x55: {  	p0 =	sne.s32 s16, s4;
	_ =	swait.ge [sflag:s14], $0x8000  }
.Ltmp1:
0x56: {  	[sflag:s14] =	ssyncset.done $0x0;
	(pc) =	sbr.rel @p0 .LBB2_1-.Ltmp1, $4  }
0x57: {  	[sflag:s14] =	ssyncadd.s32 $0xFFFF8000  }
0x58: {  	_ =	swait.ge [sflag:s15], $0x8000  }
0x59: {  	[sflag:s15] =	ssyncset.done $0x0  }
0x5a: {  	[sflag:s15] =	ssyncadd.s32 $0xFFFF8000  }
0x5b: {  	_ =	sfence.sel $0x180000  }
0x5c: {  	[bflag:$0x0] =	sbarrier.arrive $0xFFFF  }
0x5d: {  	p0 =	sne.s32 s1, $0x0;
	_ =	strace $0x9000004D  }
0x5e: {  	s0 =	sadd.s32 @!p0 $0x100000, s0;
	[bflag:$0x2] =	sbarrier.arrive $0xFFFF  }
0x5f: {  	[sflag:s0] =	ssyncadd.tile.s32 @!p0 $0x1;
	_ =	shalt  }
.Lfunc_end2:
_tile_overlayer_lowered:
.L_overlay_start_2:
0x60: {  	(tag) =	ssettag $0x2  }
0x61: {  	s0 =	rddreg [dreg:$0x0];
	s2 =	stileid.u32  }
0x62: {  	s1 =	rddreg [dreg:$0x1];
	p0 =	sne.s32 s2, $0x0  }
0x63: {  	s3 =	rddreg [dreg:$0x2];
	[bflag:$0x3] =	sbarrier.arrive $0xFFFF;
	s2 =	simm.s32 @!p0 $0x1C05  }
0x64: {  	[timem:s3], [sflag:s2] =	dma.local @!p0 [hbm:s0], s1  }
0x65: {  	s0 =	simm.s32 @!p0 $0x5  }
0x66: {  	_ =	swait.ge @!p0 [sflag:s0], s1  }
0x67: {  	s1 =	ssub.s32 @!p0 $0x0, s1;
	[sflag:s0] =	ssyncset.done @!p0 $0x0  }
0x68: {  	[sflag:s0] =	ssyncadd.s32 @!p0 s1  }
0x69: {  	[bflag:$0x3] =	sbarrier.arrive $0xFFFF  }
0x6a: {  	_ =	shalt  }

// kernel: kernel.29.cloned.1.call-start
scs
__scs_entry_jumppad:
0x0: {  	(pc) =	sbr.rel $0x88, $3  }
0x1: {  	(tag) =	ssettag $0x0;
	lr =	simm.s32 $0x1  }
0x2: {  	[smem:$0x3F90] =	sst lr;
	_ =	strace $0xD0000000  }
0x3: {  	_ = 	snop  }
0x4: {  	_ = 	snop  }
0x5: {  	_ = 	snop  }
0x6: {  	_ = 	snop  }
0x7: {  	_ = 	snop  }
__scs_overlays_trampoline_lowered:
0x8: {  	[smem:$0x3F9F] =	sst s0  }
0x9: {  	[smem:$0x3FA0] =	sst s1  }
0xa: {  	[smem:$0x3FA1] =	sst s2  }
0xb: {  	[smem:$0x3FA2] =	sst s3  }
0xc: {  	[smem:$0x3FA3] =	sst s4  }
0xd: {  	[smem:$0x3FA4] =	sst s5  }
0xe: {  	[smem:$0x3FA5] =	sst s6  }
0xf: {  	[smem:$0x3FA6] =	sst s7  }
0x10: {  	[smem:$0x3FA7] =	sst s8  }
0x11: {  	[smem:$0x3FA8] =	sst s9;
	s0 =	simm.s32 @!p0 $0x0  }
0x12: {  	s1 =	sld [smem:$0x3F8E];
	s0 =	simm.s32 @p0 $0x1  }
0x13: {  	[smem:$0x3FA9] =	sst s0;
	s0 =	simm.s32 @!p1 $0x0  }
0x14: {  	s2 =	sld [smem:$0x3F8D];
	s0 =	simm.s32 @p1 $0x1  }
0x15: {  	[smem:$0x3FAA] =	sst s0;
	s0 =	simm.s32 @!p2 $0x0  }
0x16: {  	s3 =	sld [smem:$0x3FDB];
	s0 =	simm.s32 @p2 $0x1  }
0x17: {  	s4 =	simm.s32 $0x1BF5;
	[smem:$0x3FAC] =	sst s0  }
0x18: {  	s0 =	sld [smem:$0x3F8F];
	_ =	swait.ge [sflag:s4], $0x0  }
0x19: {  	s7 =	sld [smem:$0x3F90]  }
0x1a: {  	s8 =	sadd.s32 $0xFFFFE003, lr  }
0x1b: {  	s9 =	sadd.s32 $0xFFFFFEF7, lr;
	s5 =	simm.s32 $0xFFFFFFFF;
	p2 =	slt.u32 s8, $0xFFFFF086  }
0x1c: {  	p1 =	slt.u32 s9, $0xF7A;
	s5 =	simm.s32 @!p2 $0x0  }
0x1d: {  	s5 =	simm.s32 @p1 $0x1;
	p0 =	seq.s32 s7, s2  }
0x1e: {  	s7 =	smul.u32 @!p0 $0xF7A, s2;
	p2 =	seq.s32 @!p0 s5, $0x0  }
0x1f: {  	s9 =	smul.u32 $0xF7A, s1;
	s8 =	simm.s32 @!p0 $0x1BF5;
	p2 =	por !p2, p0  }
0x20: {  	[sflag:s8] =	ssyncset.s32 @!p0 $0xFFFFF086;
	s6 =	sadd.s32 @!p0 s3, s7;
	s7 =	simm.s32 @!p0 $0x108  }
0x21: {  	s3 =	sadd.s32 s3, s9;
	s6 =	sadd.s32 @!p0 $0x88, s6;
	s7 =	simm.s32 @p2 $0x1082  }
0x22: {  	[simem:s7], [sflag:s8] =	dma.local @!p0 [hbm:s6], $0xF7A  }
0x23: {  	s9 =	sor.u32 $0xD0000000, s2;
	s6 =	simm.s32 $0x108;
	_ =	swait.ge @!p0 [sflag:s8], $0x0  }
0x24: {  	s3 =	sadd.s32 $0x88, s3;
	s6 =	simm.s32 @!p1 $0x1082;
	[sflag:s4] =	ssyncset.s32 $0xFFFFF086  }
0x25: {  	[simem:s6], [sflag:s4] =	dma.local [hbm:s3], $0xF7A  }
0x26: {  	[smem:$0x3F90] =	sst s1;
	(tag) =	ssettag s2;
	_ =	strace s9  }
0x27: {  	s1 =	sld [smem:$0x3FA0]  }
0x28: {  	s2 =	sld [smem:$0x3FA1]  }
0x29: {  	s4 =	sld [smem:$0x3FA3]  }
0x2a: {  	p0 =	seq.s32 s5, $0x0;
	s5 =	sld [smem:$0x3FA4]  }
0x2b: {  	s6 =	sld [smem:$0x3FA5]  }
0x2c: {  	s7 =	sld [smem:$0x3FA6]  }
0x2d: {  	s3 =	simm.s32 $0x108;
	s8 =	sld [smem:$0x3FA7]  }
0x2e: {  	s3 =	simm.s32 @!p0 $0x1082;
	s9 =	sld [smem:$0x3FA8]  }
0x2f: {  	lr =	sadd.s32 s0, s3;
	s0 =	sld [smem:$0x3F9F]  }
0x30: {  	s3 =	sld [smem:$0x3FA2]  }
0x31: {  	[smem:$0x3FAB] =	sst s10  }
0x32: {  	s10 =	sld [smem:$0x3FA9];
	_ =	sdelay $0x3  }
0x33: {  	p0 =	seq.s32 s10, $0x1;
	s10 =	sld [smem:$0x3FAB];
	_ =	sdelay $0x3  }
0x34: {  	[smem:$0x3FAB] =	sst s10  }
0x35: {  	s10 =	sld [smem:$0x3FAA];
	_ =	sdelay $0x3  }
0x36: {  	p1 =	seq.s32 s10, $0x1;
	s10 =	sld [smem:$0x3FAB];
	_ =	sdelay $0x3  }
0x37: {  	[smem:$0x3FAB] =	sst s10  }
0x38: {  	s10 =	sld [smem:$0x3FAC]  }
0x39: {  	_ = 	snop;
	(pc) =	sbr.ind lr, $3  }
0x3a: {  	_ = 	snop  }
0x3b: {  	_ = 	snop  }
0x3c: {  	p2 =	seq.s32 s10, $0x1;
	s10 =	sld [smem:$0x3FAB]  }
0x3d: {  	_ =	shalt  }
0x3e: {  	_ =	shalt  }
0x3f: {  	_ =	shalt  }
0x40: {  	_ =	shalt  }
0x41: {  	_ =	shalt  }
0x42: {  	_ =	shalt  }
0x43: {  	_ =	shalt  }
0x44: {  	_ =	shalt  }
0x45: {  	_ =	shalt  }
0x46: {  	_ =	shalt  }
0x47: {  	_ =	shalt  }
0x48: {  	_ =	shalt  }
0x49: {  	_ =	shalt  }
0x4a: {  	_ =	shalt  }
0x4b: {  	_ =	shalt  }
0x4c: {  	_ =	shalt  }
0x4d: {  	_ =	shalt  }
0x4e: {  	_ =	shalt  }
0x4f: {  	_ =	shalt  }
0x50: {  	_ =	shalt  }
0x51: {  	_ =	shalt  }
0x52: {  	_ =	shalt  }
0x53: {  	_ =	shalt  }
0x54: {  	_ =	shalt  }
0x55: {  	_ =	shalt  }
0x56: {  	_ =	shalt  }
0x57: {  	_ =	shalt  }
0x58: {  	_ =	shalt  }
0x59: {  	_ =	shalt  }
0x5a: {  	_ =	shalt  }
0x5b: {  	_ =	shalt  }
0x5c: {  	_ =	shalt  }
0x5d: {  	_ =	shalt  }
0x5e: {  	_ =	shalt  }
0x5f: {  	_ =	shalt  }
0x60: {  	_ =	shalt  }
0x61: {  	_ =	shalt  }
0x62: {  	_ =	shalt  }
0x63: {  	_ =	shalt  }
0x64: {  	_ =	shalt  }
0x65: {  	_ =	shalt  }
0x66: {  	_ =	shalt  }
0x67: {  	_ =	shalt  }
0x68: {  	_ =	shalt  }
0x69: {  	_ =	shalt  }
0x6a: {  	_ =	shalt  }
0x6b: {  	_ =	shalt  }
0x6c: {  	_ =	shalt  }
0x6d: {  	_ =	shalt  }
0x6e: {  	_ =	shalt  }
0x6f: {  	_ =	shalt  }
0x70: {  	_ =	shalt  }
0x71: {  	_ =	shalt  }
0x72: {  	_ =	shalt  }
0x73: {  	_ =	shalt  }
0x74: {  	_ =	shalt  }
0x75: {  	_ =	shalt  }
0x76: {  	_ =	shalt  }
0x77: {  	_ =	shalt  }
0x78: {  	_ =	shalt  }
0x79: {  	_ =	shalt  }
0x7a: {  	_ =	shalt  }
0x7b: {  	_ =	shalt  }
0x7c: {  	_ =	shalt  }
0x7d: {  	_ =	shalt  }
0x7e: {  	_ =	shalt  }
0x7f: {  	_ =	shalt  }
0x80: {  	_ =	shalt  }
0x81: {  	_ =	shalt  }
0x82: {  	_ =	shalt  }
0x83: {  	_ =	shalt  }
0x84: {  	_ =	shalt  }
0x85: {  	_ =	shalt  }
0x86: {  	_ =	shalt  }
0x87: {  	_ =	shalt  }
.Lfunc_end0:
.L_simem_size_0:
called_computation.3_lowered:
.L_overlay_start_0:
0x88: {  	s2 =	sld [smem:$0x3FD9]  }
0x89: {  	s3 =	sld [smem:$0x3FFE];
	_ =	sdelay $0x1  }
0x8a: {  	s1 =	srdreg.scid  }
0x8b: {  	s0 =	sand.u32 $0x1, s1  }
0x8c: {  	s16 =	sshll.u32 s0, $0xA;
	s2 =	sadd.s32 s3, s2  }
0x8d: {  	s2 =	sadd.s32 s2, s16  }
0x8e: {  	[smem:$0x3FB7] =	sst s2  }
0x8f: {  	_ = 	snop  }
0x90: {  	(tm) =	ssettm $0x1  }
0x91: {  	s17 =	sld [smem:$0x3FFB];
	_ =	sdelay $0x3  }
0x92: {  	_ =	strace s17  }
0x93: {  	s2 =	sld [smem:$0x3FFC];
	_ =	sdelay $0x3  }
0x94: {  	_ =	strace s2  }
0x95: {  	s2 =	sld [smem:$0x3FFD];
	_ =	sdelay $0x3  }
0x96: {  	_ =	strace s2  }
0x97: {  	_ =	strace $0x8FFFFFFF  }
0x98: {  	s18 =	sld [smem:$0x3FDB];
	_ =	sdelay $0x1  }
0x99: {  	s19 =	simm.s32 $_scs_section_size  }
0x9a: {  	s4 =	simm.s32 $_size__tile_overlayer_lowered;
	s5 =	simm.s32 $_tile_overlayer_lowered  }
0x9b: {  	s22 =	simm.s32 $0x1BFF;
	s21 =	sshll.u32 s5, $0x1;
	s2 =	sadd.s32 s19, s18  }
0x9c: {  	s6 =	simm.s32 $0x0;
	s20 =	sshll.u32 s4, $0x1;
	s4 =	sadd.s32 s21, s2  }
0x9d: {  	[timem:s6], [sflag:s22] =	dma.local [hbm:s4], s20  }
0x9e: {  	_ =	swait.ge [sflag:s22], s20  }
0x9f: {  	s3 =	ssub.s32 $0x0, s20;
	[sflag:s22] =	ssyncset.done $0x0  }
0xa0: {  	[sflag:s22] =	ssyncadd.s32 s3;
	_ =	sdelay $0x1  }
0xa1: {  	s23 =	simm.s32 $0x1B8B  }
0xa2: {  	_ =	swait.ge [sflag:s23], $0x1  }
0xa3: {  	[sflag:s23] =	ssyncset.done $0x0  }
0xa4: {  	s25 =	simm.s32 $0x1B8E;
	s24 =	sld [smem:$0x3FFE];
	[sflag:s23] =	ssyncadd.s32 $0xFFFFFFFF  }
0xa5: {  	s26 =	simm.s32 $execute0_lowered;
	[smem:$0x3FD2] =	sst s25  }
0xa6: {  	s4 =	sshll.u32 s26, $0x1;
	_ =	strace $0x8000004F;
	[dreg:$0x1] =	wrdreg $0xFFFFFFFF  }
0xa7: {  	s28 =	simm.s32 $_size_execute0_lowered;
	s2 =	sadd.s32 s2, s4;
	[dreg:$0x0] =	wrdreg $0x0  }
0xa8: {  	s4 =	sshll.u32 s28, $0x1;
	[dreg:$0x2] =	wrdreg s2  }
0xa9: {  	[dreg:$0x3] =	wrdreg s4  }
0xaa: {  	[dreg:$0x4] =	wrdreg $0xC0  }
0xab: {  	_ =	task [dreg:s6], $0x5FFFF  }
0xac: {  	[dreg:$0x1] =	wrdreg $0xFFFFFFFF  }
0xad: {  	[dreg:$0x0] =	wrdreg $0x60  }
0xae: {  	[dreg:$0x2] =	wrdreg s24  }
0xaf: {  	[dreg:$0x3] =	wrdreg $0x9  }
0xb0: {  	_ =	task.clear_ibuf [dreg:s6], $0x4FFFF;
	_ =	strace $0x9000004F  }
0xb1: {  	s29 =	simm.s32 $0x9;
	_ =	strace $0x80000051  }
0xb2: {  	_ =	swait.ge [sflag:s29], $0x1  }
0xb3: {  	[sflag:s29] =	ssyncadd.s32 $0xFFFFFFFF  }
0xb4: {  	_ =	strace $0x90000051  }
0xb5: {  	_ =	sfence  }
0xb6: {  	s30 =	sld [smem:$0x0];
	_ =	sdelay $0x2  }
0xb7: {  	s31 =	sshll.u32 s1, $0xD;
	s1 =	sshrl.u32 s1, $0x2  }
0xb8: {  	s3 =	sand.u32 $0x4000, s31;
	s1 =	sadd.s32 s1, s30  }
0xb9: {  	s0 =	sor.u32 s3, s0;
	s1 =	sshll.u32 s1, $0x11  }
0xba: {  	s0 =	sor.u32 s1, s0  }
0xbb: {  	s0 =	sadd.s32 $0x8F2B, s0  }
0xbc: {  	[sflag:s0] =	ssyncadd.remote.s32 $0x1  }
0xbd: {  	_ =	sfence.sel $0xFFFF  }
0xbe: {  	[dreg:$0x0] =	wrdreg $0xFFFFFFFF;
	(pc) =	sbr.abs _section_cstart, $3  }
0xbf: {  	[dreg:$0x1] =	wrdreg $0xFFFFFFFF  }
0xc0: {  	_ =	task.clear_ibuf [dreg:s6], $0x2FFFF;
	_ =	strace $0x9FFFFFFF  }
0xc1: {  	(tm) =	ssettm $0x7FFFFFFF  }
tec
execute0_lowered:
.L_overlay_start_1:
0x0: {  	(tag) =	ssettag $0x1  }
0x1: {  	s4 =	rddreg [dreg:$0x0]  }
0x2: {  	s0 =	rddreg [dreg:$0x1];
	s2 =	simm.s32 $0x0  }
0x3: {  	s1 =	stileid.u32;
	s3 =	srdreg.scid;
	s12 =	simm.s32 $0x1  }
0x4: {  	s13 =	simm.s32 $0x2;
	s14 =	simm.s32 $0x3;
	s15 =	simm.s32 $0x4  }
0x5: {  	s16 =	simm.s32 $0x0;
	[smem:$0x7FF] =	sst s2;
	s6 =	smul.u32 $0x1400, s1  }
0x6: {  	s5 =	sand.u32 $0x1, s3;
	s3 =	sadd.s32 $0x14200, s4;
	s10 =	smul.u32 $0x14000, s1  }
0x7: {  	s9 =	sadd.s32 $0x24200, s4;
	s7 =	ssub.s32 $0x2, s5;
	s8 =	smul.u32 $0xA00, s5  }
0x8: {  	_ =	strace $0x80000050;
	s5 =	smul.u32 $0xA000, s5;
	s11 =	sshrl.u32 s7, $0x1  }
0x9: {  	s29 =	sadd.s32 s10, s4;
	s10 =	simm.s32 $0x200;
	s7 =	ssub.s32 s7, s11  }
0xa: {  	s6 =	sadd.s32 s8, s6;
	s5 =	sadd.s32 s5, s29;
	s8 =	simm.s32 $0x5  }
0xb: {  	s11 =	simm.s32 $0x8200;
	s4 =	smax.u32 s7, $0x1;
	s30 =	sor.u32 $0x100, s6  }
0xc: {  	s31 =	sshrl.u32 s6, $0x3;
	s5 =	sadd.s32 $0x27A00, s5;
	s7 =	sshrl.u32 s30, $0x3  }
0xd: {  	s6 =	sadd.s32 s7, s9;
	s7 =	sadd.s32 s31, s9;
	s9 =	simm.s32 $0x100  }
.LBB2_1:
0xe: {  	s17 =	sadd.s32 $0x0, s7  }
0xf: {  	[tilespmem:s2], [sflag:$0x5] =	stream.linear.gather [hbm4b:s17+s2], $0x100, $0x38;
	[tilespmem:$0x10200] =	vst v63  }
0x10: {  	_ =	swait.ge [sflag:s8], $0x100  }
0x11: {  	[sflag:s8] =	ssyncset.done $0x0  }
0x12: {  	s30 =	sadd.s32 $0x0, s6;
	[sflag:s8] =	ssyncadd.s32 $0xFFFFFF00  }
0x13: {  	[tilespmem:s9], [sflag:$0x5] =	stream.linear.gather [hbm4b:s30+s2], $0x100, $0x38;
	[tilespmem:$0x10200] =	vst v63  }
0x14: {  	_ =	swait.ge [sflag:s8], $0x100  }
0x15: {  	[sflag:s8] =	ssyncset.done $0x0  }
0x16: {  	[sflag:s8] =	ssyncadd.s32 $0xFFFFFF00  }
0x17: {  	[tilespmem:s10], [sflag:$0x1] =	stream.indirect.gather [hbm4b:s3+s9], $0x80, s2, s9, $0xb8;
	[tilespmem:$0x10200] =	vst v63  }
0x18: {  	_ = 	snop  }
0x19: {  	[tilespmem:s11], [sflag:$0x2] =	stream.indirect.gather [hbm4b:s3+s9], $0x80, s9, s9, $0xb8;
	[tilespmem:$0x10200] =	vst v63  }
0x1a: {  	_ =	swait.ge [sflag:s12], $0x8000  }
0x1b: {  	[sflag:s12] =	ssyncset.done $0x0  }
0x1c: {  	s31 =	sadd.s32 $0xFFFFF000, s5;
	[sflag:s12] =	ssyncadd.s32 $0xFFFF8000  }
0x1d: {  	[hbm4b:s31+s2] =	stream.linear.scatter [tilespmem:s10], [sflag:$0x3], $0x8000, $0x38;
	[tilespmem:$0x10200] =	vst v63  }
0x1e: {  	_ =	swait.ge [sflag:s13], $0x8000  }
0x1f: {  	[sflag:s13] =	ssyncset.done $0x0  }
0x20: {  	[sflag:s13] =	ssyncadd.s32 $0xFFFF8000  }
0x21: {  	[hbm4b:s5+s2] =	stream.linear.scatter [tilespmem:s11], [sflag:$0x4], $0x8000, $0x38;
	[tilespmem:$0x10200] =	vst v63  }
0x22: {  	_ =	swait.ge [sflag:s14], $0x8000  }
0x23: {  	[sflag:s14] =	ssyncset.done $0x0  }
0x24: {  	[sflag:s14] =	ssyncadd.s32 $0xFFFF8000  }
0x25: {  	s18 =	simm.s32 $0x40;
	_ =	swait.ge [sflag:s15], $0x8000  }
0x26: {  	s19 =	simm.s32 $0x80;
	s17 =	sadd.s32 $0x2000, s5;
	[sflag:s15] =	ssyncset.done $0x0  }
.LBB2_2:
0x27: {  	s20 =	sadd.s32 s18, s7  }
0x28: {  	[sflag:s15] =	ssyncadd.s32 $0xFFFF8000;
	s21 =	smov.u32 s19;
	s22 =	sadd.s32 $0x40, s19  }
0x29: {  	[tilespmem:s2], [sflag:$0x5] =	stream.linear.gather [hbm4b:s20+s2], $0x100, $0x38;
	[tilespmem:$0x10200] =	vst v63  }
0x2a: {  	p0 =	sne.s32 s19, $0x100;
	_ =	swait.ge [sflag:s8], $0x100  }
0x2b: {  	[sflag:s8] =	ssyncset.done $0x0  }
0x2c: {  	s19 =	sadd.s32 s18, s6;
	s18 =	smov.u32 s21;
	[sflag:s8] =	ssyncadd.s32 $0xFFFFFF00  }
0x2d: {  	[tilespmem:s9], [sflag:$0x5] =	stream.linear.gather [hbm4b:s19+s2], $0x100, $0x38;
	[tilespmem:$0x10200] =	vst v63  }
0x2e: {  	_ =	swait.ge [sflag:s8], $0x100  }
0x2f: {  	[sflag:s8] =	ssyncset.done $0x0  }
0x30: {  	[sflag:s8] =	ssyncadd.s32 $0xFFFFFF00  }
0x31: {  	[tilespmem:s10], [sflag:$0x1] =	stream.indirect.gather [hbm4b:s3+s9], $0x80, s2, s9, $0xb8;
	[tilespmem:$0x10200] =	vst v63  }
0x32: {  	_ = 	snop  }
0x33: {  	[tilespmem:s11], [sflag:$0x2] =	stream.indirect.gather [hbm4b:s3+s9], $0x80, s9, s9, $0xb8;
	[tilespmem:$0x10200] =	vst v63  }
0x34: {  	_ =	swait.ge [sflag:s12], $0x8000  }
0x35: {  	[sflag:s12] =	ssyncset.done $0x0  }
0x36: {  	s19 =	sadd.s32 $0xFFFFF000, s17;
	[sflag:s12] =	ssyncadd.s32 $0xFFFF8000  }
0x37: {  	[hbm4b:s19+s2] =	stream.linear.scatter [tilespmem:s10], [sflag:$0x3], $0x8000, $0x38;
	[tilespmem:$0x10200] =	vst v63  }
0x38: {  	_ =	swait.ge [sflag:s13], $0x8000  }
0x39: {  	[sflag:s13] =	ssyncset.done $0x0  }
0x3a: {  	[sflag:s13] =	ssyncadd.s32 $0xFFFF8000  }
0x3b: {  	[hbm4b:s17+s2] =	stream.linear.scatter [tilespmem:s11], [sflag:$0x4], $0x8000, $0x38;
	[tilespmem:$0x10200] =	vst v63  }
.Ltmp0:
0x3c: {  	_ =	swait.ge [sflag:s14], $0x8000;
	(pc) =	sbr.rel @p0 .LBB2_2-.Ltmp0, $4  }
0x3d: {  	[sflag:s14] =	ssyncset.done $0x0  }
0x3e: {  	[sflag:s14] =	ssyncadd.s32 $0xFFFF8000  }
0x3f: {  	_ =	swait.ge [sflag:s15], $0x8000  }
0x40: {  	s19 =	smov.u32 s22;
	s17 =	sadd.s32 $0x2000, s17;
	[sflag:s15] =	ssyncset.done $0x0  }
0x41: {  	s19 =	sadd.s32 s18, s7;
	[sflag:s15] =	ssyncadd.s32 $0xFFFF8000  }
0x42: {  	[tilespmem:s2], [sflag:$0x5] =	stream.linear.gather [hbm4b:s19+s2], $0x100, $0x38;
	[tilespmem:$0x10200] =	vst v63  }
0x43: {  	_ =	swait.ge [sflag:s8], $0x100  }
0x44: {  	[sflag:s8] =	ssyncset.done $0x0  }
0x45: {  	s30 =	sadd.s32 s18, s6;
	[sflag:s8] =	ssyncadd.s32 $0xFFFFFF00  }
0x46: {  	[tilespmem:s9], [sflag:$0x5] =	stream.linear.gather [hbm4b:s30+s2], $0x100, $0x38;
	[tilespmem:$0x10200] =	vst v63  }
0x47: {  	_ =	swait.ge [sflag:s8], $0x100  }
0x48: {  	[sflag:s8] =	ssyncset.done $0x0  }
0x49: {  	[sflag:s8] =	ssyncadd.s32 $0xFFFFFF00  }
0x4a: {  	[tilespmem:s10], [sflag:$0x1] =	stream.indirect.gather [hbm4b:s3+s9], $0x80, s2, s9, $0xb8;
	[tilespmem:$0x10200] =	vst v63  }
0x4b: {  	_ = 	snop  }
0x4c: {  	[tilespmem:s11], [sflag:$0x2] =	stream.indirect.gather [hbm4b:s3+s9], $0x80, s9, s9, $0xb8;
	[tilespmem:$0x10200] =	vst v63  }
0x4d: {  	_ =	swait.ge [sflag:s12], $0x8000  }
0x4e: {  	[sflag:s12] =	ssyncset.done $0x0  }
0x4f: {  	s31 =	sadd.s32 $0xFFFFF000, s17;
	[sflag:s12] =	ssyncadd.s32 $0xFFFF8000  }
0x50: {  	[hbm4b:s31+s2] =	stream.linear.scatter [tilespmem:s10], [sflag:$0x3], $0x8000, $0x38;
	[tilespmem:$0x10200] =	vst v63  }
0x51: {  	_ =	swait.ge [sflag:s13], $0x8000  }
0x52: {  	[sflag:s13] =	ssyncset.done $0x0  }
0x53: {  	s16 =	sadd.s32 $0x1, s16;
	[sflag:s13] =	ssyncadd.s32 $0xFFFF8000  }
0x54: {  	[hbm4b:s17+s2] =	stream.linear.scatter [tilespmem:s11], [sflag:$0x4], $0x8000, $0x38;
	[tilespmem:$0x10200] =	vst v63  }
0x55: {  	p0 =	sne.s32 s16, s4;
	_ =	swait.ge [sflag:s14], $0x8000  }
.Ltmp1:
0x56: {  	[sflag:s14] =	ssyncset.done $0x0;
	(pc) =	sbr.rel @p0 .LBB2_1-.Ltmp1, $4  }
0x57: {  	[sflag:s14] =	ssyncadd.s32 $0xFFFF8000  }
0x58: {  	_ =	swait.ge [sflag:s15], $0x8000  }
0x59: {  	[sflag:s15] =	ssyncset.done $0x0  }
0x5a: {  	[sflag:s15] =	ssyncadd.s32 $0xFFFF8000  }
0x5b: {  	_ =	sfence.sel $0x180000  }
0x5c: {  	[bflag:$0x0] =	sbarrier.arrive $0xFFFF  }
0x5d: {  	p0 =	sne.s32 s1, $0x0;
	_ =	strace $0x90000050  }
0x5e: {  	s0 =	sadd.s32 @!p0 $0x100000, s0;
	[bflag:$0x2] =	sbarrier.arrive $0xFFFF  }
0x5f: {  	[sflag:s0] =	ssyncadd.tile.s32 @!p0 $0x1;
	_ =	shalt  }
.Lfunc_end2:
_tile_overlayer_lowered:
.L_overlay_start_2:
0x60: {  	(tag) =	ssettag $0x2  }
0x61: {  	s0 =	rddreg [dreg:$0x0];
	s2 =	stileid.u32  }
0x62: {  	s1 =	rddreg [dreg:$0x1];
	p0 =	sne.s32 s2, $0x0  }
0x63: {  	s3 =	rddreg [dreg:$0x2];
	[bflag:$0x3] =	sbarrier.arrive $0xFFFF;
	s2 =	simm.s32 @!p0 $0x1C05  }
0x64: {  	[timem:s3], [sflag:s2] =	dma.local @!p0 [hbm:s0], s1  }
0x65: {  	s0 =	simm.s32 @!p0 $0x5  }
0x66: {  	_ =	swait.ge @!p0 [sflag:s0], s1  }
0x67: {  	s1 =	ssub.s32 @!p0 $0x0, s1;
	[sflag:s0] =	ssyncset.done @!p0 $0x0  }
0x68: {  	[sflag:s0] =	ssyncadd.s32 @!p0 s1  }
0x69: {  	[bflag:$0x3] =	sbarrier.arrive $0xFFFF  }
0x6a: {  	_ =	shalt  }

</sc_bundles>
